<compile_context>
chip_gen: v7x
topology: tpu7x:2x2x1
jax: 0.10.2.dev20260603
libtpu: 0.0.44.dev20260713+nightly
codegen_flags: <defaults>
</compile_context>

<pallas_src>
import functools

import jax
import jax.numpy as jnp
from jax import lax
from jax.experimental import pallas as pl
from jax.experimental.pallas import tpu as pltpu
from jax.experimental.pallas import tpu_sc as plsc

NC = 2
NS = 16
NW = NC * NS
C = 128


def _sc_mesh():
  return plsc.VectorSubcoreMesh(
      core_axis_name="c", subcore_axis_name="s", num_cores=NC, num_subcores=NS
  )


def _make_gather(epad, k, d, q=10):
  kq = k // q

  @functools.partial(
      pl.kernel,
      out_type=jax.ShapeDtypeStruct((epad, d), jnp.float32),
      mesh=_sc_mesh(),
      scratch_types=[
          pltpu.VMEM((k, C), jnp.int32),
          pltpu.VMEM((q * C, d), jnp.float32),
          pltpu.VMEM((q * C, d), jnp.float32),
          pltpu.SemaphoreType.DMA,
          pltpu.SemaphoreType.DMA,
          pltpu.SemaphoreType.DMA,
      ],
      compiler_params=pltpu.CompilerParams(use_tc_tiling_on_sc=False),
  )
  def gather(table_hbm, idx_hbm, out_hbm, idx_v, buf_a, buf_b, gsem, wsem_a,
             wsem_b):
    cid = lax.axis_index("c")
    sid = lax.axis_index("s")
    w = cid * NS + sid
    pltpu.sync_copy(idx_hbm.at[w], idx_v)
    bufs = (buf_a, buf_b)
    wsems = (wsem_a, wsem_b)
    for g in range(kq):
      buf = bufs[g % 2]
      wsem = wsems[g % 2]
      if g >= 2:
        pltpu.make_async_copy(buf, out_hbm.at[pl.ds(0, q * C), :], wsem).wait()

      def fire(j, _, g=g, buf=buf):
        pltpu.async_copy(table_hbm.at[idx_v.at[g * q + j]],
                         buf.at[pl.ds(j * C, C), :], gsem)
        return 0

      def drain(j, _, g=g, buf=buf):
        pltpu.make_async_copy(table_hbm.at[idx_v.at[g * q + j]],
                              buf.at[pl.ds(j * C, C), :], gsem).wait()
        return 0

      lax.fori_loop(0, q, fire, 0)
      lax.fori_loop(0, q, drain, 0)
      base = (w * k + g * q) * C
      pltpu.async_copy(buf, out_hbm.at[pl.ds(base, q * C), :], wsem)
    pltpu.make_async_copy(buf_a, out_hbm.at[pl.ds(0, q * C), :], wsem_a).wait()
    pltpu.make_async_copy(buf_b, out_hbm.at[pl.ds(0, q * C), :], wsem_b).wait()

  return gather


def _make_scatter_add(epad, k, npad, q=10):
  kq = k // q
  rpt = npad // NS

  @functools.partial(
      pl.kernel,
      out_type=jax.ShapeDtypeStruct((NC, npad, 32), jnp.float32),
      mesh=_sc_mesh(),
      scratch_types=[
          pltpu.VMEM((k, C), jnp.int32),
          pltpu.VMEM((q * C, 32), jnp.float32),
          pltpu.VMEM((q * C, 32), jnp.float32),
          pltpu.SemaphoreType.DMA,
          pltpu.SemaphoreType.DMA,
          pltpu.SemaphoreType.DMA,
          pltpu.VMEM_SHARED((npad, 32), jnp.float32),
      ],
      compiler_params=pltpu.CompilerParams(use_tc_tiling_on_sc=False),
  )
  def scatter(msg_hbm, dst_hbm, zeros_hbm, out_hbm, idx_v, buf_a, buf_b,
              lsem_a, lsem_b, ssem, acc):
    cid = lax.axis_index("c")
    sid = lax.axis_index("s")
    w = cid * NS + sid
    pltpu.sync_copy(dst_hbm.at[w], idx_v)
    pltpu.async_copy(msg_hbm.at[pl.ds(w * k * C, q * C), :], buf_a, lsem_a)
    pltpu.sync_copy(zeros_hbm.at[pl.ds(sid * rpt, rpt), :],
                    acc.at[pl.ds(sid * rpt, rpt), :])
    plsc.subcore_barrier()
    bufs = (buf_a, buf_b)
    lsems = (lsem_a, lsem_b)
    for g in range(kq):
      buf = bufs[g % 2]
      pltpu.make_async_copy(msg_hbm.at[pl.ds(0, q * C), :], buf,
                            lsems[g % 2]).wait()
      if g + 1 < kq:
        nbase = (w * k + (g + 1) * q) * C
        pltpu.async_copy(msg_hbm.at[pl.ds(nbase, q * C), :],
                         bufs[(g + 1) % 2], lsems[(g + 1) % 2])

      def fire(j, _, g=g, buf=buf):
        pltpu.async_copy(buf.at[pl.ds(j * C, C), :],
                         acc.at[idx_v.at[g * q + j]], ssem, add=True)
        return 0

      def drain(j, _, g=g, buf=buf):
        pltpu.make_async_copy(buf.at[pl.ds(j * C, C), :],
                              acc.at[idx_v.at[g * q + j]], ssem).wait()
        return 0

      lax.fori_loop(0, q, fire, 0)
      lax.fori_loop(0, q, drain, 0)
    plsc.subcore_barrier()
    pltpu.sync_copy(acc.at[pl.ds(sid * rpt, rpt), :],
                    out_hbm.at[cid, pl.ds(sid * rpt, rpt), :])

  return scatter


def _msg1_body(ea_ref, xg_ref, w1_ref, b1_ref, w2_ref, b2_ref, out_ref):
  ea = ea_ref[...]
  t = jnp.maximum(
      jnp.dot(ea, w1_ref[...], preferred_element_type=jnp.float32)
      + b1_ref[...], 0.0)
  th = jnp.dot(t, w2_ref[...], preferred_element_type=jnp.float32) + b2_ref[...]
  xg = xg_ref[...]
  out_ref[...] = xg[:, 0:1] * th[:, :32] + xg[:, 1:2] * th[:, 32:]


def _tc_msg1(ea, xg, w1, b1, w2, b2, bt):
  epad = ea.shape[0]
  return pl.pallas_call(
      _msg1_body,
      grid=(epad // bt,),
      in_specs=[
          pl.BlockSpec((bt, 2), lambda i: (i, 0)),
          pl.BlockSpec((bt, xg.shape[1]), lambda i: (i, 0)),
          pl.BlockSpec((2, 16), lambda i: (0, 0)),
          pl.BlockSpec((1, 16), lambda i: (0, 0)),
          pl.BlockSpec((16, 64), lambda i: (0, 0)),
          pl.BlockSpec((1, 64), lambda i: (0, 0)),
      ],
      out_specs=pl.BlockSpec((bt, 32), lambda i: (i, 0)),
      out_shape=jax.ShapeDtypeStruct((epad, 32), jnp.float32),
  )(ea, xg, w1, b1.reshape(1, -1), w2, b2.reshape(1, -1))


def _msg_body(nh, ea_ref, hg_ref, w1_ref, b1_ref, w2m_ref, b2m_ref, k1_ref,
              k2_ref, out_ref):
  ea = ea_ref[...]
  t = jnp.maximum(
      jnp.dot(ea, w1_ref[...], preferred_element_type=jnp.float32)
      + b1_ref[...], 0.0)
  hg = hg_ref[...][:, :nh]
  u = (jnp.dot(t, k1_ref[...], preferred_element_type=jnp.float32)
       * jnp.dot(hg, k2_ref[...], preferred_element_type=jnp.float32))
  out_ref[...] = (
      jnp.dot(u, w2m_ref[...], preferred_element_type=jnp.float32)
      + jnp.dot(hg, b2m_ref[...], preferred_element_type=jnp.float32))


def _tc_msg(ea, hg, w1, b1, w2, b2, nh, bt):
  epad = ea.shape[0]
  grid = epad // bt
  w2m = w2.reshape(16, nh, 32).reshape(16 * nh, 32)
  b2m = b2.reshape(nh, 32)
  k1 = jnp.repeat(jnp.eye(16, dtype=jnp.float32), nh, axis=1)
  k2 = jnp.tile(jnp.eye(nh, dtype=jnp.float32), (1, 16))
  return pl.pallas_call(
      functools.partial(_msg_body, nh),
      grid=(grid,),
      in_specs=[
          pl.BlockSpec((bt, 2), lambda i: (i, 0)),
          pl.BlockSpec((bt, hg.shape[1]), lambda i: (i, 0)),
          pl.BlockSpec((2, 16), lambda i: (0, 0)),
          pl.BlockSpec((1, 16), lambda i: (0, 0)),
          pl.BlockSpec((16 * nh, 32), lambda i: (0, 0)),
          pl.BlockSpec((nh, 32), lambda i: (0, 0)),
          pl.BlockSpec((16, 16 * nh), lambda i: (0, 0)),
          pl.BlockSpec((nh, 16 * nh), lambda i: (0, 0)),
      ],
      out_specs=pl.BlockSpec((bt, 32), lambda i: (i, 0)),
      out_shape=jax.ShapeDtypeStruct((epad, 32), jnp.float32),
  )(ea, hg, w1, b1.reshape(1, -1), w2m, b2m, k1, k2)


def _node_body(relu_out, p_ref, h_ref, r_ref, b_ref, wo_ref, bo_ref, out_ref):
  agg = p_ref[0] + p_ref[1]
  h = jnp.maximum(
      agg + jnp.dot(h_ref[...], r_ref[...], preferred_element_type=jnp.float32)
      + b_ref[...], 0.0)
  if relu_out:
    out_ref[...] = h
  else:
    out_ref[...] = (
        jnp.dot(h, wo_ref[...], preferred_element_type=jnp.float32)
        + bo_ref[...])


def _tc_node(partials, h, root, bias, w_out, b_out, relu_out, bn):
  npad = h.shape[0]
  dh = h.shape[1]
  dout = 32 if relu_out else w_out.shape[1]
  return pl.pallas_call(
      functools.partial(_node_body, relu_out),
      grid=(npad // bn,),
      in_specs=[
          pl.BlockSpec((2, bn, 32), lambda i: (0, i, 0)),
          pl.BlockSpec((bn, dh), lambda i: (i, 0)),
          pl.BlockSpec((dh, 32), lambda i: (0, 0)),
          pl.BlockSpec((1, 32), lambda i: (0, 0)),
          pl.BlockSpec(w_out.shape, lambda i: (0, 0)),
          pl.BlockSpec((1, w_out.shape[1]), lambda i: (0, 0)),
      ],
      out_specs=pl.BlockSpec((bn, dout), lambda i: (i, 0)),
      out_shape=jax.ShapeDtypeStruct((npad, dout), jnp.float32),
  )(partials, h, root, bias.reshape(1, -1), w_out, b_out.reshape(1, -1))


def kernel(x, edge_index, edge_attr,
           nn1_w1, nn1_b1, nn1_w2, nn1_b2, root1, bias1,
           nn2_w1, nn2_b1, nn2_w2, nn2_b2, root2, bias2,
           fc2_w, fc2_b):
  n = x.shape[0]
  e = edge_attr.shape[0]
  k = -(-e // (NW * C))
  epad = NW * k * C
  npad = -(-(n + 1) // 1024) * 1024

  src = edge_index[0]
  dst = edge_index[1]
  src3 = jnp.zeros((epad,), jnp.int32).at[:e].set(src).reshape(NW, k, C)
  dst3 = jnp.full((epad,), n, jnp.int32).at[:e].set(dst).reshape(NW, k, C)
  ea_pad = jnp.zeros((epad, 2), jnp.float32).at[:e].set(edge_attr)
  x8 = jnp.zeros((n, 8), jnp.float32).at[:, :2].set(x)
  x_pad = jnp.zeros((npad, 2), jnp.float32).at[:n].set(x)
  zacc = jnp.zeros((npad, 32), jnp.float32)

  xg = _make_gather(epad, k, 8)(x8, src3)
  msg1 = _tc_msg1(ea_pad, xg, nn1_w1, nn1_b1, nn1_w2, nn1_b2, bt=2048)
  p1 = _make_scatter_add(epad, k, npad)(msg1, dst3, zacc)
  h1 = _tc_node(p1, x_pad, root1, bias1, root1, bias1,
                relu_out=True, bn=1024)

  h1g = _make_gather(epad, k, 32)(h1, src3)
  msg2 = _tc_msg(ea_pad, h1g, nn2_w1, nn2_b1, nn2_w2, nn2_b2, nh=32, bt=4096)
  p2 = _make_scatter_add(epad, k, npad)(msg2, dst3, zacc)
  out = _tc_node(p2, h1, root2, bias2, fc2_w, fc2_b,
                 relu_out=False, bn=1024)
  return out[:n]

# --- scband reference (transcript-rebuilt; emitter-appended) ---
"""Pipeline reference for scband-net-mp-68805376082316 (READ-ONLY COPY).

The authoritative reference and input builder live on the scoring server;
editing this copy changes nothing except your own understanding.
"""

import jax, jax.numpy as jnp
import numpy as np

N = 10000
E = 160000
DIM = 2
HID = 32

def setup_inputs(seed: int = 0) -> dict:
    key = jax.random.key(seed)
    ks = jax.random.split(key, 20)
    x = jax.random.normal(ks[0], (N, DIM), dtype=jnp.float32)
    edge_index = jax.random.randint(ks[1], (2, E), 0, N, dtype=jnp.int32)
    edge_attr = jax.random.normal(ks[2], (E, DIM), dtype=jnp.float32)
    # conv1: nn1 = Linear(2,16) -> ReLU -> Linear(16, 2*32); root lin (no bias); bias
    nn1_w1 = jax.random.normal(ks[3], (DIM, 16), dtype=jnp.float32) * 0.3
    nn1_b1 = jnp.zeros((16,), dtype=jnp.float32)
    nn1_w2 = jax.random.normal(ks[4], (16, DIM * HID), dtype=jnp.float32) * 0.1
    nn1_b2 = jnp.zeros((DIM * HID,), dtype=jnp.float32)
    root1 = jax.random.normal(ks[5], (DIM, HID), dtype=jnp.float32) * 0.3
    bias1 = jnp.zeros((HID,), dtype=jnp.float32)
    # conv2: nn2 = Linear(2,16) -> ReLU -> Linear(16, 32*32); root lin; bias
    nn2_w1 = jax.random.normal(ks[6], (DIM, 16), dtype=jnp.float32) * 0.3
    nn2_b1 = jnp.zeros((16,), dtype=jnp.float32)
    nn2_w2 = jax.random.normal(ks[7], (16, HID * HID), dtype=jnp.float32) * 0.05
    nn2_b2 = jnp.zeros((HID * HID,), dtype=jnp.float32)
    root2 = jax.random.normal(ks[8], (HID, HID), dtype=jnp.float32) * 0.1
    bias2 = jnp.zeros((HID,), dtype=jnp.float32)
    fc2_w = jax.random.normal(ks[9], (HID, 1), dtype=jnp.float32) * 0.1
    fc2_b = jnp.zeros((1,), dtype=jnp.float32)
    return {"x": x, "edge_index": edge_index, "edge_attr": edge_attr,
            "nn1_w1": nn1_w1, "nn1_b1": nn1_b1, "nn1_w2": nn1_w2, "nn1_b2": nn1_b2,
            "root1": root1, "bias1": bias1,
            "nn2_w1": nn2_w1, "nn2_b1": nn2_b1, "nn2_w2": nn2_w2, "nn2_b2": nn2_b2,
            "root2": root2, "bias2": bias2, "fc2_w": fc2_w, "fc2_b": fc2_b}

def reference(x, edge_index, edge_attr,
              nn1_w1, nn1_b1, nn1_w2, nn1_b2, root1, bias1,
              nn2_w1, nn2_b1, nn2_w2, nn2_b2, root2, bias2,
              fc2_w, fc2_b):
    n_nodes = x.shape[0]
    n_edges = edge_attr.shape[0]
    src = edge_index[0]
    dst = edge_index[1]
    # conv1: NNConv(2 -> 32, aggr='add', root_weight=True, bias=True)
    t1 = jax.nn.relu(edge_attr @ nn1_w1 + nn1_b1)
    theta1 = (t1 @ nn1_w2 + nn1_b2).reshape(n_edges, DIM, HID)
    msg1 = jnp.einsum('ei,eio->eo', x[src], theta1)
    agg1 = jax.ops.segment_sum(msg1, dst, num_segments=n_nodes)
    h1 = jax.nn.relu(agg1 + x @ root1 + bias1)
    # conv2: NNConv(32 -> 32, aggr='add')
    t2 = jax.nn.relu(edge_attr @ nn2_w1 + nn2_b1)
    theta2 = (t2 @ nn2_w2 + nn2_b2).reshape(n_edges, HID, HID)
    msg2 = jnp.einsum('ei,eio->eo', h1[src], theta2)
    agg2 = jax.ops.segment_sum(msg2, dst, num_segments=n_nodes)
    h2 = jax.nn.relu(agg2 + h1 @ root2 + bias2)
    out = h2 @ fc2_w + fc2_b
    return out

if __name__ == "__main__":
    import jax
    _d = setup_inputs()
    print(jax.jit(kernel)(*tuple(_d.values())))

</pallas_src>

<mosaic_0001>
#map = affine_map<(d0, d1) -> (0, 0)>
#map1 = affine_map<(d0, d1) -> (0, 0, 0)>
module attributes {stable_mosaic.version = 14 : i64} {
  func.func @gather(%arg0: i32, %arg1: i32, %arg2: memref<10240x32xf32, #tpu.memory_space<hbm>>, %arg3: memref<32x40x128xi32, #tpu.memory_space<hbm>>, %arg4: memref<163840x32xf32, #tpu.memory_space<hbm>>, %arg5: memref<40x128xi32, #tpu.memory_space<vmem>>, %arg6: memref<1280x32xf32, #tpu.memory_space<vmem>>, %arg7: memref<1280x32xf32, #tpu.memory_space<vmem>>, %arg8: memref<!tpu.dma_semaphore, #tpu.memory_space<semaphore_mem>>, %arg9: memref<!tpu.dma_semaphore, #tpu.memory_space<semaphore_mem>>, %arg10: memref<!tpu.dma_semaphore, #tpu.memory_space<semaphore_mem>>) attributes {dimension_semantics = [#tpu.dimension_semantics<core_parallel>, #tpu.dimension_semantics<subcore_parallel>], iteration_bounds = array<i64: 2, 16>, scalar_prefetch = 0 : i64, scratch_operands = 6 : i64, tpu.core_type = #tpu.core_type<sc_vector_subcore>, window_params = [{transform_indices = #map}, {transform_indices = #map1}, {transform_indices = #map}]} {
    %mul3A = arith.constant 16 : i32
    %mul3A_0 = arith.muli %arg0, %mul3A : i32
    %add3A = arith.addi %mul3A_0, %arg1 : i32
    "tpu.region"() ({
      %run_scoped3A = tpu.sem_alloc : memref<!tpu.dma_semaphore, #tpu.memory_space<semaphore_mem>>
      %dma_start3A_118 = arith.constant 0 : i32
      %dma_start3A_119 = arith.constant 0 : i32
      %dma_start3A_120 = tpu.memref_slice %arg3[%add3A, %dma_start3A_118, %dma_start3A_119] : memref<32x40x128xi32, #tpu.memory_space<hbm>> -> memref<1x40x128xi32, #tpu.memory_space<hbm>>
      %dma_start3A_121 = tpu.memref_squeeze %dma_start3A_120 : memref<1x40x128xi32, #tpu.memory_space<hbm>> -> memref<40x128xi32, #tpu.memory_space<hbm>>
      %dma_start3A_122 = arith.constant 0 : i32
      %dma_start3A_123 = arith.constant 0 : i32
      %dma_start3A_124 = tpu.memref_slice %arg3[%add3A, %dma_start3A_122, %dma_start3A_123] : memref<32x40x128xi32, #tpu.memory_space<hbm>> -> memref<1x40x128xi32, #tpu.memory_space<hbm>>
      %dma_start3A_125 = tpu.memref_squeeze %dma_start3A_124 : memref<1x40x128xi32, #tpu.memory_space<hbm>> -> memref<40x128xi32, #tpu.memory_space<hbm>>
      tpu.enqueue_dma source(%dma_start3A_125 : memref<40x128xi32, #tpu.memory_space<hbm>>) target(%arg5 : memref<40x128xi32, #tpu.memory_space<vmem>>) target_semaphore(%run_scoped3A : memref<!tpu.dma_semaphore, #tpu.memory_space<semaphore_mem>>)
      %dma_wait3A_126 = arith.constant 0 : i32
      %dma_wait3A_127 = arith.constant 0 : i32
      %dma_wait3A_128 = tpu.memref_slice %arg3[%add3A, %dma_wait3A_126, %dma_wait3A_127] : memref<32x40x128xi32, #tpu.memory_space<hbm>> -> memref<1x40x128xi32, #tpu.memory_space<hbm>>
      %dma_wait3A_129 = tpu.memref_squeeze %dma_wait3A_128 : memref<1x40x128xi32, #tpu.memory_space<hbm>> -> memref<40x128xi32, #tpu.memory_space<hbm>>
      %dma_wait3A_130 = arith.constant 0 : i32
      %dma_wait3A_131 = arith.constant 0 : i32
      %dma_wait3A_132 = tpu.memref_slice %arg3[%add3A, %dma_wait3A_130, %dma_wait3A_131] : memref<32x40x128xi32, #tpu.memory_space<hbm>> -> memref<1x40x128xi32, #tpu.memory_space<hbm>>
      %dma_wait3A_133 = tpu.memref_squeeze %dma_wait3A_132 : memref<1x40x128xi32, #tpu.memory_space<hbm>> -> memref<40x128xi32, #tpu.memory_space<hbm>>
      tpu.wait_dma2 semaphore(%run_scoped3A : memref<!tpu.dma_semaphore, #tpu.memory_space<semaphore_mem>>) src(%dma_wait3A_133 : memref<40x128xi32, #tpu.memory_space<hbm>>) dst(%arg5 : memref<40x128xi32, #tpu.memory_space<vmem>>)
      tpu.yield
    }) : () -> ()
    %scan3A = arith.constant 0 : i32
    %scan3A_1 = arith.constant 0 : i32
    %scan3A_2 = arith.constant 10 : i32
    %scan3A_3 = arith.addi %scan3A_1, %scan3A_2 : i32
    %scan3A_4 = arith.constant 1 : i32
    %scan3A_5 = scf.for %scan3A_118 = %scan3A_1 to %scan3A_3 step %scan3A_4 iter_args(%scan3A_119 = %scan3A) -> (i32)  : i32 {
      %add3A_120 = arith.constant 0 : i32
      %add3A_121 = arith.addi %add3A_120, %scan3A_118 : i32
      %mul3A_122 = arith.constant 128 : i32
      %mul3A_123 = arith.muli %scan3A_118, %mul3A_122 : i32
      %dma_start3A_124 = arith.constant 0 : i32
      %dma_start3A_125 = tpu.memref_slice %arg6[%mul3A_123, %dma_start3A_124] : memref<1280x32xf32, #tpu.memory_space<vmem>> -> memref<128x32xf32, #tpu.memory_space<vmem>>
      %dma_start3A_126 = arith.constant 0 : i32
      %dma_start3A_127 = tpu.memref_slice %arg5[%add3A_121, %dma_start3A_126] : memref<40x128xi32, #tpu.memory_space<vmem>> -> memref<1x128xi32, #tpu.memory_space<vmem>>
      %dma_start3A_128 = tpu.memref_squeeze %dma_start3A_127 : memref<1x128xi32, #tpu.memory_space<vmem>> -> memref<128xi32, #tpu.memory_space<vmem>>
      %dma_start3A_129 = arith.constant 0 : i32
      %dma_start3A_130 = arith.constant 0 : i32
      %dma_start3A_131 = tpu.memref_slice %arg2[%dma_start3A_129, %dma_start3A_130] : memref<10240x32xf32, #tpu.memory_space<hbm>> -> memref<10240x32xf32, #tpu.memory_space<hbm>>
      tpu.enqueue_indirect_dma source(%dma_start3A_131 : memref<10240x32xf32, #tpu.memory_space<hbm>>) target(%dma_start3A_125 : memref<128x32xf32, #tpu.memory_space<vmem>>) offsets(%dma_start3A_128 : memref<128xi32, #tpu.memory_space<vmem>>) semaphore(%arg8 : memref<!tpu.dma_semaphore, #tpu.memory_space<semaphore_mem>>)
      %scan3A_132 = arith.constant 0 : i32
      scf.yield %scan3A_132 : i32
    }
    %scan3A_6 = arith.constant 10 : i32
    %scan3A_7 = arith.constant 0 : i32
    %scan3A_8 = arith.constant 0 : i32
    %scan3A_9 = arith.constant 10 : i32
    %scan3A_10 = arith.addi %scan3A_8, %scan3A_9 : i32
    %scan3A_11 = arith.constant 1 : i32
    %scan3A_12 = scf.for %scan3A_118 = %scan3A_8 to %scan3A_10 step %scan3A_11 iter_args(%scan3A_119 = %scan3A_7) -> (i32)  : i32 {
      %add3A_120 = arith.constant 0 : i32
      %add3A_121 = arith.addi %add3A_120, %scan3A_118 : i32
      %mul3A_122 = arith.constant 128 : i32
      %mul3A_123 = arith.muli %scan3A_118, %mul3A_122 : i32
      %dma_wait3A_124 = arith.constant 0 : i32
      %dma_wait3A_125 = tpu.memref_slice %arg6[%mul3A_123, %dma_wait3A_124] : memref<1280x32xf32, #tpu.memory_space<vmem>> -> memref<128x32xf32, #tpu.memory_space<vmem>>
      %dma_wait3A_126 = arith.constant 0 : i32
      %dma_wait3A_127 = tpu.memref_slice %arg5[%add3A_121, %dma_wait3A_126] : memref<40x128xi32, #tpu.memory_space<vmem>> -> memref<1x128xi32, #tpu.memory_space<vmem>>
      %dma_wait3A_128 = tpu.memref_squeeze %dma_wait3A_127 : memref<1x128xi32, #tpu.memory_space<vmem>> -> memref<128xi32, #tpu.memory_space<vmem>>
      %dma_wait3A_129 = arith.constant 0 : i32
      %dma_wait3A_130 = arith.constant 0 : i32
      %dma_wait3A_131 = tpu.memref_slice %arg2[%dma_wait3A_129, %dma_wait3A_130] : memref<10240x32xf32, #tpu.memory_space<hbm>> -> memref<10240x32xf32, #tpu.memory_space<hbm>>
      tpu.wait_indirect_dma semaphore(%arg8 : memref<!tpu.dma_semaphore, #tpu.memory_space<semaphore_mem>>) src(%dma_wait3A_131 : memref<10240x32xf32, #tpu.memory_space<hbm>>) dst(%dma_wait3A_125 : memref<128x32xf32, #tpu.memory_space<vmem>>)
      %scan3A_132 = arith.constant 0 : i32
      scf.yield %scan3A_132 : i32
    }
    %scan3A_13 = arith.constant 10 : i32
    %mul3A_14 = arith.constant 40 : i32
    %mul3A_15 = arith.muli %add3A, %mul3A_14 : i32
    %add3A_16 = arith.constant 0 : i32
    %add3A_17 = arith.addi %mul3A_15, %add3A_16 : i32
    %mul3A_18 = arith.constant 128 : i32
    %mul3A_19 = arith.muli %add3A_17, %mul3A_18 : i32
    %dma_start3A = arith.constant 0 : i32
    %dma_start3A_20 = tpu.memref_slice %arg4[%mul3A_19, %dma_start3A] : memref<163840x32xf32, #tpu.memory_space<hbm>> -> memref<1280x32xf32, #tpu.memory_space<hbm>>
    %dma_start3A_21 = arith.constant 0 : i32
    %dma_start3A_22 = tpu.memref_slice %arg4[%mul3A_19, %dma_start3A_21] : memref<163840x32xf32, #tpu.memory_space<hbm>> -> memref<1280x32xf32, #tpu.memory_space<hbm>>
    tpu.enqueue_dma source(%arg6 : memref<1280x32xf32, #tpu.memory_space<vmem>>) target(%dma_start3A_22 : memref<1280x32xf32, #tpu.memory_space<hbm>>) target_semaphore(%arg9 : memref<!tpu.dma_semaphore, #tpu.memory_space<semaphore_mem>>)
    %scan3A_23 = arith.constant 0 : i32
    %scan3A_24 = arith.constant 0 : i32
    %scan3A_25 = arith.constant 10 : i32
    %scan3A_26 = arith.addi %scan3A_24, %scan3A_25 : i32
    %scan3A_27 = arith.constant 1 : i32
    %scan3A_28 = scf.for %scan3A_118 = %scan3A_24 to %scan3A_26 step %scan3A_27 iter_args(%scan3A_119 = %scan3A_23) -> (i32)  : i32 {
      %add3A_120 = arith.constant 10 : i32
      %add3A_121 = arith.addi %add3A_120, %scan3A_118 : i32
      %mul3A_122 = arith.constant 128 : i32
      %mul3A_123 = arith.muli %scan3A_118, %mul3A_122 : i32
      %dma_start3A_124 = arith.constant 0 : i32
      %dma_start3A_125 = tpu.memref_slice %arg7[%mul3A_123, %dma_start3A_124] : memref<1280x32xf32, #tpu.memory_space<vmem>> -> memref<128x32xf32, #tpu.memory_space<vmem>>
      %dma_start3A_126 = arith.constant 0 : i32
      %dma_start3A_127 = tpu.memref_slice %arg5[%add3A_121, %dma_start3A_126] : memref<40x128xi32, #tpu.memory_space<vmem>> -> memref<1x128xi32, #tpu.memory_space<vmem>>
      %dma_start3A_128 = tpu.memref_squeeze %dma_start3A_127 : memref<1x128xi32, #tpu.memory_space<vmem>> -> memref<128xi32, #tpu.memory_space<vmem>>
      %dma_start3A_129 = arith.constant 0 : i32
      %dma_start3A_130 = arith.constant 0 : i32
      %dma_start3A_131 = tpu.memref_slice %arg2[%dma_start3A_129, %dma_start3A_130] : memref<10240x32xf32, #tpu.memory_space<hbm>> -> memref<10240x32xf32, #tpu.memory_space<hbm>>
      tpu.enqueue_indirect_dma source(%dma_start3A_131 : memref<10240x32xf32, #tpu.memory_space<hbm>>) target(%dma_start3A_125 : memref<128x32xf32, #tpu.memory_space<vmem>>) offsets(%dma_start3A_128 : memref<128xi32, #tpu.memory_space<vmem>>) semaphore(%arg8 : memref<!tpu.dma_semaphore, #tpu.memory_space<semaphore_mem>>)
      %scan3A_132 = arith.constant 0 : i32
      scf.yield %scan3A_132 : i32
    }
    %scan3A_29 = arith.constant 10 : i32
    %scan3A_30 = arith.constant 0 : i32
    %scan3A_31 = arith.constant 0 : i32
    %scan3A_32 = arith.constant 10 : i32
    %scan3A_33 = arith.addi %scan3A_31, %scan3A_32 : i32
    %scan3A_34 = arith.constant 1 : i32
    %scan3A_35 = scf.for %scan3A_118 = %scan3A_31 to %scan3A_33 step %scan3A_34 iter_args(%scan3A_119 = %scan3A_30) -> (i32)  : i32 {
      %add3A_120 = arith.constant 10 : i32
      %add3A_121 = arith.addi %add3A_120, %scan3A_118 : i32
      %mul3A_122 = arith.constant 128 : i32
      %mul3A_123 = arith.muli %scan3A_118, %mul3A_122 : i32
      %dma_wait3A_124 = arith.constant 0 : i32
      %dma_wait3A_125 = tpu.memref_slice %arg7[%mul3A_123, %dma_wait3A_124] : memref<1280x32xf32, #tpu.memory_space<vmem>> -> memref<128x32xf32, #tpu.memory_space<vmem>>
      %dma_wait3A_126 = arith.constant 0 : i32
      %dma_wait3A_127 = tpu.memref_slice %arg5[%add3A_121, %dma_wait3A_126] : memref<40x128xi32, #tpu.memory_space<vmem>> -> memref<1x128xi32, #tpu.memory_space<vmem>>
      %dma_wait3A_128 = tpu.memref_squeeze %dma_wait3A_127 : memref<1x128xi32, #tpu.memory_space<vmem>> -> memref<128xi32, #tpu.memory_space<vmem>>
      %dma_wait3A_129 = arith.constant 0 : i32
      %dma_wait3A_130 = arith.constant 0 : i32
      %dma_wait3A_131 = tpu.memref_slice %arg2[%dma_wait3A_129, %dma_wait3A_130] : memref<10240x32xf32, #tpu.memory_space<hbm>> -> memref<10240x32xf32, #tpu.memory_space<hbm>>
      tpu.wait_indirect_dma semaphore(%arg8 : memref<!tpu.dma_semaphore, #tpu.memory_space<semaphore_mem>>) src(%dma_wait3A_131 : memref<10240x32xf32, #tpu.memory_space<hbm>>) dst(%dma_wait3A_125 : memref<128x32xf32, #tpu.memory_space<vmem>>)
      %scan3A_132 = arith.constant 0 : i32
      scf.yield %scan3A_132 : i32
    }
    %scan3A_36 = arith.constant 10 : i32
    %mul3A_37 = arith.constant 40 : i32
    %mul3A_38 = arith.muli %add3A, %mul3A_37 : i32
    %add3A_39 = arith.constant 10 : i32
    %add3A_40 = arith.addi %mul3A_38, %add3A_39 : i32
    %mul3A_41 = arith.constant 128 : i32
    %mul3A_42 = arith.muli %add3A_40, %mul3A_41 : i32
    %dma_start3A_43 = arith.constant 0 : i32
    %dma_start3A_44 = tpu.memref_slice %arg4[%mul3A_42, %dma_start3A_43] : memref<163840x32xf32, #tpu.memory_space<hbm>> -> memref<1280x32xf32, #tpu.memory_space<hbm>>
    %dma_start3A_45 = arith.constant 0 : i32
    %dma_start3A_46 = tpu.memref_slice %arg4[%mul3A_42, %dma_start3A_45] : memref<163840x32xf32, #tpu.memory_space<hbm>> -> memref<1280x32xf32, #tpu.memory_space<hbm>>
    tpu.enqueue_dma source(%arg7 : memref<1280x32xf32, #tpu.memory_space<vmem>>) target(%dma_start3A_46 : memref<1280x32xf32, #tpu.memory_space<hbm>>) target_semaphore(%arg10 : memref<!tpu.dma_semaphore, #tpu.memory_space<semaphore_mem>>)
    %dma_wait3A = arith.constant 0 : i32
    %dma_wait3A_47 = arith.constant 0 : i32
    %dma_wait3A_48 = tpu.memref_slice %arg4[%dma_wait3A, %dma_wait3A_47] : memref<163840x32xf32, #tpu.memory_space<hbm>> -> memref<1280x32xf32, #tpu.memory_space<hbm>>
    %dma_wait3A_49 = arith.constant 0 : i32
    %dma_wait3A_50 = arith.constant 0 : i32
    %dma_wait3A_51 = tpu.memref_slice %arg4[%dma_wait3A_49, %dma_wait3A_50] : memref<163840x32xf32, #tpu.memory_space<hbm>> -> memref<1280x32xf32, #tpu.memory_space<hbm>>
    tpu.wait_dma2 semaphore(%arg9 : memref<!tpu.dma_semaphore, #tpu.memory_space<semaphore_mem>>) src(%arg6 : memref<1280x32xf32, #tpu.memory_space<vmem>>) dst(%dma_wait3A_51 : memref<1280x32xf32, #tpu.memory_space<hbm>>)
    %scan3A_52 = arith.constant 0 : i32
    %scan3A_53 = arith.constant 0 : i32
    %scan3A_54 = arith.constant 10 : i32
    %scan3A_55 = arith.addi %scan3A_53, %scan3A_54 : i32
    %scan3A_56 = arith.constant 1 : i32
    %scan3A_57 = scf.for %scan3A_118 = %scan3A_53 to %scan3A_55 step %scan3A_56 iter_args(%scan3A_119 = %scan3A_52) -> (i32)  : i32 {
      %add3A_120 = arith.constant 20 : i32
      %add3A_121 = arith.addi %add3A_120, %scan3A_118 : i32
      %mul3A_122 = arith.constant 128 : i32
      %mul3A_123 = arith.muli %scan3A_118, %mul3A_122 : i32
      %dma_start3A_124 = arith.constant 0 : i32
      %dma_start3A_125 = tpu.memref_slice %arg6[%mul3A_123, %dma_start3A_124] : memref<1280x32xf32, #tpu.memory_space<vmem>> -> memref<128x32xf32, #tpu.memory_space<vmem>>
      %dma_start3A_126 = arith.constant 0 : i32
      %dma_start3A_127 = tpu.memref_slice %arg5[%add3A_121, %dma_start3A_126] : memref<40x128xi32, #tpu.memory_space<vmem>> -> memref<1x128xi32, #tpu.memory_space<vmem>>
      %dma_start3A_128 = tpu.memref_squeeze %dma_start3A_127 : memref<1x128xi32, #tpu.memory_space<vmem>> -> memref<128xi32, #tpu.memory_space<vmem>>
      %dma_start3A_129 = arith.constant 0 : i32
      %dma_start3A_130 = arith.constant 0 : i32
      %dma_start3A_131 = tpu.memref_slice %arg2[%dma_start3A_129, %dma_start3A_130] : memref<10240x32xf32, #tpu.memory_space<hbm>> -> memref<10240x32xf32, #tpu.memory_space<hbm>>
      tpu.enqueue_indirect_dma source(%dma_start3A_131 : memref<10240x32xf32, #tpu.memory_space<hbm>>) target(%dma_start3A_125 : memref<128x32xf32, #tpu.memory_space<vmem>>) offsets(%dma_start3A_128 : memref<128xi32, #tpu.memory_space<vmem>>) semaphore(%arg8 : memref<!tpu.dma_semaphore, #tpu.memory_space<semaphore_mem>>)
      %scan3A_132 = arith.constant 0 : i32
      scf.yield %scan3A_132 : i32
    }
    %scan3A_58 = arith.constant 10 : i32
    %scan3A_59 = arith.constant 0 : i32
    %scan3A_60 = arith.constant 0 : i32
    %scan3A_61 = arith.constant 10 : i32
    %scan3A_62 = arith.addi %scan3A_60, %scan3A_61 : i32
    %scan3A_63 = arith.constant 1 : i32
    %scan3A_64 = scf.for %scan3A_118 = %scan3A_60 to %scan3A_62 step %scan3A_63 iter_args(%scan3A_119 = %scan3A_59) -> (i32)  : i32 {
      %add3A_120 = arith.constant 20 : i32
      %add3A_121 = arith.addi %add3A_120, %scan3A_118 : i32
      %mul3A_122 = arith.constant 128 : i32
      %mul3A_123 = arith.muli %scan3A_118, %mul3A_122 : i32
      %dma_wait3A_124 = arith.constant 0 : i32
      %dma_wait3A_125 = tpu.memref_slice %arg6[%mul3A_123, %dma_wait3A_124] : memref<1280x32xf32, #tpu.memory_space<vmem>> -> memref<128x32xf32, #tpu.memory_space<vmem>>
      %dma_wait3A_126 = arith.constant 0 : i32
      %dma_wait3A_127 = tpu.memref_slice %arg5[%add3A_121, %dma_wait3A_126] : memref<40x128xi32, #tpu.memory_space<vmem>> -> memref<1x128xi32, #tpu.memory_space<vmem>>
      %dma_wait3A_128 = tpu.memref_squeeze %dma_wait3A_127 : memref<1x128xi32, #tpu.memory_space<vmem>> -> memref<128xi32, #tpu.memory_space<vmem>>
      %dma_wait3A_129 = arith.constant 0 : i32
      %dma_wait3A_130 = arith.constant 0 : i32
      %dma_wait3A_131 = tpu.memref_slice %arg2[%dma_wait3A_129, %dma_wait3A_130] : memref<10240x32xf32, #tpu.memory_space<hbm>> -> memref<10240x32xf32, #tpu.memory_space<hbm>>
      tpu.wait_indirect_dma semaphore(%arg8 : memref<!tpu.dma_semaphore, #tpu.memory_space<semaphore_mem>>) src(%dma_wait3A_131 : memref<10240x32xf32, #tpu.memory_space<hbm>>) dst(%dma_wait3A_125 : memref<128x32xf32, #tpu.memory_space<vmem>>)
      %scan3A_132 = arith.constant 0 : i32
      scf.yield %scan3A_132 : i32
    }
    %scan3A_65 = arith.constant 10 : i32
    %mul3A_66 = arith.constant 40 : i32
    %mul3A_67 = arith.muli %add3A, %mul3A_66 : i32
    %add3A_68 = arith.constant 20 : i32
    %add3A_69 = arith.addi %mul3A_67, %add3A_68 : i32
    %mul3A_70 = arith.constant 128 : i32
    %mul3A_71 = arith.muli %add3A_69, %mul3A_70 : i32
    %dma_start3A_72 = arith.constant 0 : i32
    %dma_start3A_73 = tpu.memref_slice %arg4[%mul3A_71, %dma_start3A_72] : memref<163840x32xf32, #tpu.memory_space<hbm>> -> memref<1280x32xf32, #tpu.memory_space<hbm>>
    %dma_start3A_74 = arith.constant 0 : i32
    %dma_start3A_75 = tpu.memref_slice %arg4[%mul3A_71, %dma_start3A_74] : memref<163840x32xf32, #tpu.memory_space<hbm>> -> memref<1280x32xf32, #tpu.memory_space<hbm>>
    tpu.enqueue_dma source(%arg6 : memref<1280x32xf32, #tpu.memory_space<vmem>>) target(%dma_start3A_75 : memref<1280x32xf32, #tpu.memory_space<hbm>>) target_semaphore(%arg9 : memref<!tpu.dma_semaphore, #tpu.memory_space<semaphore_mem>>)
    %dma_wait3A_76 = arith.constant 0 : i32
    %dma_wait3A_77 = arith.constant 0 : i32
    %dma_wait3A_78 = tpu.memref_slice %arg4[%dma_wait3A_76, %dma_wait3A_77] : memref<163840x32xf32, #tpu.memory_space<hbm>> -> memref<1280x32xf32, #tpu.memory_space<hbm>>
    %dma_wait3A_79 = arith.constant 0 : i32
    %dma_wait3A_80 = arith.constant 0 : i32
    %dma_wait3A_81 = tpu.memref_slice %arg4[%dma_wait3A_79, %dma_wait3A_80] : memref<163840x32xf32, #tpu.memory_space<hbm>> -> memref<1280x32xf32, #tpu.memory_space<hbm>>
    tpu.wait_dma2 semaphore(%arg10 : memref<!tpu.dma_semaphore, #tpu.memory_space<semaphore_mem>>) src(%arg7 : memref<1280x32xf32, #tpu.memory_space<vmem>>) dst(%dma_wait3A_81 : memref<1280x32xf32, #tpu.memory_space<hbm>>)
    %scan3A_82 = arith.constant 0 : i32
    %scan3A_83 = arith.constant 0 : i32
    %scan3A_84 = arith.constant 10 : i32
    %scan3A_85 = arith.addi %scan3A_83, %scan3A_84 : i32
    %scan3A_86 = arith.constant 1 : i32
    %scan3A_87 = scf.for %scan3A_118 = %scan3A_83 to %scan3A_85 step %scan3A_86 iter_args(%scan3A_119 = %scan3A_82) -> (i32)  : i32 {
      %add3A_120 = arith.constant 30 : i32
      %add3A_121 = arith.addi %add3A_120, %scan3A_118 : i32
      %mul3A_122 = arith.constant 128 : i32
      %mul3A_123 = arith.muli %scan3A_118, %mul3A_122 : i32
      %dma_start3A_124 = arith.constant 0 : i32
      %dma_start3A_125 = tpu.memref_slice %arg7[%mul3A_123, %dma_start3A_124] : memref<1280x32xf32, #tpu.memory_space<vmem>> -> memref<128x32xf32, #tpu.memory_space<vmem>>
      %dma_start3A_126 = arith.constant 0 : i32
      %dma_start3A_127 = tpu.memref_slice %arg5[%add3A_121, %dma_start3A_126] : memref<40x128xi32, #tpu.memory_space<vmem>> -> memref<1x128xi32, #tpu.memory_space<vmem>>
      %dma_start3A_128 = tpu.memref_squeeze %dma_start3A_127 : memref<1x128xi32, #tpu.memory_space<vmem>> -> memref<128xi32, #tpu.memory_space<vmem>>
      %dma_start3A_129 = arith.constant 0 : i32
      %dma_start3A_130 = arith.constant 0 : i32
      %dma_start3A_131 = tpu.memref_slice %arg2[%dma_start3A_129, %dma_start3A_130] : memref<10240x32xf32, #tpu.memory_space<hbm>> -> memref<10240x32xf32, #tpu.memory_space<hbm>>
      tpu.enqueue_indirect_dma source(%dma_start3A_131 : memref<10240x32xf32, #tpu.memory_space<hbm>>) target(%dma_start3A_125 : memref<128x32xf32, #tpu.memory_space<vmem>>) offsets(%dma_start3A_128 : memref<128xi32, #tpu.memory_space<vmem>>) semaphore(%arg8 : memref<!tpu.dma_semaphore, #tpu.memory_space<semaphore_mem>>)
      %scan3A_132 = arith.constant 0 : i32
      scf.yield %scan3A_132 : i32
    }
    %scan3A_88 = arith.constant 10 : i32
    %scan3A_89 = arith.constant 0 : i32
    %scan3A_90 = arith.constant 0 : i32
    %scan3A_91 = arith.constant 10 : i32
    %scan3A_92 = arith.addi %scan3A_90, %scan3A_91 : i32
    %scan3A_93 = arith.constant 1 : i32
    %scan3A_94 = scf.for %scan3A_118 = %scan3A_90 to %scan3A_92 step %scan3A_93 iter_args(%scan3A_119 = %scan3A_89) -> (i32)  : i32 {
      %add3A_120 = arith.constant 30 : i32
      %add3A_121 = arith.addi %add3A_120, %scan3A_118 : i32
      %mul3A_122 = arith.constant 128 : i32
      %mul3A_123 = arith.muli %scan3A_118, %mul3A_122 : i32
      %dma_wait3A_124 = arith.constant 0 : i32
      %dma_wait3A_125 = tpu.memref_slice %arg7[%mul3A_123, %dma_wait3A_124] : memref<1280x32xf32, #tpu.memory_space<vmem>> -> memref<128x32xf32, #tpu.memory_space<vmem>>
      %dma_wait3A_126 = arith.constant 0 : i32
      %dma_wait3A_127 = tpu.memref_slice %arg5[%add3A_121, %dma_wait3A_126] : memref<40x128xi32, #tpu.memory_space<vmem>> -> memref<1x128xi32, #tpu.memory_space<vmem>>
      %dma_wait3A_128 = tpu.memref_squeeze %dma_wait3A_127 : memref<1x128xi32, #tpu.memory_space<vmem>> -> memref<128xi32, #tpu.memory_space<vmem>>
      %dma_wait3A_129 = arith.constant 0 : i32
      %dma_wait3A_130 = arith.constant 0 : i32
      %dma_wait3A_131 = tpu.memref_slice %arg2[%dma_wait3A_129, %dma_wait3A_130] : memref<10240x32xf32, #tpu.memory_space<hbm>> -> memref<10240x32xf32, #tpu.memory_space<hbm>>
      tpu.wait_indirect_dma semaphore(%arg8 : memref<!tpu.dma_semaphore, #tpu.memory_space<semaphore_mem>>) src(%dma_wait3A_131 : memref<10240x32xf32, #tpu.memory_space<hbm>>) dst(%dma_wait3A_125 : memref<128x32xf32, #tpu.memory_space<vmem>>)
      %scan3A_132 = arith.constant 0 : i32
      scf.yield %scan3A_132 : i32
    }
    %scan3A_95 = arith.constant 10 : i32
    %mul3A_96 = arith.constant 40 : i32
    %mul3A_97 = arith.muli %add3A, %mul3A_96 : i32
    %add3A_98 = arith.constant 30 : i32
    %add3A_99 = arith.addi %mul3A_97, %add3A_98 : i32
    %mul3A_100 = arith.constant 128 : i32
    %mul3A_101 = arith.muli %add3A_99, %mul3A_100 : i32
    %dma_start3A_102 = arith.constant 0 : i32
    %dma_start3A_103 = tpu.memref_slice %arg4[%mul3A_101, %dma_start3A_102] : memref<163840x32xf32, #tpu.memory_space<hbm>> -> memref<1280x32xf32, #tpu.memory_space<hbm>>
    %dma_start3A_104 = arith.constant 0 : i32
    %dma_start3A_105 = tpu.memref_slice %arg4[%mul3A_101, %dma_start3A_104] : memref<163840x32xf32, #tpu.memory_space<hbm>> -> memref<1280x32xf32, #tpu.memory_space<hbm>>
    tpu.enqueue_dma source(%arg7 : memref<1280x32xf32, #tpu.memory_space<vmem>>) target(%dma_start3A_105 : memref<1280x32xf32, #tpu.memory_space<hbm>>) target_semaphore(%arg10 : memref<!tpu.dma_semaphore, #tpu.memory_space<semaphore_mem>>)
    %dma_wait3A_106 = arith.constant 0 : i32
    %dma_wait3A_107 = arith.constant 0 : i32
    %dma_wait3A_108 = tpu.memref_slice %arg4[%dma_wait3A_106, %dma_wait3A_107] : memref<163840x32xf32, #tpu.memory_space<hbm>> -> memref<1280x32xf32, #tpu.memory_space<hbm>>
    %dma_wait3A_109 = arith.constant 0 : i32
    %dma_wait3A_110 = arith.constant 0 : i32
    %dma_wait3A_111 = tpu.memref_slice %arg4[%dma_wait3A_109, %dma_wait3A_110] : memref<163840x32xf32, #tpu.memory_space<hbm>> -> memref<1280x32xf32, #tpu.memory_space<hbm>>
    tpu.wait_dma2 semaphore(%arg9 : memref<!tpu.dma_semaphore, #tpu.memory_space<semaphore_mem>>) src(%arg6 : memref<1280x32xf32, #tpu.memory_space<vmem>>) dst(%dma_wait3A_111 : memref<1280x32xf32, #tpu.memory_space<hbm>>)
    %dma_wait3A_112 = arith.constant 0 : i32
    %dma_wait3A_113 = arith.constant 0 : i32
    %dma_wait3A_114 = tpu.memref_slice %arg4[%dma_wait3A_112, %dma_wait3A_113] : memref<163840x32xf32, #tpu.memory_space<hbm>> -> memref<1280x32xf32, #tpu.memory_space<hbm>>
    %dma_wait3A_115 = arith.constant 0 : i32
    %dma_wait3A_116 = arith.constant 0 : i32
    %dma_wait3A_117 = tpu.memref_slice %arg4[%dma_wait3A_115, %dma_wait3A_116] : memref<163840x32xf32, #tpu.memory_space<hbm>> -> memref<1280x32xf32, #tpu.memory_space<hbm>>
    tpu.wait_dma2 semaphore(%arg10 : memref<!tpu.dma_semaphore, #tpu.memory_space<semaphore_mem>>) src(%arg7 : memref<1280x32xf32, #tpu.memory_space<vmem>>) dst(%dma_wait3A_117 : memref<1280x32xf32, #tpu.memory_space<hbm>>)
    return
  }
}

#map = affine_map<(d0, d1) -> (0, 0)>
#map1 = affine_map<(d0, d1) -> (0, 0, 0)>
module attributes {stable_mosaic.version = 14 : i64} {
  func.func @gather(%arg0: i32, %arg1: i32, %arg2: memref<10000x8xf32, #tpu.memory_space<hbm>>, %arg3: memref<32x40x128xi32, #tpu.memory_space<hbm>>, %arg4: memref<163840x8xf32, #tpu.memory_space<hbm>>, %arg5: memref<40x128xi32, #tpu.memory_space<vmem>>, %arg6: memref<1280x8xf32, #tpu.memory_space<vmem>>, %arg7: memref<1280x8xf32, #tpu.memory_space<vmem>>, %arg8: memref<!tpu.dma_semaphore, #tpu.memory_space<semaphore_mem>>, %arg9: memref<!tpu.dma_semaphore, #tpu.memory_space<semaphore_mem>>, %arg10: memref<!tpu.dma_semaphore, #tpu.memory_space<semaphore_mem>>) attributes {dimension_semantics = [#tpu.dimension_semantics<core_parallel>, #tpu.dimension_semantics<subcore_parallel>], iteration_bounds = array<i64: 2, 16>, scalar_prefetch = 0 : i64, scratch_operands = 6 : i64, tpu.core_type = #tpu.core_type<sc_vector_subcore>, window_params = [{transform_indices = #map}, {transform_indices = #map1}, {transform_indices = #map}]} {
    %mul3A = arith.constant 16 : i32
    %mul3A_0 = arith.muli %arg0, %mul3A : i32
    %add3A = arith.addi %mul3A_0, %arg1 : i32
    "tpu.region"() ({
      %run_scoped3A = tpu.sem_alloc : memref<!tpu.dma_semaphore, #tpu.memory_space<semaphore_mem>>
      %dma_start3A_118 = arith.constant 0 : i32
      %dma_start3A_119 = arith.constant 0 : i32
      %dma_start3A_120 = tpu.memref_slice %arg3[%add3A, %dma_start3A_118, %dma_start3A_119] : memref<32x40x128xi32, #tpu.memory_space<hbm>> -> memref<1x40x128xi32, #tpu.memory_space<hbm>>
      %dma_start3A_121 = tpu.memref_squeeze %dma_start3A_120 : memref<1x40x128xi32, #tpu.memory_space<hbm>> -> memref<40x128xi32, #tpu.memory_space<hbm>>
      %dma_start3A_122 = arith.constant 0 : i32
      %dma_start3A_123 = arith.constant 0 : i32
      %dma_start3A_124 = tpu.memref_slice %arg3[%add3A, %dma_start3A_122, %dma_start3A_123] : memref<32x40x128xi32, #tpu.memory_space<hbm>> -> memref<1x40x128xi32, #tpu.memory_space<hbm>>
      %dma_start3A_125 = tpu.memref_squeeze %dma_start3A_124 : memref<1x40x128xi32, #tpu.memory_space<hbm>> -> memref<40x128xi32, #tpu.memory_space<hbm>>
      tpu.enqueue_dma source(%dma_start3A_125 : memref<40x128xi32, #tpu.memory_space<hbm>>) target(%arg5 : memref<40x128xi32, #tpu.memory_space<vmem>>) target_semaphore(%run_scoped3A : memref<!tpu.dma_semaphore, #tpu.memory_space<semaphore_mem>>)
      %dma_wait3A_126 = arith.constant 0 : i32
      %dma_wait3A_127 = arith.constant 0 : i32
      %dma_wait3A_128 = tpu.memref_slice %arg3[%add3A, %dma_wait3A_126, %dma_wait3A_127] : memref<32x40x128xi32, #tpu.memory_space<hbm>> -> memref<1x40x128xi32, #tpu.memory_space<hbm>>
      %dma_wait3A_129 = tpu.memref_squeeze %dma_wait3A_128 : memref<1x40x128xi32, #tpu.memory_space<hbm>> -> memref<40x128xi32, #tpu.memory_space<hbm>>
      %dma_wait3A_130 = arith.constant 0 : i32
      %dma_wait3A_131 = arith.constant 0 : i32
      %dma_wait3A_132 = tpu.memref_slice %arg3[%add3A, %dma_wait3A_130, %dma_wait3A_131] : memref<32x40x128xi32, #tpu.memory_space<hbm>> -> memref<1x40x128xi32, #tpu.memory_space<hbm>>
      %dma_wait3A_133 = tpu.memref_squeeze %dma_wait3A_132 : memref<1x40x128xi32, #tpu.memory_space<hbm>> -> memref<40x128xi32, #tpu.memory_space<hbm>>
      tpu.wait_dma2 semaphore(%run_scoped3A : memref<!tpu.dma_semaphore, #tpu.memory_space<semaphore_mem>>) src(%dma_wait3A_133 : memref<40x128xi32, #tpu.memory_space<hbm>>) dst(%arg5 : memref<40x128xi32, #tpu.memory_space<vmem>>)
      tpu.yield
    }) : () -> ()
    %scan3A = arith.constant 0 : i32
    %scan3A_1 = arith.constant 0 : i32
    %scan3A_2 = arith.constant 10 : i32
    %scan3A_3 = arith.addi %scan3A_1, %scan3A_2 : i32
    %scan3A_4 = arith.constant 1 : i32
    %scan3A_5 = scf.for %scan3A_118 = %scan3A_1 to %scan3A_3 step %scan3A_4 iter_args(%scan3A_119 = %scan3A) -> (i32)  : i32 {
      %add3A_120 = arith.constant 0 : i32
      %add3A_121 = arith.addi %add3A_120, %scan3A_118 : i32
      %mul3A_122 = arith.constant 128 : i32
      %mul3A_123 = arith.muli %scan3A_118, %mul3A_122 : i32
      %dma_start3A_124 = arith.constant 0 : i32
      %dma_start3A_125 = tpu.memref_slice %arg6[%mul3A_123, %dma_start3A_124] : memref<1280x8xf32, #tpu.memory_space<vmem>> -> memref<128x8xf32, #tpu.memory_space<vmem>>
      %dma_start3A_126 = arith.constant 0 : i32
      %dma_start3A_127 = tpu.memref_slice %arg5[%add3A_121, %dma_start3A_126] : memref<40x128xi32, #tpu.memory_space<vmem>> -> memref<1x128xi32, #tpu.memory_space<vmem>>
      %dma_start3A_128 = tpu.memref_squeeze %dma_start3A_127 : memref<1x128xi32, #tpu.memory_space<vmem>> -> memref<128xi32, #tpu.memory_space<vmem>>
      %dma_start3A_129 = arith.constant 0 : i32
      %dma_start3A_130 = arith.constant 0 : i32
      %dma_start3A_131 = tpu.memref_slice %arg2[%dma_start3A_129, %dma_start3A_130] : memref<10000x8xf32, #tpu.memory_space<hbm>> -> memref<10000x8xf32, #tpu.memory_space<hbm>>
      tpu.enqueue_indirect_dma source(%dma_start3A_131 : memref<10000x8xf32, #tpu.memory_space<hbm>>) target(%dma_start3A_125 : memref<128x8xf32, #tpu.memory_space<vmem>>) offsets(%dma_start3A_128 : memref<128xi32, #tpu.memory_space<vmem>>) semaphore(%arg8 : memref<!tpu.dma_semaphore, #tpu.memory_space<semaphore_mem>>)
      %scan3A_132 = arith.constant 0 : i32
      scf.yield %scan3A_132 : i32
    }
    %scan3A_6 = arith.constant 10 : i32
    %scan3A_7 = arith.constant 0 : i32
    %scan3A_8 = arith.constant 0 : i32
    %scan3A_9 = arith.constant 10 : i32
    %scan3A_10 = arith.addi %scan3A_8, %scan3A_9 : i32
    %scan3A_11 = arith.constant 1 : i32
    %scan3A_12 = scf.for %scan3A_118 = %scan3A_8 to %scan3A_10 step %scan3A_11 iter_args(%scan3A_119 = %scan3A_7) -> (i32)  : i32 {
      %add3A_120 = arith.constant 0 : i32
      %add3A_121 = arith.addi %add3A_120, %scan3A_118 : i32
      %mul3A_122 = arith.constant 128 : i32
      %mul3A_123 = arith.muli %scan3A_118, %mul3A_122 : i32
      %dma_wait3A_124 = arith.constant 0 : i32
      %dma_wait3A_125 = tpu.memref_slice %arg6[%mul3A_123, %dma_wait3A_124] : memref<1280x8xf32, #tpu.memory_space<vmem>> -> memref<128x8xf32, #tpu.memory_space<vmem>>
      %dma_wait3A_126 = arith.constant 0 : i32
      %dma_wait3A_127 = tpu.memref_slice %arg5[%add3A_121, %dma_wait3A_126] : memref<40x128xi32, #tpu.memory_space<vmem>> -> memref<1x128xi32, #tpu.memory_space<vmem>>
      %dma_wait3A_128 = tpu.memref_squeeze %dma_wait3A_127 : memref<1x128xi32, #tpu.memory_space<vmem>> -> memref<128xi32, #tpu.memory_space<vmem>>
      %dma_wait3A_129 = arith.constant 0 : i32
      %dma_wait3A_130 = arith.constant 0 : i32
      %dma_wait3A_131 = tpu.memref_slice %arg2[%dma_wait3A_129, %dma_wait3A_130] : memref<10000x8xf32, #tpu.memory_space<hbm>> -> memref<10000x8xf32, #tpu.memory_space<hbm>>
      tpu.wait_indirect_dma semaphore(%arg8 : memref<!tpu.dma_semaphore, #tpu.memory_space<semaphore_mem>>) src(%dma_wait3A_131 : memref<10000x8xf32, #tpu.memory_space<hbm>>) dst(%dma_wait3A_125 : memref<128x8xf32, #tpu.memory_space<vmem>>)
      %scan3A_132 = arith.constant 0 : i32
      scf.yield %scan3A_132 : i32
    }
    %scan3A_13 = arith.constant 10 : i32
    %mul3A_14 = arith.constant 40 : i32
    %mul3A_15 = arith.muli %add3A, %mul3A_14 : i32
    %add3A_16 = arith.constant 0 : i32
    %add3A_17 = arith.addi %mul3A_15, %add3A_16 : i32
    %mul3A_18 = arith.constant 128 : i32
    %mul3A_19 = arith.muli %add3A_17, %mul3A_18 : i32
    %dma_start3A = arith.constant 0 : i32
    %dma_start3A_20 = tpu.memref_slice %arg4[%mul3A_19, %dma_start3A] : memref<163840x8xf32, #tpu.memory_space<hbm>> -> memref<1280x8xf32, #tpu.memory_space<hbm>>
    %dma_start3A_21 = arith.constant 0 : i32
    %dma_start3A_22 = tpu.memref_slice %arg4[%mul3A_19, %dma_start3A_21] : memref<163840x8xf32, #tpu.memory_space<hbm>> -> memref<1280x8xf32, #tpu.memory_space<hbm>>
    tpu.enqueue_dma source(%arg6 : memref<1280x8xf32, #tpu.memory_space<vmem>>) target(%dma_start3A_22 : memref<1280x8xf32, #tpu.memory_space<hbm>>) target_semaphore(%arg9 : memref<!tpu.dma_semaphore, #tpu.memory_space<semaphore_mem>>)
    %scan3A_23 = arith.constant 0 : i32
    %scan3A_24 = arith.constant 0 : i32
    %scan3A_25 = arith.constant 10 : i32
    %scan3A_26 = arith.addi %scan3A_24, %scan3A_25 : i32
    %scan3A_27 = arith.constant 1 : i32
    %scan3A_28 = scf.for %scan3A_118 = %scan3A_24 to %scan3A_26 step %scan3A_27 iter_args(%scan3A_119 = %scan3A_23) -> (i32)  : i32 {
      %add3A_120 = arith.constant 10 : i32
      %add3A_121 = arith.addi %add3A_120, %scan3A_118 : i32
      %mul3A_122 = arith.constant 128 : i32
      %mul3A_123 = arith.muli %scan3A_118, %mul3A_122 : i32
      %dma_start3A_124 = arith.constant 0 : i32
      %dma_start3A_125 = tpu.memref_slice %arg7[%mul3A_123, %dma_start3A_124] : memref<1280x8xf32, #tpu.memory_space<vmem>> -> memref<128x8xf32, #tpu.memory_space<vmem>>
      %dma_start3A_126 = arith.constant 0 : i32
      %dma_start3A_127 = tpu.memref_slice %arg5[%add3A_121, %dma_start3A_126] : memref<40x128xi32, #tpu.memory_space<vmem>> -> memref<1x128xi32, #tpu.memory_space<vmem>>
      %dma_start3A_128 = tpu.memref_squeeze %dma_start3A_127 : memref<1x128xi32, #tpu.memory_space<vmem>> -> memref<128xi32, #tpu.memory_space<vmem>>
      %dma_start3A_129 = arith.constant 0 : i32
      %dma_start3A_130 = arith.constant 0 : i32
      %dma_start3A_131 = tpu.memref_slice %arg2[%dma_start3A_129, %dma_start3A_130] : memref<10000x8xf32, #tpu.memory_space<hbm>> -> memref<10000x8xf32, #tpu.memory_space<hbm>>
      tpu.enqueue_indirect_dma source(%dma_start3A_131 : memref<10000x8xf32, #tpu.memory_space<hbm>>) target(%dma_start3A_125 : memref<128x8xf32, #tpu.memory_space<vmem>>) offsets(%dma_start3A_128 : memref<128xi32, #tpu.memory_space<vmem>>) semaphore(%arg8 : memref<!tpu.dma_semaphore, #tpu.memory_space<semaphore_mem>>)
      %scan3A_132 = arith.constant 0 : i32
      scf.yield %scan3A_132 : i32
    }
    %scan3A_29 = arith.constant 10 : i32
    %scan3A_30 = arith.constant 0 : i32
    %scan3A_31 = arith.constant 0 : i32
    %scan3A_32 = arith.constant 10 : i32
    %scan3A_33 = arith.addi %scan3A_31, %scan3A_32 : i32
    %scan3A_34 = arith.constant 1 : i32
    %scan3A_35 = scf.for %scan3A_118 = %scan3A_31 to %scan3A_33 step %scan3A_34 iter_args(%scan3A_119 = %scan3A_30) -> (i32)  : i32 {
      %add3A_120 = arith.constant 10 : i32
      %add3A_121 = arith.addi %add3A_120, %scan3A_118 : i32
      %mul3A_122 = arith.constant 128 : i32
      %mul3A_123 = arith.muli %scan3A_118, %mul3A_122 : i32
      %dma_wait3A_124 = arith.constant 0 : i32
      %dma_wait3A_125 = tpu.memref_slice %arg7[%mul3A_123, %dma_wait3A_124] : memref<1280x8xf32, #tpu.memory_space<vmem>> -> memref<128x8xf32, #tpu.memory_space<vmem>>
      %dma_wait3A_126 = arith.constant 0 : i32
      %dma_wait3A_127 = tpu.memref_slice %arg5[%add3A_121, %dma_wait3A_126] : memref<40x128xi32, #tpu.memory_space<vmem>> -> memref<1x128xi32, #tpu.memory_space<vmem>>
      %dma_wait3A_128 = tpu.memref_squeeze %dma_wait3A_127 : memref<1x128xi32, #tpu.memory_space<vmem>> -> memref<128xi32, #tpu.memory_space<vmem>>
      %dma_wait3A_129 = arith.constant 0 : i32
      %dma_wait3A_130 = arith.constant 0 : i32
      %dma_wait3A_131 = tpu.memref_slice %arg2[%dma_wait3A_129, %dma_wait3A_130] : memref<10000x8xf32, #tpu.memory_space<hbm>> -> memref<10000x8xf32, #tpu.memory_space<hbm>>
      tpu.wait_indirect_dma semaphore(%arg8 : memref<!tpu.dma_semaphore, #tpu.memory_space<semaphore_mem>>) src(%dma_wait3A_131 : memref<10000x8xf32, #tpu.memory_space<hbm>>) dst(%dma_wait3A_125 : memref<128x8xf32, #tpu.memory_space<vmem>>)
      %scan3A_132 = arith.constant 0 : i32
      scf.yield %scan3A_132 : i32
    }
    %scan3A_36 = arith.constant 10 : i32
    %mul3A_37 = arith.constant 40 : i32
    %mul3A_38 = arith.muli %add3A, %mul3A_37 : i32
    %add3A_39 = arith.constant 10 : i32
    %add3A_40 = arith.addi %mul3A_38, %add3A_39 : i32
    %mul3A_41 = arith.constant 128 : i32
    %mul3A_42 = arith.muli %add3A_40, %mul3A_41 : i32
    %dma_start3A_43 = arith.constant 0 : i32
    %dma_start3A_44 = tpu.memref_slice %arg4[%mul3A_42, %dma_start3A_43] : memref<163840x8xf32, #tpu.memory_space<hbm>> -> memref<1280x8xf32, #tpu.memory_space<hbm>>
    %dma_start3A_45 = arith.constant 0 : i32
    %dma_start3A_46 = tpu.memref_slice %arg4[%mul3A_42, %dma_start3A_45] : memref<163840x8xf32, #tpu.memory_space<hbm>> -> memref<1280x8xf32, #tpu.memory_space<hbm>>
    tpu.enqueue_dma source(%arg7 : memref<1280x8xf32, #tpu.memory_space<vmem>>) target(%dma_start3A_46 : memref<1280x8xf32, #tpu.memory_space<hbm>>) target_semaphore(%arg10 : memref<!tpu.dma_semaphore, #tpu.memory_space<semaphore_mem>>)
    %dma_wait3A = arith.constant 0 : i32
    %dma_wait3A_47 = arith.constant 0 : i32
    %dma_wait3A_48 = tpu.memref_slice %arg4[%dma_wait3A, %dma_wait3A_47] : memref<163840x8xf32, #tpu.memory_space<hbm>> -> memref<1280x8xf32, #tpu.memory_space<hbm>>
    %dma_wait3A_49 = arith.constant 0 : i32
    %dma_wait3A_50 = arith.constant 0 : i32
    %dma_wait3A_51 = tpu.memref_slice %arg4[%dma_wait3A_49, %dma_wait3A_50] : memref<163840x8xf32, #tpu.memory_space<hbm>> -> memref<1280x8xf32, #tpu.memory_space<hbm>>
    tpu.wait_dma2 semaphore(%arg9 : memref<!tpu.dma_semaphore, #tpu.memory_space<semaphore_mem>>) src(%arg6 : memref<1280x8xf32, #tpu.memory_space<vmem>>) dst(%dma_wait3A_51 : memref<1280x8xf32, #tpu.memory_space<hbm>>)
    %scan3A_52 = arith.constant 0 : i32
    %scan3A_53 = arith.constant 0 : i32
    %scan3A_54 = arith.constant 10 : i32
    %scan3A_55 = arith.addi %scan3A_53, %scan3A_54 : i32
    %scan3A_56 = arith.constant 1 : i32
    %scan3A_57 = scf.for %scan3A_118 = %scan3A_53 to %scan3A_55 step %scan3A_56 iter_args(%scan3A_119 = %scan3A_52) -> (i32)  : i32 {
      %add3A_120 = arith.constant 20 : i32
      %add3A_121 = arith.addi %add3A_120, %scan3A_118 : i32
      %mul3A_122 = arith.constant 128 : i32
      %mul3A_123 = arith.muli %scan3A_118, %mul3A_122 : i32
      %dma_start3A_124 = arith.constant 0 : i32
      %dma_start3A_125 = tpu.memref_slice %arg6[%mul3A_123, %dma_start3A_124] : memref<1280x8xf32, #tpu.memory_space<vmem>> -> memref<128x8xf32, #tpu.memory_space<vmem>>
      %dma_start3A_126 = arith.constant 0 : i32
      %dma_start3A_127 = tpu.memref_slice %arg5[%add3A_121, %dma_start3A_126] : memref<40x128xi32, #tpu.memory_space<vmem>> -> memref<1x128xi32, #tpu.memory_space<vmem>>
      %dma_start3A_128 = tpu.memref_squeeze %dma_start3A_127 : memref<1x128xi32, #tpu.memory_space<vmem>> -> memref<128xi32, #tpu.memory_space<vmem>>
      %dma_start3A_129 = arith.constant 0 : i32
      %dma_start3A_130 = arith.constant 0 : i32
      %dma_start3A_131 = tpu.memref_slice %arg2[%dma_start3A_129, %dma_start3A_130] : memref<10000x8xf32, #tpu.memory_space<hbm>> -> memref<10000x8xf32, #tpu.memory_space<hbm>>
      tpu.enqueue_indirect_dma source(%dma_start3A_131 : memref<10000x8xf32, #tpu.memory_space<hbm>>) target(%dma_start3A_125 : memref<128x8xf32, #tpu.memory_space<vmem>>) offsets(%dma_start3A_128 : memref<128xi32, #tpu.memory_space<vmem>>) semaphore(%arg8 : memref<!tpu.dma_semaphore, #tpu.memory_space<semaphore_mem>>)
      %scan3A_132 = arith.constant 0 : i32
      scf.yield %scan3A_132 : i32
    }
    %scan3A_58 = arith.constant 10 : i32
    %scan3A_59 = arith.constant 0 : i32
    %scan3A_60 = arith.constant 0 : i32
    %scan3A_61 = arith.constant 10 : i32
    %scan3A_62 = arith.addi %scan3A_60, %scan3A_61 : i32
    %scan3A_63 = arith.constant 1 : i32
    %scan3A_64 = scf.for %scan3A_118 = %scan3A_60 to %scan3A_62 step %scan3A_63 iter_args(%scan3A_119 = %scan3A_59) -> (i32)  : i32 {
      %add3A_120 = arith.constant 20 : i32
      %add3A_121 = arith.addi %add3A_120, %scan3A_118 : i32
      %mul3A_122 = arith.constant 128 : i32
      %mul3A_123 = arith.muli %scan3A_118, %mul3A_122 : i32
      %dma_wait3A_124 = arith.constant 0 : i32
      %dma_wait3A_125 = tpu.memref_slice %arg6[%mul3A_123, %dma_wait3A_124] : memref<1280x8xf32, #tpu.memory_space<vmem>> -> memref<128x8xf32, #tpu.memory_space<vmem>>
      %dma_wait3A_126 = arith.constant 0 : i32
      %dma_wait3A_127 = tpu.memref_slice %arg5[%add3A_121, %dma_wait3A_126] : memref<40x128xi32, #tpu.memory_space<vmem>> -> memref<1x128xi32, #tpu.memory_space<vmem>>
      %dma_wait3A_128 = tpu.memref_squeeze %dma_wait3A_127 : memref<1x128xi32, #tpu.memory_space<vmem>> -> memref<128xi32, #tpu.memory_space<vmem>>
      %dma_wait3A_129 = arith.constant 0 : i32
      %dma_wait3A_130 = arith.constant 0 : i32
      %dma_wait3A_131 = tpu.memref_slice %arg2[%dma_wait3A_129, %dma_wait3A_130] : memref<10000x8xf32, #tpu.memory_space<hbm>> -> memref<10000x8xf32, #tpu.memory_space<hbm>>
      tpu.wait_indirect_dma semaphore(%arg8 : memref<!tpu.dma_semaphore, #tpu.memory_space<semaphore_mem>>) src(%dma_wait3A_131 : memref<10000x8xf32, #tpu.memory_space<hbm>>) dst(%dma_wait3A_125 : memref<128x8xf32, #tpu.memory_space<vmem>>)
      %scan3A_132 = arith.constant 0 : i32
      scf.yield %scan3A_132 : i32
    }
    %scan3A_65 = arith.constant 10 : i32
    %mul3A_66 = arith.constant 40 : i32
    %mul3A_67 = arith.muli %add3A, %mul3A_66 : i32
    %add3A_68 = arith.constant 20 : i32
    %add3A_69 = arith.addi %mul3A_67, %add3A_68 : i32
    %mul3A_70 = arith.constant 128 : i32
    %mul3A_71 = arith.muli %add3A_69, %mul3A_70 : i32
    %dma_start3A_72 = arith.constant 0 : i32
    %dma_start3A_73 = tpu.memref_slice %arg4[%mul3A_71, %dma_start3A_72] : memref<163840x8xf32, #tpu.memory_space<hbm>> -> memref<1280x8xf32, #tpu.memory_space<hbm>>
    %dma_start3A_74 = arith.constant 0 : i32
    %dma_start3A_75 = tpu.memref_slice %arg4[%mul3A_71, %dma_start3A_74] : memref<163840x8xf32, #tpu.memory_space<hbm>> -> memref<1280x8xf32, #tpu.memory_space<hbm>>
    tpu.enqueue_dma source(%arg6 : memref<1280x8xf32, #tpu.memory_space<vmem>>) target(%dma_start3A_75 : memref<1280x8xf32, #tpu.memory_space<hbm>>) target_semaphore(%arg9 : memref<!tpu.dma_semaphore, #tpu.memory_space<semaphore_mem>>)
    %dma_wait3A_76 = arith.constant 0 : i32
    %dma_wait3A_77 = arith.constant 0 : i32
    %dma_wait3A_78 = tpu.memref_slice %arg4[%dma_wait3A_76, %dma_wait3A_77] : memref<163840x8xf32, #tpu.memory_space<hbm>> -> memref<1280x8xf32, #tpu.memory_space<hbm>>
    %dma_wait3A_79 = arith.constant 0 : i32
    %dma_wait3A_80 = arith.constant 0 : i32
    %dma_wait3A_81 = tpu.memref_slice %arg4[%dma_wait3A_79, %dma_wait3A_80] : memref<163840x8xf32, #tpu.memory_space<hbm>> -> memref<1280x8xf32, #tpu.memory_space<hbm>>
    tpu.wait_dma2 semaphore(%arg10 : memref<!tpu.dma_semaphore, #tpu.memory_space<semaphore_mem>>) src(%arg7 : memref<1280x8xf32, #tpu.memory_space<vmem>>) dst(%dma_wait3A_81 : memref<1280x8xf32, #tpu.memory_space<hbm>>)
    %scan3A_82 = arith.constant 0 : i32
    %scan3A_83 = arith.constant 0 : i32
    %scan3A_84 = arith.constant 10 : i32
    %scan3A_85 = arith.addi %scan3A_83, %scan3A_84 : i32
    %scan3A_86 = arith.constant 1 : i32
    %scan3A_87 = scf.for %scan3A_118 = %scan3A_83 to %scan3A_85 step %scan3A_86 iter_args(%scan3A_119 = %scan3A_82) -> (i32)  : i32 {
      %add3A_120 = arith.constant 30 : i32
      %add3A_121 = arith.addi %add3A_120, %scan3A_118 : i32
      %mul3A_122 = arith.constant 128 : i32
      %mul3A_123 = arith.muli %scan3A_118, %mul3A_122 : i32
      %dma_start3A_124 = arith.constant 0 : i32
      %dma_start3A_125 = tpu.memref_slice %arg7[%mul3A_123, %dma_start3A_124] : memref<1280x8xf32, #tpu.memory_space<vmem>> -> memref<128x8xf32, #tpu.memory_space<vmem>>
      %dma_start3A_126 = arith.constant 0 : i32
      %dma_start3A_127 = tpu.memref_slice %arg5[%add3A_121, %dma_start3A_126] : memref<40x128xi32, #tpu.memory_space<vmem>> -> memref<1x128xi32, #tpu.memory_space<vmem>>
      %dma_start3A_128 = tpu.memref_squeeze %dma_start3A_127 : memref<1x128xi32, #tpu.memory_space<vmem>> -> memref<128xi32, #tpu.memory_space<vmem>>
      %dma_start3A_129 = arith.constant 0 : i32
      %dma_start3A_130 = arith.constant 0 : i32
      %dma_start3A_131 = tpu.memref_slice %arg2[%dma_start3A_129, %dma_start3A_130] : memref<10000x8xf32, #tpu.memory_space<hbm>> -> memref<10000x8xf32, #tpu.memory_space<hbm>>
      tpu.enqueue_indirect_dma source(%dma_start3A_131 : memref<10000x8xf32, #tpu.memory_space<hbm>>) target(%dma_start3A_125 : memref<128x8xf32, #tpu.memory_space<vmem>>) offsets(%dma_start3A_128 : memref<128xi32, #tpu.memory_space<vmem>>) semaphore(%arg8 : memref<!tpu.dma_semaphore, #tpu.memory_space<semaphore_mem>>)
      %scan3A_132 = arith.constant 0 : i32
      scf.yield %scan3A_132 : i32
    }
    %scan3A_88 = arith.constant 10 : i32
    %scan3A_89 = arith.constant 0 : i32
    %scan3A_90 = arith.constant 0 : i32
    %scan3A_91 = arith.constant 10 : i32
    %scan3A_92 = arith.addi %scan3A_90, %scan3A_91 : i32
    %scan3A_93 = arith.constant 1 : i32
    %scan3A_94 = scf.for %scan3A_118 = %scan3A_90 to %scan3A_92 step %scan3A_93 iter_args(%scan3A_119 = %scan3A_89) -> (i32)  : i32 {
      %add3A_120 = arith.constant 30 : i32
      %add3A_121 = arith.addi %add3A_120, %scan3A_118 : i32
      %mul3A_122 = arith.constant 128 : i32
      %mul3A_123 = arith.muli %scan3A_118, %mul3A_122 : i32
      %dma_wait3A_124 = arith.constant 0 : i32
      %dma_wait3A_125 = tpu.memref_slice %arg7[%mul3A_123, %dma_wait3A_124] : memref<1280x8xf32, #tpu.memory_space<vmem>> -> memref<128x8xf32, #tpu.memory_space<vmem>>
      %dma_wait3A_126 = arith.constant 0 : i32
      %dma_wait3A_127 = tpu.memref_slice %arg5[%add3A_121, %dma_wait3A_126] : memref<40x128xi32, #tpu.memory_space<vmem>> -> memref<1x128xi32, #tpu.memory_space<vmem>>
      %dma_wait3A_128 = tpu.memref_squeeze %dma_wait3A_127 : memref<1x128xi32, #tpu.memory_space<vmem>> -> memref<128xi32, #tpu.memory_space<vmem>>
      %dma_wait3A_129 = arith.constant 0 : i32
      %dma_wait3A_130 = arith.constant 0 : i32
      %dma_wait3A_131 = tpu.memref_slice %arg2[%dma_wait3A_129, %dma_wait3A_130] : memref<10000x8xf32, #tpu.memory_space<hbm>> -> memref<10000x8xf32, #tpu.memory_space<hbm>>
      tpu.wait_indirect_dma semaphore(%arg8 : memref<!tpu.dma_semaphore, #tpu.memory_space<semaphore_mem>>) src(%dma_wait3A_131 : memref<10000x8xf32, #tpu.memory_space<hbm>>) dst(%dma_wait3A_125 : memref<128x8xf32, #tpu.memory_space<vmem>>)
      %scan3A_132 = arith.constant 0 : i32
      scf.yield %scan3A_132 : i32
    }
    %scan3A_95 = arith.constant 10 : i32
    %mul3A_96 = arith.constant 40 : i32
    %mul3A_97 = arith.muli %add3A, %mul3A_96 : i32
    %add3A_98 = arith.constant 30 : i32
    %add3A_99 = arith.addi %mul3A_97, %add3A_98 : i32
    %mul3A_100 = arith.constant 128 : i32
    %mul3A_101 = arith.muli %add3A_99, %mul3A_100 : i32
    %dma_start3A_102 = arith.constant 0 : i32
    %dma_start3A_103 = tpu.memref_slice %arg4[%mul3A_101, %dma_start3A_102] : memref<163840x8xf32, #tpu.memory_space<hbm>> -> memref<1280x8xf32, #tpu.memory_space<hbm>>
    %dma_start3A_104 = arith.constant 0 : i32
    %dma_start3A_105 = tpu.memref_slice %arg4[%mul3A_101, %dma_start3A_104] : memref<163840x8xf32, #tpu.memory_space<hbm>> -> memref<1280x8xf32, #tpu.memory_space<hbm>>
    tpu.enqueue_dma source(%arg7 : memref<1280x8xf32, #tpu.memory_space<vmem>>) target(%dma_start3A_105 : memref<1280x8xf32, #tpu.memory_space<hbm>>) target_semaphore(%arg10 : memref<!tpu.dma_semaphore, #tpu.memory_space<semaphore_mem>>)
    %dma_wait3A_106 = arith.constant 0 : i32
    %dma_wait3A_107 = arith.constant 0 : i32
    %dma_wait3A_108 = tpu.memref_slice %arg4[%dma_wait3A_106, %dma_wait3A_107] : memref<163840x8xf32, #tpu.memory_space<hbm>> -> memref<1280x8xf32, #tpu.memory_space<hbm>>
    %dma_wait3A_109 = arith.constant 0 : i32
    %dma_wait3A_110 = arith.constant 0 : i32
    %dma_wait3A_111 = tpu.memref_slice %arg4[%dma_wait3A_109, %dma_wait3A_110] : memref<163840x8xf32, #tpu.memory_space<hbm>> -> memref<1280x8xf32, #tpu.memory_space<hbm>>
    tpu.wait_dma2 semaphore(%arg9 : memref<!tpu.dma_semaphore, #tpu.memory_space<semaphore_mem>>) src(%arg6 : memref<1280x8xf32, #tpu.memory_space<vmem>>) dst(%dma_wait3A_111 : memref<1280x8xf32, #tpu.memory_space<hbm>>)
    %dma_wait3A_112 = arith.constant 0 : i32
    %dma_wait3A_113 = arith.constant 0 : i32
    %dma_wait3A_114 = tpu.memref_slice %arg4[%dma_wait3A_112, %dma_wait3A_113] : memref<163840x8xf32, #tpu.memory_space<hbm>> -> memref<1280x8xf32, #tpu.memory_space<hbm>>
    %dma_wait3A_115 = arith.constant 0 : i32
    %dma_wait3A_116 = arith.constant 0 : i32
    %dma_wait3A_117 = tpu.memref_slice %arg4[%dma_wait3A_115, %dma_wait3A_116] : memref<163840x8xf32, #tpu.memory_space<hbm>> -> memref<1280x8xf32, #tpu.memory_space<hbm>>
    tpu.wait_dma2 semaphore(%arg10 : memref<!tpu.dma_semaphore, #tpu.memory_space<semaphore_mem>>) src(%arg7 : memref<1280x8xf32, #tpu.memory_space<vmem>>) dst(%dma_wait3A_117 : memref<1280x8xf32, #tpu.memory_space<hbm>>)
    return
  }
}

#map = affine_map<(d0, d1) -> (0, 0)>
#map1 = affine_map<(d0, d1) -> (0, 0, 0)>
module attributes {stable_mosaic.version = 14 : i64} {
  func.func @scatter(%arg0: i32, %arg1: i32, %arg2: memref<163840x32xf32, #tpu.memory_space<hbm>>, %arg3: memref<32x40x128xi32, #tpu.memory_space<hbm>>, %arg4: memref<10240x32xf32, #tpu.memory_space<hbm>>, %arg5: memref<2x10240x32xf32, #tpu.memory_space<hbm>>, %arg6: memref<40x128xi32, #tpu.memory_space<vmem>>, %arg7: memref<1280x32xf32, #tpu.memory_space<vmem>>, %arg8: memref<1280x32xf32, #tpu.memory_space<vmem>>, %arg9: memref<!tpu.dma_semaphore, #tpu.memory_space<semaphore_mem>>, %arg10: memref<!tpu.dma_semaphore, #tpu.memory_space<semaphore_mem>>, %arg11: memref<!tpu.dma_semaphore, #tpu.memory_space<semaphore_mem>>, %arg12: memref<10240x32xf32, #tpu.memory_space<vmem_shared>>) attributes {dimension_semantics = [#tpu.dimension_semantics<core_parallel>, #tpu.dimension_semantics<subcore_parallel>], iteration_bounds = array<i64: 2, 16>, scalar_prefetch = 0 : i64, scratch_operands = 7 : i64, tpu.core_type = #tpu.core_type<sc_vector_subcore>, window_params = [{transform_indices = #map}, {transform_indices = #map1}, {transform_indices = #map}, {transform_indices = #map1}]} {
    %mul3A = arith.constant 16 : i32
    %mul3A_0 = arith.muli %arg0, %mul3A : i32
    %add3A = arith.addi %mul3A_0, %arg1 : i32
    "tpu.region"() ({
      %run_scoped3A = tpu.sem_alloc : memref<!tpu.dma_semaphore, #tpu.memory_space<semaphore_mem>>
      %dma_start3A_125 = arith.constant 0 : i32
      %dma_start3A_126 = arith.constant 0 : i32
      %dma_start3A_127 = tpu.memref_slice %arg3[%add3A, %dma_start3A_125, %dma_start3A_126] : memref<32x40x128xi32, #tpu.memory_space<hbm>> -> memref<1x40x128xi32, #tpu.memory_space<hbm>>
      %dma_start3A_128 = tpu.memref_squeeze %dma_start3A_127 : memref<1x40x128xi32, #tpu.memory_space<hbm>> -> memref<40x128xi32, #tpu.memory_space<hbm>>
      %dma_start3A_129 = arith.constant 0 : i32
      %dma_start3A_130 = arith.constant 0 : i32
      %dma_start3A_131 = tpu.memref_slice %arg3[%add3A, %dma_start3A_129, %dma_start3A_130] : memref<32x40x128xi32, #tpu.memory_space<hbm>> -> memref<1x40x128xi32, #tpu.memory_space<hbm>>
      %dma_start3A_132 = tpu.memref_squeeze %dma_start3A_131 : memref<1x40x128xi32, #tpu.memory_space<hbm>> -> memref<40x128xi32, #tpu.memory_space<hbm>>
      tpu.enqueue_dma source(%dma_start3A_132 : memref<40x128xi32, #tpu.memory_space<hbm>>) target(%arg6 : memref<40x128xi32, #tpu.memory_space<vmem>>) target_semaphore(%run_scoped3A : memref<!tpu.dma_semaphore, #tpu.memory_space<semaphore_mem>>)
      %dma_wait3A_133 = arith.constant 0 : i32
      %dma_wait3A_134 = arith.constant 0 : i32
      %dma_wait3A_135 = tpu.memref_slice %arg3[%add3A, %dma_wait3A_133, %dma_wait3A_134] : memref<32x40x128xi32, #tpu.memory_space<hbm>> -> memref<1x40x128xi32, #tpu.memory_space<hbm>>
      %dma_wait3A_136 = tpu.memref_squeeze %dma_wait3A_135 : memref<1x40x128xi32, #tpu.memory_space<hbm>> -> memref<40x128xi32, #tpu.memory_space<hbm>>
      %dma_wait3A_137 = arith.constant 0 : i32
      %dma_wait3A_138 = arith.constant 0 : i32
      %dma_wait3A_139 = tpu.memref_slice %arg3[%add3A, %dma_wait3A_137, %dma_wait3A_138] : memref<32x40x128xi32, #tpu.memory_space<hbm>> -> memref<1x40x128xi32, #tpu.memory_space<hbm>>
      %dma_wait3A_140 = tpu.memref_squeeze %dma_wait3A_139 : memref<1x40x128xi32, #tpu.memory_space<hbm>> -> memref<40x128xi32, #tpu.memory_space<hbm>>
      tpu.wait_dma2 semaphore(%run_scoped3A : memref<!tpu.dma_semaphore, #tpu.memory_space<semaphore_mem>>) src(%dma_wait3A_140 : memref<40x128xi32, #tpu.memory_space<hbm>>) dst(%arg6 : memref<40x128xi32, #tpu.memory_space<vmem>>)
      tpu.yield
    }) : () -> ()
    %mul3A_1 = arith.constant 40 : i32
    %mul3A_2 = arith.muli %add3A, %mul3A_1 : i32
    %mul3A_3 = arith.constant 128 : i32
    %mul3A_4 = arith.muli %mul3A_2, %mul3A_3 : i32
    %dma_start3A = arith.constant 0 : i32
    %dma_start3A_5 = tpu.memref_slice %arg2[%mul3A_4, %dma_start3A] : memref<163840x32xf32, #tpu.memory_space<hbm>> -> memref<1280x32xf32, #tpu.memory_space<hbm>>
    %dma_start3A_6 = arith.constant 0 : i32
    %dma_start3A_7 = tpu.memref_slice %arg2[%mul3A_4, %dma_start3A_6] : memref<163840x32xf32, #tpu.memory_space<hbm>> -> memref<1280x32xf32, #tpu.memory_space<hbm>>
    tpu.enqueue_dma source(%dma_start3A_7 : memref<1280x32xf32, #tpu.memory_space<hbm>>) target(%arg7 : memref<1280x32xf32, #tpu.memory_space<vmem>>) target_semaphore(%arg9 : memref<!tpu.dma_semaphore, #tpu.memory_space<semaphore_mem>>)
    %mul3A_8 = arith.constant 640 : i32
    %mul3A_9 = arith.muli %arg1, %mul3A_8 : i32
    %mul3A_10 = arith.constant 640 : i32
    %mul3A_11 = arith.muli %arg1, %mul3A_10 : i32
    "tpu.region"() ({
      %run_scoped3A = tpu.sem_alloc : memref<!tpu.dma_semaphore, #tpu.memory_space<semaphore_mem>>
      %dma_start3A_125 = arith.constant 0 : i32
      %dma_start3A_126 = tpu.memref_slice %arg12[%mul3A_11, %dma_start3A_125] : memref<10240x32xf32, #tpu.memory_space<vmem_shared>> -> memref<640x32xf32, #tpu.memory_space<vmem_shared>>
      %dma_start3A_127 = arith.constant 0 : i32
      %dma_start3A_128 = tpu.memref_slice %arg4[%mul3A_9, %dma_start3A_127] : memref<10240x32xf32, #tpu.memory_space<hbm>> -> memref<640x32xf32, #tpu.memory_space<hbm>>
      tpu.enqueue_dma source(%dma_start3A_128 : memref<640x32xf32, #tpu.memory_space<hbm>>) target(%dma_start3A_126 : memref<640x32xf32, #tpu.memory_space<vmem_shared>>) target_semaphore(%run_scoped3A : memref<!tpu.dma_semaphore, #tpu.memory_space<semaphore_mem>>)
      %dma_wait3A_129 = arith.constant 0 : i32
      %dma_wait3A_130 = tpu.memref_slice %arg12[%mul3A_11, %dma_wait3A_129] : memref<10240x32xf32, #tpu.memory_space<vmem_shared>> -> memref<640x32xf32, #tpu.memory_space<vmem_shared>>
      %dma_wait3A_131 = arith.constant 0 : i32
      %dma_wait3A_132 = tpu.memref_slice %arg4[%mul3A_9, %dma_wait3A_131] : memref<10240x32xf32, #tpu.memory_space<hbm>> -> memref<640x32xf32, #tpu.memory_space<hbm>>
      tpu.wait_dma2 semaphore(%run_scoped3A : memref<!tpu.dma_semaphore, #tpu.memory_space<semaphore_mem>>) src(%dma_wait3A_132 : memref<640x32xf32, #tpu.memory_space<hbm>>) dst(%dma_wait3A_130 : memref<640x32xf32, #tpu.memory_space<vmem_shared>>)
      tpu.yield
    }) : () -> ()
    %barrier3A = arith.constant 0 : index
    tpu.barrier barrier_id(%barrier3A)
    %dma_wait3A = arith.constant 0 : i32
    %dma_wait3A_12 = arith.constant 0 : i32
    %dma_wait3A_13 = tpu.memref_slice %arg2[%dma_wait3A, %dma_wait3A_12] : memref<163840x32xf32, #tpu.memory_space<hbm>> -> memref<1280x32xf32, #tpu.memory_space<hbm>>
    %dma_wait3A_14 = arith.constant 0 : i32
    %dma_wait3A_15 = arith.constant 0 : i32
    %dma_wait3A_16 = tpu.memref_slice %arg2[%dma_wait3A_14, %dma_wait3A_15] : memref<163840x32xf32, #tpu.memory_space<hbm>> -> memref<1280x32xf32, #tpu.memory_space<hbm>>
    tpu.wait_dma2 semaphore(%arg9 : memref<!tpu.dma_semaphore, #tpu.memory_space<semaphore_mem>>) src(%dma_wait3A_16 : memref<1280x32xf32, #tpu.memory_space<hbm>>) dst(%arg7 : memref<1280x32xf32, #tpu.memory_space<vmem>>)
    %mul3A_17 = arith.constant 40 : i32
    %mul3A_18 = arith.muli %add3A, %mul3A_17 : i32
    %add3A_19 = arith.constant 10 : i32
    %add3A_20 = arith.addi %mul3A_18, %add3A_19 : i32
    %mul3A_21 = arith.constant 128 : i32
    %mul3A_22 = arith.muli %add3A_20, %mul3A_21 : i32
    %dma_start3A_23 = arith.constant 0 : i32
    %dma_start3A_24 = tpu.memref_slice %arg2[%mul3A_22, %dma_start3A_23] : memref<163840x32xf32, #tpu.memory_space<hbm>> -> memref<1280x32xf32, #tpu.memory_space<hbm>>
    %dma_start3A_25 = arith.constant 0 : i32
    %dma_start3A_26 = tpu.memref_slice %arg2[%mul3A_22, %dma_start3A_25] : memref<163840x32xf32, #tpu.memory_space<hbm>> -> memref<1280x32xf32, #tpu.memory_space<hbm>>
    tpu.enqueue_dma source(%dma_start3A_26 : memref<1280x32xf32, #tpu.memory_space<hbm>>) target(%arg8 : memref<1280x32xf32, #tpu.memory_space<vmem>>) target_semaphore(%arg10 : memref<!tpu.dma_semaphore, #tpu.memory_space<semaphore_mem>>)
    %scan3A = arith.constant 0 : i32
    %scan3A_27 = arith.constant 0 : i32
    %scan3A_28 = arith.constant 10 : i32
    %scan3A_29 = arith.addi %scan3A_27, %scan3A_28 : i32
    %scan3A_30 = arith.constant 1 : i32
    %scan3A_31 = scf.for %scan3A_125 = %scan3A_27 to %scan3A_29 step %scan3A_30 iter_args(%scan3A_126 = %scan3A) -> (i32)  : i32 {
      %mul3A_127 = arith.constant 128 : i32
      %mul3A_128 = arith.muli %scan3A_125, %mul3A_127 : i32
      %add3A_129 = arith.constant 0 : i32
      %add3A_130 = arith.addi %add3A_129, %scan3A_125 : i32
      %dma_start3A_131 = arith.constant 0 : i32
      %dma_start3A_132 = tpu.memref_slice %arg7[%mul3A_128, %dma_start3A_131] : memref<1280x32xf32, #tpu.memory_space<vmem>> -> memref<128x32xf32, #tpu.memory_space<vmem>>
      %dma_start3A_133 = arith.constant 0 : i32
      %dma_start3A_134 = tpu.memref_slice %arg6[%add3A_130, %dma_start3A_133] : memref<40x128xi32, #tpu.memory_space<vmem>> -> memref<1x128xi32, #tpu.memory_space<vmem>>
      %dma_start3A_135 = tpu.memref_squeeze %dma_start3A_134 : memref<1x128xi32, #tpu.memory_space<vmem>> -> memref<128xi32, #tpu.memory_space<vmem>>
      %dma_start3A_136 = arith.constant 0 : i32
      %dma_start3A_137 = arith.constant 0 : i32
      %dma_start3A_138 = tpu.memref_slice %arg12[%dma_start3A_136, %dma_start3A_137] : memref<10240x32xf32, #tpu.memory_space<vmem_shared>> -> memref<10240x32xf32, #tpu.memory_space<vmem_shared>>
      tpu.enqueue_indirect_dma source(%dma_start3A_132 : memref<128x32xf32, #tpu.memory_space<vmem>>) target(%dma_start3A_138 : memref<10240x32xf32, #tpu.memory_space<vmem_shared>>) offsets(%dma_start3A_135 : memref<128xi32, #tpu.memory_space<vmem>>) semaphore(%arg11 : memref<!tpu.dma_semaphore, #tpu.memory_space<semaphore_mem>>) {add = true}
      %scan3A_139 = arith.constant 0 : i32
      scf.yield %scan3A_139 : i32
    }
    %scan3A_32 = arith.constant 10 : i32
    %scan3A_33 = arith.constant 0 : i32
    %scan3A_34 = arith.constant 0 : i32
    %scan3A_35 = arith.constant 10 : i32
    %scan3A_36 = arith.addi %scan3A_34, %scan3A_35 : i32
    %scan3A_37 = arith.constant 1 : i32
    %scan3A_38 = scf.for %scan3A_125 = %scan3A_34 to %scan3A_36 step %scan3A_37 iter_args(%scan3A_126 = %scan3A_33) -> (i32)  : i32 {
      %mul3A_127 = arith.constant 128 : i32
      %mul3A_128 = arith.muli %scan3A_125, %mul3A_127 : i32
      %add3A_129 = arith.constant 0 : i32
      %add3A_130 = arith.addi %add3A_129, %scan3A_125 : i32
      %dma_wait3A_131 = arith.constant 0 : i32
      %dma_wait3A_132 = tpu.memref_slice %arg7[%mul3A_128, %dma_wait3A_131] : memref<1280x32xf32, #tpu.memory_space<vmem>> -> memref<128x32xf32, #tpu.memory_space<vmem>>
      %dma_wait3A_133 = arith.constant 0 : i32
      %dma_wait3A_134 = tpu.memref_slice %arg6[%add3A_130, %dma_wait3A_133] : memref<40x128xi32, #tpu.memory_space<vmem>> -> memref<1x128xi32, #tpu.memory_space<vmem>>
      %dma_wait3A_135 = tpu.memref_squeeze %dma_wait3A_134 : memref<1x128xi32, #tpu.memory_space<vmem>> -> memref<128xi32, #tpu.memory_space<vmem>>
      %dma_wait3A_136 = arith.constant 0 : i32
      %dma_wait3A_137 = arith.constant 0 : i32
      %dma_wait3A_138 = tpu.memref_slice %arg12[%dma_wait3A_136, %dma_wait3A_137] : memref<10240x32xf32, #tpu.memory_space<vmem_shared>> -> memref<10240x32xf32, #tpu.memory_space<vmem_shared>>
      tpu.wait_indirect_dma semaphore(%arg11 : memref<!tpu.dma_semaphore, #tpu.memory_space<semaphore_mem>>) src(%dma_wait3A_132 : memref<128x32xf32, #tpu.memory_space<vmem>>) dst(%dma_wait3A_138 : memref<10240x32xf32, #tpu.memory_space<vmem_shared>>)
      %scan3A_139 = arith.constant 0 : i32
      scf.yield %scan3A_139 : i32
    }
    %scan3A_39 = arith.constant 10 : i32
    %dma_wait3A_40 = arith.constant 0 : i32
    %dma_wait3A_41 = arith.constant 0 : i32
    %dma_wait3A_42 = tpu.memref_slice %arg2[%dma_wait3A_40, %dma_wait3A_41] : memref<163840x32xf32, #tpu.memory_space<hbm>> -> memref<1280x32xf32, #tpu.memory_space<hbm>>
    %dma_wait3A_43 = arith.constant 0 : i32
    %dma_wait3A_44 = arith.constant 0 : i32
    %dma_wait3A_45 = tpu.memref_slice %arg2[%dma_wait3A_43, %dma_wait3A_44] : memref<163840x32xf32, #tpu.memory_space<hbm>> -> memref<1280x32xf32, #tpu.memory_space<hbm>>
    tpu.wait_dma2 semaphore(%arg10 : memref<!tpu.dma_semaphore, #tpu.memory_space<semaphore_mem>>) src(%dma_wait3A_45 : memref<1280x32xf32, #tpu.memory_space<hbm>>) dst(%arg8 : memref<1280x32xf32, #tpu.memory_space<vmem>>)
    %mul3A_46 = arith.constant 40 : i32
    %mul3A_47 = arith.muli %add3A, %mul3A_46 : i32
    %add3A_48 = arith.constant 20 : i32
    %add3A_49 = arith.addi %mul3A_47, %add3A_48 : i32
    %mul3A_50 = arith.constant 128 : i32
    %mul3A_51 = arith.muli %add3A_49, %mul3A_50 : i32
    %dma_start3A_52 = arith.constant 0 : i32
    %dma_start3A_53 = tpu.memref_slice %arg2[%mul3A_51, %dma_start3A_52] : memref<163840x32xf32, #tpu.memory_space<hbm>> -> memref<1280x32xf32, #tpu.memory_space<hbm>>
    %dma_start3A_54 = arith.constant 0 : i32
    %dma_start3A_55 = tpu.memref_slice %arg2[%mul3A_51, %dma_start3A_54] : memref<163840x32xf32, #tpu.memory_space<hbm>> -> memref<1280x32xf32, #tpu.memory_space<hbm>>
    tpu.enqueue_dma source(%dma_start3A_55 : memref<1280x32xf32, #tpu.memory_space<hbm>>) target(%arg7 : memref<1280x32xf32, #tpu.memory_space<vmem>>) target_semaphore(%arg9 : memref<!tpu.dma_semaphore, #tpu.memory_space<semaphore_mem>>)
    %scan3A_56 = arith.constant 0 : i32
    %scan3A_57 = arith.constant 0 : i32
    %scan3A_58 = arith.constant 10 : i32
    %scan3A_59 = arith.addi %scan3A_57, %scan3A_58 : i32
    %scan3A_60 = arith.constant 1 : i32
    %scan3A_61 = scf.for %scan3A_125 = %scan3A_57 to %scan3A_59 step %scan3A_60 iter_args(%scan3A_126 = %scan3A_56) -> (i32)  : i32 {
      %mul3A_127 = arith.constant 128 : i32
      %mul3A_128 = arith.muli %scan3A_125, %mul3A_127 : i32
      %add3A_129 = arith.constant 10 : i32
      %add3A_130 = arith.addi %add3A_129, %scan3A_125 : i32
      %dma_start3A_131 = arith.constant 0 : i32
      %dma_start3A_132 = tpu.memref_slice %arg8[%mul3A_128, %dma_start3A_131] : memref<1280x32xf32, #tpu.memory_space<vmem>> -> memref<128x32xf32, #tpu.memory_space<vmem>>
      %dma_start3A_133 = arith.constant 0 : i32
      %dma_start3A_134 = tpu.memref_slice %arg6[%add3A_130, %dma_start3A_133] : memref<40x128xi32, #tpu.memory_space<vmem>> -> memref<1x128xi32, #tpu.memory_space<vmem>>
      %dma_start3A_135 = tpu.memref_squeeze %dma_start3A_134 : memref<1x128xi32, #tpu.memory_space<vmem>> -> memref<128xi32, #tpu.memory_space<vmem>>
      %dma_start3A_136 = arith.constant 0 : i32
      %dma_start3A_137 = arith.constant 0 : i32
      %dma_start3A_138 = tpu.memref_slice %arg12[%dma_start3A_136, %dma_start3A_137] : memref<10240x32xf32, #tpu.memory_space<vmem_shared>> -> memref<10240x32xf32, #tpu.memory_space<vmem_shared>>
      tpu.enqueue_indirect_dma source(%dma_start3A_132 : memref<128x32xf32, #tpu.memory_space<vmem>>) target(%dma_start3A_138 : memref<10240x32xf32, #tpu.memory_space<vmem_shared>>) offsets(%dma_start3A_135 : memref<128xi32, #tpu.memory_space<vmem>>) semaphore(%arg11 : memref<!tpu.dma_semaphore, #tpu.memory_space<semaphore_mem>>) {add = true}
      %scan3A_139 = arith.constant 0 : i32
      scf.yield %scan3A_139 : i32
    }
    %scan3A_62 = arith.constant 10 : i32
    %scan3A_63 = arith.constant 0 : i32
    %scan3A_64 = arith.constant 0 : i32
    %scan3A_65 = arith.constant 10 : i32
    %scan3A_66 = arith.addi %scan3A_64, %scan3A_65 : i32
    %scan3A_67 = arith.constant 1 : i32
    %scan3A_68 = scf.for %scan3A_125 = %scan3A_64 to %scan3A_66 step %scan3A_67 iter_args(%scan3A_126 = %scan3A_63) -> (i32)  : i32 {
      %mul3A_127 = arith.constant 128 : i32
      %mul3A_128 = arith.muli %scan3A_125, %mul3A_127 : i32
      %add3A_129 = arith.constant 10 : i32
      %add3A_130 = arith.addi %add3A_129, %scan3A_125 : i32
      %dma_wait3A_131 = arith.constant 0 : i32
      %dma_wait3A_132 = tpu.memref_slice %arg8[%mul3A_128, %dma_wait3A_131] : memref<1280x32xf32, #tpu.memory_space<vmem>> -> memref<128x32xf32, #tpu.memory_space<vmem>>
      %dma_wait3A_133 = arith.constant 0 : i32
      %dma_wait3A_134 = tpu.memref_slice %arg6[%add3A_130, %dma_wait3A_133] : memref<40x128xi32, #tpu.memory_space<vmem>> -> memref<1x128xi32, #tpu.memory_space<vmem>>
      %dma_wait3A_135 = tpu.memref_squeeze %dma_wait3A_134 : memref<1x128xi32, #tpu.memory_space<vmem>> -> memref<128xi32, #tpu.memory_space<vmem>>
      %dma_wait3A_136 = arith.constant 0 : i32
      %dma_wait3A_137 = arith.constant 0 : i32
      %dma_wait3A_138 = tpu.memref_slice %arg12[%dma_wait3A_136, %dma_wait3A_137] : memref<10240x32xf32, #tpu.memory_space<vmem_shared>> -> memref<10240x32xf32, #tpu.memory_space<vmem_shared>>
      tpu.wait_indirect_dma semaphore(%arg11 : memref<!tpu.dma_semaphore, #tpu.memory_space<semaphore_mem>>) src(%dma_wait3A_132 : memref<128x32xf32, #tpu.memory_space<vmem>>) dst(%dma_wait3A_138 : memref<10240x32xf32, #tpu.memory_space<vmem_shared>>)
      %scan3A_139 = arith.constant 0 : i32
      scf.yield %scan3A_139 : i32
    }
    %scan3A_69 = arith.constant 10 : i32
    %dma_wait3A_70 = arith.constant 0 : i32
    %dma_wait3A_71 = arith.constant 0 : i32
    %dma_wait3A_72 = tpu.memref_slice %arg2[%dma_wait3A_70, %dma_wait3A_71] : memref<163840x32xf32, #tpu.memory_space<hbm>> -> memref<1280x32xf32, #tpu.memory_space<hbm>>
    %dma_wait3A_73 = arith.constant 0 : i32
    %dma_wait3A_74 = arith.constant 0 : i32
    %dma_wait3A_75 = tpu.memref_slice %arg2[%dma_wait3A_73, %dma_wait3A_74] : memref<163840x32xf32, #tpu.memory_space<hbm>> -> memref<1280x32xf32, #tpu.memory_space<hbm>>
    tpu.wait_dma2 semaphore(%arg9 : memref<!tpu.dma_semaphore, #tpu.memory_space<semaphore_mem>>) src(%dma_wait3A_75 : memref<1280x32xf32, #tpu.memory_space<hbm>>) dst(%arg7 : memref<1280x32xf32, #tpu.memory_space<vmem>>)
    %mul3A_76 = arith.constant 40 : i32
    %mul3A_77 = arith.muli %add3A, %mul3A_76 : i32
    %add3A_78 = arith.constant 30 : i32
    %add3A_79 = arith.addi %mul3A_77, %add3A_78 : i32
    %mul3A_80 = arith.constant 128 : i32
    %mul3A_81 = arith.muli %add3A_79, %mul3A_80 : i32
    %dma_start3A_82 = arith.constant 0 : i32
    %dma_start3A_83 = tpu.memref_slice %arg2[%mul3A_81, %dma_start3A_82] : memref<163840x32xf32, #tpu.memory_space<hbm>> -> memref<1280x32xf32, #tpu.memory_space<hbm>>
    %dma_start3A_84 = arith.constant 0 : i32
    %dma_start3A_85 = tpu.memref_slice %arg2[%mul3A_81, %dma_start3A_84] : memref<163840x32xf32, #tpu.memory_space<hbm>> -> memref<1280x32xf32, #tpu.memory_space<hbm>>
    tpu.enqueue_dma source(%dma_start3A_85 : memref<1280x32xf32, #tpu.memory_space<hbm>>) target(%arg8 : memref<1280x32xf32, #tpu.memory_space<vmem>>) target_semaphore(%arg10 : memref<!tpu.dma_semaphore, #tpu.memory_space<semaphore_mem>>)
    %scan3A_86 = arith.constant 0 : i32
    %scan3A_87 = arith.constant 0 : i32
    %scan3A_88 = arith.constant 10 : i32
    %scan3A_89 = arith.addi %scan3A_87, %scan3A_88 : i32
    %scan3A_90 = arith.constant 1 : i32
    %scan3A_91 = scf.for %scan3A_125 = %scan3A_87 to %scan3A_89 step %scan3A_90 iter_args(%scan3A_126 = %scan3A_86) -> (i32)  : i32 {
      %mul3A_127 = arith.constant 128 : i32
      %mul3A_128 = arith.muli %scan3A_125, %mul3A_127 : i32
      %add3A_129 = arith.constant 20 : i32
      %add3A_130 = arith.addi %add3A_129, %scan3A_125 : i32
      %dma_start3A_131 = arith.constant 0 : i32
      %dma_start3A_132 = tpu.memref_slice %arg7[%mul3A_128, %dma_start3A_131] : memref<1280x32xf32, #tpu.memory_space<vmem>> -> memref<128x32xf32, #tpu.memory_space<vmem>>
      %dma_start3A_133 = arith.constant 0 : i32
      %dma_start3A_134 = tpu.memref_slice %arg6[%add3A_130, %dma_start3A_133] : memref<40x128xi32, #tpu.memory_space<vmem>> -> memref<1x128xi32, #tpu.memory_space<vmem>>
      %dma_start3A_135 = tpu.memref_squeeze %dma_start3A_134 : memref<1x128xi32, #tpu.memory_space<vmem>> -> memref<128xi32, #tpu.memory_space<vmem>>
      %dma_start3A_136 = arith.constant 0 : i32
      %dma_start3A_137 = arith.constant 0 : i32
      %dma_start3A_138 = tpu.memref_slice %arg12[%dma_start3A_136, %dma_start3A_137] : memref<10240x32xf32, #tpu.memory_space<vmem_shared>> -> memref<10240x32xf32, #tpu.memory_space<vmem_shared>>
      tpu.enqueue_indirect_dma source(%dma_start3A_132 : memref<128x32xf32, #tpu.memory_space<vmem>>) target(%dma_start3A_138 : memref<10240x32xf32, #tpu.memory_space<vmem_shared>>) offsets(%dma_start3A_135 : memref<128xi32, #tpu.memory_space<vmem>>) semaphore(%arg11 : memref<!tpu.dma_semaphore, #tpu.memory_space<semaphore_mem>>) {add = true}
      %scan3A_139 = arith.constant 0 : i32
      scf.yield %scan3A_139 : i32
    }
    %scan3A_92 = arith.constant 10 : i32
    %scan3A_93 = arith.constant 0 : i32
    %scan3A_94 = arith.constant 0 : i32
    %scan3A_95 = arith.constant 10 : i32
    %scan3A_96 = arith.addi %scan3A_94, %scan3A_95 : i32
    %scan3A_97 = arith.constant 1 : i32
    %scan3A_98 = scf.for %scan3A_125 = %scan3A_94 to %scan3A_96 step %scan3A_97 iter_args(%scan3A_126 = %scan3A_93) -> (i32)  : i32 {
      %mul3A_127 = arith.constant 128 : i32
      %mul3A_128 = arith.muli %scan3A_125, %mul3A_127 : i32
      %add3A_129 = arith.constant 20 : i32
      %add3A_130 = arith.addi %add3A_129, %scan3A_125 : i32
      %dma_wait3A_131 = arith.constant 0 : i32
      %dma_wait3A_132 = tpu.memref_slice %arg7[%mul3A_128, %dma_wait3A_131] : memref<1280x32xf32, #tpu.memory_space<vmem>> -> memref<128x32xf32, #tpu.memory_space<vmem>>
      %dma_wait3A_133 = arith.constant 0 : i32
      %dma_wait3A_134 = tpu.memref_slice %arg6[%add3A_130, %dma_wait3A_133] : memref<40x128xi32, #tpu.memory_space<vmem>> -> memref<1x128xi32, #tpu.memory_space<vmem>>
      %dma_wait3A_135 = tpu.memref_squeeze %dma_wait3A_134 : memref<1x128xi32, #tpu.memory_space<vmem>> -> memref<128xi32, #tpu.memory_space<vmem>>
      %dma_wait3A_136 = arith.constant 0 : i32
      %dma_wait3A_137 = arith.constant 0 : i32
      %dma_wait3A_138 = tpu.memref_slice %arg12[%dma_wait3A_136, %dma_wait3A_137] : memref<10240x32xf32, #tpu.memory_space<vmem_shared>> -> memref<10240x32xf32, #tpu.memory_space<vmem_shared>>
      tpu.wait_indirect_dma semaphore(%arg11 : memref<!tpu.dma_semaphore, #tpu.memory_space<semaphore_mem>>) src(%dma_wait3A_132 : memref<128x32xf32, #tpu.memory_space<vmem>>) dst(%dma_wait3A_138 : memref<10240x32xf32, #tpu.memory_space<vmem_shared>>)
      %scan3A_139 = arith.constant 0 : i32
      scf.yield %scan3A_139 : i32
    }
    %scan3A_99 = arith.constant 10 : i32
    %dma_wait3A_100 = arith.constant 0 : i32
    %dma_wait3A_101 = arith.constant 0 : i32
    %dma_wait3A_102 = tpu.memref_slice %arg2[%dma_wait3A_100, %dma_wait3A_101] : memref<163840x32xf32, #tpu.memory_space<hbm>> -> memref<1280x32xf32, #tpu.memory_space<hbm>>
    %dma_wait3A_103 = arith.constant 0 : i32
    %dma_wait3A_104 = arith.constant 0 : i32
    %dma_wait3A_105 = tpu.memref_slice %arg2[%dma_wait3A_103, %dma_wait3A_104] : memref<163840x32xf32, #tpu.memory_space<hbm>> -> memref<1280x32xf32, #tpu.memory_space<hbm>>
    tpu.wait_dma2 semaphore(%arg10 : memref<!tpu.dma_semaphore, #tpu.memory_space<semaphore_mem>>) src(%dma_wait3A_105 : memref<1280x32xf32, #tpu.memory_space<hbm>>) dst(%arg8 : memref<1280x32xf32, #tpu.memory_space<vmem>>)
    %scan3A_106 = arith.constant 0 : i32
    %scan3A_107 = arith.constant 0 : i32
    %scan3A_108 = arith.constant 10 : i32
    %scan3A_109 = arith.addi %scan3A_107, %scan3A_108 : i32
    %scan3A_110 = arith.constant 1 : i32
    %scan3A_111 = scf.for %scan3A_125 = %scan3A_107 to %scan3A_109 step %scan3A_110 iter_args(%scan3A_126 = %scan3A_106) -> (i32)  : i32 {
      %mul3A_127 = arith.constant 128 : i32
      %mul3A_128 = arith.muli %scan3A_125, %mul3A_127 : i32
      %add3A_129 = arith.constant 30 : i32
      %add3A_130 = arith.addi %add3A_129, %scan3A_125 : i32
      %dma_start3A_131 = arith.constant 0 : i32
      %dma_start3A_132 = tpu.memref_slice %arg8[%mul3A_128, %dma_start3A_131] : memref<1280x32xf32, #tpu.memory_space<vmem>> -> memref<128x32xf32, #tpu.memory_space<vmem>>
      %dma_start3A_133 = arith.constant 0 : i32
      %dma_start3A_134 = tpu.memref_slice %arg6[%add3A_130, %dma_start3A_133] : memref<40x128xi32, #tpu.memory_space<vmem>> -> memref<1x128xi32, #tpu.memory_space<vmem>>
      %dma_start3A_135 = tpu.memref_squeeze %dma_start3A_134 : memref<1x128xi32, #tpu.memory_space<vmem>> -> memref<128xi32, #tpu.memory_space<vmem>>
      %dma_start3A_136 = arith.constant 0 : i32
      %dma_start3A_137 = arith.constant 0 : i32
      %dma_start3A_138 = tpu.memref_slice %arg12[%dma_start3A_136, %dma_start3A_137] : memref<10240x32xf32, #tpu.memory_space<vmem_shared>> -> memref<10240x32xf32, #tpu.memory_space<vmem_shared>>
      tpu.enqueue_indirect_dma source(%dma_start3A_132 : memref<128x32xf32, #tpu.memory_space<vmem>>) target(%dma_start3A_138 : memref<10240x32xf32, #tpu.memory_space<vmem_shared>>) offsets(%dma_start3A_135 : memref<128xi32, #tpu.memory_space<vmem>>) semaphore(%arg11 : memref<!tpu.dma_semaphore, #tpu.memory_space<semaphore_mem>>) {add = true}
      %scan3A_139 = arith.constant 0 : i32
      scf.yield %scan3A_139 : i32
    }
    %scan3A_112 = arith.constant 10 : i32
    %scan3A_113 = arith.constant 0 : i32
    %scan3A_114 = arith.constant 0 : i32
    %scan3A_115 = arith.constant 10 : i32
    %scan3A_116 = arith.addi %scan3A_114, %scan3A_115 : i32
    %scan3A_117 = arith.constant 1 : i32
    %scan3A_118 = scf.for %scan3A_125 = %scan3A_114 to %scan3A_116 step %scan3A_117 iter_args(%scan3A_126 = %scan3A_113) -> (i32)  : i32 {
      %mul3A_127 = arith.constant 128 : i32
      %mul3A_128 = arith.muli %scan3A_125, %mul3A_127 : i32
      %add3A_129 = arith.constant 30 : i32
      %add3A_130 = arith.addi %add3A_129, %scan3A_125 : i32
      %dma_wait3A_131 = arith.constant 0 : i32
      %dma_wait3A_132 = tpu.memref_slice %arg8[%mul3A_128, %dma_wait3A_131] : memref<1280x32xf32, #tpu.memory_space<vmem>> -> memref<128x32xf32, #tpu.memory_space<vmem>>
      %dma_wait3A_133 = arith.constant 0 : i32
      %dma_wait3A_134 = tpu.memref_slice %arg6[%add3A_130, %dma_wait3A_133] : memref<40x128xi32, #tpu.memory_space<vmem>> -> memref<1x128xi32, #tpu.memory_space<vmem>>
      %dma_wait3A_135 = tpu.memref_squeeze %dma_wait3A_134 : memref<1x128xi32, #tpu.memory_space<vmem>> -> memref<128xi32, #tpu.memory_space<vmem>>
      %dma_wait3A_136 = arith.constant 0 : i32
      %dma_wait3A_137 = arith.constant 0 : i32
      %dma_wait3A_138 = tpu.memref_slice %arg12[%dma_wait3A_136, %dma_wait3A_137] : memref<10240x32xf32, #tpu.memory_space<vmem_shared>> -> memref<10240x32xf32, #tpu.memory_space<vmem_shared>>
      tpu.wait_indirect_dma semaphore(%arg11 : memref<!tpu.dma_semaphore, #tpu.memory_space<semaphore_mem>>) src(%dma_wait3A_132 : memref<128x32xf32, #tpu.memory_space<vmem>>) dst(%dma_wait3A_138 : memref<10240x32xf32, #tpu.memory_space<vmem_shared>>)
      %scan3A_139 = arith.constant 0 : i32
      scf.yield %scan3A_139 : i32
    }
    %scan3A_119 = arith.constant 10 : i32
    %barrier3A_120 = arith.constant 0 : index
    tpu.barrier barrier_id(%barrier3A_120)
    %mul3A_121 = arith.constant 640 : i32
    %mul3A_122 = arith.muli %arg1, %mul3A_121 : i32
    %mul3A_123 = arith.constant 640 : i32
    %mul3A_124 = arith.muli %arg1, %mul3A_123 : i32
    "tpu.region"() ({
      %run_scoped3A = tpu.sem_alloc : memref<!tpu.dma_semaphore, #tpu.memory_space<semaphore_mem>>
      %dma_start3A_125 = arith.constant 0 : i32
      %dma_start3A_126 = tpu.memref_slice %arg5[%arg0, %mul3A_124, %dma_start3A_125] : memref<2x10240x32xf32, #tpu.memory_space<hbm>> -> memref<1x640x32xf32, #tpu.memory_space<hbm>>
      %dma_start3A_127 = tpu.memref_squeeze %dma_start3A_126 : memref<1x640x32xf32, #tpu.memory_space<hbm>> -> memref<640x32xf32, #tpu.memory_space<hbm>>
      %dma_start3A_128 = arith.constant 0 : i32
      %dma_start3A_129 = tpu.memref_slice %arg12[%mul3A_122, %dma_start3A_128] : memref<10240x32xf32, #tpu.memory_space<vmem_shared>> -> memref<640x32xf32, #tpu.memory_space<vmem_shared>>
      tpu.enqueue_dma source(%dma_start3A_129 : memref<640x32xf32, #tpu.memory_space<vmem_shared>>) target(%dma_start3A_127 : memref<640x32xf32, #tpu.memory_space<hbm>>) target_semaphore(%run_scoped3A : memref<!tpu.dma_semaphore, #tpu.memory_space<semaphore_mem>>)
      %dma_wait3A_130 = arith.constant 0 : i32
      %dma_wait3A_131 = tpu.memref_slice %arg5[%arg0, %mul3A_124, %dma_wait3A_130] : memref<2x10240x32xf32, #tpu.memory_space<hbm>> -> memref<1x640x32xf32, #tpu.memory_space<hbm>>
      %dma_wait3A_132 = tpu.memref_squeeze %dma_wait3A_131 : memref<1x640x32xf32, #tpu.memory_space<hbm>> -> memref<640x32xf32, #tpu.memory_space<hbm>>
      %dma_wait3A_133 = arith.constant 0 : i32
      %dma_wait3A_134 = tpu.memref_slice %arg12[%mul3A_122, %dma_wait3A_133] : memref<10240x32xf32, #tpu.memory_space<vmem_shared>> -> memref<640x32xf32, #tpu.memory_space<vmem_shared>>
      tpu.wait_dma2 semaphore(%run_scoped3A : memref<!tpu.dma_semaphore, #tpu.memory_space<semaphore_mem>>) src(%dma_wait3A_134 : memref<640x32xf32, #tpu.memory_space<vmem_shared>>) dst(%dma_wait3A_132 : memref<640x32xf32, #tpu.memory_space<hbm>>)
      tpu.yield
    }) : () -> ()
    return
  }
}

#map = affine_map<(d0, d1) -> (0, 0)>
#map1 = affine_map<(d0, d1) -> (0, 0, 0)>
module attributes {stable_mosaic.version = 14 : i64} {
  func.func @scatter(%arg0: i32, %arg1: i32, %arg2: memref<163840x32xf32, #tpu.memory_space<hbm>>, %arg3: memref<32x40x128xi32, #tpu.memory_space<hbm>>, %arg4: memref<10240x32xf32, #tpu.memory_space<hbm>>, %arg5: memref<2x10240x32xf32, #tpu.memory_space<hbm>>, %arg6: memref<40x128xi32, #tpu.memory_space<vmem>>, %arg7: memref<1280x32xf32, #tpu.memory_space<vmem>>, %arg8: memref<1280x32xf32, #tpu.memory_space<vmem>>, %arg9: memref<!tpu.dma_semaphore, #tpu.memory_space<semaphore_mem>>, %arg10: memref<!tpu.dma_semaphore, #tpu.memory_space<semaphore_mem>>, %arg11: memref<!tpu.dma_semaphore, #tpu.memory_space<semaphore_mem>>, %arg12: memref<10240x32xf32, #tpu.memory_space<vmem_shared>>) attributes {dimension_semantics = [#tpu.dimension_semantics<core_parallel>, #tpu.dimension_semantics<subcore_parallel>], iteration_bounds = array<i64: 2, 16>, scalar_prefetch = 0 : i64, scratch_operands = 7 : i64, tpu.core_type = #tpu.core_type<sc_vector_subcore>, window_params = [{transform_indices = #map}, {transform_indices = #map1}, {transform_indices = #map}, {transform_indices = #map1}]} {
    %mul3A = arith.constant 16 : i32
    %mul3A_0 = arith.muli %arg0, %mul3A : i32
    %add3A = arith.addi %mul3A_0, %arg1 : i32
    "tpu.region"() ({
      %run_scoped3A = tpu.sem_alloc : memref<!tpu.dma_semaphore, #tpu.memory_space<semaphore_mem>>
      %dma_start3A_125 = arith.constant 0 : i32
      %dma_start3A_126 = arith.constant 0 : i32
      %dma_start3A_127 = tpu.memref_slice %arg3[%add3A, %dma_start3A_125, %dma_start3A_126] : memref<32x40x128xi32, #tpu.memory_space<hbm>> -> memref<1x40x128xi32, #tpu.memory_space<hbm>>
      %dma_start3A_128 = tpu.memref_squeeze %dma_start3A_127 : memref<1x40x128xi32, #tpu.memory_space<hbm>> -> memref<40x128xi32, #tpu.memory_space<hbm>>
      %dma_start3A_129 = arith.constant 0 : i32
      %dma_start3A_130 = arith.constant 0 : i32
      %dma_start3A_131 = tpu.memref_slice %arg3[%add3A, %dma_start3A_129, %dma_start3A_130] : memref<32x40x128xi32, #tpu.memory_space<hbm>> -> memref<1x40x128xi32, #tpu.memory_space<hbm>>
      %dma_start3A_132 = tpu.memref_squeeze %dma_start3A_131 : memref<1x40x128xi32, #tpu.memory_space<hbm>> -> memref<40x128xi32, #tpu.memory_space<hbm>>
      tpu.enqueue_dma source(%dma_start3A_132 : memref<40x128xi32, #tpu.memory_space<hbm>>) target(%arg6 : memref<40x128xi32, #tpu.memory_space<vmem>>) target_semaphore(%run_scoped3A : memref<!tpu.dma_semaphore, #tpu.memory_space<semaphore_mem>>)
      %dma_wait3A_133 = arith.constant 0 : i32
      %dma_wait3A_134 = arith.constant 0 : i32
      %dma_wait3A_135 = tpu.memref_slice %arg3[%add3A, %dma_wait3A_133, %dma_wait3A_134] : memref<32x40x128xi32, #tpu.memory_space<hbm>> -> memref<1x40x128xi32, #tpu.memory_space<hbm>>
      %dma_wait3A_136 = tpu.memref_squeeze %dma_wait3A_135 : memref<1x40x128xi32, #tpu.memory_space<hbm>> -> memref<40x128xi32, #tpu.memory_space<hbm>>
      %dma_wait3A_137 = arith.constant 0 : i32
      %dma_wait3A_138 = arith.constant 0 : i32
      %dma_wait3A_139 = tpu.memref_slice %arg3[%add3A, %dma_wait3A_137, %dma_wait3A_138] : memref<32x40x128xi32, #tpu.memory_space<hbm>> -> memref<1x40x128xi32, #tpu.memory_space<hbm>>
      %dma_wait3A_140 = tpu.memref_squeeze %dma_wait3A_139 : memref<1x40x128xi32, #tpu.memory_space<hbm>> -> memref<40x128xi32, #tpu.memory_space<hbm>>
      tpu.wait_dma2 semaphore(%run_scoped3A : memref<!tpu.dma_semaphore, #tpu.memory_space<semaphore_mem>>) src(%dma_wait3A_140 : memref<40x128xi32, #tpu.memory_space<hbm>>) dst(%arg6 : memref<40x128xi32, #tpu.memory_space<vmem>>)
      tpu.yield
    }) : () -> ()
    %mul3A_1 = arith.constant 40 : i32
    %mul3A_2 = arith.muli %add3A, %mul3A_1 : i32
    %mul3A_3 = arith.constant 128 : i32
    %mul3A_4 = arith.muli %mul3A_2, %mul3A_3 : i32
    %dma_start3A = arith.constant 0 : i32
    %dma_start3A_5 = tpu.memref_slice %arg2[%mul3A_4, %dma_start3A] : memref<163840x32xf32, #tpu.memory_space<hbm>> -> memref<1280x32xf32, #tpu.memory_space<hbm>>
    %dma_start3A_6 = arith.constant 0 : i32
    %dma_start3A_7 = tpu.memref_slice %arg2[%mul3A_4, %dma_start3A_6] : memref<163840x32xf32, #tpu.memory_space<hbm>> -> memref<1280x32xf32, #tpu.memory_space<hbm>>
    tpu.enqueue_dma source(%dma_start3A_7 : memref<1280x32xf32, #tpu.memory_space<hbm>>) target(%arg7 : memref<1280x32xf32, #tpu.memory_space<vmem>>) target_semaphore(%arg9 : memref<!tpu.dma_semaphore, #tpu.memory_space<semaphore_mem>>)
    %mul3A_8 = arith.constant 640 : i32
    %mul3A_9 = arith.muli %arg1, %mul3A_8 : i32
    %mul3A_10 = arith.constant 640 : i32
    %mul3A_11 = arith.muli %arg1, %mul3A_10 : i32
    "tpu.region"() ({
      %run_scoped3A = tpu.sem_alloc : memref<!tpu.dma_semaphore, #tpu.memory_space<semaphore_mem>>
      %dma_start3A_125 = arith.constant 0 : i32
      %dma_start3A_126 = tpu.memref_slice %arg12[%mul3A_11, %dma_start3A_125] : memref<10240x32xf32, #tpu.memory_space<vmem_shared>> -> memref<640x32xf32, #tpu.memory_space<vmem_shared>>
      %dma_start3A_127 = arith.constant 0 : i32
      %dma_start3A_128 = tpu.memref_slice %arg4[%mul3A_9, %dma_start3A_127] : memref<10240x32xf32, #tpu.memory_space<hbm>> -> memref<640x32xf32, #tpu.memory_space<hbm>>
      tpu.enqueue_dma source(%dma_start3A_128 : memref<640x32xf32, #tpu.memory_space<hbm>>) target(%dma_start3A_126 : memref<640x32xf32, #tpu.memory_space<vmem_shared>>) target_semaphore(%run_scoped3A : memref<!tpu.dma_semaphore, #tpu.memory_space<semaphore_mem>>)
      %dma_wait3A_129 = arith.constant 0 : i32
      %dma_wait3A_130 = tpu.memref_slice %arg12[%mul3A_11, %dma_wait3A_129] : memref<10240x32xf32, #tpu.memory_space<vmem_shared>> -> memref<640x32xf32, #tpu.memory_space<vmem_shared>>
      %dma_wait3A_131 = arith.constant 0 : i32
      %dma_wait3A_132 = tpu.memref_slice %arg4[%mul3A_9, %dma_wait3A_131] : memref<10240x32xf32, #tpu.memory_space<hbm>> -> memref<640x32xf32, #tpu.memory_space<hbm>>
      tpu.wait_dma2 semaphore(%run_scoped3A : memref<!tpu.dma_semaphore, #tpu.memory_space<semaphore_mem>>) src(%dma_wait3A_132 : memref<640x32xf32, #tpu.memory_space<hbm>>) dst(%dma_wait3A_130 : memref<640x32xf32, #tpu.memory_space<vmem_shared>>)
      tpu.yield
    }) : () -> ()
    %barrier3A = arith.constant 0 : index
    tpu.barrier barrier_id(%barrier3A)
    %dma_wait3A = arith.constant 0 : i32
    %dma_wait3A_12 = arith.constant 0 : i32
    %dma_wait3A_13 = tpu.memref_slice %arg2[%dma_wait3A, %dma_wait3A_12] : memref<163840x32xf32, #tpu.memory_space<hbm>> -> memref<1280x32xf32, #tpu.memory_space<hbm>>
    %dma_wait3A_14 = arith.constant 0 : i32
    %dma_wait3A_15 = arith.constant 0 : i32
    %dma_wait3A_16 = tpu.memref_slice %arg2[%dma_wait3A_14, %dma_wait3A_15] : memref<163840x32xf32, #tpu.memory_space<hbm>> -> memref<1280x32xf32, #tpu.memory_space<hbm>>
    tpu.wait_dma2 semaphore(%arg9 : memref<!tpu.dma_semaphore, #tpu.memory_space<semaphore_mem>>) src(%dma_wait3A_16 : memref<1280x32xf32, #tpu.memory_space<hbm>>) dst(%arg7 : memref<1280x32xf32, #tpu.memory_space<vmem>>)
    %mul3A_17 = arith.constant 40 : i32
    %mul3A_18 = arith.muli %add3A, %mul3A_17 : i32
    %add3A_19 = arith.constant 10 : i32
    %add3A_20 = arith.addi %mul3A_18, %add3A_19 : i32
    %mul3A_21 = arith.constant 128 : i32
    %mul3A_22 = arith.muli %add3A_20, %mul3A_21 : i32
    %dma_start3A_23 = arith.constant 0 : i32
    %dma_start3A_24 = tpu.memref_slice %arg2[%mul3A_22, %dma_start3A_23] : memref<163840x32xf32, #tpu.memory_space<hbm>> -> memref<1280x32xf32, #tpu.memory_space<hbm>>
    %dma_start3A_25 = arith.constant 0 : i32
    %dma_start3A_26 = tpu.memref_slice %arg2[%mul3A_22, %dma_start3A_25] : memref<163840x32xf32, #tpu.memory_space<hbm>> -> memref<1280x32xf32, #tpu.memory_space<hbm>>
    tpu.enqueue_dma source(%dma_start3A_26 : memref<1280x32xf32, #tpu.memory_space<hbm>>) target(%arg8 : memref<1280x32xf32, #tpu.memory_space<vmem>>) target_semaphore(%arg10 : memref<!tpu.dma_semaphore, #tpu.memory_space<semaphore_mem>>)
    %scan3A = arith.constant 0 : i32
    %scan3A_27 = arith.constant 0 : i32
    %scan3A_28 = arith.constant 10 : i32
    %scan3A_29 = arith.addi %scan3A_27, %scan3A_28 : i32
    %scan3A_30 = arith.constant 1 : i32
    %scan3A_31 = scf.for %scan3A_125 = %scan3A_27 to %scan3A_29 step %scan3A_30 iter_args(%scan3A_126 = %scan3A) -> (i32)  : i32 {
      %mul3A_127 = arith.constant 128 : i32
      %mul3A_128 = arith.muli %scan3A_125, %mul3A_127 : i32
      %add3A_129 = arith.constant 0 : i32
      %add3A_130 = arith.addi %add3A_129, %scan3A_125 : i32
      %dma_start3A_131 = arith.constant 0 : i32
      %dma_start3A_132 = tpu.memref_slice %arg7[%mul3A_128, %dma_start3A_131] : memref<1280x32xf32, #tpu.memory_space<vmem>> -> memref<128x32xf32, #tpu.memory_space<vmem>>
      %dma_start3A_133 = arith.constant 0 : i32
      %dma_start3A_134 = tpu.memref_slice %arg6[%add3A_130, %dma_start3A_133] : memref<40x128xi32, #tpu.memory_space<vmem>> -> memref<1x128xi32, #tpu.memory_space<vmem>>
      %dma_start3A_135 = tpu.memref_squeeze %dma_start3A_134 : memref<1x128xi32, #tpu.memory_space<vmem>> -> memref<128xi32, #tpu.memory_space<vmem>>
      %dma_start3A_136 = arith.constant 0 : i32
      %dma_start3A_137 = arith.constant 0 : i32
      %dma_start3A_138 = tpu.memref_slice %arg12[%dma_start3A_136, %dma_start3A_137] : memref<10240x32xf32, #tpu.memory_space<vmem_shared>> -> memref<10240x32xf32, #tpu.memory_space<vmem_shared>>
      tpu.enqueue_indirect_dma source(%dma_start3A_132 : memref<128x32xf32, #tpu.memory_space<vmem>>) target(%dma_start3A_138 : memref<10240x32xf32, #tpu.memory_space<vmem_shared>>) offsets(%dma_start3A_135 : memref<128xi32, #tpu.memory_space<vmem>>) semaphore(%arg11 : memref<!tpu.dma_semaphore, #tpu.memory_space<semaphore_mem>>) {add = true}
      %scan3A_139 = arith.constant 0 : i32
      scf.yield %scan3A_139 : i32
    }
    %scan3A_32 = arith.constant 10 : i32
    %scan3A_33 = arith.constant 0 : i32
    %scan3A_34 = arith.constant 0 : i32
    %scan3A_35 = arith.constant 10 : i32
    %scan3A_36 = arith.addi %scan3A_34, %scan3A_35 : i32
    %scan3A_37 = arith.constant 1 : i32
    %scan3A_38 = scf.for %scan3A_125 = %scan3A_34 to %scan3A_36 step %scan3A_37 iter_args(%scan3A_126 = %scan3A_33) -> (i32)  : i32 {
      %mul3A_127 = arith.constant 128 : i32
      %mul3A_128 = arith.muli %scan3A_125, %mul3A_127 : i32
      %add3A_129 = arith.constant 0 : i32
      %add3A_130 = arith.addi %add3A_129, %scan3A_125 : i32
      %dma_wait3A_131 = arith.constant 0 : i32
      %dma_wait3A_132 = tpu.memref_slice %arg7[%mul3A_128, %dma_wait3A_131] : memref<1280x32xf32, #tpu.memory_space<vmem>> -> memref<128x32xf32, #tpu.memory_space<vmem>>
      %dma_wait3A_133 = arith.constant 0 : i32
      %dma_wait3A_134 = tpu.memref_slice %arg6[%add3A_130, %dma_wait3A_133] : memref<40x128xi32, #tpu.memory_space<vmem>> -> memref<1x128xi32, #tpu.memory_space<vmem>>
      %dma_wait3A_135 = tpu.memref_squeeze %dma_wait3A_134 : memref<1x128xi32, #tpu.memory_space<vmem>> -> memref<128xi32, #tpu.memory_space<vmem>>
      %dma_wait3A_136 = arith.constant 0 : i32
      %dma_wait3A_137 = arith.constant 0 : i32
      %dma_wait3A_138 = tpu.memref_slice %arg12[%dma_wait3A_136, %dma_wait3A_137] : memref<10240x32xf32, #tpu.memory_space<vmem_shared>> -> memref<10240x32xf32, #tpu.memory_space<vmem_shared>>
      tpu.wait_indirect_dma semaphore(%arg11 : memref<!tpu.dma_semaphore, #tpu.memory_space<semaphore_mem>>) src(%dma_wait3A_132 : memref<128x32xf32, #tpu.memory_space<vmem>>) dst(%dma_wait3A_138 : memref<10240x32xf32, #tpu.memory_space<vmem_shared>>)
      %scan3A_139 = arith.constant 0 : i32
      scf.yield %scan3A_139 : i32
    }
    %scan3A_39 = arith.constant 10 : i32
    %dma_wait3A_40 = arith.constant 0 : i32
    %dma_wait3A_41 = arith.constant 0 : i32
    %dma_wait3A_42 = tpu.memref_slice %arg2[%dma_wait3A_40, %dma_wait3A_41] : memref<163840x32xf32, #tpu.memory_space<hbm>> -> memref<1280x32xf32, #tpu.memory_space<hbm>>
    %dma_wait3A_43 = arith.constant 0 : i32
    %dma_wait3A_44 = arith.constant 0 : i32
    %dma_wait3A_45 = tpu.memref_slice %arg2[%dma_wait3A_43, %dma_wait3A_44] : memref<163840x32xf32, #tpu.memory_space<hbm>> -> memref<1280x32xf32, #tpu.memory_space<hbm>>
    tpu.wait_dma2 semaphore(%arg10 : memref<!tpu.dma_semaphore, #tpu.memory_space<semaphore_mem>>) src(%dma_wait3A_45 : memref<1280x32xf32, #tpu.memory_space<hbm>>) dst(%arg8 : memref<1280x32xf32, #tpu.memory_space<vmem>>)
    %mul3A_46 = arith.constant 40 : i32
    %mul3A_47 = arith.muli %add3A, %mul3A_46 : i32
    %add3A_48 = arith.constant 20 : i32
    %add3A_49 = arith.addi %mul3A_47, %add3A_48 : i32
    %mul3A_50 = arith.constant 128 : i32
    %mul3A_51 = arith.muli %add3A_49, %mul3A_50 : i32
    %dma_start3A_52 = arith.constant 0 : i32
    %dma_start3A_53 = tpu.memref_slice %arg2[%mul3A_51, %dma_start3A_52] : memref<163840x32xf32, #tpu.memory_space<hbm>> -> memref<1280x32xf32, #tpu.memory_space<hbm>>
    %dma_start3A_54 = arith.constant 0 : i32
    %dma_start3A_55 = tpu.memref_slice %arg2[%mul3A_51, %dma_start3A_54] : memref<163840x32xf32, #tpu.memory_space<hbm>> -> memref<1280x32xf32, #tpu.memory_space<hbm>>
    tpu.enqueue_dma source(%dma_start3A_55 : memref<1280x32xf32, #tpu.memory_space<hbm>>) target(%arg7 : memref<1280x32xf32, #tpu.memory_space<vmem>>) target_semaphore(%arg9 : memref<!tpu.dma_semaphore, #tpu.memory_space<semaphore_mem>>)
    %scan3A_56 = arith.constant 0 : i32
    %scan3A_57 = arith.constant 0 : i32
    %scan3A_58 = arith.constant 10 : i32
    %scan3A_59 = arith.addi %scan3A_57, %scan3A_58 : i32
    %scan3A_60 = arith.constant 1 : i32
    %scan3A_61 = scf.for %scan3A_125 = %scan3A_57 to %scan3A_59 step %scan3A_60 iter_args(%scan3A_126 = %scan3A_56) -> (i32)  : i32 {
      %mul3A_127 = arith.constant 128 : i32
      %mul3A_128 = arith.muli %scan3A_125, %mul3A_127 : i32
      %add3A_129 = arith.constant 10 : i32
      %add3A_130 = arith.addi %add3A_129, %scan3A_125 : i32
      %dma_start3A_131 = arith.constant 0 : i32
      %dma_start3A_132 = tpu.memref_slice %arg8[%mul3A_128, %dma_start3A_131] : memref<1280x32xf32, #tpu.memory_space<vmem>> -> memref<128x32xf32, #tpu.memory_space<vmem>>
      %dma_start3A_133 = arith.constant 0 : i32
      %dma_start3A_134 = tpu.memref_slice %arg6[%add3A_130, %dma_start3A_133] : memref<40x128xi32, #tpu.memory_space<vmem>> -> memref<1x128xi32, #tpu.memory_space<vmem>>
      %dma_start3A_135 = tpu.memref_squeeze %dma_start3A_134 : memref<1x128xi32, #tpu.memory_space<vmem>> -> memref<128xi32, #tpu.memory_space<vmem>>
      %dma_start3A_136 = arith.constant 0 : i32
      %dma_start3A_137 = arith.constant 0 : i32
      %dma_start3A_138 = tpu.memref_slice %arg12[%dma_start3A_136, %dma_start3A_137] : memref<10240x32xf32, #tpu.memory_space<vmem_shared>> -> memref<10240x32xf32, #tpu.memory_space<vmem_shared>>
      tpu.enqueue_indirect_dma source(%dma_start3A_132 : memref<128x32xf32, #tpu.memory_space<vmem>>) target(%dma_start3A_138 : memref<10240x32xf32, #tpu.memory_space<vmem_shared>>) offsets(%dma_start3A_135 : memref<128xi32, #tpu.memory_space<vmem>>) semaphore(%arg11 : memref<!tpu.dma_semaphore, #tpu.memory_space<semaphore_mem>>) {add = true}
      %scan3A_139 = arith.constant 0 : i32
      scf.yield %scan3A_139 : i32
    }
    %scan3A_62 = arith.constant 10 : i32
    %scan3A_63 = arith.constant 0 : i32
    %scan3A_64 = arith.constant 0 : i32
    %scan3A_65 = arith.constant 10 : i32
    %scan3A_66 = arith.addi %scan3A_64, %scan3A_65 : i32
    %scan3A_67 = arith.constant 1 : i32
    %scan3A_68 = scf.for %scan3A_125 = %scan3A_64 to %scan3A_66 step %scan3A_67 iter_args(%scan3A_126 = %scan3A_63) -> (i32)  : i32 {
      %mul3A_127 = arith.constant 128 : i32
      %mul3A_128 = arith.muli %scan3A_125, %mul3A_127 : i32
      %add3A_129 = arith.constant 10 : i32
      %add3A_130 = arith.addi %add3A_129, %scan3A_125 : i32
      %dma_wait3A_131 = arith.constant 0 : i32
      %dma_wait3A_132 = tpu.memref_slice %arg8[%mul3A_128, %dma_wait3A_131] : memref<1280x32xf32, #tpu.memory_space<vmem>> -> memref<128x32xf32, #tpu.memory_space<vmem>>
      %dma_wait3A_133 = arith.constant 0 : i32
      %dma_wait3A_134 = tpu.memref_slice %arg6[%add3A_130, %dma_wait3A_133] : memref<40x128xi32, #tpu.memory_space<vmem>> -> memref<1x128xi32, #tpu.memory_space<vmem>>
      %dma_wait3A_135 = tpu.memref_squeeze %dma_wait3A_134 : memref<1x128xi32, #tpu.memory_space<vmem>> -> memref<128xi32, #tpu.memory_space<vmem>>
      %dma_wait3A_136 = arith.constant 0 : i32
      %dma_wait3A_137 = arith.constant 0 : i32
      %dma_wait3A_138 = tpu.memref_slice %arg12[%dma_wait3A_136, %dma_wait3A_137] : memref<10240x32xf32, #tpu.memory_space<vmem_shared>> -> memref<10240x32xf32, #tpu.memory_space<vmem_shared>>
      tpu.wait_indirect_dma semaphore(%arg11 : memref<!tpu.dma_semaphore, #tpu.memory_space<semaphore_mem>>) src(%dma_wait3A_132 : memref<128x32xf32, #tpu.memory_space<vmem>>) dst(%dma_wait3A_138 : memref<10240x32xf32, #tpu.memory_space<vmem_shared>>)
      %scan3A_139 = arith.constant 0 : i32
      scf.yield %scan3A_139 : i32
    }
    %scan3A_69 = arith.constant 10 : i32
    %dma_wait3A_70 = arith.constant 0 : i32
    %dma_wait3A_71 = arith.constant 0 : i32
    %dma_wait3A_72 = tpu.memref_slice %arg2[%dma_wait3A_70, %dma_wait3A_71] : memref<163840x32xf32, #tpu.memory_space<hbm>> -> memref<1280x32xf32, #tpu.memory_space<hbm>>
    %dma_wait3A_73 = arith.constant 0 : i32
    %dma_wait3A_74 = arith.constant 0 : i32
    %dma_wait3A_75 = tpu.memref_slice %arg2[%dma_wait3A_73, %dma_wait3A_74] : memref<163840x32xf32, #tpu.memory_space<hbm>> -> memref<1280x32xf32, #tpu.memory_space<hbm>>
    tpu.wait_dma2 semaphore(%arg9 : memref<!tpu.dma_semaphore, #tpu.memory_space<semaphore_mem>>) src(%dma_wait3A_75 : memref<1280x32xf32, #tpu.memory_space<hbm>>) dst(%arg7 : memref<1280x32xf32, #tpu.memory_space<vmem>>)
    %mul3A_76 = arith.constant 40 : i32
    %mul3A_77 = arith.muli %add3A, %mul3A_76 : i32
    %add3A_78 = arith.constant 30 : i32
    %add3A_79 = arith.addi %mul3A_77, %add3A_78 : i32
    %mul3A_80 = arith.constant 128 : i32
    %mul3A_81 = arith.muli %add3A_79, %mul3A_80 : i32
    %dma_start3A_82 = arith.constant 0 : i32
    %dma_start3A_83 = tpu.memref_slice %arg2[%mul3A_81, %dma_start3A_82] : memref<163840x32xf32, #tpu.memory_space<hbm>> -> memref<1280x32xf32, #tpu.memory_space<hbm>>
    %dma_start3A_84 = arith.constant 0 : i32
    %dma_start3A_85 = tpu.memref_slice %arg2[%mul3A_81, %dma_start3A_84] : memref<163840x32xf32, #tpu.memory_space<hbm>> -> memref<1280x32xf32, #tpu.memory_space<hbm>>
    tpu.enqueue_dma source(%dma_start3A_85 : memref<1280x32xf32, #tpu.memory_space<hbm>>) target(%arg8 : memref<1280x32xf32, #tpu.memory_space<vmem>>) target_semaphore(%arg10 : memref<!tpu.dma_semaphore, #tpu.memory_space<semaphore_mem>>)
    %scan3A_86 = arith.constant 0 : i32
    %scan3A_87 = arith.constant 0 : i32
    %scan3A_88 = arith.constant 10 : i32
    %scan3A_89 = arith.addi %scan3A_87, %scan3A_88 : i32
    %scan3A_90 = arith.constant 1 : i32
    %scan3A_91 = scf.for %scan3A_125 = %scan3A_87 to %scan3A_89 step %scan3A_90 iter_args(%scan3A_126 = %scan3A_86) -> (i32)  : i32 {
      %mul3A_127 = arith.constant 128 : i32
      %mul3A_128 = arith.muli %scan3A_125, %mul3A_127 : i32
      %add3A_129 = arith.constant 20 : i32
      %add3A_130 = arith.addi %add3A_129, %scan3A_125 : i32
      %dma_start3A_131 = arith.constant 0 : i32
      %dma_start3A_132 = tpu.memref_slice %arg7[%mul3A_128, %dma_start3A_131] : memref<1280x32xf32, #tpu.memory_space<vmem>> -> memref<128x32xf32, #tpu.memory_space<vmem>>
      %dma_start3A_133 = arith.constant 0 : i32
      %dma_start3A_134 = tpu.memref_slice %arg6[%add3A_130, %dma_start3A_133] : memref<40x128xi32, #tpu.memory_space<vmem>> -> memref<1x128xi32, #tpu.memory_space<vmem>>
      %dma_start3A_135 = tpu.memref_squeeze %dma_start3A_134 : memref<1x128xi32, #tpu.memory_space<vmem>> -> memref<128xi32, #tpu.memory_space<vmem>>
      %dma_start3A_136 = arith.constant 0 : i32
      %dma_start3A_137 = arith.constant 0 : i32
      %dma_start3A_138 = tpu.memref_slice %arg12[%dma_start3A_136, %dma_start3A_137] : memref<10240x32xf32, #tpu.memory_space<vmem_shared>> -> memref<10240x32xf32, #tpu.memory_space<vmem_shared>>
      tpu.enqueue_indirect_dma source(%dma_start3A_132 : memref<128x32xf32, #tpu.memory_space<vmem>>) target(%dma_start3A_138 : memref<10240x32xf32, #tpu.memory_space<vmem_shared>>) offsets(%dma_start3A_135 : memref<128xi32, #tpu.memory_space<vmem>>) semaphore(%arg11 : memref<!tpu.dma_semaphore, #tpu.memory_space<semaphore_mem>>) {add = true}
      %scan3A_139 = arith.constant 0 : i32
      scf.yield %scan3A_139 : i32
    }
    %scan3A_92 = arith.constant 10 : i32
    %scan3A_93 = arith.constant 0 : i32
    %scan3A_94 = arith.constant 0 : i32
    %scan3A_95 = arith.constant 10 : i32
    %scan3A_96 = arith.addi %scan3A_94, %scan3A_95 : i32
    %scan3A_97 = arith.constant 1 : i32
    %scan3A_98 = scf.for %scan3A_125 = %scan3A_94 to %scan3A_96 step %scan3A_97 iter_args(%scan3A_126 = %scan3A_93) -> (i32)  : i32 {
      %mul3A_127 = arith.constant 128 : i32
      %mul3A_128 = arith.muli %scan3A_125, %mul3A_127 : i32
      %add3A_129 = arith.constant 20 : i32
      %add3A_130 = arith.addi %add3A_129, %scan3A_125 : i32
      %dma_wait3A_131 = arith.constant 0 : i32
      %dma_wait3A_132 = tpu.memref_slice %arg7[%mul3A_128, %dma_wait3A_131] : memref<1280x32xf32, #tpu.memory_space<vmem>> -> memref<128x32xf32, #tpu.memory_space<vmem>>
      %dma_wait3A_133 = arith.constant 0 : i32
      %dma_wait3A_134 = tpu.memref_slice %arg6[%add3A_130, %dma_wait3A_133] : memref<40x128xi32, #tpu.memory_space<vmem>> -> memref<1x128xi32, #tpu.memory_space<vmem>>
      %dma_wait3A_135 = tpu.memref_squeeze %dma_wait3A_134 : memref<1x128xi32, #tpu.memory_space<vmem>> -> memref<128xi32, #tpu.memory_space<vmem>>
      %dma_wait3A_136 = arith.constant 0 : i32
      %dma_wait3A_137 = arith.constant 0 : i32
      %dma_wait3A_138 = tpu.memref_slice %arg12[%dma_wait3A_136, %dma_wait3A_137] : memref<10240x32xf32, #tpu.memory_space<vmem_shared>> -> memref<10240x32xf32, #tpu.memory_space<vmem_shared>>
      tpu.wait_indirect_dma semaphore(%arg11 : memref<!tpu.dma_semaphore, #tpu.memory_space<semaphore_mem>>) src(%dma_wait3A_132 : memref<128x32xf32, #tpu.memory_space<vmem>>) dst(%dma_wait3A_138 : memref<10240x32xf32, #tpu.memory_space<vmem_shared>>)
      %scan3A_139 = arith.constant 0 : i32
      scf.yield %scan3A_139 : i32
    }
    %scan3A_99 = arith.constant 10 : i32
    %dma_wait3A_100 = arith.constant 0 : i32
    %dma_wait3A_101 = arith.constant 0 : i32
    %dma_wait3A_102 = tpu.memref_slice %arg2[%dma_wait3A_100, %dma_wait3A_101] : memref<163840x32xf32, #tpu.memory_space<hbm>> -> memref<1280x32xf32, #tpu.memory_space<hbm>>
    %dma_wait3A_103 = arith.constant 0 : i32
    %dma_wait3A_104 = arith.constant 0 : i32
    %dma_wait3A_105 = tpu.memref_slice %arg2[%dma_wait3A_103, %dma_wait3A_104] : memref<163840x32xf32, #tpu.memory_space<hbm>> -> memref<1280x32xf32, #tpu.memory_space<hbm>>
    tpu.wait_dma2 semaphore(%arg10 : memref<!tpu.dma_semaphore, #tpu.memory_space<semaphore_mem>>) src(%dma_wait3A_105 : memref<1280x32xf32, #tpu.memory_space<hbm>>) dst(%arg8 : memref<1280x32xf32, #tpu.memory_space<vmem>>)
    %scan3A_106 = arith.constant 0 : i32
    %scan3A_107 = arith.constant 0 : i32
    %scan3A_108 = arith.constant 10 : i32
    %scan3A_109 = arith.addi %scan3A_107, %scan3A_108 : i32
    %scan3A_110 = arith.constant 1 : i32
    %scan3A_111 = scf.for %scan3A_125 = %scan3A_107 to %scan3A_109 step %scan3A_110 iter_args(%scan3A_126 = %scan3A_106) -> (i32)  : i32 {
      %mul3A_127 = arith.constant 128 : i32
      %mul3A_128 = arith.muli %scan3A_125, %mul3A_127 : i32
      %add3A_129 = arith.constant 30 : i32
      %add3A_130 = arith.addi %add3A_129, %scan3A_125 : i32
      %dma_start3A_131 = arith.constant 0 : i32
      %dma_start3A_132 = tpu.memref_slice %arg8[%mul3A_128, %dma_start3A_131] : memref<1280x32xf32, #tpu.memory_space<vmem>> -> memref<128x32xf32, #tpu.memory_space<vmem>>
      %dma_start3A_133 = arith.constant 0 : i32
      %dma_start3A_134 = tpu.memref_slice %arg6[%add3A_130, %dma_start3A_133] : memref<40x128xi32, #tpu.memory_space<vmem>> -> memref<1x128xi32, #tpu.memory_space<vmem>>
      %dma_start3A_135 = tpu.memref_squeeze %dma_start3A_134 : memref<1x128xi32, #tpu.memory_space<vmem>> -> memref<128xi32, #tpu.memory_space<vmem>>
      %dma_start3A_136 = arith.constant 0 : i32
      %dma_start3A_137 = arith.constant 0 : i32
      %dma_start3A_138 = tpu.memref_slice %arg12[%dma_start3A_136, %dma_start3A_137] : memref<10240x32xf32, #tpu.memory_space<vmem_shared>> -> memref<10240x32xf32, #tpu.memory_space<vmem_shared>>
      tpu.enqueue_indirect_dma source(%dma_start3A_132 : memref<128x32xf32, #tpu.memory_space<vmem>>) target(%dma_start3A_138 : memref<10240x32xf32, #tpu.memory_space<vmem_shared>>) offsets(%dma_start3A_135 : memref<128xi32, #tpu.memory_space<vmem>>) semaphore(%arg11 : memref<!tpu.dma_semaphore, #tpu.memory_space<semaphore_mem>>) {add = true}
      %scan3A_139 = arith.constant 0 : i32
      scf.yield %scan3A_139 : i32
    }
    %scan3A_112 = arith.constant 10 : i32
    %scan3A_113 = arith.constant 0 : i32
    %scan3A_114 = arith.constant 0 : i32
    %scan3A_115 = arith.constant 10 : i32
    %scan3A_116 = arith.addi %scan3A_114, %scan3A_115 : i32
    %scan3A_117 = arith.constant 1 : i32
    %scan3A_118 = scf.for %scan3A_125 = %scan3A_114 to %scan3A_116 step %scan3A_117 iter_args(%scan3A_126 = %scan3A_113) -> (i32)  : i32 {
      %mul3A_127 = arith.constant 128 : i32
      %mul3A_128 = arith.muli %scan3A_125, %mul3A_127 : i32
      %add3A_129 = arith.constant 30 : i32
      %add3A_130 = arith.addi %add3A_129, %scan3A_125 : i32
      %dma_wait3A_131 = arith.constant 0 : i32
      %dma_wait3A_132 = tpu.memref_slice %arg8[%mul3A_128, %dma_wait3A_131] : memref<1280x32xf32, #tpu.memory_space<vmem>> -> memref<128x32xf32, #tpu.memory_space<vmem>>
      %dma_wait3A_133 = arith.constant 0 : i32
      %dma_wait3A_134 = tpu.memref_slice %arg6[%add3A_130, %dma_wait3A_133] : memref<40x128xi32, #tpu.memory_space<vmem>> -> memref<1x128xi32, #tpu.memory_space<vmem>>
      %dma_wait3A_135 = tpu.memref_squeeze %dma_wait3A_134 : memref<1x128xi32, #tpu.memory_space<vmem>> -> memref<128xi32, #tpu.memory_space<vmem>>
      %dma_wait3A_136 = arith.constant 0 : i32
      %dma_wait3A_137 = arith.constant 0 : i32
      %dma_wait3A_138 = tpu.memref_slice %arg12[%dma_wait3A_136, %dma_wait3A_137] : memref<10240x32xf32, #tpu.memory_space<vmem_shared>> -> memref<10240x32xf32, #tpu.memory_space<vmem_shared>>
      tpu.wait_indirect_dma semaphore(%arg11 : memref<!tpu.dma_semaphore, #tpu.memory_space<semaphore_mem>>) src(%dma_wait3A_132 : memref<128x32xf32, #tpu.memory_space<vmem>>) dst(%dma_wait3A_138 : memref<10240x32xf32, #tpu.memory_space<vmem_shared>>)
      %scan3A_139 = arith.constant 0 : i32
      scf.yield %scan3A_139 : i32
    }
    %scan3A_119 = arith.constant 10 : i32
    %barrier3A_120 = arith.constant 0 : index
    tpu.barrier barrier_id(%barrier3A_120)
    %mul3A_121 = arith.constant 640 : i32
    %mul3A_122 = arith.muli %arg1, %mul3A_121 : i32
    %mul3A_123 = arith.constant 640 : i32
    %mul3A_124 = arith.muli %arg1, %mul3A_123 : i32
    "tpu.region"() ({
      %run_scoped3A = tpu.sem_alloc : memref<!tpu.dma_semaphore, #tpu.memory_space<semaphore_mem>>
      %dma_start3A_125 = arith.constant 0 : i32
      %dma_start3A_126 = tpu.memref_slice %arg5[%arg0, %mul3A_124, %dma_start3A_125] : memref<2x10240x32xf32, #tpu.memory_space<hbm>> -> memref<1x640x32xf32, #tpu.memory_space<hbm>>
      %dma_start3A_127 = tpu.memref_squeeze %dma_start3A_126 : memref<1x640x32xf32, #tpu.memory_space<hbm>> -> memref<640x32xf32, #tpu.memory_space<hbm>>
      %dma_start3A_128 = arith.constant 0 : i32
      %dma_start3A_129 = tpu.memref_slice %arg12[%mul3A_122, %dma_start3A_128] : memref<10240x32xf32, #tpu.memory_space<vmem_shared>> -> memref<640x32xf32, #tpu.memory_space<vmem_shared>>
      tpu.enqueue_dma source(%dma_start3A_129 : memref<640x32xf32, #tpu.memory_space<vmem_shared>>) target(%dma_start3A_127 : memref<640x32xf32, #tpu.memory_space<hbm>>) target_semaphore(%run_scoped3A : memref<!tpu.dma_semaphore, #tpu.memory_space<semaphore_mem>>)
      %dma_wait3A_130 = arith.constant 0 : i32
      %dma_wait3A_131 = tpu.memref_slice %arg5[%arg0, %mul3A_124, %dma_wait3A_130] : memref<2x10240x32xf32, #tpu.memory_space<hbm>> -> memref<1x640x32xf32, #tpu.memory_space<hbm>>
      %dma_wait3A_132 = tpu.memref_squeeze %dma_wait3A_131 : memref<1x640x32xf32, #tpu.memory_space<hbm>> -> memref<640x32xf32, #tpu.memory_space<hbm>>
      %dma_wait3A_133 = arith.constant 0 : i32
      %dma_wait3A_134 = tpu.memref_slice %arg12[%mul3A_122, %dma_wait3A_133] : memref<10240x32xf32, #tpu.memory_space<vmem_shared>> -> memref<640x32xf32, #tpu.memory_space<vmem_shared>>
      tpu.wait_dma2 semaphore(%run_scoped3A : memref<!tpu.dma_semaphore, #tpu.memory_space<semaphore_mem>>) src(%dma_wait3A_134 : memref<640x32xf32, #tpu.memory_space<vmem_shared>>) dst(%dma_wait3A_132 : memref<640x32xf32, #tpu.memory_space<hbm>>)
      tpu.yield
    }) : () -> ()
    return
  }
}

module attributes {stable_mosaic.version = 14 : i64} {
  func.func @_msg1_body(%arg0: i32, %arg1: memref<2048x2xf32, #tpu.memory_space<vmem>>, %arg2: memref<2048x8xf32, #tpu.memory_space<vmem>>, %arg3: memref<2x16xf32, #tpu.memory_space<vmem>>, %arg4: memref<1x16xf32, #tpu.memory_space<vmem>>, %arg5: memref<16x64xf32, #tpu.memory_space<vmem>>, %arg6: memref<1x64xf32, #tpu.memory_space<vmem>>, %arg7: memref<2048x32xf32, #tpu.memory_space<vmem>>) attributes {dimension_semantics = [#tpu.dimension_semantics<arbitrary>], iteration_bounds = array<i64: 80>, scalar_prefetch = 0 : i64, scratch_operands = 0 : i64, tpu.core_type = #tpu.core_type<tc>, window_params = [{transform_indices = @transform_0, window_bounds = array<i64: 2048, 2>}, {transform_indices = @transform_1, window_bounds = array<i64: 2048, 8>}, {pipeline_mode = #tpu.pipeline_mode<synchronous>, transform_indices = @transform_2, window_bounds = array<i64: 2, 16>}, {pipeline_mode = #tpu.pipeline_mode<synchronous>, transform_indices = @transform_3, window_bounds = array<i64: 1, 16>}, {pipeline_mode = #tpu.pipeline_mode<synchronous>, transform_indices = @transform_4, window_bounds = array<i64: 16, 64>}, {pipeline_mode = #tpu.pipeline_mode<synchronous>, transform_indices = @transform_5, window_bounds = array<i64: 1, 64>}, {transform_indices = @transform_6, window_bounds = array<i64: 2048, 32>}]} {
    %get3A = arith.constant 0 : index
    %get3A_0 = arith.constant 0 : index
    %get3A_1 = vector.load %arg1[%get3A, %get3A_0] : memref<2048x2xf32, #tpu.memory_space<vmem>>, vector<2048x2xf32>
    %get3A_2 = arith.constant 0 : index
    %get3A_3 = arith.constant 0 : index
    %get3A_4 = vector.load %arg3[%get3A_2, %get3A_3] : memref<2x16xf32, #tpu.memory_space<vmem>>, vector<2x16xf32>
    %dot_general3A = arith.constant dense<0.000000e+00> : vector<2048x16xf32>
    %dot_general3A_5 = tpu.matmul %get3A_1, %get3A_4, %dot_general3A {dimension_numbers = #tpu.dot_dimension_numbers<[1], [0], [0], [1], [0, 0, 1, 1], [], []>, transpose_lhs_hint = false} : vector<2048x2xf32>, vector<2x16xf32>, vector<2048x16xf32> -> vector<2048x16xf32>
    %get3A_6 = arith.constant 0 : index
    %get3A_7 = arith.constant 0 : index
    %get3A_8 = vector.load %arg4[%get3A_6, %get3A_7] : memref<1x16xf32, #tpu.memory_space<vmem>>, vector<1x16xf32>
    %add3A = vector.broadcast %get3A_8 : vector<1x16xf32> to vector<2048x16xf32>
    %add3A_9 = arith.addf %dot_general3A_5, %add3A : vector<2048x16xf32>
    %max3A = arith.constant 0.000000e+00 : f32
    %max3A_10 = vector.broadcast %max3A : f32 to vector<2048x16xf32>
    %max3A_11 = arith.maximumf %add3A_9, %max3A_10 : vector<2048x16xf32>
    %get3A_12 = arith.constant 0 : index
    %get3A_13 = arith.constant 0 : index
    %get3A_14 = vector.load %arg5[%get3A_12, %get3A_13] : memref<16x64xf32, #tpu.memory_space<vmem>>, vector<16x64xf32>
    %dot_general3A_15 = arith.constant dense<0.000000e+00> : vector<2048x64xf32>
    %dot_general3A_16 = tpu.matmul %max3A_11, %get3A_14, %dot_general3A_15 {dimension_numbers = #tpu.dot_dimension_numbers<[1], [0], [0], [1], [0, 0, 1, 1], [], []>, transpose_lhs_hint = false} : vector<2048x16xf32>, vector<16x64xf32>, vector<2048x64xf32> -> vector<2048x64xf32>
    %get3A_17 = arith.constant 0 : index
    %get3A_18 = arith.constant 0 : index
    %get3A_19 = vector.load %arg6[%get3A_17, %get3A_18] : memref<1x64xf32, #tpu.memory_space<vmem>>, vector<1x64xf32>
    %add3A_20 = vector.broadcast %get3A_19 : vector<1x64xf32> to vector<2048x64xf32>
    %add3A_21 = arith.addf %dot_general3A_16, %add3A_20 : vector<2048x64xf32>
    %get3A_22 = arith.constant 0 : index
    %get3A_23 = arith.constant 0 : index
    %get3A_24 = vector.load %arg2[%get3A_22, %get3A_23] : memref<2048x8xf32, #tpu.memory_space<vmem>>, vector<2048x8xf32>
    %slice3A = vector.extract_strided_slice %get3A_24 {offsets = [0, 0], sizes = [2048, 1], strides = [1, 1]} : vector<2048x8xf32> to vector<2048x1xf32>
    %slice3A_25 = vector.extract_strided_slice %add3A_21 {offsets = [0, 0], sizes = [2048, 32], strides = [1, 1]} : vector<2048x64xf32> to vector<2048x32xf32>
    %mul3A = vector.broadcast %slice3A : vector<2048x1xf32> to vector<2048x32xf32>
    %mul3A_26 = arith.mulf %mul3A, %slice3A_25 : vector<2048x32xf32>
    %slice3A_27 = vector.extract_strided_slice %get3A_24 {offsets = [0, 1], sizes = [2048, 1], strides = [1, 1]} : vector<2048x8xf32> to vector<2048x1xf32>
    %slice3A_28 = vector.extract_strided_slice %add3A_21 {offsets = [0, 32], sizes = [2048, 32], strides = [1, 1]} : vector<2048x64xf32> to vector<2048x32xf32>
    %mul3A_29 = vector.broadcast %slice3A_27 : vector<2048x1xf32> to vector<2048x32xf32>
    %mul3A_30 = arith.mulf %mul3A_29, %slice3A_28 : vector<2048x32xf32>
    %add3A_31 = arith.addf %mul3A_26, %mul3A_30 : vector<2048x32xf32>
    %swap3A = arith.constant 0 : index
    %swap3A_32 = arith.constant 0 : index
    %swap3A_33 = vector.load %arg7[%swap3A, %swap3A_32] : memref<2048x32xf32, #tpu.memory_space<vmem>>, vector<2048x32xf32>
    tpu.vector_store %arg7[%swap3A, %swap3A_32], %add3A_31 {strides = array<i32>} : memref<2048x32xf32, #tpu.memory_space<vmem>>, vector<2048x32xf32>,
    return
  }
  func.func @transform_0(%arg0: i32) -> (i32, i32) {
    %c0_i32 = arith.constant 0 : i32
    %c0_i32_0 = arith.constant 0 : i32
    return %arg0, %c0_i32 : i32, i32
  }
  func.func @transform_1(%arg0: i32) -> (i32, i32) {
    %c0_i32 = arith.constant 0 : i32
    %c0_i32_0 = arith.constant 0 : i32
    return %arg0, %c0_i32 : i32, i32
  }
  func.func @transform_2(%arg0: i32) -> (i32, i32) {
    %c0_i32 = arith.constant 0 : i32
    %c0_i32_0 = arith.constant 0 : i32
    %c0_i32_1 = arith.constant 0 : i32
    return %c0_i32, %c0_i32_0 : i32, i32
  }
  func.func @transform_3(%arg0: i32) -> (i32, i32) {
    %c0_i32 = arith.constant 0 : i32
    %c0_i32_0 = arith.constant 0 : i32
    %c0_i32_1 = arith.constant 0 : i32
    return %c0_i32, %c0_i32_0 : i32, i32
  }
  func.func @transform_4(%arg0: i32) -> (i32, i32) {
    %c0_i32 = arith.constant 0 : i32
    %c0_i32_0 = arith.constant 0 : i32
    %c0_i32_1 = arith.constant 0 : i32
    return %c0_i32, %c0_i32_0 : i32, i32
  }
  func.func @transform_5(%arg0: i32) -> (i32, i32) {
    %c0_i32 = arith.constant 0 : i32
    %c0_i32_0 = arith.constant 0 : i32
    %c0_i32_1 = arith.constant 0 : i32
    return %c0_i32, %c0_i32_0 : i32, i32
  }
  func.func @transform_6(%arg0: i32) -> (i32, i32) {
    %c0_i32 = arith.constant 0 : i32
    %c0_i32_0 = arith.constant 0 : i32
    return %arg0, %c0_i32 : i32, i32
  }
}

module attributes {stable_mosaic.version = 14 : i64} {
  func.func @_node_body(%arg0: i32, %arg1: memref<2x1024x32xf32, #tpu.memory_space<vmem>>, %arg2: memref<1024x2xf32, #tpu.memory_space<vmem>>, %arg3: memref<2x32xf32, #tpu.memory_space<vmem>>, %arg4: memref<1x32xf32, #tpu.memory_space<vmem>>, %arg5: memref<2x32xf32, #tpu.memory_space<vmem>>, %arg6: memref<1x32xf32, #tpu.memory_space<vmem>>, %arg7: memref<1024x32xf32, #tpu.memory_space<vmem>>) attributes {dimension_semantics = [#tpu.dimension_semantics<arbitrary>], iteration_bounds = array<i64: 10>, scalar_prefetch = 0 : i64, scratch_operands = 0 : i64, tpu.core_type = #tpu.core_type<tc>, window_params = [{transform_indices = @transform_0, window_bounds = array<i64: 2, 1024, 32>}, {transform_indices = @transform_1, window_bounds = array<i64: 1024, 2>}, {pipeline_mode = #tpu.pipeline_mode<synchronous>, transform_indices = @transform_2, window_bounds = array<i64: 2, 32>}, {pipeline_mode = #tpu.pipeline_mode<synchronous>, transform_indices = @transform_3, window_bounds = array<i64: 1, 32>}, {pipeline_mode = #tpu.pipeline_mode<synchronous>, transform_indices = @transform_4, window_bounds = array<i64: 2, 32>}, {pipeline_mode = #tpu.pipeline_mode<synchronous>, transform_indices = @transform_5, window_bounds = array<i64: 1, 32>}, {transform_indices = @transform_6, window_bounds = array<i64: 1024, 32>}]} {
    %get3A = arith.constant 0 : index
    %get3A_0 = arith.constant 0 : index
    %get3A_1 = arith.constant 0 : index
    %get3A_2 = vector.load %arg1[%get3A, %get3A_0, %get3A_1] : memref<2x1024x32xf32, #tpu.memory_space<vmem>>, vector<1x1024x32xf32>
    %get3A_3 = vector.shape_cast %get3A_2 : vector<1x1024x32xf32> to vector<1024x32xf32>
    %get3A_4 = arith.constant 1 : index
    %get3A_5 = arith.constant 0 : index
    %get3A_6 = arith.constant 0 : index
    %get3A_7 = vector.load %arg1[%get3A_4, %get3A_5, %get3A_6] : memref<2x1024x32xf32, #tpu.memory_space<vmem>>, vector<1x1024x32xf32>
    %get3A_8 = vector.shape_cast %get3A_7 : vector<1x1024x32xf32> to vector<1024x32xf32>
    %add3A = arith.addf %get3A_3, %get3A_8 : vector<1024x32xf32>
    %get3A_9 = arith.constant 0 : index
    %get3A_10 = arith.constant 0 : index
    %get3A_11 = vector.load %arg2[%get3A_9, %get3A_10] : memref<1024x2xf32, #tpu.memory_space<vmem>>, vector<1024x2xf32>
    %get3A_12 = arith.constant 0 : index
    %get3A_13 = arith.constant 0 : index
    %get3A_14 = vector.load %arg3[%get3A_12, %get3A_13] : memref<2x32xf32, #tpu.memory_space<vmem>>, vector<2x32xf32>
    %dot_general3A = arith.constant dense<0.000000e+00> : vector<1024x32xf32>
    %dot_general3A_15 = tpu.matmul %get3A_11, %get3A_14, %dot_general3A {dimension_numbers = #tpu.dot_dimension_numbers<[1], [0], [0], [1], [0, 0, 1, 1], [], []>, transpose_lhs_hint = false} : vector<1024x2xf32>, vector<2x32xf32>, vector<1024x32xf32> -> vector<1024x32xf32>
    %add3A_16 = arith.addf %add3A, %dot_general3A_15 : vector<1024x32xf32>
    %get3A_17 = arith.constant 0 : index
    %get3A_18 = arith.constant 0 : index
    %get3A_19 = vector.load %arg4[%get3A_17, %get3A_18] : memref<1x32xf32, #tpu.memory_space<vmem>>, vector<1x32xf32>
    %add3A_20 = vector.broadcast %get3A_19 : vector<1x32xf32> to vector<1024x32xf32>
    %add3A_21 = arith.addf %add3A_16, %add3A_20 : vector<1024x32xf32>
    %max3A = arith.constant 0.000000e+00 : f32
    %max3A_22 = vector.broadcast %max3A : f32 to vector<1024x32xf32>
    %max3A_23 = arith.maximumf %add3A_21, %max3A_22 : vector<1024x32xf32>
    %swap3A = arith.constant 0 : index
    %swap3A_24 = arith.constant 0 : index
    %swap3A_25 = vector.load %arg7[%swap3A, %swap3A_24] : memref<1024x32xf32, #tpu.memory_space<vmem>>, vector<1024x32xf32>
    tpu.vector_store %arg7[%swap3A, %swap3A_24], %max3A_23 {strides = array<i32>} : memref<1024x32xf32, #tpu.memory_space<vmem>>, vector<1024x32xf32>,
    return
  }
  func.func @transform_0(%arg0: i32) -> (i32, i32, i32) {
    %c0_i32 = arith.constant 0 : i32
    %c0_i32_0 = arith.constant 0 : i32
    %c0_i32_1 = arith.constant 0 : i32
    return %c0_i32, %arg0, %c0_i32_0 : i32, i32, i32
  }
  func.func @transform_1(%arg0: i32) -> (i32, i32) {
    %c0_i32 = arith.constant 0 : i32
    %c0_i32_0 = arith.constant 0 : i32
    return %arg0, %c0_i32 : i32, i32
  }
  func.func @transform_2(%arg0: i32) -> (i32, i32) {
    %c0_i32 = arith.constant 0 : i32
    %c0_i32_0 = arith.constant 0 : i32
    %c0_i32_1 = arith.constant 0 : i32
    return %c0_i32, %c0_i32_0 : i32, i32
  }
  func.func @transform_3(%arg0: i32) -> (i32, i32) {
    %c0_i32 = arith.constant 0 : i32
    %c0_i32_0 = arith.constant 0 : i32
    %c0_i32_1 = arith.constant 0 : i32
    return %c0_i32, %c0_i32_0 : i32, i32
  }
  func.func @transform_4(%arg0: i32) -> (i32, i32) {
    %c0_i32 = arith.constant 0 : i32
    %c0_i32_0 = arith.constant 0 : i32
    %c0_i32_1 = arith.constant 0 : i32
    return %c0_i32, %c0_i32_0 : i32, i32
  }
  func.func @transform_5(%arg0: i32) -> (i32, i32) {
    %c0_i32 = arith.constant 0 : i32
    %c0_i32_0 = arith.constant 0 : i32
    %c0_i32_1 = arith.constant 0 : i32
    return %c0_i32, %c0_i32_0 : i32, i32
  }
  func.func @transform_6(%arg0: i32) -> (i32, i32) {
    %c0_i32 = arith.constant 0 : i32
    %c0_i32_0 = arith.constant 0 : i32
    return %arg0, %c0_i32 : i32, i32
  }
}

module attributes {stable_mosaic.version = 14 : i64} {
  func.func @_msg_body(%arg0: i32, %arg1: memref<4096x2xf32, #tpu.memory_space<vmem>>, %arg2: memref<4096x32xf32, #tpu.memory_space<vmem>>, %arg3: memref<2x16xf32, #tpu.memory_space<vmem>>, %arg4: memref<1x16xf32, #tpu.memory_space<vmem>>, %arg5: memref<512x32xf32, #tpu.memory_space<vmem>>, %arg6: memref<32x32xf32, #tpu.memory_space<vmem>>, %arg7: memref<16x512xf32, #tpu.memory_space<vmem>>, %arg8: memref<32x512xf32, #tpu.memory_space<vmem>>, %arg9: memref<4096x32xf32, #tpu.memory_space<vmem>>) attributes {dimension_semantics = [#tpu.dimension_semantics<arbitrary>], iteration_bounds = array<i64: 40>, scalar_prefetch = 0 : i64, scratch_operands = 0 : i64, tpu.core_type = #tpu.core_type<tc>, window_params = [{transform_indices = @transform_0, window_bounds = array<i64: 4096, 2>}, {transform_indices = @transform_1, window_bounds = array<i64: 4096, 32>}, {pipeline_mode = #tpu.pipeline_mode<synchronous>, transform_indices = @transform_2, window_bounds = array<i64: 2, 16>}, {pipeline_mode = #tpu.pipeline_mode<synchronous>, transform_indices = @transform_3, window_bounds = array<i64: 1, 16>}, {pipeline_mode = #tpu.pipeline_mode<synchronous>, transform_indices = @transform_4, window_bounds = array<i64: 512, 32>}, {pipeline_mode = #tpu.pipeline_mode<synchronous>, transform_indices = @transform_5, window_bounds = array<i64: 32, 32>}, {pipeline_mode = #tpu.pipeline_mode<synchronous>, transform_indices = @transform_6, window_bounds = array<i64: 16, 512>}, {pipeline_mode = #tpu.pipeline_mode<synchronous>, transform_indices = @transform_7, window_bounds = array<i64: 32, 512>}, {transform_indices = @transform_8, window_bounds = array<i64: 4096, 32>}]} {
    %get3A = arith.constant 0 : index
    %get3A_0 = arith.constant 0 : index
    %get3A_1 = vector.load %arg1[%get3A, %get3A_0] : memref<4096x2xf32, #tpu.memory_space<vmem>>, vector<4096x2xf32>
    %get3A_2 = arith.constant 0 : index
    %get3A_3 = arith.constant 0 : index
    %get3A_4 = vector.load %arg3[%get3A_2, %get3A_3] : memref<2x16xf32, #tpu.memory_space<vmem>>, vector<2x16xf32>
    %dot_general3A = arith.constant dense<0.000000e+00> : vector<4096x16xf32>
    %dot_general3A_5 = tpu.matmul %get3A_1, %get3A_4, %dot_general3A {dimension_numbers = #tpu.dot_dimension_numbers<[1], [0], [0], [1], [0, 0, 1, 1], [], []>, transpose_lhs_hint = false} : vector<4096x2xf32>, vector<2x16xf32>, vector<4096x16xf32> -> vector<4096x16xf32>
    %get3A_6 = arith.constant 0 : index
    %get3A_7 = arith.constant 0 : index
    %get3A_8 = vector.load %arg4[%get3A_6, %get3A_7] : memref<1x16xf32, #tpu.memory_space<vmem>>, vector<1x16xf32>
    %add3A = vector.broadcast %get3A_8 : vector<1x16xf32> to vector<4096x16xf32>
    %add3A_9 = arith.addf %dot_general3A_5, %add3A : vector<4096x16xf32>
    %max3A = arith.constant 0.000000e+00 : f32
    %max3A_10 = vector.broadcast %max3A : f32 to vector<4096x16xf32>
    %max3A_11 = arith.maximumf %add3A_9, %max3A_10 : vector<4096x16xf32>
    %get3A_12 = arith.constant 0 : index
    %get3A_13 = arith.constant 0 : index
    %get3A_14 = vector.load %arg2[%get3A_12, %get3A_13] : memref<4096x32xf32, #tpu.memory_space<vmem>>, vector<4096x32xf32>
    %get3A_15 = arith.constant 0 : index
    %get3A_16 = arith.constant 0 : index
    %get3A_17 = vector.load %arg7[%get3A_15, %get3A_16] : memref<16x512xf32, #tpu.memory_space<vmem>>, vector<16x512xf32>
    %dot_general3A_18 = arith.constant dense<0.000000e+00> : vector<4096x512xf32>
    %dot_general3A_19 = tpu.matmul %max3A_11, %get3A_17, %dot_general3A_18 {dimension_numbers = #tpu.dot_dimension_numbers<[1], [0], [0], [1], [0, 0, 1, 1], [], []>, transpose_lhs_hint = false} : vector<4096x16xf32>, vector<16x512xf32>, vector<4096x512xf32> -> vector<4096x512xf32>
    %get3A_20 = arith.constant 0 : index
    %get3A_21 = arith.constant 0 : index
    %get3A_22 = vector.load %arg8[%get3A_20, %get3A_21] : memref<32x512xf32, #tpu.memory_space<vmem>>, vector<32x512xf32>
    %dot_general3A_23 = arith.constant dense<0.000000e+00> : vector<4096x512xf32>
    %dot_general3A_24 = tpu.matmul %get3A_14, %get3A_22, %dot_general3A_23 {dimension_numbers = #tpu.dot_dimension_numbers<[1], [0], [0], [1], [0, 0, 1, 1], [], []>, transpose_lhs_hint = false} : vector<4096x32xf32>, vector<32x512xf32>, vector<4096x512xf32> -> vector<4096x512xf32>
    %mul3A = arith.mulf %dot_general3A_19, %dot_general3A_24 : vector<4096x512xf32>
    %get3A_25 = arith.constant 0 : index
    %get3A_26 = arith.constant 0 : index
    %get3A_27 = vector.load %arg5[%get3A_25, %get3A_26] : memref<512x32xf32, #tpu.memory_space<vmem>>, vector<512x32xf32>
    %dot_general3A_28 = arith.constant dense<0.000000e+00> : vector<4096x32xf32>
    %dot_general3A_29 = tpu.matmul %mul3A, %get3A_27, %dot_general3A_28 {dimension_numbers = #tpu.dot_dimension_numbers<[1], [0], [0], [1], [0, 0, 1, 1], [], []>, transpose_lhs_hint = false} : vector<4096x512xf32>, vector<512x32xf32>, vector<4096x32xf32> -> vector<4096x32xf32>
    %get3A_30 = arith.constant 0 : index
    %get3A_31 = arith.constant 0 : index
    %get3A_32 = vector.load %arg6[%get3A_30, %get3A_31] : memref<32x32xf32, #tpu.memory_space<vmem>>, vector<32x32xf32>
    %dot_general3A_33 = arith.constant dense<0.000000e+00> : vector<4096x32xf32>
    %dot_general3A_34 = tpu.matmul %get3A_14, %get3A_32, %dot_general3A_33 {dimension_numbers = #tpu.dot_dimension_numbers<[1], [0], [0], [1], [0, 0, 1, 1], [], []>, transpose_lhs_hint = false} : vector<4096x32xf32>, vector<32x32xf32>, vector<4096x32xf32> -> vector<4096x32xf32>
    %add3A_35 = arith.addf %dot_general3A_29, %dot_general3A_34 : vector<4096x32xf32>
    %swap3A = arith.constant 0 : index
    %swap3A_36 = arith.constant 0 : index
    %swap3A_37 = vector.load %arg9[%swap3A, %swap3A_36] : memref<4096x32xf32, #tpu.memory_space<vmem>>, vector<4096x32xf32>
    tpu.vector_store %arg9[%swap3A, %swap3A_36], %add3A_35 {strides = array<i32>} : memref<4096x32xf32, #tpu.memory_space<vmem>>, vector<4096x32xf32>,
    return
  }
  func.func @transform_0(%arg0: i32) -> (i32, i32) {
    %c0_i32 = arith.constant 0 : i32
    %c0_i32_0 = arith.constant 0 : i32
    return %arg0, %c0_i32 : i32, i32
  }
  func.func @transform_1(%arg0: i32) -> (i32, i32) {
    %c0_i32 = arith.constant 0 : i32
    %c0_i32_0 = arith.constant 0 : i32
    return %arg0, %c0_i32 : i32, i32
  }
  func.func @transform_2(%arg0: i32) -> (i32, i32) {
    %c0_i32 = arith.constant 0 : i32
    %c0_i32_0 = arith.constant 0 : i32
    %c0_i32_1 = arith.constant 0 : i32
    return %c0_i32, %c0_i32_0 : i32, i32
  }
  func.func @transform_3(%arg0: i32) -> (i32, i32) {
    %c0_i32 = arith.constant 0 : i32
    %c0_i32_0 = arith.constant 0 : i32
    %c0_i32_1 = arith.constant 0 : i32
    return %c0_i32, %c0_i32_0 : i32, i32
  }
  func.func @transform_4(%arg0: i32) -> (i32, i32) {
    %c0_i32 = arith.constant 0 : i32
    %c0_i32_0 = arith.constant 0 : i32
    %c0_i32_1 = arith.constant 0 : i32
    return %c0_i32, %c0_i32_0 : i32, i32
  }
  func.func @transform_5(%arg0: i32) -> (i32, i32) {
    %c0_i32 = arith.constant 0 : i32
    %c0_i32_0 = arith.constant 0 : i32
    %c0_i32_1 = arith.constant 0 : i32
    return %c0_i32, %c0_i32_0 : i32, i32
  }
  func.func @transform_6(%arg0: i32) -> (i32, i32) {
    %c0_i32 = arith.constant 0 : i32
    %c0_i32_0 = arith.constant 0 : i32
    %c0_i32_1 = arith.constant 0 : i32
    return %c0_i32, %c0_i32_0 : i32, i32
  }
  func.func @transform_7(%arg0: i32) -> (i32, i32) {
    %c0_i32 = arith.constant 0 : i32
    %c0_i32_0 = arith.constant 0 : i32
    %c0_i32_1 = arith.constant 0 : i32
    return %c0_i32, %c0_i32_0 : i32, i32
  }
  func.func @transform_8(%arg0: i32) -> (i32, i32) {
    %c0_i32 = arith.constant 0 : i32
    %c0_i32_0 = arith.constant 0 : i32
    return %arg0, %c0_i32 : i32, i32
  }
}

module attributes {stable_mosaic.version = 14 : i64} {
  func.func @_node_body(%arg0: i32, %arg1: memref<2x1024x32xf32, #tpu.memory_space<vmem>>, %arg2: memref<1024x32xf32, #tpu.memory_space<vmem>>, %arg3: memref<32x32xf32, #tpu.memory_space<vmem>>, %arg4: memref<1x32xf32, #tpu.memory_space<vmem>>, %arg5: memref<32x1xf32, #tpu.memory_space<vmem>>, %arg6: memref<1x1xf32, #tpu.memory_space<vmem>>, %arg7: memref<1024x1xf32, #tpu.memory_space<vmem>>) attributes {dimension_semantics = [#tpu.dimension_semantics<arbitrary>], iteration_bounds = array<i64: 10>, scalar_prefetch = 0 : i64, scratch_operands = 0 : i64, tpu.core_type = #tpu.core_type<tc>, window_params = [{transform_indices = @transform_0, window_bounds = array<i64: 2, 1024, 32>}, {transform_indices = @transform_1, window_bounds = array<i64: 1024, 32>}, {pipeline_mode = #tpu.pipeline_mode<synchronous>, transform_indices = @transform_2, window_bounds = array<i64: 32, 32>}, {pipeline_mode = #tpu.pipeline_mode<synchronous>, transform_indices = @transform_3, window_bounds = array<i64: 1, 32>}, {pipeline_mode = #tpu.pipeline_mode<synchronous>, transform_indices = @transform_4, window_bounds = array<i64: 32, 1>}, {pipeline_mode = #tpu.pipeline_mode<synchronous>, transform_indices = @transform_5, window_bounds = array<i64: 1, 1>}, {transform_indices = @transform_6, window_bounds = array<i64: 1024, 1>}]} {
    %get3A = arith.constant 0 : index
    %get3A_0 = arith.constant 0 : index
    %get3A_1 = arith.constant 0 : index
    %get3A_2 = vector.load %arg1[%get3A, %get3A_0, %get3A_1] : memref<2x1024x32xf32, #tpu.memory_space<vmem>>, vector<1x1024x32xf32>
    %get3A_3 = vector.shape_cast %get3A_2 : vector<1x1024x32xf32> to vector<1024x32xf32>
    %get3A_4 = arith.constant 1 : index
    %get3A_5 = arith.constant 0 : index
    %get3A_6 = arith.constant 0 : index
    %get3A_7 = vector.load %arg1[%get3A_4, %get3A_5, %get3A_6] : memref<2x1024x32xf32, #tpu.memory_space<vmem>>, vector<1x1024x32xf32>
    %get3A_8 = vector.shape_cast %get3A_7 : vector<1x1024x32xf32> to vector<1024x32xf32>
    %add3A = arith.addf %get3A_3, %get3A_8 : vector<1024x32xf32>
    %get3A_9 = arith.constant 0 : index
    %get3A_10 = arith.constant 0 : index
    %get3A_11 = vector.load %arg2[%get3A_9, %get3A_10] : memref<1024x32xf32, #tpu.memory_space<vmem>>, vector<1024x32xf32>
    %get3A_12 = arith.constant 0 : index
    %get3A_13 = arith.constant 0 : index
    %get3A_14 = vector.load %arg3[%get3A_12, %get3A_13] : memref<32x32xf32, #tpu.memory_space<vmem>>, vector<32x32xf32>
    %dot_general3A = arith.constant dense<0.000000e+00> : vector<1024x32xf32>
    %dot_general3A_15 = tpu.matmul %get3A_11, %get3A_14, %dot_general3A {dimension_numbers = #tpu.dot_dimension_numbers<[1], [0], [0], [1], [0, 0, 1, 1], [], []>, transpose_lhs_hint = false} : vector<1024x32xf32>, vector<32x32xf32>, vector<1024x32xf32> -> vector<1024x32xf32>
    %add3A_16 = arith.addf %add3A, %dot_general3A_15 : vector<1024x32xf32>
    %get3A_17 = arith.constant 0 : index
    %get3A_18 = arith.constant 0 : index
    %get3A_19 = vector.load %arg4[%get3A_17, %get3A_18] : memref<1x32xf32, #tpu.memory_space<vmem>>, vector<1x32xf32>
    %add3A_20 = vector.broadcast %get3A_19 : vector<1x32xf32> to vector<1024x32xf32>
    %add3A_21 = arith.addf %add3A_16, %add3A_20 : vector<1024x32xf32>
    %max3A = arith.constant 0.000000e+00 : f32
    %max3A_22 = vector.broadcast %max3A : f32 to vector<1024x32xf32>
    %max3A_23 = arith.maximumf %add3A_21, %max3A_22 : vector<1024x32xf32>
    %get3A_24 = arith.constant 0 : index
    %get3A_25 = arith.constant 0 : index
    %get3A_26 = vector.load %arg5[%get3A_24, %get3A_25] : memref<32x1xf32, #tpu.memory_space<vmem>>, vector<32x1xf32>
    %dot_general3A_27 = arith.constant dense<0.000000e+00> : vector<1024x1xf32>
    %dot_general3A_28 = tpu.matmul %max3A_23, %get3A_26, %dot_general3A_27 {dimension_numbers = #tpu.dot_dimension_numbers<[1], [0], [0], [1], [0, 0, 1, 1], [], []>, transpose_lhs_hint = false} : vector<1024x32xf32>, vector<32x1xf32>, vector<1024x1xf32> -> vector<1024x1xf32>
    %get3A_29 = arith.constant 0 : index
    %get3A_30 = arith.constant 0 : index
    %get3A_31 = vector.load %arg6[%get3A_29, %get3A_30] : memref<1x1xf32, #tpu.memory_space<vmem>>, vector<1x1xf32>
    %add3A_32 = vector.broadcast %get3A_31 : vector<1x1xf32> to vector<1024x1xf32>
    %add3A_33 = arith.addf %dot_general3A_28, %add3A_32 : vector<1024x1xf32>
    %swap3A = arith.constant 0 : index
    %swap3A_34 = arith.constant 0 : index
    %swap3A_35 = vector.load %arg7[%swap3A, %swap3A_34] : memref<1024x1xf32, #tpu.memory_space<vmem>>, vector<1024x1xf32>
    tpu.vector_store %arg7[%swap3A, %swap3A_34], %add3A_33 {strides = array<i32>} : memref<1024x1xf32, #tpu.memory_space<vmem>>, vector<1024x1xf32>,
    return
  }
  func.func @transform_0(%arg0: i32) -> (i32, i32, i32) {
    %c0_i32 = arith.constant 0 : i32
    %c0_i32_0 = arith.constant 0 : i32
    %c0_i32_1 = arith.constant 0 : i32
    return %c0_i32, %arg0, %c0_i32_0 : i32, i32, i32
  }
  func.func @transform_1(%arg0: i32) -> (i32, i32) {
    %c0_i32 = arith.constant 0 : i32
    %c0_i32_0 = arith.constant 0 : i32
    return %arg0, %c0_i32 : i32, i32
  }
  func.func @transform_2(%arg0: i32) -> (i32, i32) {
    %c0_i32 = arith.constant 0 : i32
    %c0_i32_0 = arith.constant 0 : i32
    %c0_i32_1 = arith.constant 0 : i32
    return %c0_i32, %c0_i32_0 : i32, i32
  }
  func.func @transform_3(%arg0: i32) -> (i32, i32) {
    %c0_i32 = arith.constant 0 : i32
    %c0_i32_0 = arith.constant 0 : i32
    %c0_i32_1 = arith.constant 0 : i32
    return %c0_i32, %c0_i32_0 : i32, i32
  }
  func.func @transform_4(%arg0: i32) -> (i32, i32) {
    %c0_i32 = arith.constant 0 : i32
    %c0_i32_0 = arith.constant 0 : i32
    %c0_i32_1 = arith.constant 0 : i32
    return %c0_i32, %c0_i32_0 : i32, i32
  }
  func.func @transform_5(%arg0: i32) -> (i32, i32) {
    %c0_i32 = arith.constant 0 : i32
    %c0_i32_0 = arith.constant 0 : i32
    %c0_i32_1 = arith.constant 0 : i32
    return %c0_i32, %c0_i32_0 : i32, i32
  }
  func.func @transform_6(%arg0: i32) -> (i32, i32) {
    %c0_i32 = arith.constant 0 : i32
    %c0_i32_0 = arith.constant 0 : i32
    return %arg0, %c0_i32 : i32, i32
  }
}

</mosaic_0001>

<sc_bundles>
// kernel: kernel.10.cloned.1.call-start
scs
__scs_entry_jumppad:
0x0: {  	(pc) =	sbr.rel $0x88, $3  }
0x1: {  	(tag) =	ssettag $0x0;
	lr =	simm.s32 $0x1  }
0x2: {  	[smem:$0x3F90] =	sst lr;
	_ =	strace $0xD0000000  }
0x3: {  	_ = 	snop  }
0x4: {  	_ = 	snop  }
0x5: {  	_ = 	snop  }
0x6: {  	_ = 	snop  }
0x7: {  	_ = 	snop  }
__scs_overlays_trampoline_lowered:
0x8: {  	[smem:$0x3F9F] =	sst s0  }
0x9: {  	[smem:$0x3FA0] =	sst s1  }
0xa: {  	[smem:$0x3FA1] =	sst s2  }
0xb: {  	[smem:$0x3FA2] =	sst s3  }
0xc: {  	[smem:$0x3FA3] =	sst s4  }
0xd: {  	[smem:$0x3FA4] =	sst s5  }
0xe: {  	[smem:$0x3FA5] =	sst s6  }
0xf: {  	[smem:$0x3FA6] =	sst s7  }
0x10: {  	[smem:$0x3FA7] =	sst s8  }
0x11: {  	[smem:$0x3FA8] =	sst s9;
	s0 =	simm.s32 @!p0 $0x0  }
0x12: {  	s1 =	sld [smem:$0x3F8E];
	s0 =	simm.s32 @p0 $0x1  }
0x13: {  	[smem:$0x3FA9] =	sst s0;
	s0 =	simm.s32 @!p1 $0x0  }
0x14: {  	s2 =	sld [smem:$0x3F8D];
	s0 =	simm.s32 @p1 $0x1  }
0x15: {  	[smem:$0x3FAA] =	sst s0;
	s0 =	simm.s32 @!p2 $0x0  }
0x16: {  	s3 =	sld [smem:$0x3FDB];
	s0 =	simm.s32 @p2 $0x1  }
0x17: {  	s4 =	simm.s32 $0x1BF5;
	[smem:$0x3FAC] =	sst s0  }
0x18: {  	s0 =	sld [smem:$0x3F8F];
	_ =	swait.ge [sflag:s4], $0x0  }
0x19: {  	s7 =	sld [smem:$0x3F90]  }
0x1a: {  	s8 =	sadd.s32 $0xFFFFE003, lr  }
0x1b: {  	s9 =	sadd.s32 $0xFFFFFEF7, lr;
	s5 =	simm.s32 $0xFFFFFFFF;
	p2 =	slt.u32 s8, $0xFFFFF086  }
0x1c: {  	p1 =	slt.u32 s9, $0xF7A;
	s5 =	simm.s32 @!p2 $0x0  }
0x1d: {  	s5 =	simm.s32 @p1 $0x1;
	p0 =	seq.s32 s7, s2  }
0x1e: {  	s7 =	smul.u32 @!p0 $0xF7A, s2;
	p2 =	seq.s32 @!p0 s5, $0x0  }
0x1f: {  	s9 =	smul.u32 $0xF7A, s1;
	s8 =	simm.s32 @!p0 $0x1BF5;
	p2 =	por !p2, p0  }
0x20: {  	[sflag:s8] =	ssyncset.s32 @!p0 $0xFFFFF086;
	s6 =	sadd.s32 @!p0 s3, s7;
	s7 =	simm.s32 @!p0 $0x108  }
0x21: {  	s3 =	sadd.s32 s3, s9;
	s6 =	sadd.s32 @!p0 $0x88, s6;
	s7 =	simm.s32 @p2 $0x1082  }
0x22: {  	[simem:s7], [sflag:s8] =	dma.local @!p0 [hbm:s6], $0xF7A  }
0x23: {  	s9 =	sor.u32 $0xD0000000, s2;
	s6 =	simm.s32 $0x108;
	_ =	swait.ge @!p0 [sflag:s8], $0x0  }
0x24: {  	s3 =	sadd.s32 $0x88, s3;
	s6 =	simm.s32 @!p1 $0x1082;
	[sflag:s4] =	ssyncset.s32 $0xFFFFF086  }
0x25: {  	[simem:s6], [sflag:s4] =	dma.local [hbm:s3], $0xF7A  }
0x26: {  	[smem:$0x3F90] =	sst s1;
	(tag) =	ssettag s2;
	_ =	strace s9  }
0x27: {  	s1 =	sld [smem:$0x3FA0]  }
0x28: {  	s2 =	sld [smem:$0x3FA1]  }
0x29: {  	s4 =	sld [smem:$0x3FA3]  }
0x2a: {  	p0 =	seq.s32 s5, $0x0;
	s5 =	sld [smem:$0x3FA4]  }
0x2b: {  	s6 =	sld [smem:$0x3FA5]  }
0x2c: {  	s7 =	sld [smem:$0x3FA6]  }
0x2d: {  	s3 =	simm.s32 $0x108;
	s8 =	sld [smem:$0x3FA7]  }
0x2e: {  	s3 =	simm.s32 @!p0 $0x1082;
	s9 =	sld [smem:$0x3FA8]  }
0x2f: {  	lr =	sadd.s32 s0, s3;
	s0 =	sld [smem:$0x3F9F]  }
0x30: {  	s3 =	sld [smem:$0x3FA2]  }
0x31: {  	[smem:$0x3FAB] =	sst s10  }
0x32: {  	s10 =	sld [smem:$0x3FA9];
	_ =	sdelay $0x3  }
0x33: {  	p0 =	seq.s32 s10, $0x1;
	s10 =	sld [smem:$0x3FAB];
	_ =	sdelay $0x3  }
0x34: {  	[smem:$0x3FAB] =	sst s10  }
0x35: {  	s10 =	sld [smem:$0x3FAA];
	_ =	sdelay $0x3  }
0x36: {  	p1 =	seq.s32 s10, $0x1;
	s10 =	sld [smem:$0x3FAB];
	_ =	sdelay $0x3  }
0x37: {  	[smem:$0x3FAB] =	sst s10  }
0x38: {  	s10 =	sld [smem:$0x3FAC]  }
0x39: {  	_ = 	snop;
	(pc) =	sbr.ind lr, $3  }
0x3a: {  	_ = 	snop  }
0x3b: {  	_ = 	snop  }
0x3c: {  	p2 =	seq.s32 s10, $0x1;
	s10 =	sld [smem:$0x3FAB]  }
0x3d: {  	_ =	shalt  }
0x3e: {  	_ =	shalt  }
0x3f: {  	_ =	shalt  }
0x40: {  	_ =	shalt  }
0x41: {  	_ =	shalt  }
0x42: {  	_ =	shalt  }
0x43: {  	_ =	shalt  }
0x44: {  	_ =	shalt  }
0x45: {  	_ =	shalt  }
0x46: {  	_ =	shalt  }
0x47: {  	_ =	shalt  }
0x48: {  	_ =	shalt  }
0x49: {  	_ =	shalt  }
0x4a: {  	_ =	shalt  }
0x4b: {  	_ =	shalt  }
0x4c: {  	_ =	shalt  }
0x4d: {  	_ =	shalt  }
0x4e: {  	_ =	shalt  }
0x4f: {  	_ =	shalt  }
0x50: {  	_ =	shalt  }
0x51: {  	_ =	shalt  }
0x52: {  	_ =	shalt  }
0x53: {  	_ =	shalt  }
0x54: {  	_ =	shalt  }
0x55: {  	_ =	shalt  }
0x56: {  	_ =	shalt  }
0x57: {  	_ =	shalt  }
0x58: {  	_ =	shalt  }
0x59: {  	_ =	shalt  }
0x5a: {  	_ =	shalt  }
0x5b: {  	_ =	shalt  }
0x5c: {  	_ =	shalt  }
0x5d: {  	_ =	shalt  }
0x5e: {  	_ =	shalt  }
0x5f: {  	_ =	shalt  }
0x60: {  	_ =	shalt  }
0x61: {  	_ =	shalt  }
0x62: {  	_ =	shalt  }
0x63: {  	_ =	shalt  }
0x64: {  	_ =	shalt  }
0x65: {  	_ =	shalt  }
0x66: {  	_ =	shalt  }
0x67: {  	_ =	shalt  }
0x68: {  	_ =	shalt  }
0x69: {  	_ =	shalt  }
0x6a: {  	_ =	shalt  }
0x6b: {  	_ =	shalt  }
0x6c: {  	_ =	shalt  }
0x6d: {  	_ =	shalt  }
0x6e: {  	_ =	shalt  }
0x6f: {  	_ =	shalt  }
0x70: {  	_ =	shalt  }
0x71: {  	_ =	shalt  }
0x72: {  	_ =	shalt  }
0x73: {  	_ =	shalt  }
0x74: {  	_ =	shalt  }
0x75: {  	_ =	shalt  }
0x76: {  	_ =	shalt  }
0x77: {  	_ =	shalt  }
0x78: {  	_ =	shalt  }
0x79: {  	_ =	shalt  }
0x7a: {  	_ =	shalt  }
0x7b: {  	_ =	shalt  }
0x7c: {  	_ =	shalt  }
0x7d: {  	_ =	shalt  }
0x7e: {  	_ =	shalt  }
0x7f: {  	_ =	shalt  }
0x80: {  	_ =	shalt  }
0x81: {  	_ =	shalt  }
0x82: {  	_ =	shalt  }
0x83: {  	_ =	shalt  }
0x84: {  	_ =	shalt  }
0x85: {  	_ =	shalt  }
0x86: {  	_ =	shalt  }
0x87: {  	_ =	shalt  }
.Lfunc_end0:
.L_simem_size_0:
called_computation_lowered:
.L_overlay_start_0:
0x88: {  	s2 =	sld [smem:$0x3FD9]  }
0x89: {  	s3 =	sld [smem:$0x3FFE];
	_ =	sdelay $0x1  }
0x8a: {  	s1 =	srdreg.scid  }
0x8b: {  	s0 =	sand.u32 $0x1, s1  }
0x8c: {  	s16 =	sshll.u32 s0, $0xA;
	s2 =	sadd.s32 s3, s2  }
0x8d: {  	s2 =	sadd.s32 s2, s16  }
0x8e: {  	[smem:$0x3FB7] =	sst s2  }
0x8f: {  	_ = 	snop  }
0x90: {  	(tm) =	ssettm $0x1  }
0x91: {  	s17 =	sld [smem:$0x3FFB];
	_ =	sdelay $0x3  }
0x92: {  	_ =	strace s17  }
0x93: {  	s2 =	sld [smem:$0x3FFC];
	_ =	sdelay $0x3  }
0x94: {  	_ =	strace s2  }
0x95: {  	s2 =	sld [smem:$0x3FFD];
	_ =	sdelay $0x3  }
0x96: {  	_ =	strace s2  }
0x97: {  	_ =	strace $0x8FFFFFFF  }
0x98: {  	s18 =	sld [smem:$0x3FDB];
	_ =	sdelay $0x1  }
0x99: {  	s19 =	simm.s32 $_scs_section_size  }
0x9a: {  	s4 =	simm.s32 $_size__tile_overlayer_lowered;
	s5 =	simm.s32 $_tile_overlayer_lowered  }
0x9b: {  	s22 =	simm.s32 $0x1BFF;
	s21 =	sshll.u32 s5, $0x1;
	s2 =	sadd.s32 s19, s18  }
0x9c: {  	s6 =	simm.s32 $0x0;
	s20 =	sshll.u32 s4, $0x1;
	s4 =	sadd.s32 s21, s2  }
0x9d: {  	[timem:s6], [sflag:s22] =	dma.local [hbm:s4], s20  }
0x9e: {  	_ =	swait.ge [sflag:s22], s20  }
0x9f: {  	s3 =	ssub.s32 $0x0, s20;
	[sflag:s22] =	ssyncset.done $0x0  }
0xa0: {  	[sflag:s22] =	ssyncadd.s32 s3;
	_ =	sdelay $0x1  }
0xa1: {  	s23 =	simm.s32 $0x1B8B  }
0xa2: {  	_ =	swait.ge [sflag:s23], $0x1  }
0xa3: {  	[sflag:s23] =	ssyncset.done $0x0  }
0xa4: {  	s25 =	simm.s32 $0x1B8E;
	s24 =	sld [smem:$0x3FFE];
	[sflag:s23] =	ssyncadd.s32 $0xFFFFFFFF  }
0xa5: {  	s26 =	simm.s32 $execute0_lowered;
	[smem:$0x3FD2] =	sst s25  }
0xa6: {  	s4 =	sshll.u32 s26, $0x1;
	_ =	strace $0x80000046;
	[dreg:$0x1] =	wrdreg $0xFFFFFFFF  }
0xa7: {  	s28 =	simm.s32 $_size_execute0_lowered;
	s2 =	sadd.s32 s2, s4;
	[dreg:$0x0] =	wrdreg $0x0  }
0xa8: {  	s4 =	sshll.u32 s28, $0x1;
	[dreg:$0x2] =	wrdreg s2  }
0xa9: {  	[dreg:$0x3] =	wrdreg s4  }
0xaa: {  	[dreg:$0x4] =	wrdreg $0xC0  }
0xab: {  	_ =	task [dreg:s6], $0x5FFFF  }
0xac: {  	[dreg:$0x1] =	wrdreg $0xFFFFFFFF  }
0xad: {  	[dreg:$0x0] =	wrdreg $0x60  }
0xae: {  	[dreg:$0x2] =	wrdreg s24  }
0xaf: {  	[dreg:$0x3] =	wrdreg $0x9  }
0xb0: {  	_ =	task.clear_ibuf [dreg:s6], $0x4FFFF;
	_ =	strace $0x90000046  }
0xb1: {  	s29 =	simm.s32 $0x9;
	_ =	strace $0x80000048  }
0xb2: {  	_ =	swait.ge [sflag:s29], $0x1  }
0xb3: {  	[sflag:s29] =	ssyncadd.s32 $0xFFFFFFFF  }
0xb4: {  	_ =	strace $0x90000048  }
0xb5: {  	_ =	sfence  }
0xb6: {  	s30 =	sld [smem:$0x0];
	_ =	sdelay $0x2  }
0xb7: {  	s31 =	sshll.u32 s1, $0xD;
	s1 =	sshrl.u32 s1, $0x2  }
0xb8: {  	s3 =	sand.u32 $0x4000, s31;
	s1 =	sadd.s32 s1, s30  }
0xb9: {  	s0 =	sor.u32 s3, s0;
	s1 =	sshll.u32 s1, $0x11  }
0xba: {  	s0 =	sor.u32 s1, s0  }
0xbb: {  	s0 =	sadd.s32 $0x8F2B, s0  }
0xbc: {  	[sflag:s0] =	ssyncadd.remote.s32 $0x1  }
0xbd: {  	_ =	sfence.sel $0xFFFF  }
0xbe: {  	[dreg:$0x0] =	wrdreg $0xFFFFFFFF;
	(pc) =	sbr.abs _section_cstart, $3  }
0xbf: {  	[dreg:$0x1] =	wrdreg $0xFFFFFFFF  }
0xc0: {  	_ =	task.clear_ibuf [dreg:s6], $0x2FFFF;
	_ =	strace $0x9FFFFFFF  }
0xc1: {  	(tm) =	ssettm $0x7FFFFFFF  }
tec
execute0_lowered:
.L_overlay_start_1:
0x0: {  	(tag) =	ssettag $0x1  }
0x1: {  	s3 =	rddreg [dreg:$0x0];
	s2 =	simm.s32 $0x0  }
0x2: {  	s26 =	simm.s32 $0x100;
	[smem:$0x7FF] =	sst s2  }
0x3: {  	s7 =	simm.s32 $0x300;
	_ =	strace $0x80000047;
	[dreg:$0x7] =	wrdreg s26  }
0x4: {  	s8 =	simm.s32 $0x380;
	[dreg:$0xb] =	wrdreg s7  }
0x5: {  	s9 =	simm.s32 $0x400;
	[dreg:$0xc] =	wrdreg s8  }
0x6: {  	s0 =	srdreg.scid;
	s10 =	simm.s32 $0x480;
	[dreg:$0xd] =	wrdreg s9  }
0x7: {  	s19 =	stileid.u32;
	s11 =	simm.s32 $0x500;
	[dreg:$0xe] =	wrdreg s10  }
0x8: {  	s12 =	simm.s32 $0x580;
	s13 =	simm.s32 $0x600;
	[dreg:$0xf] =	wrdreg s11  }
0x9: {  	s14 =	simm.s32 $0x680;
	s15 =	simm.s32 $0x700;
	[dreg:$0x10] =	wrdreg s12  }
0xa: {  	s17 =	simm.s32 $0x780;
	s18 =	simm.s32 $0x800;
	[dreg:$0x11] =	wrdreg s13  }
0xb: {  	s20 =	simm.s32 $0x880;
	s31 =	simm.s32 $0x4;
	[dreg:$0x12] =	wrdreg s14  }
0xc: {  	s21 =	simm.s32 $0x900;
	s28 =	simm.s32 $0x3000;
	[dreg:$0x13] =	wrdreg s15  }
0xd: {  	s29 =	simm.s32 $0x3400;
	s30 =	simm.s32 $0x3800;
	[dreg:$0x14] =	wrdreg s17  }
0xe: {  	p0 =	por $0x0, $0x0;
	s0 =	sand.u32 $0x1, s0;
	[dreg:$0x15] =	wrdreg s18  }
0xf: {  	s6 =	sadd.s32 $0x31600, s3;
	s1 =	sshll.u32 s0, $0x4;
	[dreg:$0x16] =	wrdreg s20  }
0x10: {  	s0 =	ssub.s32 $0x2, s0;
	[dreg:$0x17] =	wrdreg s21;
	s26 =	simm.s32 $0xB80  }
0x11: {  	s7 =	simm.s32 $0x1400;
	s8 =	simm.s32 $0xD00;
	[dreg:$0x1c] =	wrdreg s26  }
0x12: {  	s21 =	simm.s32 $0x1800;
	s9 =	simm.s32 $0xD80;
	[dreg:$0x1f] =	wrdreg s8  }
0x13: {  	s10 =	simm.s32 $0xE00;
	s11 =	simm.s32 $0xE80;
	[smem:$0x7F3] =	sst s9  }
0x14: {  	s12 =	simm.s32 $0xF00;
	s13 =	simm.s32 $0xF80;
	[smem:$0x7F4] =	sst s10  }
0x15: {  	s14 =	simm.s32 $0x1000;
	s15 =	simm.s32 $0x1080;
	[smem:$0x7F5] =	sst s11  }
0x16: {  	s17 =	simm.s32 $0x1180;
	s18 =	simm.s32 $0x1200;
	[smem:$0x7F6] =	sst s12  }
0x17: {  	s20 =	simm.s32 $0x1280;
	s1 =	sor.u32 s19, s1;
	[smem:$0x7F7] =	sst s13  }
0x18: {  	s16 =	sshrl.u32 s0, $0x1;
	s26 =	simm.s32 $0x2C00;
	[smem:$0x7F8] =	sst s14  }
0x19: {  	s10 =	simm.s32 $0x4000;
	s11 =	simm.s32 $0x4400;
	[smem:$0x7F9] =	sst s15  }
0x1a: {  	s12 =	simm.s32 $0x4800;
	s13 =	simm.s32 $0x4C00;
	[smem:$0x7FB] =	sst s17  }
0x1b: {  	s14 =	simm.s32 $0x5000;
	[smem:$0x7FC] =	sst s18;
	s4 =	smul.u32 $0x280, s1  }
0x1c: {  	s15 =	simm.s32 $0x5400;
	[smem:$0x7FD] =	sst s20;
	s5 =	smul.u32 $0xA000, s1  }
0x1d: {  	s17 =	simm.s32 $0x5C00;
	s18 =	simm.s32 $0x6000;
	s1 =	smul.u32 $0x1400, s1  }
0x1e: {  	s9 =	simm.s32 $0x2;
	s0 =	ssub.s32 s0, s16;
	s16 =	simm.s32 $0x1100  }
0x1f: {  	[smem:$0x7FA] =	sst s16;
	s4 =	sadd.s32 s4, s3;
	s1 =	sadd.s32 s6, s1  }
0x20: {  	s5 =	sshrl.u32 s5, $0x3;
	s4 =	sadd.s32 $0x2C600, s4;
	[dreg:$0x3] =	wrdreg s1  }
0x21: {  	s22 =	sadd.s32 s6, s5;
	s5 =	simm.s32 $0x200;
	[dreg:$0x2] =	wrdreg s4  }
0x22: {  	s8 =	simm.s32 $0x3;
	s6 =	simm.s32 $0x280;
	[dreg:$0x9] =	wrdreg s5  }
0x23: {  	s20 =	simm.s32 $0x1380;
	s23 =	sadd.s32 $0x500, s22;
	[dreg:$0xa] =	wrdreg s6  }
0x24: {  	s16 =	simm.s32 $0x5800;
	s24 =	sadd.s32 $0xA00, s22;
	[dreg:$0x4] =	wrdreg s23  }
0x25: {  	s3 =	sadd.s32 $0x29E00, s3;
	s25 =	sadd.s32 $0xF00, s22;
	[dreg:$0x5] =	wrdreg s24  }
0x26: {  	s1 =	smax.u32 s0, $0x1;
	s4 =	simm.s32 $0x180;
	[dreg:$0x6] =	wrdreg s25  }
0x27: {  	s22 =	simm.s32 $0x980;
	s5 =	simm.s32 $0xC00;
	[dreg:$0x8] =	wrdreg s4  }
0x28: {  	s6 =	simm.s32 $0xC80;
	p1 =	sne.s32 s1, $0x1;
	[dreg:$0x18] =	wrdreg s22  }
0x29: {  	s1 =	sadd.s32 $0xFFFFFFFF, s1;
	s4 =	simm.s32 $0x80;
	[dreg:$0x1d] =	wrdreg s5  }
.Ltmp0:
0x2a: {  	s23 =	simm.s32 $0xA00;
	[dreg:$0x1e] =	wrdreg s6;
	(pc) =	sbr.rel @!p1 .LBB2_1-.Ltmp0, $4  }
0x2b: {  	s24 =	simm.s32 $0xA80;
	s22 =	simm.s32 $0x1C00;
	s0 =	rddreg [dreg:$0x2]  }
0x2c: {  	s25 =	simm.s32 $0xB00;
	s5 =	simm.s32 $0x1;
	[dreg:$0x19] =	wrdreg s23  }
0x2d: {  	s6 =	simm.s32 $0x3C00;
	[dreg:$0x1a] =	wrdreg s24;
	s23 =	simm.s32 $0x2000  }
0x2e: {  	[dreg:$0x1b] =	wrdreg s25;
	s24 =	simm.s32 $0x2400;
	s25 =	simm.s32 $0x2800  }
0x2f: {  	[tilespmem:s2], [sflag:$0x4] =	stream.linear.gather [hbm4b:s0+s2], $0x1400, $0x38;
	[tilespmem:$0x6400] =	vst v63  }
0x30: {  	_ =	swait.ge [sflag:s31], $0x1400  }
0x31: {  	[sflag:s31] =	ssyncset.done $0x0  }
0x32: {  	[sflag:s31] =	ssyncadd.s32 $0xFFFFEC00  }
0x33: {  	[tilespmem:s7], [sflag:$0x1] =	stream.indirect.gather [hbm4b:s3+s4], $0x8, s2, s4, $0xb8;
	[tilespmem:$0x6400] =	vst v63  }
0x34: {  	_ = 	snop  }
0x35: {  	[tilespmem:s21], [sflag:$0x1] =	stream.indirect.gather [hbm4b:s3+s4], $0x8, s4, s4, $0xb8;
	[tilespmem:$0x6400] =	vst v63  }
0x36: {  	s0 =	rddreg [dreg:$0x7]  }
0x37: {  	[tilespmem:s22], [sflag:$0x1] =	stream.indirect.gather [hbm4b:s3+s4], $0x8, s0, s4, $0xb8;
	[tilespmem:$0x6400] =	vst v63  }
0x38: {  	s19 =	smov.u32 s1;
	s1 =	rddreg [dreg:$0x8]  }
0x39: {  	[tilespmem:s23], [sflag:$0x1] =	stream.indirect.gather [hbm4b:s3+s4], $0x8, s1, s4, $0xb8;
	[tilespmem:$0x6400] =	vst v63  }
0x3a: {  	s0 =	rddreg [dreg:$0x9]  }
0x3b: {  	[tilespmem:s24], [sflag:$0x1] =	stream.indirect.gather [hbm4b:s3+s4], $0x8, s0, s4, $0xb8;
	[tilespmem:$0x6400] =	vst v63  }
0x3c: {  	s1 =	rddreg [dreg:$0xa]  }
0x3d: {  	[tilespmem:s25], [sflag:$0x1] =	stream.indirect.gather [hbm4b:s3+s4], $0x8, s1, s4, $0xb8;
	[tilespmem:$0x6400] =	vst v63  }
0x3e: {  	s0 =	rddreg [dreg:$0xb]  }
0x3f: {  	[tilespmem:s26], [sflag:$0x1] =	stream.indirect.gather [hbm4b:s3+s4], $0x8, s0, s4, $0xb8;
	[tilespmem:$0x6400] =	vst v63  }
0x40: {  	s1 =	rddreg [dreg:$0xc]  }
0x41: {  	[tilespmem:s28], [sflag:$0x1] =	stream.indirect.gather [hbm4b:s3+s4], $0x8, s1, s4, $0xb8;
	[tilespmem:$0x6400] =	vst v63  }
0x42: {  	s0 =	rddreg [dreg:$0xd]  }
0x43: {  	[tilespmem:s29], [sflag:$0x1] =	stream.indirect.gather [hbm4b:s3+s4], $0x8, s0, s4, $0xb8;
	[tilespmem:$0x6400] =	vst v63  }
0x44: {  	s1 =	rddreg [dreg:$0xe]  }
0x45: {  	[tilespmem:s30], [sflag:$0x1] =	stream.indirect.gather [hbm4b:s3+s4], $0x8, s1, s4, $0xb8;
	[tilespmem:$0x6400] =	vst v63  }
0x46: {  	_ =	swait.ge [sflag:s5], $0x400  }
0x47: {  	[sflag:s5] =	ssyncset.done $0x0  }
0x48: {  	[sflag:s5] =	ssyncadd.s32 $0xFFFFFC00  }
0x49: {  	_ =	swait.ge [sflag:s5], $0x400  }
0x4a: {  	[sflag:s5] =	ssyncset.done $0x0  }
0x4b: {  	[sflag:s5] =	ssyncadd.s32 $0xFFFFFC00  }
0x4c: {  	_ =	swait.ge [sflag:s5], $0x400  }
0x4d: {  	[sflag:s5] =	ssyncset.done $0x0  }
0x4e: {  	[sflag:s5] =	ssyncadd.s32 $0xFFFFFC00  }
0x4f: {  	_ =	swait.ge [sflag:s5], $0x400  }
0x50: {  	[sflag:s5] =	ssyncset.done $0x0  }
0x51: {  	[sflag:s5] =	ssyncadd.s32 $0xFFFFFC00  }
0x52: {  	_ =	swait.ge [sflag:s5], $0x400  }
0x53: {  	[sflag:s5] =	ssyncset.done $0x0  }
0x54: {  	[sflag:s5] =	ssyncadd.s32 $0xFFFFFC00  }
0x55: {  	_ =	swait.ge [sflag:s5], $0x400  }
0x56: {  	[sflag:s5] =	ssyncset.done $0x0  }
0x57: {  	[sflag:s5] =	ssyncadd.s32 $0xFFFFFC00  }
0x58: {  	_ =	swait.ge [sflag:s5], $0x400  }
0x59: {  	[sflag:s5] =	ssyncset.done $0x0  }
0x5a: {  	[sflag:s5] =	ssyncadd.s32 $0xFFFFFC00  }
0x5b: {  	_ =	swait.ge [sflag:s5], $0x400  }
0x5c: {  	[sflag:s5] =	ssyncset.done $0x0  }
0x5d: {  	[sflag:s5] =	ssyncadd.s32 $0xFFFFFC00  }
0x5e: {  	_ =	swait.ge [sflag:s5], $0x400  }
0x5f: {  	[sflag:s5] =	ssyncset.done $0x0  }
0x60: {  	[sflag:s5] =	ssyncadd.s32 $0xFFFFFC00  }
0x61: {  	_ =	swait.ge [sflag:s5], $0x400  }
0x62: {  	[sflag:s5] =	ssyncset.done $0x0  }
0x63: {  	s0 =	rddreg [dreg:$0x3];
	[sflag:s5] =	ssyncadd.s32 $0xFFFFFC00  }
0x64: {  	[hbm4b:s0+s2] =	stream.linear.scatter [tilespmem:s7], [sflag:$0x2], $0x2800, $0x38;
	[tilespmem:$0x6400] =	vst v63  }
0x65: {  	s1 =	rddreg [dreg:$0xf]  }
0x66: {  	[tilespmem:s6], [sflag:$0x1] =	stream.indirect.gather [hbm4b:s3+s4], $0x8, s1, s4, $0xb8;
	[tilespmem:$0x6400] =	vst v63  }
0x67: {  	s0 =	rddreg [dreg:$0x10]  }
0x68: {  	[tilespmem:s10], [sflag:$0x1] =	stream.indirect.gather [hbm4b:s3+s4], $0x8, s0, s4, $0xb8;
	[tilespmem:$0x6400] =	vst v63  }
0x69: {  	s1 =	rddreg [dreg:$0x11]  }
0x6a: {  	[tilespmem:s11], [sflag:$0x1] =	stream.indirect.gather [hbm4b:s3+s4], $0x8, s1, s4, $0xb8;
	[tilespmem:$0x6400] =	vst v63  }
0x6b: {  	s0 =	rddreg [dreg:$0x12]  }
0x6c: {  	[tilespmem:s12], [sflag:$0x1] =	stream.indirect.gather [hbm4b:s3+s4], $0x8, s0, s4, $0xb8;
	[tilespmem:$0x6400] =	vst v63  }
0x6d: {  	s1 =	rddreg [dreg:$0x13]  }
0x6e: {  	[tilespmem:s13], [sflag:$0x1] =	stream.indirect.gather [hbm4b:s3+s4], $0x8, s1, s4, $0xb8;
	[tilespmem:$0x6400] =	vst v63  }
0x6f: {  	s0 =	rddreg [dreg:$0x14]  }
0x70: {  	[tilespmem:s14], [sflag:$0x1] =	stream.indirect.gather [hbm4b:s3+s4], $0x8, s0, s4, $0xb8;
	[tilespmem:$0x6400] =	vst v63  }
0x71: {  	s1 =	rddreg [dreg:$0x15]  }
0x72: {  	[tilespmem:s15], [sflag:$0x1] =	stream.indirect.gather [hbm4b:s3+s4], $0x8, s1, s4, $0xb8;
	[tilespmem:$0x6400] =	vst v63  }
0x73: {  	s0 =	rddreg [dreg:$0x16]  }
0x74: {  	[tilespmem:s16], [sflag:$0x1] =	stream.indirect.gather [hbm4b:s3+s4], $0x8, s0, s4, $0xb8;
	[tilespmem:$0x6400] =	vst v63  }
0x75: {  	s1 =	rddreg [dreg:$0x17]  }
0x76: {  	[tilespmem:s17], [sflag:$0x1] =	stream.indirect.gather [hbm4b:s3+s4], $0x8, s1, s4, $0xb8;
	[tilespmem:$0x6400] =	vst v63  }
0x77: {  	s0 =	rddreg [dreg:$0x18]  }
0x78: {  	[tilespmem:s18], [sflag:$0x1] =	stream.indirect.gather [hbm4b:s3+s4], $0x8, s0, s4, $0xb8;
	[tilespmem:$0x6400] =	vst v63  }
0x79: {  	_ =	swait.ge [sflag:s5], $0x400  }
0x7a: {  	[sflag:s5] =	ssyncset.done $0x0  }
0x7b: {  	[sflag:s5] =	ssyncadd.s32 $0xFFFFFC00  }
0x7c: {  	_ =	swait.ge [sflag:s5], $0x400  }
0x7d: {  	[sflag:s5] =	ssyncset.done $0x0  }
0x7e: {  	[sflag:s5] =	ssyncadd.s32 $0xFFFFFC00  }
0x7f: {  	_ =	swait.ge [sflag:s5], $0x400  }
0x80: {  	[sflag:s5] =	ssyncset.done $0x0  }
0x81: {  	[sflag:s5] =	ssyncadd.s32 $0xFFFFFC00  }
0x82: {  	_ =	swait.ge [sflag:s5], $0x400  }
0x83: {  	[sflag:s5] =	ssyncset.done $0x0  }
0x84: {  	[sflag:s5] =	ssyncadd.s32 $0xFFFFFC00  }
0x85: {  	_ =	swait.ge [sflag:s5], $0x400  }
0x86: {  	[sflag:s5] =	ssyncset.done $0x0  }
0x87: {  	[sflag:s5] =	ssyncadd.s32 $0xFFFFFC00  }
0x88: {  	_ =	swait.ge [sflag:s5], $0x400  }
0x89: {  	[sflag:s5] =	ssyncset.done $0x0  }
0x8a: {  	[sflag:s5] =	ssyncadd.s32 $0xFFFFFC00  }
0x8b: {  	_ =	swait.ge [sflag:s5], $0x400  }
0x8c: {  	[sflag:s5] =	ssyncset.done $0x0  }
0x8d: {  	[sflag:s5] =	ssyncadd.s32 $0xFFFFFC00  }
0x8e: {  	_ =	swait.ge [sflag:s5], $0x400  }
0x8f: {  	[sflag:s5] =	ssyncset.done $0x0  }
0x90: {  	[sflag:s5] =	ssyncadd.s32 $0xFFFFFC00  }
0x91: {  	_ =	swait.ge [sflag:s5], $0x400  }
0x92: {  	[sflag:s5] =	ssyncset.done $0x0  }
0x93: {  	[sflag:s5] =	ssyncadd.s32 $0xFFFFFC00  }
0x94: {  	_ =	swait.ge [sflag:s5], $0x400  }
0x95: {  	[sflag:s5] =	ssyncset.done $0x0  }
0x96: {  	s1 =	rddreg [dreg:$0x4];
	[sflag:s5] =	ssyncadd.s32 $0xFFFFFC00  }
0x97: {  	[hbm4b:s1+s2] =	stream.linear.scatter [tilespmem:s6], [sflag:$0x3], $0x2800, $0x38;
	[tilespmem:$0x6400] =	vst v63  }
0x98: {  	_ =	swait.ge [sflag:s9], $0x2800  }
0x99: {  	s0 =	rddreg [dreg:$0x19];
	[sflag:s9] =	ssyncset.done $0x0  }
0x9a: {  	s1 =	rddreg [dreg:$0x1a];
	[sflag:s9] =	ssyncadd.s32 $0xFFFFD800  }
0x9b: {  	[tilespmem:s7], [sflag:$0x1] =	stream.indirect.gather [hbm4b:s3+s4], $0x8, s0, s4, $0xb8;
	[tilespmem:$0x6400] =	vst v63  }
0x9c: {  	s0 =	rddreg [dreg:$0x1b]  }
0x9d: {  	[tilespmem:s21], [sflag:$0x1] =	stream.indirect.gather [hbm4b:s3+s4], $0x8, s1, s4, $0xb8;
	[tilespmem:$0x6400] =	vst v63  }
0x9e: {  	s1 =	rddreg [dreg:$0x1c]  }
0x9f: {  	[tilespmem:s22], [sflag:$0x1] =	stream.indirect.gather [hbm4b:s3+s4], $0x8, s0, s4, $0xb8;
	[tilespmem:$0x6400] =	vst v63  }
0xa0: {  	s0 =	rddreg [dreg:$0x1d]  }
0xa1: {  	[tilespmem:s23], [sflag:$0x1] =	stream.indirect.gather [hbm4b:s3+s4], $0x8, s1, s4, $0xb8;
	[tilespmem:$0x6400] =	vst v63  }
0xa2: {  	s1 =	rddreg [dreg:$0x1e]  }
0xa3: {  	[tilespmem:s24], [sflag:$0x1] =	stream.indirect.gather [hbm4b:s3+s4], $0x8, s0, s4, $0xb8;
	[tilespmem:$0x6400] =	vst v63  }
0xa4: {  	s0 =	rddreg [dreg:$0x1f]  }
0xa5: {  	[tilespmem:s25], [sflag:$0x1] =	stream.indirect.gather [hbm4b:s3+s4], $0x8, s1, s4, $0xb8;
	[tilespmem:$0x6400] =	vst v63  }
0xa6: {  	s1 =	sld [smem:$0x7F3]  }
0xa7: {  	[tilespmem:s26], [sflag:$0x1] =	stream.indirect.gather [hbm4b:s3+s4], $0x8, s0, s4, $0xb8;
	[tilespmem:$0x6400] =	vst v63  }
0xa8: {  	s0 =	sld [smem:$0x7F4]  }
0xa9: {  	[tilespmem:s28], [sflag:$0x1] =	stream.indirect.gather [hbm4b:s3+s4], $0x8, s1, s4, $0xb8;
	[tilespmem:$0x6400] =	vst v63  }
0xaa: {  	s1 =	sld [smem:$0x7F5]  }
0xab: {  	[tilespmem:s29], [sflag:$0x1] =	stream.indirect.gather [hbm4b:s3+s4], $0x8, s0, s4, $0xb8;
	[tilespmem:$0x6400] =	vst v63  }
0xac: {  	_ = 	snop  }
0xad: {  	[tilespmem:s30], [sflag:$0x1] =	stream.indirect.gather [hbm4b:s3+s4], $0x8, s1, s4, $0xb8;
	[tilespmem:$0x6400] =	vst v63  }
0xae: {  	_ =	swait.ge [sflag:s5], $0x400  }
0xaf: {  	[sflag:s5] =	ssyncset.done $0x0  }
0xb0: {  	[sflag:s5] =	ssyncadd.s32 $0xFFFFFC00  }
0xb1: {  	_ =	swait.ge [sflag:s5], $0x400  }
0xb2: {  	[sflag:s5] =	ssyncset.done $0x0  }
0xb3: {  	[sflag:s5] =	ssyncadd.s32 $0xFFFFFC00  }
0xb4: {  	_ =	swait.ge [sflag:s5], $0x400  }
0xb5: {  	[sflag:s5] =	ssyncset.done $0x0  }
0xb6: {  	[sflag:s5] =	ssyncadd.s32 $0xFFFFFC00  }
0xb7: {  	_ =	swait.ge [sflag:s5], $0x400  }
0xb8: {  	[sflag:s5] =	ssyncset.done $0x0  }
0xb9: {  	[sflag:s5] =	ssyncadd.s32 $0xFFFFFC00  }
0xba: {  	_ =	swait.ge [sflag:s5], $0x400  }
0xbb: {  	[sflag:s5] =	ssyncset.done $0x0  }
0xbc: {  	[sflag:s5] =	ssyncadd.s32 $0xFFFFFC00  }
0xbd: {  	_ =	swait.ge [sflag:s5], $0x400  }
0xbe: {  	[sflag:s5] =	ssyncset.done $0x0  }
0xbf: {  	[sflag:s5] =	ssyncadd.s32 $0xFFFFFC00  }
0xc0: {  	_ =	swait.ge [sflag:s5], $0x400  }
0xc1: {  	[sflag:s5] =	ssyncset.done $0x0  }
0xc2: {  	[sflag:s5] =	ssyncadd.s32 $0xFFFFFC00  }
0xc3: {  	_ =	swait.ge [sflag:s5], $0x400  }
0xc4: {  	[sflag:s5] =	ssyncset.done $0x0  }
0xc5: {  	[sflag:s5] =	ssyncadd.s32 $0xFFFFFC00  }
0xc6: {  	_ =	swait.ge [sflag:s5], $0x400  }
0xc7: {  	[sflag:s5] =	ssyncset.done $0x0  }
0xc8: {  	[sflag:s5] =	ssyncadd.s32 $0xFFFFFC00  }
0xc9: {  	_ =	swait.ge [sflag:s5], $0x400  }
0xca: {  	[sflag:s5] =	ssyncset.done $0x0  }
0xcb: {  	s1 =	rddreg [dreg:$0x5];
	[sflag:s5] =	ssyncadd.s32 $0xFFFFFC00  }
0xcc: {  	[hbm4b:s1+s2] =	stream.linear.scatter [tilespmem:s7], [sflag:$0x2], $0x2800, $0x38;
	[tilespmem:$0x6400] =	vst v63  }
0xcd: {  	_ =	swait.ge [sflag:s8], $0x2800  }
0xce: {  	s0 =	sld [smem:$0x7F6]  }
0xcf: {  	[sflag:s8] =	ssyncset.done $0x0  }
0xd0: {  	s1 =	sld [smem:$0x7F7];
	[sflag:s8] =	ssyncadd.s32 $0xFFFFD800  }
0xd1: {  	[tilespmem:s6], [sflag:$0x1] =	stream.indirect.gather [hbm4b:s3+s4], $0x8, s0, s4, $0xb8;
	[tilespmem:$0x6400] =	vst v63  }
0xd2: {  	s0 =	sld [smem:$0x7F8]  }
0xd3: {  	[tilespmem:s10], [sflag:$0x1] =	stream.indirect.gather [hbm4b:s3+s4], $0x8, s1, s4, $0xb8;
	[tilespmem:$0x6400] =	vst v63  }
0xd4: {  	s1 =	sld [smem:$0x7F9]  }
0xd5: {  	[tilespmem:s11], [sflag:$0x1] =	stream.indirect.gather [hbm4b:s3+s4], $0x8, s0, s4, $0xb8;
	[tilespmem:$0x6400] =	vst v63  }
0xd6: {  	s0 =	sld [smem:$0x7FA]  }
0xd7: {  	[tilespmem:s12], [sflag:$0x1] =	stream.indirect.gather [hbm4b:s3+s4], $0x8, s1, s4, $0xb8;
	[tilespmem:$0x6400] =	vst v63  }
0xd8: {  	s1 =	sld [smem:$0x7FB]  }
0xd9: {  	[tilespmem:s13], [sflag:$0x1] =	stream.indirect.gather [hbm4b:s3+s4], $0x8, s0, s4, $0xb8;
	[tilespmem:$0x6400] =	vst v63  }
0xda: {  	s0 =	sld [smem:$0x7FC]  }
0xdb: {  	[tilespmem:s14], [sflag:$0x1] =	stream.indirect.gather [hbm4b:s3+s4], $0x8, s1, s4, $0xb8;
	[tilespmem:$0x6400] =	vst v63  }
0xdc: {  	s1 =	sld [smem:$0x7FD]  }
0xdd: {  	[tilespmem:s15], [sflag:$0x1] =	stream.indirect.gather [hbm4b:s3+s4], $0x8, s0, s4, $0xb8;
	[tilespmem:$0x6400] =	vst v63  }
0xde: {  	_ = 	snop  }
0xdf: {  	[tilespmem:s16], [sflag:$0x1] =	stream.indirect.gather [hbm4b:s3+s4], $0x8, s1, s4, $0xb8;
	[tilespmem:$0x6400] =	vst v63  }
0xe0: {  	s1 =	simm.s32 $0x1300  }
0xe1: {  	[tilespmem:s17], [sflag:$0x1] =	stream.indirect.gather [hbm4b:s3+s4], $0x8, s1, s4, $0xb8;
	[tilespmem:$0x6400] =	vst v63  }
0xe2: {  	_ = 	snop  }
0xe3: {  	[tilespmem:s18], [sflag:$0x1] =	stream.indirect.gather [hbm4b:s3+s4], $0x8, s20, s4, $0xb8;
	[tilespmem:$0x6400] =	vst v63  }
0xe4: {  	_ =	swait.ge [sflag:s5], $0x400  }
0xe5: {  	[sflag:s5] =	ssyncset.done $0x0  }
0xe6: {  	[sflag:s5] =	ssyncadd.s32 $0xFFFFFC00  }
0xe7: {  	_ =	swait.ge [sflag:s5], $0x400  }
0xe8: {  	[sflag:s5] =	ssyncset.done $0x0  }
0xe9: {  	[sflag:s5] =	ssyncadd.s32 $0xFFFFFC00  }
0xea: {  	_ =	swait.ge [sflag:s5], $0x400  }
0xeb: {  	[sflag:s5] =	ssyncset.done $0x0  }
0xec: {  	[sflag:s5] =	ssyncadd.s32 $0xFFFFFC00  }
0xed: {  	_ =	swait.ge [sflag:s5], $0x400  }
0xee: {  	[sflag:s5] =	ssyncset.done $0x0  }
0xef: {  	[sflag:s5] =	ssyncadd.s32 $0xFFFFFC00  }
0xf0: {  	_ =	swait.ge [sflag:s5], $0x400  }
0xf1: {  	[sflag:s5] =	ssyncset.done $0x0  }
0xf2: {  	[sflag:s5] =	ssyncadd.s32 $0xFFFFFC00  }
0xf3: {  	_ =	swait.ge [sflag:s5], $0x400  }
0xf4: {  	[sflag:s5] =	ssyncset.done $0x0  }
0xf5: {  	[sflag:s5] =	ssyncadd.s32 $0xFFFFFC00  }
0xf6: {  	_ =	swait.ge [sflag:s5], $0x400  }
0xf7: {  	[sflag:s5] =	ssyncset.done $0x0  }
0xf8: {  	[sflag:s5] =	ssyncadd.s32 $0xFFFFFC00  }
0xf9: {  	_ =	swait.ge [sflag:s5], $0x400  }
0xfa: {  	[sflag:s5] =	ssyncset.done $0x0  }
0xfb: {  	[sflag:s5] =	ssyncadd.s32 $0xFFFFFC00  }
0xfc: {  	_ =	swait.ge [sflag:s5], $0x400  }
0xfd: {  	[sflag:s5] =	ssyncset.done $0x0  }
0xfe: {  	[sflag:s5] =	ssyncadd.s32 $0xFFFFFC00  }
0xff: {  	_ =	swait.ge [sflag:s5], $0x400  }
0x100: {  	[sflag:s5] =	ssyncset.done $0x0  }
0x101: {  	p1 =	sne.s32 s19, $0x1;
	s1 =	rddreg [dreg:$0x6];
	[sflag:s5] =	ssyncadd.s32 $0xFFFFFC00  }
0x102: {  	[hbm4b:s1+s2] =	stream.linear.scatter [tilespmem:s6], [sflag:$0x3], $0x2800, $0x38;
	[tilespmem:$0x6400] =	vst v63  }
.Ltmp1:
0x103: {  	_ =	swait.ge [sflag:s9], $0x2800;
	(pc) =	sbr.rel @!p1 .LBB2_3-.Ltmp1, $4  }
0x104: {  	[sflag:s9] =	ssyncset.done $0x0  }
0x105: {  	[sflag:s9] =	ssyncadd.s32 $0xFFFFD800  }
0x106: {  	p0 =	por $0x1, $0x1;
	_ =	swait.ge [sflag:s8], $0x2800  }
0x107: {  	s1 =	sadd.s32 $0xFFFFFFFF, s19;
	s0 =	rddreg [dreg:$0x2];
	[sflag:s8] =	ssyncset.done $0x0  }
.LBB2_4:
0x108: {  	[sflag:s8] =	ssyncadd.s32 $0xFFFFD800  }
0x109: {  	[tilespmem:s2], [sflag:$0x4] =	stream.linear.gather [hbm4b:s0+s2], $0x1400, $0x38;
	[tilespmem:$0x6400] =	vst v63  }
0x10a: {  	_ =	swait.ge [sflag:s31], $0x1400  }
0x10b: {  	[sflag:s31] =	ssyncset.done $0x0  }
0x10c: {  	[sflag:s31] =	ssyncadd.s32 $0xFFFFEC00  }
0x10d: {  	[tilespmem:s7], [sflag:$0x1] =	stream.indirect.gather [hbm4b:s3+s4], $0x8, s2, s4, $0xb8;
	[tilespmem:$0x6400] =	vst v63  }
0x10e: {  	_ = 	snop  }
0x10f: {  	[tilespmem:s21], [sflag:$0x1] =	stream.indirect.gather [hbm4b:s3+s4], $0x8, s4, s4, $0xb8;
	[tilespmem:$0x6400] =	vst v63  }
0x110: {  	s0 =	rddreg [dreg:$0x7]  }
0x111: {  	[tilespmem:s22], [sflag:$0x1] =	stream.indirect.gather [hbm4b:s3+s4], $0x8, s0, s4, $0xb8;
	[tilespmem:$0x6400] =	vst v63  }
0x112: {  	s19 =	rddreg [dreg:$0x8]  }
0x113: {  	[tilespmem:s23], [sflag:$0x1] =	stream.indirect.gather [hbm4b:s3+s4], $0x8, s19, s4, $0xb8;
	[tilespmem:$0x6400] =	vst v63  }
0x114: {  	s0 =	rddreg [dreg:$0x9]  }
0x115: {  	[tilespmem:s24], [sflag:$0x1] =	stream.indirect.gather [hbm4b:s3+s4], $0x8, s0, s4, $0xb8;
	[tilespmem:$0x6400] =	vst v63  }
0x116: {  	s19 =	rddreg [dreg:$0xa]  }
0x117: {  	[tilespmem:s25], [sflag:$0x1] =	stream.indirect.gather [hbm4b:s3+s4], $0x8, s19, s4, $0xb8;
	[tilespmem:$0x6400] =	vst v63  }
0x118: {  	s0 =	rddreg [dreg:$0xb]  }
0x119: {  	[tilespmem:s26], [sflag:$0x1] =	stream.indirect.gather [hbm4b:s3+s4], $0x8, s0, s4, $0xb8;
	[tilespmem:$0x6400] =	vst v63  }
0x11a: {  	s19 =	rddreg [dreg:$0xc]  }
0x11b: {  	[tilespmem:s28], [sflag:$0x1] =	stream.indirect.gather [hbm4b:s3+s4], $0x8, s19, s4, $0xb8;
	[tilespmem:$0x6400] =	vst v63  }
0x11c: {  	s0 =	rddreg [dreg:$0xd]  }
0x11d: {  	[tilespmem:s29], [sflag:$0x1] =	stream.indirect.gather [hbm4b:s3+s4], $0x8, s0, s4, $0xb8;
	[tilespmem:$0x6400] =	vst v63  }
0x11e: {  	s19 =	rddreg [dreg:$0xe]  }
0x11f: {  	[tilespmem:s30], [sflag:$0x1] =	stream.indirect.gather [hbm4b:s3+s4], $0x8, s19, s4, $0xb8;
	[tilespmem:$0x6400] =	vst v63  }
0x120: {  	_ =	swait.ge [sflag:s5], $0x400  }
0x121: {  	[sflag:s5] =	ssyncset.done $0x0  }
0x122: {  	[sflag:s5] =	ssyncadd.s32 $0xFFFFFC00  }
0x123: {  	_ =	swait.ge [sflag:s5], $0x400  }
0x124: {  	[sflag:s5] =	ssyncset.done $0x0  }
0x125: {  	[sflag:s5] =	ssyncadd.s32 $0xFFFFFC00  }
0x126: {  	_ =	swait.ge [sflag:s5], $0x400  }
0x127: {  	[sflag:s5] =	ssyncset.done $0x0  }
0x128: {  	[sflag:s5] =	ssyncadd.s32 $0xFFFFFC00  }
0x129: {  	_ =	swait.ge [sflag:s5], $0x400  }
0x12a: {  	[sflag:s5] =	ssyncset.done $0x0  }
0x12b: {  	[sflag:s5] =	ssyncadd.s32 $0xFFFFFC00  }
0x12c: {  	_ =	swait.ge [sflag:s5], $0x400  }
0x12d: {  	[sflag:s5] =	ssyncset.done $0x0  }
0x12e: {  	[sflag:s5] =	ssyncadd.s32 $0xFFFFFC00  }
0x12f: {  	_ =	swait.ge [sflag:s5], $0x400  }
0x130: {  	[sflag:s5] =	ssyncset.done $0x0  }
0x131: {  	[sflag:s5] =	ssyncadd.s32 $0xFFFFFC00  }
0x132: {  	_ =	swait.ge [sflag:s5], $0x400  }
0x133: {  	[sflag:s5] =	ssyncset.done $0x0  }
0x134: {  	[sflag:s5] =	ssyncadd.s32 $0xFFFFFC00  }
0x135: {  	_ =	swait.ge [sflag:s5], $0x400  }
0x136: {  	[sflag:s5] =	ssyncset.done $0x0  }
0x137: {  	[sflag:s5] =	ssyncadd.s32 $0xFFFFFC00  }
0x138: {  	_ =	swait.ge [sflag:s5], $0x400  }
0x139: {  	[sflag:s5] =	ssyncset.done $0x0  }
0x13a: {  	[sflag:s5] =	ssyncadd.s32 $0xFFFFFC00  }
0x13b: {  	_ =	swait.ge [sflag:s5], $0x400  }
0x13c: {  	[sflag:s5] =	ssyncset.done $0x0  }
0x13d: {  	s0 =	rddreg [dreg:$0x3];
	[sflag:s5] =	ssyncadd.s32 $0xFFFFFC00  }
0x13e: {  	[hbm4b:s0+s2] =	stream.linear.scatter [tilespmem:s7], [sflag:$0x2], $0x2800, $0x38;
	[tilespmem:$0x6400] =	vst v63  }
0x13f: {  	s19 =	rddreg [dreg:$0xf]  }
0x140: {  	[tilespmem:s6], [sflag:$0x1] =	stream.indirect.gather [hbm4b:s3+s4], $0x8, s19, s4, $0xb8;
	[tilespmem:$0x6400] =	vst v63  }
0x141: {  	s0 =	rddreg [dreg:$0x10]  }
0x142: {  	[tilespmem:s10], [sflag:$0x1] =	stream.indirect.gather [hbm4b:s3+s4], $0x8, s0, s4, $0xb8;
	[tilespmem:$0x6400] =	vst v63  }
0x143: {  	s19 =	rddreg [dreg:$0x11]  }
0x144: {  	[tilespmem:s11], [sflag:$0x1] =	stream.indirect.gather [hbm4b:s3+s4], $0x8, s19, s4, $0xb8;
	[tilespmem:$0x6400] =	vst v63  }
0x145: {  	s0 =	rddreg [dreg:$0x12]  }
0x146: {  	[tilespmem:s12], [sflag:$0x1] =	stream.indirect.gather [hbm4b:s3+s4], $0x8, s0, s4, $0xb8;
	[tilespmem:$0x6400] =	vst v63  }
0x147: {  	s19 =	rddreg [dreg:$0x13]  }
0x148: {  	[tilespmem:s13], [sflag:$0x1] =	stream.indirect.gather [hbm4b:s3+s4], $0x8, s19, s4, $0xb8;
	[tilespmem:$0x6400] =	vst v63  }
0x149: {  	s0 =	rddreg [dreg:$0x14]  }
0x14a: {  	[tilespmem:s14], [sflag:$0x1] =	stream.indirect.gather [hbm4b:s3+s4], $0x8, s0, s4, $0xb8;
	[tilespmem:$0x6400] =	vst v63  }
0x14b: {  	s19 =	rddreg [dreg:$0x15]  }
0x14c: {  	[tilespmem:s15], [sflag:$0x1] =	stream.indirect.gather [hbm4b:s3+s4], $0x8, s19, s4, $0xb8;
	[tilespmem:$0x6400] =	vst v63  }
0x14d: {  	s0 =	rddreg [dreg:$0x16]  }
0x14e: {  	[tilespmem:s16], [sflag:$0x1] =	stream.indirect.gather [hbm4b:s3+s4], $0x8, s0, s4, $0xb8;
	[tilespmem:$0x6400] =	vst v63  }
0x14f: {  	s19 =	rddreg [dreg:$0x17]  }
0x150: {  	[tilespmem:s17], [sflag:$0x1] =	stream.indirect.gather [hbm4b:s3+s4], $0x8, s19, s4, $0xb8;
	[tilespmem:$0x6400] =	vst v63  }
0x151: {  	s0 =	rddreg [dreg:$0x18]  }
0x152: {  	[tilespmem:s18], [sflag:$0x1] =	stream.indirect.gather [hbm4b:s3+s4], $0x8, s0, s4, $0xb8;
	[tilespmem:$0x6400] =	vst v63  }
0x153: {  	_ =	swait.ge [sflag:s5], $0x400  }
0x154: {  	[sflag:s5] =	ssyncset.done $0x0  }
0x155: {  	[sflag:s5] =	ssyncadd.s32 $0xFFFFFC00  }
0x156: {  	_ =	swait.ge [sflag:s5], $0x400  }
0x157: {  	[sflag:s5] =	ssyncset.done $0x0  }
0x158: {  	[sflag:s5] =	ssyncadd.s32 $0xFFFFFC00  }
0x159: {  	_ =	swait.ge [sflag:s5], $0x400  }
0x15a: {  	[sflag:s5] =	ssyncset.done $0x0  }
0x15b: {  	[sflag:s5] =	ssyncadd.s32 $0xFFFFFC00  }
0x15c: {  	_ =	swait.ge [sflag:s5], $0x400  }
0x15d: {  	[sflag:s5] =	ssyncset.done $0x0  }
0x15e: {  	[sflag:s5] =	ssyncadd.s32 $0xFFFFFC00  }
0x15f: {  	_ =	swait.ge [sflag:s5], $0x400  }
0x160: {  	[sflag:s5] =	ssyncset.done $0x0  }
0x161: {  	[sflag:s5] =	ssyncadd.s32 $0xFFFFFC00  }
0x162: {  	_ =	swait.ge [sflag:s5], $0x400  }
0x163: {  	[sflag:s5] =	ssyncset.done $0x0  }
0x164: {  	[sflag:s5] =	ssyncadd.s32 $0xFFFFFC00  }
0x165: {  	_ =	swait.ge [sflag:s5], $0x400  }
0x166: {  	[sflag:s5] =	ssyncset.done $0x0  }
0x167: {  	[sflag:s5] =	ssyncadd.s32 $0xFFFFFC00  }
0x168: {  	_ =	swait.ge [sflag:s5], $0x400  }
0x169: {  	[sflag:s5] =	ssyncset.done $0x0  }
0x16a: {  	[sflag:s5] =	ssyncadd.s32 $0xFFFFFC00  }
0x16b: {  	_ =	swait.ge [sflag:s5], $0x400  }
0x16c: {  	[sflag:s5] =	ssyncset.done $0x0  }
0x16d: {  	[sflag:s5] =	ssyncadd.s32 $0xFFFFFC00  }
0x16e: {  	_ =	swait.ge [sflag:s5], $0x400  }
0x16f: {  	[sflag:s5] =	ssyncset.done $0x0  }
0x170: {  	s19 =	rddreg [dreg:$0x4];
	[sflag:s5] =	ssyncadd.s32 $0xFFFFFC00  }
0x171: {  	[hbm4b:s19+s2] =	stream.linear.scatter [tilespmem:s6], [sflag:$0x3], $0x2800, $0x38;
	[tilespmem:$0x6400] =	vst v63  }
0x172: {  	_ =	swait.ge [sflag:s9], $0x2800  }
0x173: {  	s0 =	rddreg [dreg:$0x19];
	[sflag:s9] =	ssyncset.done $0x0  }
0x174: {  	s19 =	rddreg [dreg:$0x1a];
	[sflag:s9] =	ssyncadd.s32 $0xFFFFD800  }
0x175: {  	[tilespmem:s7], [sflag:$0x1] =	stream.indirect.gather [hbm4b:s3+s4], $0x8, s0, s4, $0xb8;
	[tilespmem:$0x6400] =	vst v63  }
0x176: {  	s0 =	rddreg [dreg:$0x1b]  }
0x177: {  	[tilespmem:s21], [sflag:$0x1] =	stream.indirect.gather [hbm4b:s3+s4], $0x8, s19, s4, $0xb8;
	[tilespmem:$0x6400] =	vst v63  }
0x178: {  	s19 =	rddreg [dreg:$0x1c]  }
0x179: {  	[tilespmem:s22], [sflag:$0x1] =	stream.indirect.gather [hbm4b:s3+s4], $0x8, s0, s4, $0xb8;
	[tilespmem:$0x6400] =	vst v63  }
0x17a: {  	s0 =	rddreg [dreg:$0x1d]  }
0x17b: {  	[tilespmem:s23], [sflag:$0x1] =	stream.indirect.gather [hbm4b:s3+s4], $0x8, s19, s4, $0xb8;
	[tilespmem:$0x6400] =	vst v63  }
0x17c: {  	s19 =	rddreg [dreg:$0x1e]  }
0x17d: {  	[tilespmem:s24], [sflag:$0x1] =	stream.indirect.gather [hbm4b:s3+s4], $0x8, s0, s4, $0xb8;
	[tilespmem:$0x6400] =	vst v63  }
0x17e: {  	s0 =	rddreg [dreg:$0x1f]  }
0x17f: {  	[tilespmem:s25], [sflag:$0x1] =	stream.indirect.gather [hbm4b:s3+s4], $0x8, s19, s4, $0xb8;
	[tilespmem:$0x6400] =	vst v63  }
0x180: {  	s19 =	sld [smem:$0x7F3]  }
0x181: {  	[tilespmem:s26], [sflag:$0x1] =	stream.indirect.gather [hbm4b:s3+s4], $0x8, s0, s4, $0xb8;
	[tilespmem:$0x6400] =	vst v63  }
0x182: {  	s0 =	sld [smem:$0x7F4]  }
0x183: {  	[tilespmem:s28], [sflag:$0x1] =	stream.indirect.gather [hbm4b:s3+s4], $0x8, s19, s4, $0xb8;
	[tilespmem:$0x6400] =	vst v63  }
0x184: {  	s19 =	sld [smem:$0x7F5]  }
0x185: {  	[tilespmem:s29], [sflag:$0x1] =	stream.indirect.gather [hbm4b:s3+s4], $0x8, s0, s4, $0xb8;
	[tilespmem:$0x6400] =	vst v63  }
0x186: {  	_ = 	snop  }
0x187: {  	[tilespmem:s30], [sflag:$0x1] =	stream.indirect.gather [hbm4b:s3+s4], $0x8, s19, s4, $0xb8;
	[tilespmem:$0x6400] =	vst v63  }
0x188: {  	_ =	swait.ge [sflag:s5], $0x400  }
0x189: {  	[sflag:s5] =	ssyncset.done $0x0  }
0x18a: {  	[sflag:s5] =	ssyncadd.s32 $0xFFFFFC00  }
0x18b: {  	_ =	swait.ge [sflag:s5], $0x400  }
0x18c: {  	[sflag:s5] =	ssyncset.done $0x0  }
0x18d: {  	[sflag:s5] =	ssyncadd.s32 $0xFFFFFC00  }
0x18e: {  	_ =	swait.ge [sflag:s5], $0x400  }
0x18f: {  	[sflag:s5] =	ssyncset.done $0x0  }
0x190: {  	[sflag:s5] =	ssyncadd.s32 $0xFFFFFC00  }
0x191: {  	_ =	swait.ge [sflag:s5], $0x400  }
0x192: {  	[sflag:s5] =	ssyncset.done $0x0  }
0x193: {  	[sflag:s5] =	ssyncadd.s32 $0xFFFFFC00  }
0x194: {  	_ =	swait.ge [sflag:s5], $0x400  }
0x195: {  	[sflag:s5] =	ssyncset.done $0x0  }
0x196: {  	[sflag:s5] =	ssyncadd.s32 $0xFFFFFC00  }
0x197: {  	_ =	swait.ge [sflag:s5], $0x400  }
0x198: {  	[sflag:s5] =	ssyncset.done $0x0  }
0x199: {  	[sflag:s5] =	ssyncadd.s32 $0xFFFFFC00  }
0x19a: {  	_ =	swait.ge [sflag:s5], $0x400  }
0x19b: {  	[sflag:s5] =	ssyncset.done $0x0  }
0x19c: {  	[sflag:s5] =	ssyncadd.s32 $0xFFFFFC00  }
0x19d: {  	_ =	swait.ge [sflag:s5], $0x400  }
0x19e: {  	[sflag:s5] =	ssyncset.done $0x0  }
0x19f: {  	[sflag:s5] =	ssyncadd.s32 $0xFFFFFC00  }
0x1a0: {  	_ =	swait.ge [sflag:s5], $0x400  }
0x1a1: {  	[sflag:s5] =	ssyncset.done $0x0  }
0x1a2: {  	[sflag:s5] =	ssyncadd.s32 $0xFFFFFC00  }
0x1a3: {  	_ =	swait.ge [sflag:s5], $0x400  }
0x1a4: {  	[sflag:s5] =	ssyncset.done $0x0  }
0x1a5: {  	s19 =	rddreg [dreg:$0x5];
	[sflag:s5] =	ssyncadd.s32 $0xFFFFFC00  }
0x1a6: {  	[hbm4b:s19+s2] =	stream.linear.scatter [tilespmem:s7], [sflag:$0x2], $0x2800, $0x38;
	[tilespmem:$0x6400] =	vst v63  }
0x1a7: {  	_ =	swait.ge [sflag:s8], $0x2800  }
0x1a8: {  	s0 =	sld [smem:$0x7F6]  }
0x1a9: {  	[sflag:s8] =	ssyncset.done $0x0  }
0x1aa: {  	s19 =	sld [smem:$0x7F7];
	[sflag:s8] =	ssyncadd.s32 $0xFFFFD800  }
0x1ab: {  	[tilespmem:s6], [sflag:$0x1] =	stream.indirect.gather [hbm4b:s3+s4], $0x8, s0, s4, $0xb8;
	[tilespmem:$0x6400] =	vst v63  }
0x1ac: {  	s0 =	sld [smem:$0x7F8]  }
0x1ad: {  	[tilespmem:s10], [sflag:$0x1] =	stream.indirect.gather [hbm4b:s3+s4], $0x8, s19, s4, $0xb8;
	[tilespmem:$0x6400] =	vst v63  }
0x1ae: {  	s19 =	sld [smem:$0x7F9]  }
0x1af: {  	[tilespmem:s11], [sflag:$0x1] =	stream.indirect.gather [hbm4b:s3+s4], $0x8, s0, s4, $0xb8;
	[tilespmem:$0x6400] =	vst v63  }
0x1b0: {  	s0 =	sld [smem:$0x7FA]  }
0x1b1: {  	[tilespmem:s12], [sflag:$0x1] =	stream.indirect.gather [hbm4b:s3+s4], $0x8, s19, s4, $0xb8;
	[tilespmem:$0x6400] =	vst v63  }
0x1b2: {  	s19 =	sld [smem:$0x7FB]  }
0x1b3: {  	[tilespmem:s13], [sflag:$0x1] =	stream.indirect.gather [hbm4b:s3+s4], $0x8, s0, s4, $0xb8;
	[tilespmem:$0x6400] =	vst v63  }
0x1b4: {  	s0 =	sld [smem:$0x7FC]  }
0x1b5: {  	[tilespmem:s14], [sflag:$0x1] =	stream.indirect.gather [hbm4b:s3+s4], $0x8, s19, s4, $0xb8;
	[tilespmem:$0x6400] =	vst v63  }
0x1b6: {  	s19 =	sld [smem:$0x7FD]  }
0x1b7: {  	[tilespmem:s15], [sflag:$0x1] =	stream.indirect.gather [hbm4b:s3+s4], $0x8, s0, s4, $0xb8;
	[tilespmem:$0x6400] =	vst v63  }
0x1b8: {  	_ = 	snop  }
0x1b9: {  	[tilespmem:s16], [sflag:$0x1] =	stream.indirect.gather [hbm4b:s3+s4], $0x8, s19, s4, $0xb8;
	[tilespmem:$0x6400] =	vst v63  }
0x1ba: {  	s19 =	simm.s32 $0x1300  }
0x1bb: {  	[tilespmem:s17], [sflag:$0x1] =	stream.indirect.gather [hbm4b:s3+s4], $0x8, s19, s4, $0xb8;
	[tilespmem:$0x6400] =	vst v63  }
0x1bc: {  	_ = 	snop  }
0x1bd: {  	[tilespmem:s18], [sflag:$0x1] =	stream.indirect.gather [hbm4b:s3+s4], $0x8, s20, s4, $0xb8;
	[tilespmem:$0x6400] =	vst v63  }
0x1be: {  	_ =	swait.ge [sflag:s5], $0x400  }
0x1bf: {  	[sflag:s5] =	ssyncset.done $0x0  }
0x1c0: {  	[sflag:s5] =	ssyncadd.s32 $0xFFFFFC00  }
0x1c1: {  	_ =	swait.ge [sflag:s5], $0x400  }
0x1c2: {  	[sflag:s5] =	ssyncset.done $0x0  }
0x1c3: {  	[sflag:s5] =	ssyncadd.s32 $0xFFFFFC00  }
0x1c4: {  	_ =	swait.ge [sflag:s5], $0x400  }
0x1c5: {  	[sflag:s5] =	ssyncset.done $0x0  }
0x1c6: {  	[sflag:s5] =	ssyncadd.s32 $0xFFFFFC00  }
0x1c7: {  	_ =	swait.ge [sflag:s5], $0x400  }
0x1c8: {  	[sflag:s5] =	ssyncset.done $0x0  }
0x1c9: {  	[sflag:s5] =	ssyncadd.s32 $0xFFFFFC00  }
0x1ca: {  	_ =	swait.ge [sflag:s5], $0x400  }
0x1cb: {  	[sflag:s5] =	ssyncset.done $0x0  }
0x1cc: {  	[sflag:s5] =	ssyncadd.s32 $0xFFFFFC00  }
0x1cd: {  	_ =	swait.ge [sflag:s5], $0x400  }
0x1ce: {  	[sflag:s5] =	ssyncset.done $0x0  }
0x1cf: {  	[sflag:s5] =	ssyncadd.s32 $0xFFFFFC00  }
0x1d0: {  	_ =	swait.ge [sflag:s5], $0x400  }
0x1d1: {  	[sflag:s5] =	ssyncset.done $0x0  }
0x1d2: {  	[sflag:s5] =	ssyncadd.s32 $0xFFFFFC00  }
0x1d3: {  	_ =	swait.ge [sflag:s5], $0x400  }
0x1d4: {  	[sflag:s5] =	ssyncset.done $0x0  }
0x1d5: {  	[sflag:s5] =	ssyncadd.s32 $0xFFFFFC00  }
0x1d6: {  	_ =	swait.ge [sflag:s5], $0x400  }
0x1d7: {  	[sflag:s5] =	ssyncset.done $0x0  }
0x1d8: {  	[sflag:s5] =	ssyncadd.s32 $0xFFFFFC00  }
0x1d9: {  	_ =	swait.ge [sflag:s5], $0x400  }
0x1da: {  	[sflag:s5] =	ssyncset.done $0x0  }
0x1db: {  	p1 =	sne.s32 s1, $0x1;
	s19 =	rddreg [dreg:$0x6];
	[sflag:s5] =	ssyncadd.s32 $0xFFFFFC00  }
0x1dc: {  	[hbm4b:s19+s2] =	stream.linear.scatter [tilespmem:s6], [sflag:$0x3], $0x2800, $0x38;
	[tilespmem:$0x6400] =	vst v63  }
.Ltmp2:
0x1dd: {  	_ =	swait.ge [sflag:s9], $0x2800;
	(pc) =	sbr.rel @p1 .LBB2_4-.Ltmp2, $4  }
0x1de: {  	[sflag:s9] =	ssyncset.done $0x0  }
0x1df: {  	[sflag:s9] =	ssyncadd.s32 $0xFFFFD800  }
0x1e0: {  	_ =	swait.ge [sflag:s8], $0x2800  }
0x1e1: {  	s1 =	sadd.s32 $0xFFFFFFFF, s1;
	s0 =	rddreg [dreg:$0x2];
	[sflag:s8] =	ssyncset.done $0x0  }
0x1e2: {  	s20 =	simm.s32 $0x1300;
	s19 =	stileid.u32  }
.LBB2_6:
0x1e3: {  	[sflag:s8] =	ssyncadd.s32 @p0 $0xFFFFD800  }
0x1e4: {  	[tilespmem:s2], [sflag:$0x4] =	stream.linear.gather [hbm4b:s0+s2], $0x1400, $0x38;
	[tilespmem:$0x6400] =	vst v63  }
0x1e5: {  	_ =	swait.ge [sflag:s31], $0x1400  }
0x1e6: {  	[sflag:s31] =	ssyncset.done $0x0  }
0x1e7: {  	[sflag:s31] =	ssyncadd.s32 $0xFFFFEC00  }
0x1e8: {  	[tilespmem:s7], [sflag:$0x1] =	stream.indirect.gather [hbm4b:s3+s4], $0x8, s2, s4, $0xb8;
	[tilespmem:$0x6400] =	vst v63  }
0x1e9: {  	_ = 	snop  }
0x1ea: {  	[tilespmem:s21], [sflag:$0x1] =	stream.indirect.gather [hbm4b:s3+s4], $0x8, s4, s4, $0xb8;
	[tilespmem:$0x6400] =	vst v63  }
0x1eb: {  	s31 =	rddreg [dreg:$0x7]  }
0x1ec: {  	[tilespmem:s22], [sflag:$0x1] =	stream.indirect.gather [hbm4b:s3+s4], $0x8, s31, s4, $0xb8;
	[tilespmem:$0x6400] =	vst v63  }
0x1ed: {  	s1 =	rddreg [dreg:$0x8]  }
0x1ee: {  	[tilespmem:s23], [sflag:$0x1] =	stream.indirect.gather [hbm4b:s3+s4], $0x8, s1, s4, $0xb8;
	[tilespmem:$0x6400] =	vst v63  }
0x1ef: {  	s0 =	rddreg [dreg:$0x9]  }
0x1f0: {  	[tilespmem:s24], [sflag:$0x1] =	stream.indirect.gather [hbm4b:s3+s4], $0x8, s0, s4, $0xb8;
	[tilespmem:$0x6400] =	vst v63  }
0x1f1: {  	s31 =	rddreg [dreg:$0xa]  }
0x1f2: {  	[tilespmem:s25], [sflag:$0x1] =	stream.indirect.gather [hbm4b:s3+s4], $0x8, s31, s4, $0xb8;
	[tilespmem:$0x6400] =	vst v63  }
0x1f3: {  	s0 =	rddreg [dreg:$0xb]  }
0x1f4: {  	[tilespmem:s26], [sflag:$0x1] =	stream.indirect.gather [hbm4b:s3+s4], $0x8, s0, s4, $0xb8;
	[tilespmem:$0x6400] =	vst v63  }
0x1f5: {  	s31 =	rddreg [dreg:$0xc]  }
0x1f6: {  	[tilespmem:s28], [sflag:$0x1] =	stream.indirect.gather [hbm4b:s3+s4], $0x8, s31, s4, $0xb8;
	[tilespmem:$0x6400] =	vst v63  }
0x1f7: {  	s0 =	rddreg [dreg:$0xd]  }
0x1f8: {  	[tilespmem:s29], [sflag:$0x1] =	stream.indirect.gather [hbm4b:s3+s4], $0x8, s0, s4, $0xb8;
	[tilespmem:$0x6400] =	vst v63  }
0x1f9: {  	s31 =	rddreg [dreg:$0xe]  }
0x1fa: {  	[tilespmem:s30], [sflag:$0x1] =	stream.indirect.gather [hbm4b:s3+s4], $0x8, s31, s4, $0xb8;
	[tilespmem:$0x6400] =	vst v63  }
0x1fb: {  	_ =	swait.ge [sflag:s5], $0x400  }
0x1fc: {  	[sflag:s5] =	ssyncset.done $0x0  }
0x1fd: {  	[sflag:s5] =	ssyncadd.s32 $0xFFFFFC00  }
0x1fe: {  	_ =	swait.ge [sflag:s5], $0x400  }
0x1ff: {  	[sflag:s5] =	ssyncset.done $0x0  }
0x200: {  	[sflag:s5] =	ssyncadd.s32 $0xFFFFFC00  }
0x201: {  	_ =	swait.ge [sflag:s5], $0x400  }
0x202: {  	[sflag:s5] =	ssyncset.done $0x0  }
0x203: {  	[sflag:s5] =	ssyncadd.s32 $0xFFFFFC00  }
0x204: {  	_ =	swait.ge [sflag:s5], $0x400  }
0x205: {  	[sflag:s5] =	ssyncset.done $0x0  }
0x206: {  	[sflag:s5] =	ssyncadd.s32 $0xFFFFFC00  }
0x207: {  	_ =	swait.ge [sflag:s5], $0x400  }
0x208: {  	[sflag:s5] =	ssyncset.done $0x0  }
0x209: {  	[sflag:s5] =	ssyncadd.s32 $0xFFFFFC00  }
0x20a: {  	_ =	swait.ge [sflag:s5], $0x400  }
0x20b: {  	[sflag:s5] =	ssyncset.done $0x0  }
0x20c: {  	[sflag:s5] =	ssyncadd.s32 $0xFFFFFC00  }
0x20d: {  	_ =	swait.ge [sflag:s5], $0x400  }
0x20e: {  	[sflag:s5] =	ssyncset.done $0x0  }
0x20f: {  	[sflag:s5] =	ssyncadd.s32 $0xFFFFFC00  }
0x210: {  	_ =	swait.ge [sflag:s5], $0x400  }
0x211: {  	[sflag:s5] =	ssyncset.done $0x0  }
0x212: {  	[sflag:s5] =	ssyncadd.s32 $0xFFFFFC00  }
0x213: {  	_ =	swait.ge [sflag:s5], $0x400  }
0x214: {  	[sflag:s5] =	ssyncset.done $0x0  }
0x215: {  	[sflag:s5] =	ssyncadd.s32 $0xFFFFFC00  }
0x216: {  	_ =	swait.ge [sflag:s5], $0x400  }
0x217: {  	[sflag:s5] =	ssyncset.done $0x0  }
0x218: {  	s31 =	rddreg [dreg:$0x3];
	[sflag:s5] =	ssyncadd.s32 $0xFFFFFC00  }
0x219: {  	[hbm4b:s31+s2] =	stream.linear.scatter [tilespmem:s7], [sflag:$0x2], $0x2800, $0x38;
	[tilespmem:$0x6400] =	vst v63  }
0x21a: {  	s1 =	rddreg [dreg:$0xf]  }
0x21b: {  	[tilespmem:s6], [sflag:$0x1] =	stream.indirect.gather [hbm4b:s3+s4], $0x8, s1, s4, $0xb8;
	[tilespmem:$0x6400] =	vst v63  }
0x21c: {  	s31 =	rddreg [dreg:$0x10]  }
0x21d: {  	[tilespmem:s10], [sflag:$0x1] =	stream.indirect.gather [hbm4b:s3+s4], $0x8, s31, s4, $0xb8;
	[tilespmem:$0x6400] =	vst v63  }
0x21e: {  	s1 =	rddreg [dreg:$0x11]  }
0x21f: {  	[tilespmem:s11], [sflag:$0x1] =	stream.indirect.gather [hbm4b:s3+s4], $0x8, s1, s4, $0xb8;
	[tilespmem:$0x6400] =	vst v63  }
0x220: {  	s31 =	rddreg [dreg:$0x12]  }
0x221: {  	[tilespmem:s12], [sflag:$0x1] =	stream.indirect.gather [hbm4b:s3+s4], $0x8, s31, s4, $0xb8;
	[tilespmem:$0x6400] =	vst v63  }
0x222: {  	s1 =	rddreg [dreg:$0x13]  }
0x223: {  	[tilespmem:s13], [sflag:$0x1] =	stream.indirect.gather [hbm4b:s3+s4], $0x8, s1, s4, $0xb8;
	[tilespmem:$0x6400] =	vst v63  }
0x224: {  	s31 =	rddreg [dreg:$0x14]  }
0x225: {  	[tilespmem:s14], [sflag:$0x1] =	stream.indirect.gather [hbm4b:s3+s4], $0x8, s31, s4, $0xb8;
	[tilespmem:$0x6400] =	vst v63  }
0x226: {  	s1 =	rddreg [dreg:$0x15]  }
0x227: {  	[tilespmem:s15], [sflag:$0x1] =	stream.indirect.gather [hbm4b:s3+s4], $0x8, s1, s4, $0xb8;
	[tilespmem:$0x6400] =	vst v63  }
0x228: {  	s31 =	rddreg [dreg:$0x16]  }
0x229: {  	[tilespmem:s16], [sflag:$0x1] =	stream.indirect.gather [hbm4b:s3+s4], $0x8, s31, s4, $0xb8;
	[tilespmem:$0x6400] =	vst v63  }
0x22a: {  	s1 =	rddreg [dreg:$0x17]  }
0x22b: {  	[tilespmem:s17], [sflag:$0x1] =	stream.indirect.gather [hbm4b:s3+s4], $0x8, s1, s4, $0xb8;
	[tilespmem:$0x6400] =	vst v63  }
0x22c: {  	s31 =	rddreg [dreg:$0x18]  }
0x22d: {  	[tilespmem:s18], [sflag:$0x1] =	stream.indirect.gather [hbm4b:s3+s4], $0x8, s31, s4, $0xb8;
	[tilespmem:$0x6400] =	vst v63  }
0x22e: {  	_ =	swait.ge [sflag:s5], $0x400  }
0x22f: {  	[sflag:s5] =	ssyncset.done $0x0  }
0x230: {  	[sflag:s5] =	ssyncadd.s32 $0xFFFFFC00  }
0x231: {  	_ =	swait.ge [sflag:s5], $0x400  }
0x232: {  	[sflag:s5] =	ssyncset.done $0x0  }
0x233: {  	[sflag:s5] =	ssyncadd.s32 $0xFFFFFC00  }
0x234: {  	_ =	swait.ge [sflag:s5], $0x400  }
0x235: {  	[sflag:s5] =	ssyncset.done $0x0  }
0x236: {  	[sflag:s5] =	ssyncadd.s32 $0xFFFFFC00  }
0x237: {  	_ =	swait.ge [sflag:s5], $0x400  }
0x238: {  	[sflag:s5] =	ssyncset.done $0x0  }
0x239: {  	[sflag:s5] =	ssyncadd.s32 $0xFFFFFC00  }
0x23a: {  	_ =	swait.ge [sflag:s5], $0x400  }
0x23b: {  	[sflag:s5] =	ssyncset.done $0x0  }
0x23c: {  	[sflag:s5] =	ssyncadd.s32 $0xFFFFFC00  }
0x23d: {  	_ =	swait.ge [sflag:s5], $0x400  }
0x23e: {  	[sflag:s5] =	ssyncset.done $0x0  }
0x23f: {  	[sflag:s5] =	ssyncadd.s32 $0xFFFFFC00  }
0x240: {  	_ =	swait.ge [sflag:s5], $0x400  }
0x241: {  	[sflag:s5] =	ssyncset.done $0x0  }
0x242: {  	[sflag:s5] =	ssyncadd.s32 $0xFFFFFC00  }
0x243: {  	_ =	swait.ge [sflag:s5], $0x400  }
0x244: {  	[sflag:s5] =	ssyncset.done $0x0  }
0x245: {  	[sflag:s5] =	ssyncadd.s32 $0xFFFFFC00  }
0x246: {  	_ =	swait.ge [sflag:s5], $0x400  }
0x247: {  	[sflag:s5] =	ssyncset.done $0x0  }
0x248: {  	[sflag:s5] =	ssyncadd.s32 $0xFFFFFC00  }
0x249: {  	_ =	swait.ge [sflag:s5], $0x400  }
0x24a: {  	[sflag:s5] =	ssyncset.done $0x0  }
0x24b: {  	s1 =	rddreg [dreg:$0x4];
	[sflag:s5] =	ssyncadd.s32 $0xFFFFFC00  }
0x24c: {  	[hbm4b:s1+s2] =	stream.linear.scatter [tilespmem:s6], [sflag:$0x3], $0x2800, $0x38;
	[tilespmem:$0x6400] =	vst v63  }
0x24d: {  	_ =	swait.ge [sflag:s9], $0x2800  }
0x24e: {  	s31 =	rddreg [dreg:$0x19];
	[sflag:s9] =	ssyncset.done $0x0  }
0x24f: {  	s1 =	rddreg [dreg:$0x1a];
	[sflag:s9] =	ssyncadd.s32 $0xFFFFD800  }
0x250: {  	[tilespmem:s7], [sflag:$0x1] =	stream.indirect.gather [hbm4b:s3+s4], $0x8, s31, s4, $0xb8;
	[tilespmem:$0x6400] =	vst v63  }
0x251: {  	s31 =	rddreg [dreg:$0x1b]  }
0x252: {  	[tilespmem:s21], [sflag:$0x1] =	stream.indirect.gather [hbm4b:s3+s4], $0x8, s1, s4, $0xb8;
	[tilespmem:$0x6400] =	vst v63  }
0x253: {  	s21 =	rddreg [dreg:$0x1c]  }
0x254: {  	[tilespmem:s22], [sflag:$0x1] =	stream.indirect.gather [hbm4b:s3+s4], $0x8, s31, s4, $0xb8;
	[tilespmem:$0x6400] =	vst v63  }
0x255: {  	s22 =	rddreg [dreg:$0x1d]  }
0x256: {  	[tilespmem:s23], [sflag:$0x1] =	stream.indirect.gather [hbm4b:s3+s4], $0x8, s21, s4, $0xb8;
	[tilespmem:$0x6400] =	vst v63  }
0x257: {  	s23 =	rddreg [dreg:$0x1e]  }
0x258: {  	[tilespmem:s24], [sflag:$0x1] =	stream.indirect.gather [hbm4b:s3+s4], $0x8, s22, s4, $0xb8;
	[tilespmem:$0x6400] =	vst v63  }
0x259: {  	s24 =	rddreg [dreg:$0x1f]  }
0x25a: {  	[tilespmem:s25], [sflag:$0x1] =	stream.indirect.gather [hbm4b:s3+s4], $0x8, s23, s4, $0xb8;
	[tilespmem:$0x6400] =	vst v63  }
0x25b: {  	s25 =	sld [smem:$0x7F3]  }
0x25c: {  	[tilespmem:s26], [sflag:$0x1] =	stream.indirect.gather [hbm4b:s3+s4], $0x8, s24, s4, $0xb8;
	[tilespmem:$0x6400] =	vst v63  }
0x25d: {  	s26 =	sld [smem:$0x7F4]  }
0x25e: {  	[tilespmem:s28], [sflag:$0x1] =	stream.indirect.gather [hbm4b:s3+s4], $0x8, s25, s4, $0xb8;
	[tilespmem:$0x6400] =	vst v63  }
0x25f: {  	s31 =	sld [smem:$0x7F5]  }
0x260: {  	[tilespmem:s29], [sflag:$0x1] =	stream.indirect.gather [hbm4b:s3+s4], $0x8, s26, s4, $0xb8;
	[tilespmem:$0x6400] =	vst v63  }
0x261: {  	_ = 	snop  }
0x262: {  	[tilespmem:s30], [sflag:$0x1] =	stream.indirect.gather [hbm4b:s3+s4], $0x8, s31, s4, $0xb8;
	[tilespmem:$0x6400] =	vst v63  }
0x263: {  	_ =	swait.ge [sflag:s5], $0x400  }
0x264: {  	[sflag:s5] =	ssyncset.done $0x0  }
0x265: {  	[sflag:s5] =	ssyncadd.s32 $0xFFFFFC00  }
0x266: {  	_ =	swait.ge [sflag:s5], $0x400  }
0x267: {  	[sflag:s5] =	ssyncset.done $0x0  }
0x268: {  	[sflag:s5] =	ssyncadd.s32 $0xFFFFFC00  }
0x269: {  	_ =	swait.ge [sflag:s5], $0x400  }
0x26a: {  	[sflag:s5] =	ssyncset.done $0x0  }
0x26b: {  	[sflag:s5] =	ssyncadd.s32 $0xFFFFFC00  }
0x26c: {  	_ =	swait.ge [sflag:s5], $0x400  }
0x26d: {  	[sflag:s5] =	ssyncset.done $0x0  }
0x26e: {  	[sflag:s5] =	ssyncadd.s32 $0xFFFFFC00  }
0x26f: {  	_ =	swait.ge [sflag:s5], $0x400  }
0x270: {  	[sflag:s5] =	ssyncset.done $0x0  }
0x271: {  	[sflag:s5] =	ssyncadd.s32 $0xFFFFFC00  }
0x272: {  	_ =	swait.ge [sflag:s5], $0x400  }
0x273: {  	[sflag:s5] =	ssyncset.done $0x0  }
0x274: {  	[sflag:s5] =	ssyncadd.s32 $0xFFFFFC00  }
0x275: {  	_ =	swait.ge [sflag:s5], $0x400  }
0x276: {  	[sflag:s5] =	ssyncset.done $0x0  }
0x277: {  	[sflag:s5] =	ssyncadd.s32 $0xFFFFFC00  }
0x278: {  	_ =	swait.ge [sflag:s5], $0x400  }
0x279: {  	[sflag:s5] =	ssyncset.done $0x0  }
0x27a: {  	[sflag:s5] =	ssyncadd.s32 $0xFFFFFC00  }
0x27b: {  	_ =	swait.ge [sflag:s5], $0x400  }
0x27c: {  	[sflag:s5] =	ssyncset.done $0x0  }
0x27d: {  	[sflag:s5] =	ssyncadd.s32 $0xFFFFFC00  }
0x27e: {  	_ =	swait.ge [sflag:s5], $0x400  }
0x27f: {  	[sflag:s5] =	ssyncset.done $0x0  }
0x280: {  	s1 =	rddreg [dreg:$0x5];
	[sflag:s5] =	ssyncadd.s32 $0xFFFFFC00  }
0x281: {  	[hbm4b:s1+s2] =	stream.linear.scatter [tilespmem:s7], [sflag:$0x2], $0x2800, $0x38;
	[tilespmem:$0x6400] =	vst v63  }
0x282: {  	_ =	swait.ge [sflag:s8], $0x2800  }
0x283: {  	s21 =	sld [smem:$0x7F6]  }
0x284: {  	[sflag:s8] =	ssyncset.done $0x0  }
0x285: {  	s22 =	sld [smem:$0x7F7];
	[sflag:s8] =	ssyncadd.s32 $0xFFFFD800  }
0x286: {  	[tilespmem:s6], [sflag:$0x1] =	stream.indirect.gather [hbm4b:s3+s4], $0x8, s21, s4, $0xb8;
	[tilespmem:$0x6400] =	vst v63  }
0x287: {  	s23 =	sld [smem:$0x7F8]  }
0x288: {  	[tilespmem:s10], [sflag:$0x1] =	stream.indirect.gather [hbm4b:s3+s4], $0x8, s22, s4, $0xb8;
	[tilespmem:$0x6400] =	vst v63  }
0x289: {  	s24 =	sld [smem:$0x7F9]  }
0x28a: {  	[tilespmem:s11], [sflag:$0x1] =	stream.indirect.gather [hbm4b:s3+s4], $0x8, s23, s4, $0xb8;
	[tilespmem:$0x6400] =	vst v63  }
0x28b: {  	s25 =	sld [smem:$0x7FA]  }
0x28c: {  	[tilespmem:s12], [sflag:$0x1] =	stream.indirect.gather [hbm4b:s3+s4], $0x8, s24, s4, $0xb8;
	[tilespmem:$0x6400] =	vst v63  }
0x28d: {  	s26 =	sld [smem:$0x7FB]  }
0x28e: {  	[tilespmem:s13], [sflag:$0x1] =	stream.indirect.gather [hbm4b:s3+s4], $0x8, s25, s4, $0xb8;
	[tilespmem:$0x6400] =	vst v63  }
0x28f: {  	s28 =	sld [smem:$0x7FC]  }
0x290: {  	[tilespmem:s14], [sflag:$0x1] =	stream.indirect.gather [hbm4b:s3+s4], $0x8, s26, s4, $0xb8;
	[tilespmem:$0x6400] =	vst v63  }
0x291: {  	s29 =	sld [smem:$0x7FD]  }
0x292: {  	[tilespmem:s15], [sflag:$0x1] =	stream.indirect.gather [hbm4b:s3+s4], $0x8, s28, s4, $0xb8;
	[tilespmem:$0x6400] =	vst v63  }
0x293: {  	_ = 	snop  }
0x294: {  	[tilespmem:s16], [sflag:$0x1] =	stream.indirect.gather [hbm4b:s3+s4], $0x8, s29, s4, $0xb8;
	[tilespmem:$0x6400] =	vst v63  }
0x295: {  	_ = 	snop  }
0x296: {  	[tilespmem:s17], [sflag:$0x1] =	stream.indirect.gather [hbm4b:s3+s4], $0x8, s20, s4, $0xb8;
	[tilespmem:$0x6400] =	vst v63  }
0x297: {  	s30 =	simm.s32 $0x1380  }
0x298: {  	[tilespmem:s18], [sflag:$0x1] =	stream.indirect.gather [hbm4b:s3+s4], $0x8, s30, s4, $0xb8;
	[tilespmem:$0x6400] =	vst v63  }
0x299: {  	_ =	swait.ge [sflag:s5], $0x400  }
0x29a: {  	[sflag:s5] =	ssyncset.done $0x0  }
0x29b: {  	[sflag:s5] =	ssyncadd.s32 $0xFFFFFC00  }
0x29c: {  	_ =	swait.ge [sflag:s5], $0x400  }
0x29d: {  	[sflag:s5] =	ssyncset.done $0x0  }
0x29e: {  	[sflag:s5] =	ssyncadd.s32 $0xFFFFFC00  }
0x29f: {  	_ =	swait.ge [sflag:s5], $0x400  }
0x2a0: {  	[sflag:s5] =	ssyncset.done $0x0  }
0x2a1: {  	[sflag:s5] =	ssyncadd.s32 $0xFFFFFC00  }
0x2a2: {  	_ =	swait.ge [sflag:s5], $0x400  }
0x2a3: {  	[sflag:s5] =	ssyncset.done $0x0  }
0x2a4: {  	[sflag:s5] =	ssyncadd.s32 $0xFFFFFC00  }
0x2a5: {  	_ =	swait.ge [sflag:s5], $0x400  }
0x2a6: {  	[sflag:s5] =	ssyncset.done $0x0  }
0x2a7: {  	[sflag:s5] =	ssyncadd.s32 $0xFFFFFC00  }
0x2a8: {  	_ =	swait.ge [sflag:s5], $0x400  }
0x2a9: {  	[sflag:s5] =	ssyncset.done $0x0  }
0x2aa: {  	[sflag:s5] =	ssyncadd.s32 $0xFFFFFC00  }
0x2ab: {  	_ =	swait.ge [sflag:s5], $0x400  }
0x2ac: {  	[sflag:s5] =	ssyncset.done $0x0  }
0x2ad: {  	[sflag:s5] =	ssyncadd.s32 $0xFFFFFC00  }
0x2ae: {  	_ =	swait.ge [sflag:s5], $0x400  }
0x2af: {  	[sflag:s5] =	ssyncset.done $0x0  }
0x2b0: {  	[sflag:s5] =	ssyncadd.s32 $0xFFFFFC00  }
0x2b1: {  	_ =	swait.ge [sflag:s5], $0x400  }
0x2b2: {  	[sflag:s5] =	ssyncset.done $0x0  }
0x2b3: {  	[sflag:s5] =	ssyncadd.s32 $0xFFFFFC00  }
0x2b4: {  	_ =	swait.ge [sflag:s5], $0x400  }
0x2b5: {  	[sflag:s5] =	ssyncset.done $0x0  }
0x2b6: {  	s31 =	rddreg [dreg:$0x6];
	[sflag:s5] =	ssyncadd.s32 $0xFFFFFC00  }
0x2b7: {  	[hbm4b:s31+s2] =	stream.linear.scatter [tilespmem:s6], [sflag:$0x3], $0x2800, $0x38;
	[tilespmem:$0x6400] =	vst v63  }
0x2b8: {  	_ =	swait.ge [sflag:s9], $0x2800  }
0x2b9: {  	[sflag:s9] =	ssyncset.done $0x0  }
0x2ba: {  	[sflag:s9] =	ssyncadd.s32 $0xFFFFD800  }
0x2bb: {  	_ =	swait.ge [sflag:s8], $0x2800  }
0x2bc: {  	[sflag:s8] =	ssyncset.done $0x0  }
0x2bd: {  	[sflag:s8] =	ssyncadd.s32 $0xFFFFD800  }
0x2be: {  	_ =	sfence.sel $0x180000  }
0x2bf: {  	[bflag:$0x0] =	sbarrier.arrive $0xFFFF  }
0x2c0: {  	_ =	strace $0x90000047  }
0x2c1: {  	[bflag:$0x2] =	sbarrier.arrive $0xFFFF  }
0x2c2: {  	p0 =	sne.s32 s19, $0x0;
	s0 =	rddreg [dreg:$0x1]  }
0x2c3: {  	s0 =	sadd.s32 @!p0 $0x100000, s0  }
0x2c4: {  	[sflag:s0] =	ssyncadd.tile.s32 @!p0 $0x1;
	_ =	shalt  }
.LBB2_1:
.Ltmp3:
0x2c5: {  	(pc) =	sbr.rel .LBB2_6-.Ltmp3, $2  }
0x2c6: {  	_ =	sdelay $0x2  }
0x2c7: {  	s20 =	simm.s32 $0x1300  }
.LBB2_3:
.Ltmp4:
0x2c8: {  	(pc) =	sbr.rel .LBB2_6-.Ltmp4, $2  }
0x2c9: {  	_ =	sdelay $0x2  }
0x2ca: {  	s20 =	simm.s32 $0x1300;
	s19 =	stileid.u32  }
.Lfunc_end2:
_tile_overlayer_lowered:
.L_overlay_start_2:
0x2cb: {  	(tag) =	ssettag $0x2  }
0x2cc: {  	s0 =	rddreg [dreg:$0x0];
	s2 =	stileid.u32  }
0x2cd: {  	s1 =	rddreg [dreg:$0x1];
	p0 =	sne.s32 s2, $0x0  }
0x2ce: {  	s3 =	rddreg [dreg:$0x2];
	[bflag:$0x3] =	sbarrier.arrive $0xFFFF;
	s2 =	simm.s32 @!p0 $0x1C04  }
0x2cf: {  	[timem:s3], [sflag:s2] =	dma.local @!p0 [hbm:s0], s1  }
0x2d0: {  	s0 =	simm.s32 @!p0 $0x4  }
0x2d1: {  	_ =	swait.ge @!p0 [sflag:s0], s1  }
0x2d2: {  	s1 =	ssub.s32 @!p0 $0x0, s1;
	[sflag:s0] =	ssyncset.done @!p0 $0x0  }
0x2d3: {  	[sflag:s0] =	ssyncadd.s32 @!p0 s1  }
0x2d4: {  	[bflag:$0x3] =	sbarrier.arrive $0xFFFF  }
0x2d5: {  	_ =	shalt  }

// kernel: kernel.13.cloned.1.call-start
scs
__scs_entry_jumppad:
0x0: {  	(pc) =	sbr.rel $0x88, $3  }
0x1: {  	(tag) =	ssettag $0x0;
	lr =	simm.s32 $0x1  }
0x2: {  	[smem:$0x3F90] =	sst lr;
	_ =	strace $0xD0000000  }
0x3: {  	_ = 	snop  }
0x4: {  	_ = 	snop  }
0x5: {  	_ = 	snop  }
0x6: {  	_ = 	snop  }
0x7: {  	_ = 	snop  }
__scs_overlays_trampoline_lowered:
0x8: {  	[smem:$0x3F9F] =	sst s0  }
0x9: {  	[smem:$0x3FA0] =	sst s1  }
0xa: {  	[smem:$0x3FA1] =	sst s2  }
0xb: {  	[smem:$0x3FA2] =	sst s3  }
0xc: {  	[smem:$0x3FA3] =	sst s4  }
0xd: {  	[smem:$0x3FA4] =	sst s5  }
0xe: {  	[smem:$0x3FA5] =	sst s6  }
0xf: {  	[smem:$0x3FA6] =	sst s7  }
0x10: {  	[smem:$0x3FA7] =	sst s8  }
0x11: {  	[smem:$0x3FA8] =	sst s9;
	s0 =	simm.s32 @!p0 $0x0  }
0x12: {  	s1 =	sld [smem:$0x3F8E];
	s0 =	simm.s32 @p0 $0x1  }
0x13: {  	[smem:$0x3FA9] =	sst s0;
	s0 =	simm.s32 @!p1 $0x0  }
0x14: {  	s2 =	sld [smem:$0x3F8D];
	s0 =	simm.s32 @p1 $0x1  }
0x15: {  	[smem:$0x3FAA] =	sst s0;
	s0 =	simm.s32 @!p2 $0x0  }
0x16: {  	s3 =	sld [smem:$0x3FDB];
	s0 =	simm.s32 @p2 $0x1  }
0x17: {  	s4 =	simm.s32 $0x1BF5;
	[smem:$0x3FAC] =	sst s0  }
0x18: {  	s0 =	sld [smem:$0x3F8F];
	_ =	swait.ge [sflag:s4], $0x0  }
0x19: {  	s7 =	sld [smem:$0x3F90]  }
0x1a: {  	s8 =	sadd.s32 $0xFFFFE003, lr  }
0x1b: {  	s9 =	sadd.s32 $0xFFFFFEF7, lr;
	s5 =	simm.s32 $0xFFFFFFFF;
	p2 =	slt.u32 s8, $0xFFFFF086  }
0x1c: {  	p1 =	slt.u32 s9, $0xF7A;
	s5 =	simm.s32 @!p2 $0x0  }
0x1d: {  	s5 =	simm.s32 @p1 $0x1;
	p0 =	seq.s32 s7, s2  }
0x1e: {  	s7 =	smul.u32 @!p0 $0xF7A, s2;
	p2 =	seq.s32 @!p0 s5, $0x0  }
0x1f: {  	s9 =	smul.u32 $0xF7A, s1;
	s8 =	simm.s32 @!p0 $0x1BF5;
	p2 =	por !p2, p0  }
0x20: {  	[sflag:s8] =	ssyncset.s32 @!p0 $0xFFFFF086;
	s6 =	sadd.s32 @!p0 s3, s7;
	s7 =	simm.s32 @!p0 $0x108  }
0x21: {  	s3 =	sadd.s32 s3, s9;
	s6 =	sadd.s32 @!p0 $0x88, s6;
	s7 =	simm.s32 @p2 $0x1082  }
0x22: {  	[simem:s7], [sflag:s8] =	dma.local @!p0 [hbm:s6], $0xF7A  }
0x23: {  	s9 =	sor.u32 $0xD0000000, s2;
	s6 =	simm.s32 $0x108;
	_ =	swait.ge @!p0 [sflag:s8], $0x0  }
0x24: {  	s3 =	sadd.s32 $0x88, s3;
	s6 =	simm.s32 @!p1 $0x1082;
	[sflag:s4] =	ssyncset.s32 $0xFFFFF086  }
0x25: {  	[simem:s6], [sflag:s4] =	dma.local [hbm:s3], $0xF7A  }
0x26: {  	[smem:$0x3F90] =	sst s1;
	(tag) =	ssettag s2;
	_ =	strace s9  }
0x27: {  	s1 =	sld [smem:$0x3FA0]  }
0x28: {  	s2 =	sld [smem:$0x3FA1]  }
0x29: {  	s4 =	sld [smem:$0x3FA3]  }
0x2a: {  	p0 =	seq.s32 s5, $0x0;
	s5 =	sld [smem:$0x3FA4]  }
0x2b: {  	s6 =	sld [smem:$0x3FA5]  }
0x2c: {  	s7 =	sld [smem:$0x3FA6]  }
0x2d: {  	s3 =	simm.s32 $0x108;
	s8 =	sld [smem:$0x3FA7]  }
0x2e: {  	s3 =	simm.s32 @!p0 $0x1082;
	s9 =	sld [smem:$0x3FA8]  }
0x2f: {  	lr =	sadd.s32 s0, s3;
	s0 =	sld [smem:$0x3F9F]  }
0x30: {  	s3 =	sld [smem:$0x3FA2]  }
0x31: {  	[smem:$0x3FAB] =	sst s10  }
0x32: {  	s10 =	sld [smem:$0x3FA9];
	_ =	sdelay $0x3  }
0x33: {  	p0 =	seq.s32 s10, $0x1;
	s10 =	sld [smem:$0x3FAB];
	_ =	sdelay $0x3  }
0x34: {  	[smem:$0x3FAB] =	sst s10  }
0x35: {  	s10 =	sld [smem:$0x3FAA];
	_ =	sdelay $0x3  }
0x36: {  	p1 =	seq.s32 s10, $0x1;
	s10 =	sld [smem:$0x3FAB];
	_ =	sdelay $0x3  }
0x37: {  	[smem:$0x3FAB] =	sst s10  }
0x38: {  	s10 =	sld [smem:$0x3FAC]  }
0x39: {  	_ = 	snop;
	(pc) =	sbr.ind lr, $3  }
0x3a: {  	_ = 	snop  }
0x3b: {  	_ = 	snop  }
0x3c: {  	p2 =	seq.s32 s10, $0x1;
	s10 =	sld [smem:$0x3FAB]  }
0x3d: {  	_ =	shalt  }
0x3e: {  	_ =	shalt  }
0x3f: {  	_ =	shalt  }
0x40: {  	_ =	shalt  }
0x41: {  	_ =	shalt  }
0x42: {  	_ =	shalt  }
0x43: {  	_ =	shalt  }
0x44: {  	_ =	shalt  }
0x45: {  	_ =	shalt  }
0x46: {  	_ =	shalt  }
0x47: {  	_ =	shalt  }
0x48: {  	_ =	shalt  }
0x49: {  	_ =	shalt  }
0x4a: {  	_ =	shalt  }
0x4b: {  	_ =	shalt  }
0x4c: {  	_ =	shalt  }
0x4d: {  	_ =	shalt  }
0x4e: {  	_ =	shalt  }
0x4f: {  	_ =	shalt  }
0x50: {  	_ =	shalt  }
0x51: {  	_ =	shalt  }
0x52: {  	_ =	shalt  }
0x53: {  	_ =	shalt  }
0x54: {  	_ =	shalt  }
0x55: {  	_ =	shalt  }
0x56: {  	_ =	shalt  }
0x57: {  	_ =	shalt  }
0x58: {  	_ =	shalt  }
0x59: {  	_ =	shalt  }
0x5a: {  	_ =	shalt  }
0x5b: {  	_ =	shalt  }
0x5c: {  	_ =	shalt  }
0x5d: {  	_ =	shalt  }
0x5e: {  	_ =	shalt  }
0x5f: {  	_ =	shalt  }
0x60: {  	_ =	shalt  }
0x61: {  	_ =	shalt  }
0x62: {  	_ =	shalt  }
0x63: {  	_ =	shalt  }
0x64: {  	_ =	shalt  }
0x65: {  	_ =	shalt  }
0x66: {  	_ =	shalt  }
0x67: {  	_ =	shalt  }
0x68: {  	_ =	shalt  }
0x69: {  	_ =	shalt  }
0x6a: {  	_ =	shalt  }
0x6b: {  	_ =	shalt  }
0x6c: {  	_ =	shalt  }
0x6d: {  	_ =	shalt  }
0x6e: {  	_ =	shalt  }
0x6f: {  	_ =	shalt  }
0x70: {  	_ =	shalt  }
0x71: {  	_ =	shalt  }
0x72: {  	_ =	shalt  }
0x73: {  	_ =	shalt  }
0x74: {  	_ =	shalt  }
0x75: {  	_ =	shalt  }
0x76: {  	_ =	shalt  }
0x77: {  	_ =	shalt  }
0x78: {  	_ =	shalt  }
0x79: {  	_ =	shalt  }
0x7a: {  	_ =	shalt  }
0x7b: {  	_ =	shalt  }
0x7c: {  	_ =	shalt  }
0x7d: {  	_ =	shalt  }
0x7e: {  	_ =	shalt  }
0x7f: {  	_ =	shalt  }
0x80: {  	_ =	shalt  }
0x81: {  	_ =	shalt  }
0x82: {  	_ =	shalt  }
0x83: {  	_ =	shalt  }
0x84: {  	_ =	shalt  }
0x85: {  	_ =	shalt  }
0x86: {  	_ =	shalt  }
0x87: {  	_ =	shalt  }
.Lfunc_end0:
.L_simem_size_0:
called_computation.1_lowered:
.L_overlay_start_0:
0x88: {  	s2 =	sld [smem:$0x3FD9]  }
0x89: {  	s3 =	sld [smem:$0x3FFE];
	_ =	sdelay $0x1  }
0x8a: {  	s1 =	srdreg.scid  }
0x8b: {  	s0 =	sand.u32 $0x1, s1  }
0x8c: {  	s16 =	sshll.u32 s0, $0xA;
	s2 =	sadd.s32 s3, s2  }
0x8d: {  	s2 =	sadd.s32 s2, s16  }
0x8e: {  	[smem:$0x3FB7] =	sst s2  }
0x8f: {  	_ = 	snop  }
0x90: {  	(tm) =	ssettm $0x1  }
0x91: {  	s17 =	sld [smem:$0x3FFB];
	_ =	sdelay $0x3  }
0x92: {  	_ =	strace s17  }
0x93: {  	s2 =	sld [smem:$0x3FFC];
	_ =	sdelay $0x3  }
0x94: {  	_ =	strace s2  }
0x95: {  	s2 =	sld [smem:$0x3FFD];
	_ =	sdelay $0x3  }
0x96: {  	_ =	strace s2  }
0x97: {  	_ =	strace $0x8FFFFFFF  }
0x98: {  	s18 =	sld [smem:$0x3FDB];
	_ =	sdelay $0x1  }
0x99: {  	s19 =	simm.s32 $_scs_section_size  }
0x9a: {  	s4 =	simm.s32 $_size__tile_overlayer_lowered;
	s5 =	simm.s32 $_tile_overlayer_lowered  }
0x9b: {  	s22 =	simm.s32 $0x1BFF;
	s21 =	sshll.u32 s5, $0x1;
	s2 =	sadd.s32 s19, s18  }
0x9c: {  	s6 =	simm.s32 $0x0;
	s20 =	sshll.u32 s4, $0x1;
	s4 =	sadd.s32 s21, s2  }
0x9d: {  	[timem:s6], [sflag:s22] =	dma.local [hbm:s4], s20  }
0x9e: {  	_ =	swait.ge [sflag:s22], s20  }
0x9f: {  	s3 =	ssub.s32 $0x0, s20;
	[sflag:s22] =	ssyncset.done $0x0  }
0xa0: {  	[sflag:s22] =	ssyncadd.s32 s3;
	_ =	sdelay $0x1  }
0xa1: {  	s23 =	simm.s32 $0x1B8B  }
0xa2: {  	_ =	swait.ge [sflag:s23], $0x1  }
0xa3: {  	[sflag:s23] =	ssyncset.done $0x0  }
0xa4: {  	s25 =	simm.s32 $0x1B8E;
	s24 =	sld [smem:$0x3FFE];
	[sflag:s23] =	ssyncadd.s32 $0xFFFFFFFF  }
0xa5: {  	s26 =	simm.s32 $execute0_lowered;
	[smem:$0x3FD2] =	sst s25  }
0xa6: {  	s4 =	sshll.u32 s26, $0x1;
	_ =	strace $0x80000049;
	[dreg:$0x1] =	wrdreg $0xFFFFFFFF  }
0xa7: {  	s28 =	simm.s32 $_size_execute0_lowered;
	s2 =	sadd.s32 s2, s4;
	[dreg:$0x0] =	wrdreg $0x0  }
0xa8: {  	s4 =	sshll.u32 s28, $0x1;
	[dreg:$0x2] =	wrdreg s2  }
0xa9: {  	[dreg:$0x3] =	wrdreg s4  }
0xaa: {  	[dreg:$0x4] =	wrdreg $0xC0  }
0xab: {  	_ =	task [dreg:s6], $0x5FFFF  }
0xac: {  	[dreg:$0x1] =	wrdreg $0xFFFFFFFF  }
0xad: {  	[dreg:$0x0] =	wrdreg $0x60  }
0xae: {  	[dreg:$0x2] =	wrdreg s24  }
0xaf: {  	[dreg:$0x3] =	wrdreg $0x154000  }
0xb0: {  	[dreg:$0x4] =	wrdreg $0x9  }
0xb1: {  	_ =	task.clear_ibuf [dreg:s6], $0x5FFFF;
	_ =	strace $0x90000049  }
0xb2: {  	s29 =	simm.s32 $0x9;
	_ =	strace $0x8000004B  }
0xb3: {  	_ =	swait.ge [sflag:s29], $0x1  }
0xb4: {  	[sflag:s29] =	ssyncadd.s32 $0xFFFFFFFF  }
0xb5: {  	_ =	strace $0x9000004B  }
0xb6: {  	_ =	sfence  }
0xb7: {  	s30 =	sld [smem:$0x0];
	_ =	sdelay $0x2  }
0xb8: {  	s31 =	sshll.u32 s1, $0xD;
	s1 =	sshrl.u32 s1, $0x2  }
0xb9: {  	s3 =	sand.u32 $0x4000, s31;
	s1 =	sadd.s32 s1, s30  }
0xba: {  	s0 =	sor.u32 s3, s0;
	s1 =	sshll.u32 s1, $0x11  }
0xbb: {  	s0 =	sor.u32 s1, s0  }
0xbc: {  	s0 =	sadd.s32 $0x8F2B, s0  }
0xbd: {  	[sflag:s0] =	ssyncadd.remote.s32 $0x1  }
0xbe: {  	_ =	sfence.sel $0xFFFF  }
0xbf: {  	[dreg:$0x0] =	wrdreg $0xFFFFFFFF;
	(pc) =	sbr.abs _section_cstart, $3  }
0xc0: {  	[dreg:$0x1] =	wrdreg $0xFFFFFFFF  }
0xc1: {  	_ =	task.clear_ibuf [dreg:s6], $0x2FFFF;
	_ =	strace $0x9FFFFFFF  }
0xc2: {  	(tm) =	ssettm $0x7FFFFFFF  }
0xc3: {  	_ =	shalt  }
tec
execute0_lowered:
.L_overlay_start_1:
0x0: {  	(tag) =	ssettag $0x1  }
0x1: {  	s0 =	srdreg.scid;
	s1 =	rddreg [dreg:$0x0]  }
0x2: {  	s12 =	stileid.u32;
	s2 =	rddreg [dreg:$0x1];
	s6 =	simm.s32 $0x0  }
0x3: {  	s20 =	simm.s32 $0x100;
	s21 =	simm.s32 $0x180;
	[smem:$0x7FF] =	sst s6  }
0x4: {  	s22 =	simm.s32 $0x200;
	_ =	strace $0x8000004A;
	[dreg:$0xa] =	wrdreg s20  }
0x5: {  	s23 =	simm.s32 $0x280;
	s24 =	simm.s32 $0x300;
	[dreg:$0xb] =	wrdreg s21  }
0x6: {  	s25 =	simm.s32 $0x380;
	s26 =	simm.s32 $0x400;
	[dreg:$0xc] =	wrdreg s22  }
0x7: {  	s13 =	simm.s32 $0x780;
	s14 =	simm.s32 $0x800;
	[dreg:$0xd] =	wrdreg s23  }
0x8: {  	s28 =	simm.s32 $0x7400;
	s29 =	simm.s32 $0x8400;
	[dreg:$0xe] =	wrdreg s24  }
0x9: {  	s30 =	simm.s32 $0x9400;
	p0 =	por $0x0, $0x0;
	[dreg:$0xf] =	wrdreg s25  }
0xa: {  	s0 =	sand.u32 $0x1, s0;
	s5 =	smul.u32 $0x5000, s12;
	[dreg:$0x10] =	wrdreg s26  }
0xb: {  	s7 =	sadd.s32 $0x5E600, s1;
	s3 =	sshll.u32 s0, $0x4;
	[dreg:$0x17] =	wrdreg s13  }
0xc: {  	s10 =	smul.u32 $0x50000, s0;
	[dreg:$0x18] =	wrdreg s14;
	s20 =	simm.s32 $0xA80  }
0xd: {  	s0 =	ssub.s32 $0x2, s0;
	s21 =	simm.s32 $0xB00;
	[dreg:$0x1d] =	wrdreg s20  }
0xe: {  	s22 =	simm.s32 $0xB80;
	s23 =	simm.s32 $0xC00;
	[dreg:$0x1e] =	wrdreg s21  }
0xf: {  	s24 =	simm.s32 $0xC80;
	s25 =	simm.s32 $0xD00;
	[dreg:$0x1f] =	wrdreg s22  }
0x10: {  	s26 =	simm.s32 $0xD80;
	s13 =	simm.s32 $0x1000;
	[smem:$0x7EE] =	sst s23  }
0x11: {  	s14 =	simm.s32 $0x1080;
	s3 =	sor.u32 s12, s3;
	[smem:$0x7EF] =	sst s24  }
0x12: {  	s9 =	sshrl.u32 s5, $0x3;
	s11 =	sshrl.u32 s0, $0x1;
	[smem:$0x7F0] =	sst s25  }
0x13: {  	s21 =	simm.s32 $0x1;
	s22 =	simm.s32 $0x2400;
	[smem:$0x7F1] =	sst s26  }
0x14: {  	s23 =	simm.s32 $0x3400;
	s24 =	simm.s32 $0x4400;
	[smem:$0x7F6] =	sst s13  }
0x15: {  	s25 =	simm.s32 $0x5400;
	s26 =	simm.s32 $0x6400;
	[smem:$0x7F7] =	sst s14  }
0x16: {  	s13 =	simm.s32 $0xD400;
	s20 =	simm.s32 $0x1380;
	s9 =	sadd.s32 s9, s1  }
0x17: {  	s17 =	sadd.s32 s5, s10;
	s10 =	simm.s32 $0x700;
	[smem:$0x7FD] =	sst s20  }
0x18: {  	s14 =	simm.s32 $0x13400;
	s16 =	sadd.s32 $0x31600, s9;
	[dreg:$0x16] =	wrdreg s10  }
0x19: {  	s8 =	smul.u32 $0x5000, s3;
	s9 =	simm.s32 $0x680;
	[dreg:$0x5] =	wrdreg s16  }
0x1a: {  	s4 =	smul.u32 $0x280, s3;
	s10 =	simm.s32 $0xF00;
	[dreg:$0x15] =	wrdreg s9  }
0x1b: {  	s3 =	smul.u32 $0x28000, s3;
	s15 =	sadd.s32 s7, s8;
	[smem:$0x7F4] =	sst s10  }
0x1c: {  	s0 =	ssub.s32 s0, s11;
	s8 =	simm.s32 $0x600;
	[dreg:$0x4] =	wrdreg s15  }
0x1d: {  	s4 =	sadd.s32 s4, s1;
	s16 =	simm.s32 $0x900;
	[dreg:$0x14] =	wrdreg s8  }
0x1e: {  	s3 =	sshrl.u32 s3, $0x3;
	s4 =	sadd.s32 $0x59600, s4;
	[dreg:$0x1a] =	wrdreg s16  }
0x1f: {  	s3 =	sadd.s32 s7, s3;
	s15 =	simm.s32 $0x880;
	[dreg:$0x3] =	wrdreg s4  }
0x20: {  	s7 =	sshrl.u32 s17, $0x3;
	s17 =	simm.s32 $0x980;
	[dreg:$0x19] =	wrdreg s15  }
0x21: {  	s5 =	sadd.s32 s5, s2;
	s8 =	simm.s32 $0xE80;
	[dreg:$0x1b] =	wrdreg s17  }
0x22: {  	s11 =	simm.s32 $0x1400;
	s16 =	simm.s32 $0x1180;
	[smem:$0x7F3] =	sst s8  }
0x23: {  	s20 =	simm.s32 $0xF400;
	s18 =	sadd.s32 $0x1400, s3;
	[smem:$0x7F9] =	sst s16  }
0x24: {  	s5 =	sshrl.u32 s5, $0x3;
	s19 =	sadd.s32 $0x2800, s3;
	[dreg:$0x6] =	wrdreg s18  }
0x25: {  	s9 =	simm.s32 $0xB400;
	s3 =	sadd.s32 $0x3C00, s3;
	[dreg:$0x7] =	wrdreg s19  }
0x26: {  	s10 =	simm.s32 $0xC400;
	s4 =	simm.s32 $0x500;
	[dreg:$0x8] =	wrdreg s3  }
0x27: {  	s1 =	sadd.s32 s7, s1;
	s7 =	simm.s32 $0x580;
	[dreg:$0x12] =	wrdreg s4  }
0x28: {  	s15 =	simm.s32 $0x1100;
	s8 =	simm.s32 $0x3;
	[dreg:$0x13] =	wrdreg s7  }
0x29: {  	s17 =	simm.s32 $0x1200;
	s16 =	simm.s32 $0x12400;
	[smem:$0x7F8] =	sst s15  }
0x2a: {  	s1 =	sadd.s32 $0x3B600, s1;
	s3 =	simm.s32 $0x480;
	[smem:$0x7FA] =	sst s17  }
0x2b: {  	s18 =	simm.s32 $0xA00;
	s19 =	sshll.u32 s12, $0x6;
	[dreg:$0x9] =	wrdreg s1  }
0x2c: {  	s7 =	simm.s32 $0x80;
	s4 =	simm.s32 $0xE00;
	[dreg:$0x11] =	wrdreg s3  }
0x2d: {  	s12 =	simm.s32 $0xF80;
	s1 =	smax.u32 s0, $0x1;
	[dreg:$0x1c] =	wrdreg s18  }
0x2e: {  	s17 =	simm.s32 $0xE400;
	[smem:$0x7F2] =	sst s4;
	p1 =	sne.s32 s1, $0x1  }
.Ltmp0:
0x2f: {  	s15 =	simm.s32 $0x14400;
	[smem:$0x7F5] =	sst s12;
	(pc) =	sbr.rel @!p1 .LBB2_5-.Ltmp0, $4  }
0x30: {  	s3 =	simm.s32 $0x4;
	s18 =	simm.s32 $0x1280;
	s0 =	rddreg [dreg:$0x3]  }
0x31: {  	s31 =	sor.u32 $0x1C04, s19;
	s19 =	simm.s32 $0x1300;
	[smem:$0x7FB] =	sst s18  }
0x32: {  	s4 =	simm.s32 $0xA400;
	s12 =	simm.s32 $0x2;
	[smem:$0x7FC] =	sst s19  }
0x33: {  	s1 =	sadd.s32 $0xFFFFFFFF, s1;
	s19 =	simm.s32 $0x10400;
	s18 =	simm.s32 $0x11400  }
0x34: {  	[tilespmem:s6], [sflag:$0x4] =	stream.linear.gather [hbm4b:s0+s6], $0x1400, $0x38;
	[tilespmem:$0x1A400] =	vst v63  }
0x35: {  	_ =	swait.ge [sflag:s3], $0x1400  }
0x36: {  	s0 =	rddreg [dreg:$0x4]  }
0x37: {  	[sflag:s3] =	ssyncset.done $0x0;
	[smem:$0x7ED] =	sst s1  }
0x38: {  	s1 =	rddreg [dreg:$0x5];
	[sflag:s3] =	ssyncadd.s32 $0xFFFFEC00  }
0x39: {  	[tilespmem:s11], [sflag:$0x1] =	stream.linear.gather [hbm4b:s0+s6], $0xA000, $0x38;
	[tilespmem:$0x1A400] =	vst v63  }
0x3a: {  	[spmem:s5], [sflag:s31] =	dma.local [hbm:s1], $0xA00  }
0x3b: {  	_ =	swait.ge [sflag:s3], $0xA00  }
0x3c: {  	[sflag:s3] =	ssyncset.done $0x0  }
0x3d: {  	[sflag:s3] =	ssyncadd.s32 $0xFFFFF600  }
0x3e: {  	[bflag:$0x0] =	sbarrier.arrive $0xFFFF  }
0x3f: {  	_ =	swait.ge [sflag:s21], $0xA000  }
0x40: {  	[sflag:s21] =	ssyncset.done $0x0  }
0x41: {  	s1 =	rddreg [dreg:$0x6];
	[sflag:s21] =	ssyncadd.s32 $0xFFFF6000  }
0x42: {  	[tilespmem:s9], [sflag:$0x2] =	stream.linear.gather [hbm4b:s1+s6], $0xA000, $0x38;
	[tilespmem:$0x1A400] =	vst v63  }
0x43: {  	_ = 	snop  }
0x44: {  	[spmem:s2] =	stream.indirect.scatter.add.f32 [tilespmem:s11], [sflag:$0x3], $0x20, s6, s7, $0xb8;
	[tilespmem:$0x1A400] =	vst v63  }
0x45: {  	_ = 	snop  }
0x46: {  	[spmem:s2] =	stream.indirect.scatter.add.f32 [tilespmem:s22], [sflag:$0x3], $0x20, s7, s7, $0xb8;
	[tilespmem:$0x1A400] =	vst v63  }
0x47: {  	s0 =	rddreg [dreg:$0xa]  }
0x48: {  	[spmem:s2] =	stream.indirect.scatter.add.f32 [tilespmem:s23], [sflag:$0x3], $0x20, s0, s7, $0xb8;
	[tilespmem:$0x1A400] =	vst v63  }
0x49: {  	s1 =	rddreg [dreg:$0xb]  }
0x4a: {  	[spmem:s2] =	stream.indirect.scatter.add.f32 [tilespmem:s24], [sflag:$0x3], $0x20, s1, s7, $0xb8;
	[tilespmem:$0x1A400] =	vst v63  }
0x4b: {  	s0 =	rddreg [dreg:$0xc]  }
0x4c: {  	[spmem:s2] =	stream.indirect.scatter.add.f32 [tilespmem:s25], [sflag:$0x3], $0x20, s0, s7, $0xb8;
	[tilespmem:$0x1A400] =	vst v63  }
0x4d: {  	s1 =	rddreg [dreg:$0xd]  }
0x4e: {  	[spmem:s2] =	stream.indirect.scatter.add.f32 [tilespmem:s26], [sflag:$0x3], $0x20, s1, s7, $0xb8;
	[tilespmem:$0x1A400] =	vst v63  }
0x4f: {  	s0 =	rddreg [dreg:$0xe]  }
0x50: {  	[spmem:s2] =	stream.indirect.scatter.add.f32 [tilespmem:s28], [sflag:$0x3], $0x20, s0, s7, $0xb8;
	[tilespmem:$0x1A400] =	vst v63  }
0x51: {  	s1 =	rddreg [dreg:$0xf]  }
0x52: {  	[spmem:s2] =	stream.indirect.scatter.add.f32 [tilespmem:s29], [sflag:$0x3], $0x20, s1, s7, $0xb8;
	[tilespmem:$0x1A400] =	vst v63  }
0x53: {  	s0 =	rddreg [dreg:$0x10]  }
0x54: {  	[spmem:s2] =	stream.indirect.scatter.add.f32 [tilespmem:s30], [sflag:$0x3], $0x20, s0, s7, $0xb8;
	[tilespmem:$0x1A400] =	vst v63  }
0x55: {  	s1 =	rddreg [dreg:$0x11]  }
0x56: {  	[spmem:s2] =	stream.indirect.scatter.add.f32 [tilespmem:s4], [sflag:$0x3], $0x20, s1, s7, $0xb8;
	[tilespmem:$0x1A400] =	vst v63  }
0x57: {  	_ =	swait.ge [sflag:s8], $0x1000  }
0x58: {  	[sflag:s8] =	ssyncset.done $0x0  }
0x59: {  	[sflag:s8] =	ssyncadd.s32 $0xFFFFF000  }
0x5a: {  	_ =	swait.ge [sflag:s8], $0x1000  }
0x5b: {  	[sflag:s8] =	ssyncset.done $0x0  }
0x5c: {  	[sflag:s8] =	ssyncadd.s32 $0xFFFFF000  }
0x5d: {  	_ =	swait.ge [sflag:s8], $0x1000  }
0x5e: {  	[sflag:s8] =	ssyncset.done $0x0  }
0x5f: {  	[sflag:s8] =	ssyncadd.s32 $0xFFFFF000  }
0x60: {  	_ =	swait.ge [sflag:s8], $0x1000  }
0x61: {  	[sflag:s8] =	ssyncset.done $0x0  }
0x62: {  	[sflag:s8] =	ssyncadd.s32 $0xFFFFF000  }
0x63: {  	_ =	swait.ge [sflag:s8], $0x1000  }
0x64: {  	[sflag:s8] =	ssyncset.done $0x0  }
0x65: {  	[sflag:s8] =	ssyncadd.s32 $0xFFFFF000  }
0x66: {  	_ =	swait.ge [sflag:s8], $0x1000  }
0x67: {  	[sflag:s8] =	ssyncset.done $0x0  }
0x68: {  	[sflag:s8] =	ssyncadd.s32 $0xFFFFF000  }
0x69: {  	_ =	swait.ge [sflag:s8], $0x1000  }
0x6a: {  	[sflag:s8] =	ssyncset.done $0x0  }
0x6b: {  	[sflag:s8] =	ssyncadd.s32 $0xFFFFF000  }
0x6c: {  	_ =	swait.ge [sflag:s8], $0x1000  }
0x6d: {  	[sflag:s8] =	ssyncset.done $0x0  }
0x6e: {  	[sflag:s8] =	ssyncadd.s32 $0xFFFFF000  }
0x6f: {  	_ =	swait.ge [sflag:s8], $0x1000  }
0x70: {  	[sflag:s8] =	ssyncset.done $0x0  }
0x71: {  	[sflag:s8] =	ssyncadd.s32 $0xFFFFF000  }
0x72: {  	_ =	swait.ge [sflag:s8], $0x1000  }
0x73: {  	[sflag:s8] =	ssyncset.done $0x0  }
0x74: {  	[sflag:s8] =	ssyncadd.s32 $0xFFFFF000  }
0x75: {  	_ =	swait.ge [sflag:s12], $0xA000  }
0x76: {  	[sflag:s12] =	ssyncset.done $0x0  }
0x77: {  	s0 =	rddreg [dreg:$0x7];
	[sflag:s12] =	ssyncadd.s32 $0xFFFF6000  }
0x78: {  	[tilespmem:s11], [sflag:$0x1] =	stream.linear.gather [hbm4b:s0+s6], $0xA000, $0x38;
	[tilespmem:$0x1A400] =	vst v63  }
0x79: {  	s1 =	rddreg [dreg:$0x12]  }
0x7a: {  	[spmem:s2] =	stream.indirect.scatter.add.f32 [tilespmem:s9], [sflag:$0x3], $0x20, s1, s7, $0xb8;
	[tilespmem:$0x1A400] =	vst v63  }
0x7b: {  	s0 =	rddreg [dreg:$0x13]  }
0x7c: {  	[spmem:s2] =	stream.indirect.scatter.add.f32 [tilespmem:s10], [sflag:$0x3], $0x20, s0, s7, $0xb8;
	[tilespmem:$0x1A400] =	vst v63  }
0x7d: {  	s1 =	rddreg [dreg:$0x14]  }
0x7e: {  	[spmem:s2] =	stream.indirect.scatter.add.f32 [tilespmem:s13], [sflag:$0x3], $0x20, s1, s7, $0xb8;
	[tilespmem:$0x1A400] =	vst v63  }
0x7f: {  	s0 =	rddreg [dreg:$0x15]  }
0x80: {  	[spmem:s2] =	stream.indirect.scatter.add.f32 [tilespmem:s17], [sflag:$0x3], $0x20, s0, s7, $0xb8;
	[tilespmem:$0x1A400] =	vst v63  }
0x81: {  	s1 =	rddreg [dreg:$0x16]  }
0x82: {  	[spmem:s2] =	stream.indirect.scatter.add.f32 [tilespmem:s20], [sflag:$0x3], $0x20, s1, s7, $0xb8;
	[tilespmem:$0x1A400] =	vst v63  }
0x83: {  	s0 =	rddreg [dreg:$0x17]  }
0x84: {  	[spmem:s2] =	stream.indirect.scatter.add.f32 [tilespmem:s19], [sflag:$0x3], $0x20, s0, s7, $0xb8;
	[tilespmem:$0x1A400] =	vst v63  }
0x85: {  	s1 =	rddreg [dreg:$0x18]  }
0x86: {  	[spmem:s2] =	stream.indirect.scatter.add.f32 [tilespmem:s18], [sflag:$0x3], $0x20, s1, s7, $0xb8;
	[tilespmem:$0x1A400] =	vst v63  }
0x87: {  	s0 =	rddreg [dreg:$0x19]  }
0x88: {  	[spmem:s2] =	stream.indirect.scatter.add.f32 [tilespmem:s16], [sflag:$0x3], $0x20, s0, s7, $0xb8;
	[tilespmem:$0x1A400] =	vst v63  }
0x89: {  	s1 =	rddreg [dreg:$0x1a]  }
0x8a: {  	[spmem:s2] =	stream.indirect.scatter.add.f32 [tilespmem:s14], [sflag:$0x3], $0x20, s1, s7, $0xb8;
	[tilespmem:$0x1A400] =	vst v63  }
0x8b: {  	s0 =	rddreg [dreg:$0x1b]  }
0x8c: {  	[spmem:s2] =	stream.indirect.scatter.add.f32 [tilespmem:s15], [sflag:$0x3], $0x20, s0, s7, $0xb8;
	[tilespmem:$0x1A400] =	vst v63  }
0x8d: {  	_ =	swait.ge [sflag:s8], $0x1000  }
0x8e: {  	[sflag:s8] =	ssyncset.done $0x0  }
0x8f: {  	[sflag:s8] =	ssyncadd.s32 $0xFFFFF000  }
0x90: {  	_ =	swait.ge [sflag:s8], $0x1000  }
0x91: {  	[sflag:s8] =	ssyncset.done $0x0  }
0x92: {  	[sflag:s8] =	ssyncadd.s32 $0xFFFFF000  }
0x93: {  	_ =	swait.ge [sflag:s8], $0x1000  }
0x94: {  	[sflag:s8] =	ssyncset.done $0x0  }
0x95: {  	[sflag:s8] =	ssyncadd.s32 $0xFFFFF000  }
0x96: {  	_ =	swait.ge [sflag:s8], $0x1000  }
0x97: {  	[sflag:s8] =	ssyncset.done $0x0  }
0x98: {  	[sflag:s8] =	ssyncadd.s32 $0xFFFFF000  }
0x99: {  	_ =	swait.ge [sflag:s8], $0x1000  }
0x9a: {  	[sflag:s8] =	ssyncset.done $0x0  }
0x9b: {  	[sflag:s8] =	ssyncadd.s32 $0xFFFFF000  }
0x9c: {  	_ =	swait.ge [sflag:s8], $0x1000  }
0x9d: {  	[sflag:s8] =	ssyncset.done $0x0  }
0x9e: {  	[sflag:s8] =	ssyncadd.s32 $0xFFFFF000  }
0x9f: {  	_ =	swait.ge [sflag:s8], $0x1000  }
0xa0: {  	[sflag:s8] =	ssyncset.done $0x0  }
0xa1: {  	[sflag:s8] =	ssyncadd.s32 $0xFFFFF000  }
0xa2: {  	_ =	swait.ge [sflag:s8], $0x1000  }
0xa3: {  	[sflag:s8] =	ssyncset.done $0x0  }
0xa4: {  	[sflag:s8] =	ssyncadd.s32 $0xFFFFF000  }
0xa5: {  	_ =	swait.ge [sflag:s8], $0x1000  }
0xa6: {  	[sflag:s8] =	ssyncset.done $0x0  }
0xa7: {  	[sflag:s8] =	ssyncadd.s32 $0xFFFFF000  }
0xa8: {  	_ =	swait.ge [sflag:s8], $0x1000  }
0xa9: {  	[sflag:s8] =	ssyncset.done $0x0  }
0xaa: {  	[sflag:s8] =	ssyncadd.s32 $0xFFFFF000  }
0xab: {  	_ =	swait.ge [sflag:s21], $0xA000  }
0xac: {  	s0 =	rddreg [dreg:$0x8];
	[sflag:s21] =	ssyncset.done $0x0  }
0xad: {  	s1 =	rddreg [dreg:$0x1c];
	[sflag:s21] =	ssyncadd.s32 $0xFFFF6000  }
0xae: {  	[tilespmem:s9], [sflag:$0x2] =	stream.linear.gather [hbm4b:s0+s6], $0xA000, $0x38;
	[tilespmem:$0x1A400] =	vst v63  }
0xaf: {  	s0 =	rddreg [dreg:$0x1d]  }
0xb0: {  	[spmem:s2] =	stream.indirect.scatter.add.f32 [tilespmem:s11], [sflag:$0x3], $0x20, s1, s7, $0xb8;
	[tilespmem:$0x1A400] =	vst v63  }
0xb1: {  	s1 =	rddreg [dreg:$0x1e]  }
0xb2: {  	[spmem:s2] =	stream.indirect.scatter.add.f32 [tilespmem:s22], [sflag:$0x3], $0x20, s0, s7, $0xb8;
	[tilespmem:$0x1A400] =	vst v63  }
0xb3: {  	s0 =	rddreg [dreg:$0x1f]  }
0xb4: {  	[spmem:s2] =	stream.indirect.scatter.add.f32 [tilespmem:s23], [sflag:$0x3], $0x20, s1, s7, $0xb8;
	[tilespmem:$0x1A400] =	vst v63  }
0xb5: {  	s22 =	sld [smem:$0x7EE]  }
0xb6: {  	[spmem:s2] =	stream.indirect.scatter.add.f32 [tilespmem:s24], [sflag:$0x3], $0x20, s0, s7, $0xb8;
	[tilespmem:$0x1A400] =	vst v63  }
0xb7: {  	s23 =	sld [smem:$0x7EF]  }
0xb8: {  	[spmem:s2] =	stream.indirect.scatter.add.f32 [tilespmem:s25], [sflag:$0x3], $0x20, s22, s7, $0xb8;
	[tilespmem:$0x1A400] =	vst v63  }
0xb9: {  	s24 =	sld [smem:$0x7F0]  }
0xba: {  	[spmem:s2] =	stream.indirect.scatter.add.f32 [tilespmem:s26], [sflag:$0x3], $0x20, s23, s7, $0xb8;
	[tilespmem:$0x1A400] =	vst v63  }
0xbb: {  	s25 =	sld [smem:$0x7F1]  }
0xbc: {  	[spmem:s2] =	stream.indirect.scatter.add.f32 [tilespmem:s28], [sflag:$0x3], $0x20, s24, s7, $0xb8;
	[tilespmem:$0x1A400] =	vst v63  }
0xbd: {  	s26 =	sld [smem:$0x7F2]  }
0xbe: {  	[spmem:s2] =	stream.indirect.scatter.add.f32 [tilespmem:s29], [sflag:$0x3], $0x20, s25, s7, $0xb8;
	[tilespmem:$0x1A400] =	vst v63  }
0xbf: {  	s28 =	sld [smem:$0x7F3]  }
0xc0: {  	[spmem:s2] =	stream.indirect.scatter.add.f32 [tilespmem:s30], [sflag:$0x3], $0x20, s26, s7, $0xb8;
	[tilespmem:$0x1A400] =	vst v63  }
0xc1: {  	_ = 	snop  }
0xc2: {  	[spmem:s2] =	stream.indirect.scatter.add.f32 [tilespmem:s4], [sflag:$0x3], $0x20, s28, s7, $0xb8;
	[tilespmem:$0x1A400] =	vst v63  }
0xc3: {  	_ =	swait.ge [sflag:s8], $0x1000  }
0xc4: {  	[sflag:s8] =	ssyncset.done $0x0  }
0xc5: {  	[sflag:s8] =	ssyncadd.s32 $0xFFFFF000  }
0xc6: {  	_ =	swait.ge [sflag:s8], $0x1000  }
0xc7: {  	[sflag:s8] =	ssyncset.done $0x0  }
0xc8: {  	[sflag:s8] =	ssyncadd.s32 $0xFFFFF000  }
0xc9: {  	_ =	swait.ge [sflag:s8], $0x1000  }
0xca: {  	[sflag:s8] =	ssyncset.done $0x0  }
0xcb: {  	[sflag:s8] =	ssyncadd.s32 $0xFFFFF000  }
0xcc: {  	_ =	swait.ge [sflag:s8], $0x1000  }
0xcd: {  	[sflag:s8] =	ssyncset.done $0x0  }
0xce: {  	[sflag:s8] =	ssyncadd.s32 $0xFFFFF000  }
0xcf: {  	_ =	swait.ge [sflag:s8], $0x1000  }
0xd0: {  	[sflag:s8] =	ssyncset.done $0x0  }
0xd1: {  	[sflag:s8] =	ssyncadd.s32 $0xFFFFF000  }
0xd2: {  	_ =	swait.ge [sflag:s8], $0x1000  }
0xd3: {  	[sflag:s8] =	ssyncset.done $0x0  }
0xd4: {  	[sflag:s8] =	ssyncadd.s32 $0xFFFFF000  }
0xd5: {  	_ =	swait.ge [sflag:s8], $0x1000  }
0xd6: {  	[sflag:s8] =	ssyncset.done $0x0  }
0xd7: {  	[sflag:s8] =	ssyncadd.s32 $0xFFFFF000  }
0xd8: {  	_ =	swait.ge [sflag:s8], $0x1000  }
0xd9: {  	[sflag:s8] =	ssyncset.done $0x0  }
0xda: {  	[sflag:s8] =	ssyncadd.s32 $0xFFFFF000  }
0xdb: {  	_ =	swait.ge [sflag:s8], $0x1000  }
0xdc: {  	[sflag:s8] =	ssyncset.done $0x0  }
0xdd: {  	[sflag:s8] =	ssyncadd.s32 $0xFFFFF000  }
0xde: {  	_ =	swait.ge [sflag:s8], $0x1000  }
0xdf: {  	[sflag:s8] =	ssyncset.done $0x0  }
0xe0: {  	[sflag:s8] =	ssyncadd.s32 $0xFFFFF000  }
0xe1: {  	_ =	swait.ge [sflag:s12], $0xA000  }
0xe2: {  	s29 =	sld [smem:$0x7F4]  }
0xe3: {  	[sflag:s12] =	ssyncset.done $0x0  }
0xe4: {  	s30 =	sld [smem:$0x7F5];
	[sflag:s12] =	ssyncadd.s32 $0xFFFF6000  }
0xe5: {  	[spmem:s2] =	stream.indirect.scatter.add.f32 [tilespmem:s9], [sflag:$0x3], $0x20, s29, s7, $0xb8;
	[tilespmem:$0x1A400] =	vst v63  }
0xe6: {  	s4 =	sld [smem:$0x7F6]  }
0xe7: {  	[spmem:s2] =	stream.indirect.scatter.add.f32 [tilespmem:s10], [sflag:$0x3], $0x20, s30, s7, $0xb8;
	[tilespmem:$0x1A400] =	vst v63  }
0xe8: {  	s22 =	sld [smem:$0x7F7]  }
0xe9: {  	[spmem:s2] =	stream.indirect.scatter.add.f32 [tilespmem:s13], [sflag:$0x3], $0x20, s4, s7, $0xb8;
	[tilespmem:$0x1A400] =	vst v63  }
0xea: {  	s23 =	sld [smem:$0x7F8]  }
0xeb: {  	[spmem:s2] =	stream.indirect.scatter.add.f32 [tilespmem:s17], [sflag:$0x3], $0x20, s22, s7, $0xb8;
	[tilespmem:$0x1A400] =	vst v63  }
0xec: {  	s24 =	sld [smem:$0x7F9]  }
0xed: {  	[spmem:s2] =	stream.indirect.scatter.add.f32 [tilespmem:s20], [sflag:$0x3], $0x20, s23, s7, $0xb8;
	[tilespmem:$0x1A400] =	vst v63  }
0xee: {  	s25 =	sld [smem:$0x7FA]  }
0xef: {  	[spmem:s2] =	stream.indirect.scatter.add.f32 [tilespmem:s19], [sflag:$0x3], $0x20, s24, s7, $0xb8;
	[tilespmem:$0x1A400] =	vst v63  }
0xf0: {  	s26 =	sld [smem:$0x7FB]  }
0xf1: {  	[spmem:s2] =	stream.indirect.scatter.add.f32 [tilespmem:s18], [sflag:$0x3], $0x20, s25, s7, $0xb8;
	[tilespmem:$0x1A400] =	vst v63  }
0xf2: {  	s28 =	sld [smem:$0x7FC]  }
0xf3: {  	[spmem:s2] =	stream.indirect.scatter.add.f32 [tilespmem:s16], [sflag:$0x3], $0x20, s26, s7, $0xb8;
	[tilespmem:$0x1A400] =	vst v63  }
0xf4: {  	s29 =	sld [smem:$0x7FD]  }
0xf5: {  	[spmem:s2] =	stream.indirect.scatter.add.f32 [tilespmem:s14], [sflag:$0x3], $0x20, s28, s7, $0xb8;
	[tilespmem:$0x1A400] =	vst v63  }
0xf6: {  	_ = 	snop  }
0xf7: {  	[spmem:s2] =	stream.indirect.scatter.add.f32 [tilespmem:s15], [sflag:$0x3], $0x20, s29, s7, $0xb8;
	[tilespmem:$0x1A400] =	vst v63  }
0xf8: {  	_ =	swait.ge [sflag:s8], $0x1000  }
0xf9: {  	[sflag:s8] =	ssyncset.done $0x0  }
0xfa: {  	[sflag:s8] =	ssyncadd.s32 $0xFFFFF000  }
0xfb: {  	_ =	swait.ge [sflag:s8], $0x1000  }
0xfc: {  	[sflag:s8] =	ssyncset.done $0x0  }
0xfd: {  	[sflag:s8] =	ssyncadd.s32 $0xFFFFF000  }
0xfe: {  	_ =	swait.ge [sflag:s8], $0x1000  }
0xff: {  	[sflag:s8] =	ssyncset.done $0x0  }
0x100: {  	[sflag:s8] =	ssyncadd.s32 $0xFFFFF000  }
0x101: {  	_ =	swait.ge [sflag:s8], $0x1000  }
0x102: {  	[sflag:s8] =	ssyncset.done $0x0  }
0x103: {  	[sflag:s8] =	ssyncadd.s32 $0xFFFFF000  }
0x104: {  	_ =	swait.ge [sflag:s8], $0x1000  }
0x105: {  	[sflag:s8] =	ssyncset.done $0x0  }
0x106: {  	[sflag:s8] =	ssyncadd.s32 $0xFFFFF000  }
0x107: {  	_ =	swait.ge [sflag:s8], $0x1000  }
0x108: {  	[sflag:s8] =	ssyncset.done $0x0  }
0x109: {  	[sflag:s8] =	ssyncadd.s32 $0xFFFFF000  }
0x10a: {  	_ =	swait.ge [sflag:s8], $0x1000  }
0x10b: {  	[sflag:s8] =	ssyncset.done $0x0  }
0x10c: {  	[sflag:s8] =	ssyncadd.s32 $0xFFFFF000  }
0x10d: {  	_ =	swait.ge [sflag:s8], $0x1000  }
0x10e: {  	[sflag:s8] =	ssyncset.done $0x0  }
0x10f: {  	[sflag:s8] =	ssyncadd.s32 $0xFFFFF000  }
0x110: {  	_ =	swait.ge [sflag:s8], $0x1000  }
0x111: {  	[sflag:s8] =	ssyncset.done $0x0  }
0x112: {  	[sflag:s8] =	ssyncadd.s32 $0xFFFFF000  }
0x113: {  	_ =	swait.ge [sflag:s8], $0x1000  }
0x114: {  	[sflag:s8] =	ssyncset.done $0x0  }
0x115: {  	[sflag:s8] =	ssyncadd.s32 $0xFFFFF000  }
0x116: {  	[bflag:$0x0] =	sbarrier.arrive $0xFFFF  }
0x117: {  	s30 =	rddreg [dreg:$0x9]  }
0x118: {  	[hbm:s30], [sflag:s31] =	dma.local [spmem:s5], $0xA00  }
0x119: {  	s0 =	sld [smem:$0x7ED];
	_ =	sdelay $0x2  }
0x11a: {  	p1 =	sne.s32 s0, $0x1  }
.Ltmp1:
0x11b: {  	_ = 	snop;
	(pc) =	sbr.rel @!p1 .LBB2_6-.Ltmp1, $3  }
0x11c: {  	_ =	sdelay $0x1  }
0x11d: {  	p0 =	por $0x1, $0x1;
	_ =	swait.ge [sflag:s3], $0xA00  }
0x11e: {  	[sflag:s3] =	ssyncset.done $0x0;
	s1 =	sadd.s32 $0xFFFFFFFF, s0;
	s0 =	rddreg [dreg:$0x3]  }
0x11f: {  	s24 =	simm.s32 $0x2400  }
0x120: {  	s25 =	simm.s32 $0x3400;
	s26 =	simm.s32 $0x4400;
	s28 =	simm.s32 $0x5400  }
0x121: {  	s29 =	simm.s32 $0x6400;
	s30 =	simm.s32 $0x7400;
	s14 =	simm.s32 $0x8400  }
0x122: {  	s4 =	simm.s32 $0x9400;
	s15 =	simm.s32 $0xC400;
	s19 =	simm.s32 $0xE400  }
0x123: {  	s23 =	simm.s32 $0xF400;
	s22 =	simm.s32 $0x10400;
	s20 =	simm.s32 $0x11400  }
0x124: {  	s18 =	simm.s32 $0x12400;
	s16 =	simm.s32 $0x13400;
	s17 =	simm.s32 $0x14400  }
.LBB2_3:
0x125: {  	[sflag:s3] =	ssyncadd.s32 $0xFFFFF600  }
0x126: {  	[tilespmem:s6], [sflag:$0x4] =	stream.linear.gather [hbm4b:s0+s6], $0x1400, $0x38;
	[tilespmem:$0x1A400] =	vst v63  }
0x127: {  	_ =	swait.ge [sflag:s3], $0x1400  }
0x128: {  	s13 =	rddreg [dreg:$0x4];
	[sflag:s3] =	ssyncset.done $0x0  }
0x129: {  	s10 =	rddreg [dreg:$0x5];
	[sflag:s3] =	ssyncadd.s32 $0xFFFFEC00  }
0x12a: {  	[tilespmem:s11], [sflag:$0x1] =	stream.linear.gather [hbm4b:s13+s6], $0xA000, $0x38;
	[tilespmem:$0x1A400] =	vst v63  }
0x12b: {  	[spmem:s5], [sflag:s31] =	dma.local [hbm:s10], $0xA00  }
0x12c: {  	_ =	swait.ge [sflag:s3], $0xA00  }
0x12d: {  	[sflag:s3] =	ssyncset.done $0x0  }
0x12e: {  	[sflag:s3] =	ssyncadd.s32 $0xFFFFF600  }
0x12f: {  	[bflag:$0x0] =	sbarrier.arrive $0xFFFF  }
0x130: {  	_ =	swait.ge [sflag:s21], $0xA000  }
0x131: {  	[sflag:s21] =	ssyncset.done $0x0  }
0x132: {  	s10 =	rddreg [dreg:$0x6];
	[sflag:s21] =	ssyncadd.s32 $0xFFFF6000  }
0x133: {  	[tilespmem:s9], [sflag:$0x2] =	stream.linear.gather [hbm4b:s10+s6], $0xA000, $0x38;
	[tilespmem:$0x1A400] =	vst v63  }
0x134: {  	_ = 	snop  }
0x135: {  	[spmem:s2] =	stream.indirect.scatter.add.f32 [tilespmem:s11], [sflag:$0x3], $0x20, s6, s7, $0xb8;
	[tilespmem:$0x1A400] =	vst v63  }
0x136: {  	_ = 	snop  }
0x137: {  	[spmem:s2] =	stream.indirect.scatter.add.f32 [tilespmem:s24], [sflag:$0x3], $0x20, s7, s7, $0xb8;
	[tilespmem:$0x1A400] =	vst v63  }
0x138: {  	s11 =	rddreg [dreg:$0xa]  }
0x139: {  	[spmem:s2] =	stream.indirect.scatter.add.f32 [tilespmem:s25], [sflag:$0x3], $0x20, s11, s7, $0xb8;
	[tilespmem:$0x1A400] =	vst v63  }
0x13a: {  	s13 =	rddreg [dreg:$0xb]  }
0x13b: {  	[spmem:s2] =	stream.indirect.scatter.add.f32 [tilespmem:s26], [sflag:$0x3], $0x20, s13, s7, $0xb8;
	[tilespmem:$0x1A400] =	vst v63  }
0x13c: {  	s9 =	rddreg [dreg:$0xc]  }
0x13d: {  	[spmem:s2] =	stream.indirect.scatter.add.f32 [tilespmem:s28], [sflag:$0x3], $0x20, s9, s7, $0xb8;
	[tilespmem:$0x1A400] =	vst v63  }
0x13e: {  	s11 =	rddreg [dreg:$0xd]  }
0x13f: {  	[spmem:s2] =	stream.indirect.scatter.add.f32 [tilespmem:s29], [sflag:$0x3], $0x20, s11, s7, $0xb8;
	[tilespmem:$0x1A400] =	vst v63  }
0x140: {  	s13 =	rddreg [dreg:$0xe]  }
0x141: {  	[spmem:s2] =	stream.indirect.scatter.add.f32 [tilespmem:s30], [sflag:$0x3], $0x20, s13, s7, $0xb8;
	[tilespmem:$0x1A400] =	vst v63  }
0x142: {  	s9 =	rddreg [dreg:$0xf]  }
0x143: {  	[spmem:s2] =	stream.indirect.scatter.add.f32 [tilespmem:s14], [sflag:$0x3], $0x20, s9, s7, $0xb8;
	[tilespmem:$0x1A400] =	vst v63  }
0x144: {  	s11 =	rddreg [dreg:$0x10]  }
0x145: {  	[spmem:s2] =	stream.indirect.scatter.add.f32 [tilespmem:s4], [sflag:$0x3], $0x20, s11, s7, $0xb8;
	[tilespmem:$0x1A400] =	vst v63  }
0x146: {  	s10 =	rddreg [dreg:$0x11];
	s9 =	simm.s32 $0xA400  }
0x147: {  	[spmem:s2] =	stream.indirect.scatter.add.f32 [tilespmem:s9], [sflag:$0x3], $0x20, s10, s7, $0xb8;
	[tilespmem:$0x1A400] =	vst v63  }
0x148: {  	_ =	swait.ge [sflag:s8], $0x1000  }
0x149: {  	[sflag:s8] =	ssyncset.done $0x0  }
0x14a: {  	[sflag:s8] =	ssyncadd.s32 $0xFFFFF000  }
0x14b: {  	_ =	swait.ge [sflag:s8], $0x1000  }
0x14c: {  	[sflag:s8] =	ssyncset.done $0x0  }
0x14d: {  	[sflag:s8] =	ssyncadd.s32 $0xFFFFF000  }
0x14e: {  	_ =	swait.ge [sflag:s8], $0x1000  }
0x14f: {  	[sflag:s8] =	ssyncset.done $0x0  }
0x150: {  	[sflag:s8] =	ssyncadd.s32 $0xFFFFF000  }
0x151: {  	_ =	swait.ge [sflag:s8], $0x1000  }
0x152: {  	[sflag:s8] =	ssyncset.done $0x0  }
0x153: {  	[sflag:s8] =	ssyncadd.s32 $0xFFFFF000  }
0x154: {  	_ =	swait.ge [sflag:s8], $0x1000  }
0x155: {  	[sflag:s8] =	ssyncset.done $0x0  }
0x156: {  	[sflag:s8] =	ssyncadd.s32 $0xFFFFF000  }
0x157: {  	_ =	swait.ge [sflag:s8], $0x1000  }
0x158: {  	[sflag:s8] =	ssyncset.done $0x0  }
0x159: {  	[sflag:s8] =	ssyncadd.s32 $0xFFFFF000  }
0x15a: {  	_ =	swait.ge [sflag:s8], $0x1000  }
0x15b: {  	[sflag:s8] =	ssyncset.done $0x0  }
0x15c: {  	[sflag:s8] =	ssyncadd.s32 $0xFFFFF000  }
0x15d: {  	_ =	swait.ge [sflag:s8], $0x1000  }
0x15e: {  	[sflag:s8] =	ssyncset.done $0x0  }
0x15f: {  	[sflag:s8] =	ssyncadd.s32 $0xFFFFF000  }
0x160: {  	_ =	swait.ge [sflag:s8], $0x1000  }
0x161: {  	[sflag:s8] =	ssyncset.done $0x0  }
0x162: {  	[sflag:s8] =	ssyncadd.s32 $0xFFFFF000  }
0x163: {  	_ =	swait.ge [sflag:s8], $0x1000  }
0x164: {  	[sflag:s8] =	ssyncset.done $0x0  }
0x165: {  	[sflag:s8] =	ssyncadd.s32 $0xFFFFF000  }
0x166: {  	_ =	swait.ge [sflag:s12], $0xA000  }
0x167: {  	[sflag:s12] =	ssyncset.done $0x0  }
0x168: {  	s13 =	simm.s32 $0x1400;
	s0 =	rddreg [dreg:$0x7];
	[sflag:s12] =	ssyncadd.s32 $0xFFFF6000  }
0x169: {  	[tilespmem:s13], [sflag:$0x1] =	stream.linear.gather [hbm4b:s0+s6], $0xA000, $0x38;
	[tilespmem:$0x1A400] =	vst v63  }
0x16a: {  	s11 =	simm.s32 $0xB400;
	s10 =	rddreg [dreg:$0x12]  }
0x16b: {  	[spmem:s2] =	stream.indirect.scatter.add.f32 [tilespmem:s11], [sflag:$0x3], $0x20, s10, s7, $0xb8;
	[tilespmem:$0x1A400] =	vst v63  }
0x16c: {  	s13 =	rddreg [dreg:$0x13]  }
0x16d: {  	[spmem:s2] =	stream.indirect.scatter.add.f32 [tilespmem:s15], [sflag:$0x3], $0x20, s13, s7, $0xb8;
	[tilespmem:$0x1A400] =	vst v63  }
0x16e: {  	s10 =	rddreg [dreg:$0x14];
	s13 =	simm.s32 $0xD400  }
0x16f: {  	[spmem:s2] =	stream.indirect.scatter.add.f32 [tilespmem:s13], [sflag:$0x3], $0x20, s10, s7, $0xb8;
	[tilespmem:$0x1A400] =	vst v63  }
0x170: {  	s0 =	rddreg [dreg:$0x15]  }
0x171: {  	[spmem:s2] =	stream.indirect.scatter.add.f32 [tilespmem:s19], [sflag:$0x3], $0x20, s0, s7, $0xb8;
	[tilespmem:$0x1A400] =	vst v63  }
0x172: {  	s10 =	rddreg [dreg:$0x16]  }
0x173: {  	[spmem:s2] =	stream.indirect.scatter.add.f32 [tilespmem:s23], [sflag:$0x3], $0x20, s10, s7, $0xb8;
	[tilespmem:$0x1A400] =	vst v63  }
0x174: {  	s0 =	rddreg [dreg:$0x17]  }
0x175: {  	[spmem:s2] =	stream.indirect.scatter.add.f32 [tilespmem:s22], [sflag:$0x3], $0x20, s0, s7, $0xb8;
	[tilespmem:$0x1A400] =	vst v63  }
0x176: {  	s10 =	rddreg [dreg:$0x18]  }
0x177: {  	[spmem:s2] =	stream.indirect.scatter.add.f32 [tilespmem:s20], [sflag:$0x3], $0x20, s10, s7, $0xb8;
	[tilespmem:$0x1A400] =	vst v63  }
0x178: {  	s0 =	rddreg [dreg:$0x19]  }
0x179: {  	[spmem:s2] =	stream.indirect.scatter.add.f32 [tilespmem:s18], [sflag:$0x3], $0x20, s0, s7, $0xb8;
	[tilespmem:$0x1A400] =	vst v63  }
0x17a: {  	s10 =	rddreg [dreg:$0x1a]  }
0x17b: {  	[spmem:s2] =	stream.indirect.scatter.add.f32 [tilespmem:s16], [sflag:$0x3], $0x20, s10, s7, $0xb8;
	[tilespmem:$0x1A400] =	vst v63  }
0x17c: {  	s0 =	rddreg [dreg:$0x1b]  }
0x17d: {  	[spmem:s2] =	stream.indirect.scatter.add.f32 [tilespmem:s17], [sflag:$0x3], $0x20, s0, s7, $0xb8;
	[tilespmem:$0x1A400] =	vst v63  }
0x17e: {  	_ =	swait.ge [sflag:s8], $0x1000  }
0x17f: {  	[sflag:s8] =	ssyncset.done $0x0  }
0x180: {  	[sflag:s8] =	ssyncadd.s32 $0xFFFFF000  }
0x181: {  	_ =	swait.ge [sflag:s8], $0x1000  }
0x182: {  	[sflag:s8] =	ssyncset.done $0x0  }
0x183: {  	[sflag:s8] =	ssyncadd.s32 $0xFFFFF000  }
0x184: {  	_ =	swait.ge [sflag:s8], $0x1000  }
0x185: {  	[sflag:s8] =	ssyncset.done $0x0  }
0x186: {  	[sflag:s8] =	ssyncadd.s32 $0xFFFFF000  }
0x187: {  	_ =	swait.ge [sflag:s8], $0x1000  }
0x188: {  	[sflag:s8] =	ssyncset.done $0x0  }
0x189: {  	[sflag:s8] =	ssyncadd.s32 $0xFFFFF000  }
0x18a: {  	_ =	swait.ge [sflag:s8], $0x1000  }
0x18b: {  	[sflag:s8] =	ssyncset.done $0x0  }
0x18c: {  	[sflag:s8] =	ssyncadd.s32 $0xFFFFF000  }
0x18d: {  	_ =	swait.ge [sflag:s8], $0x1000  }
0x18e: {  	[sflag:s8] =	ssyncset.done $0x0  }
0x18f: {  	[sflag:s8] =	ssyncadd.s32 $0xFFFFF000  }
0x190: {  	_ =	swait.ge [sflag:s8], $0x1000  }
0x191: {  	[sflag:s8] =	ssyncset.done $0x0  }
0x192: {  	[sflag:s8] =	ssyncadd.s32 $0xFFFFF000  }
0x193: {  	_ =	swait.ge [sflag:s8], $0x1000  }
0x194: {  	[sflag:s8] =	ssyncset.done $0x0  }
0x195: {  	[sflag:s8] =	ssyncadd.s32 $0xFFFFF000  }
0x196: {  	_ =	swait.ge [sflag:s8], $0x1000  }
0x197: {  	[sflag:s8] =	ssyncset.done $0x0  }
0x198: {  	[sflag:s8] =	ssyncadd.s32 $0xFFFFF000  }
0x199: {  	_ =	swait.ge [sflag:s8], $0x1000  }
0x19a: {  	[sflag:s8] =	ssyncset.done $0x0  }
0x19b: {  	[sflag:s8] =	ssyncadd.s32 $0xFFFFF000  }
0x19c: {  	_ =	swait.ge [sflag:s21], $0xA000  }
0x19d: {  	s0 =	rddreg [dreg:$0x8];
	[sflag:s21] =	ssyncset.done $0x0  }
0x19e: {  	s10 =	rddreg [dreg:$0x1c];
	[sflag:s21] =	ssyncadd.s32 $0xFFFF6000  }
0x19f: {  	[tilespmem:s11], [sflag:$0x2] =	stream.linear.gather [hbm4b:s0+s6], $0xA000, $0x38;
	[tilespmem:$0x1A400] =	vst v63  }
0x1a0: {  	s11 =	simm.s32 $0x1400;
	s0 =	rddreg [dreg:$0x1d]  }
0x1a1: {  	[spmem:s2] =	stream.indirect.scatter.add.f32 [tilespmem:s11], [sflag:$0x3], $0x20, s10, s7, $0xb8;
	[tilespmem:$0x1A400] =	vst v63  }
0x1a2: {  	s10 =	rddreg [dreg:$0x1e]  }
0x1a3: {  	[spmem:s2] =	stream.indirect.scatter.add.f32 [tilespmem:s24], [sflag:$0x3], $0x20, s0, s7, $0xb8;
	[tilespmem:$0x1A400] =	vst v63  }
0x1a4: {  	s0 =	rddreg [dreg:$0x1f]  }
0x1a5: {  	[spmem:s2] =	stream.indirect.scatter.add.f32 [tilespmem:s25], [sflag:$0x3], $0x20, s10, s7, $0xb8;
	[tilespmem:$0x1A400] =	vst v63  }
0x1a6: {  	s10 =	sld [smem:$0x7EE]  }
0x1a7: {  	[spmem:s2] =	stream.indirect.scatter.add.f32 [tilespmem:s26], [sflag:$0x3], $0x20, s0, s7, $0xb8;
	[tilespmem:$0x1A400] =	vst v63  }
0x1a8: {  	s0 =	sld [smem:$0x7EF]  }
0x1a9: {  	[spmem:s2] =	stream.indirect.scatter.add.f32 [tilespmem:s28], [sflag:$0x3], $0x20, s10, s7, $0xb8;
	[tilespmem:$0x1A400] =	vst v63  }
0x1aa: {  	s10 =	sld [smem:$0x7F0]  }
0x1ab: {  	[spmem:s2] =	stream.indirect.scatter.add.f32 [tilespmem:s29], [sflag:$0x3], $0x20, s0, s7, $0xb8;
	[tilespmem:$0x1A400] =	vst v63  }
0x1ac: {  	s0 =	sld [smem:$0x7F1]  }
0x1ad: {  	[spmem:s2] =	stream.indirect.scatter.add.f32 [tilespmem:s30], [sflag:$0x3], $0x20, s10, s7, $0xb8;
	[tilespmem:$0x1A400] =	vst v63  }
0x1ae: {  	s10 =	sld [smem:$0x7F2]  }
0x1af: {  	[spmem:s2] =	stream.indirect.scatter.add.f32 [tilespmem:s14], [sflag:$0x3], $0x20, s0, s7, $0xb8;
	[tilespmem:$0x1A400] =	vst v63  }
0x1b0: {  	s0 =	sld [smem:$0x7F3]  }
0x1b1: {  	[spmem:s2] =	stream.indirect.scatter.add.f32 [tilespmem:s4], [sflag:$0x3], $0x20, s10, s7, $0xb8;
	[tilespmem:$0x1A400] =	vst v63  }
0x1b2: {  	_ = 	snop  }
0x1b3: {  	[spmem:s2] =	stream.indirect.scatter.add.f32 [tilespmem:s9], [sflag:$0x3], $0x20, s0, s7, $0xb8;
	[tilespmem:$0x1A400] =	vst v63  }
0x1b4: {  	_ =	swait.ge [sflag:s8], $0x1000  }
0x1b5: {  	[sflag:s8] =	ssyncset.done $0x0  }
0x1b6: {  	[sflag:s8] =	ssyncadd.s32 $0xFFFFF000  }
0x1b7: {  	_ =	swait.ge [sflag:s8], $0x1000  }
0x1b8: {  	[sflag:s8] =	ssyncset.done $0x0  }
0x1b9: {  	[sflag:s8] =	ssyncadd.s32 $0xFFFFF000  }
0x1ba: {  	_ =	swait.ge [sflag:s8], $0x1000  }
0x1bb: {  	[sflag:s8] =	ssyncset.done $0x0  }
0x1bc: {  	[sflag:s8] =	ssyncadd.s32 $0xFFFFF000  }
0x1bd: {  	_ =	swait.ge [sflag:s8], $0x1000  }
0x1be: {  	[sflag:s8] =	ssyncset.done $0x0  }
0x1bf: {  	[sflag:s8] =	ssyncadd.s32 $0xFFFFF000  }
0x1c0: {  	_ =	swait.ge [sflag:s8], $0x1000  }
0x1c1: {  	[sflag:s8] =	ssyncset.done $0x0  }
0x1c2: {  	[sflag:s8] =	ssyncadd.s32 $0xFFFFF000  }
0x1c3: {  	_ =	swait.ge [sflag:s8], $0x1000  }
0x1c4: {  	[sflag:s8] =	ssyncset.done $0x0  }
0x1c5: {  	[sflag:s8] =	ssyncadd.s32 $0xFFFFF000  }
0x1c6: {  	_ =	swait.ge [sflag:s8], $0x1000  }
0x1c7: {  	[sflag:s8] =	ssyncset.done $0x0  }
0x1c8: {  	[sflag:s8] =	ssyncadd.s32 $0xFFFFF000  }
0x1c9: {  	_ =	swait.ge [sflag:s8], $0x1000  }
0x1ca: {  	[sflag:s8] =	ssyncset.done $0x0  }
0x1cb: {  	[sflag:s8] =	ssyncadd.s32 $0xFFFFF000  }
0x1cc: {  	_ =	swait.ge [sflag:s8], $0x1000  }
0x1cd: {  	[sflag:s8] =	ssyncset.done $0x0  }
0x1ce: {  	[sflag:s8] =	ssyncadd.s32 $0xFFFFF000  }
0x1cf: {  	_ =	swait.ge [sflag:s8], $0x1000  }
0x1d0: {  	[sflag:s8] =	ssyncset.done $0x0  }
0x1d1: {  	[sflag:s8] =	ssyncadd.s32 $0xFFFFF000  }
0x1d2: {  	_ =	swait.ge [sflag:s12], $0xA000  }
0x1d3: {  	s0 =	sld [smem:$0x7F4]  }
0x1d4: {  	[sflag:s12] =	ssyncset.done $0x0  }
0x1d5: {  	s9 =	simm.s32 $0xB400;
	s10 =	sld [smem:$0x7F5];
	[sflag:s12] =	ssyncadd.s32 $0xFFFF6000  }
0x1d6: {  	[spmem:s2] =	stream.indirect.scatter.add.f32 [tilespmem:s9], [sflag:$0x3], $0x20, s0, s7, $0xb8;
	[tilespmem:$0x1A400] =	vst v63  }
0x1d7: {  	s0 =	sld [smem:$0x7F6]  }
0x1d8: {  	[spmem:s2] =	stream.indirect.scatter.add.f32 [tilespmem:s15], [sflag:$0x3], $0x20, s10, s7, $0xb8;
	[tilespmem:$0x1A400] =	vst v63  }
0x1d9: {  	s10 =	sld [smem:$0x7F7]  }
0x1da: {  	[spmem:s2] =	stream.indirect.scatter.add.f32 [tilespmem:s13], [sflag:$0x3], $0x20, s0, s7, $0xb8;
	[tilespmem:$0x1A400] =	vst v63  }
0x1db: {  	s0 =	sld [smem:$0x7F8]  }
0x1dc: {  	[spmem:s2] =	stream.indirect.scatter.add.f32 [tilespmem:s19], [sflag:$0x3], $0x20, s10, s7, $0xb8;
	[tilespmem:$0x1A400] =	vst v63  }
0x1dd: {  	s13 =	sld [smem:$0x7F9]  }
0x1de: {  	[spmem:s2] =	stream.indirect.scatter.add.f32 [tilespmem:s23], [sflag:$0x3], $0x20, s0, s7, $0xb8;
	[tilespmem:$0x1A400] =	vst v63  }
0x1df: {  	s0 =	sld [smem:$0x7FA]  }
0x1e0: {  	[spmem:s2] =	stream.indirect.scatter.add.f32 [tilespmem:s22], [sflag:$0x3], $0x20, s13, s7, $0xb8;
	[tilespmem:$0x1A400] =	vst v63  }
0x1e1: {  	s13 =	sld [smem:$0x7FB]  }
0x1e2: {  	[spmem:s2] =	stream.indirect.scatter.add.f32 [tilespmem:s20], [sflag:$0x3], $0x20, s0, s7, $0xb8;
	[tilespmem:$0x1A400] =	vst v63  }
0x1e3: {  	s0 =	sld [smem:$0x7FC]  }
0x1e4: {  	[spmem:s2] =	stream.indirect.scatter.add.f32 [tilespmem:s18], [sflag:$0x3], $0x20, s13, s7, $0xb8;
	[tilespmem:$0x1A400] =	vst v63  }
0x1e5: {  	s13 =	sld [smem:$0x7FD]  }
0x1e6: {  	[spmem:s2] =	stream.indirect.scatter.add.f32 [tilespmem:s16], [sflag:$0x3], $0x20, s0, s7, $0xb8;
	[tilespmem:$0x1A400] =	vst v63  }
0x1e7: {  	_ = 	snop  }
0x1e8: {  	[spmem:s2] =	stream.indirect.scatter.add.f32 [tilespmem:s17], [sflag:$0x3], $0x20, s13, s7, $0xb8;
	[tilespmem:$0x1A400] =	vst v63  }
0x1e9: {  	_ =	swait.ge [sflag:s8], $0x1000  }
0x1ea: {  	[sflag:s8] =	ssyncset.done $0x0  }
0x1eb: {  	[sflag:s8] =	ssyncadd.s32 $0xFFFFF000  }
0x1ec: {  	_ =	swait.ge [sflag:s8], $0x1000  }
0x1ed: {  	[sflag:s8] =	ssyncset.done $0x0  }
0x1ee: {  	[sflag:s8] =	ssyncadd.s32 $0xFFFFF000  }
0x1ef: {  	_ =	swait.ge [sflag:s8], $0x1000  }
0x1f0: {  	[sflag:s8] =	ssyncset.done $0x0  }
0x1f1: {  	[sflag:s8] =	ssyncadd.s32 $0xFFFFF000  }
0x1f2: {  	_ =	swait.ge [sflag:s8], $0x1000  }
0x1f3: {  	[sflag:s8] =	ssyncset.done $0x0  }
0x1f4: {  	[sflag:s8] =	ssyncadd.s32 $0xFFFFF000  }
0x1f5: {  	_ =	swait.ge [sflag:s8], $0x1000  }
0x1f6: {  	[sflag:s8] =	ssyncset.done $0x0  }
0x1f7: {  	[sflag:s8] =	ssyncadd.s32 $0xFFFFF000  }
0x1f8: {  	_ =	swait.ge [sflag:s8], $0x1000  }
0x1f9: {  	[sflag:s8] =	ssyncset.done $0x0  }
0x1fa: {  	[sflag:s8] =	ssyncadd.s32 $0xFFFFF000  }
0x1fb: {  	_ =	swait.ge [sflag:s8], $0x1000  }
0x1fc: {  	[sflag:s8] =	ssyncset.done $0x0  }
0x1fd: {  	[sflag:s8] =	ssyncadd.s32 $0xFFFFF000  }
0x1fe: {  	_ =	swait.ge [sflag:s8], $0x1000  }
0x1ff: {  	[sflag:s8] =	ssyncset.done $0x0  }
0x200: {  	[sflag:s8] =	ssyncadd.s32 $0xFFFFF000  }
0x201: {  	_ =	swait.ge [sflag:s8], $0x1000  }
0x202: {  	[sflag:s8] =	ssyncset.done $0x0  }
0x203: {  	[sflag:s8] =	ssyncadd.s32 $0xFFFFF000  }
0x204: {  	_ =	swait.ge [sflag:s8], $0x1000  }
0x205: {  	[sflag:s8] =	ssyncset.done $0x0  }
0x206: {  	p1 =	sne.s32 s1, $0x1;
	[sflag:s8] =	ssyncadd.s32 $0xFFFFF000  }
.Ltmp2:
0x207: {  	[bflag:$0x0] =	sbarrier.arrive $0xFFFF;
	(pc) =	sbr.rel @p1 .LBB2_3-.Ltmp2, $4  }
0x208: {  	s13 =	rddreg [dreg:$0x9]  }
0x209: {  	[hbm:s13], [sflag:s31] =	dma.local [spmem:s5], $0xA00  }
0x20a: {  	_ =	swait.ge [sflag:s3], $0xA00  }
0x20b: {  	s1 =	sadd.s32 $0xFFFFFFFF, s1;
	s0 =	rddreg [dreg:$0x3];
	[sflag:s3] =	ssyncset.done $0x0  }
0x20c: {  	s10 =	simm.s32 $0xC400;
	s13 =	simm.s32 $0xD400;
	s14 =	simm.s32 $0x13400  }
0x20d: {  	s15 =	simm.s32 $0x14400;
	s16 =	simm.s32 $0x12400;
	s17 =	simm.s32 $0xE400  }
0x20e: {  	s18 =	simm.s32 $0x11400;
	s19 =	simm.s32 $0x10400;
	s20 =	simm.s32 $0xF400  }
0x20f: {  	s22 =	simm.s32 $0x2400;
	s23 =	simm.s32 $0x3400;
	s24 =	simm.s32 $0x4400  }
0x210: {  	s25 =	simm.s32 $0x5400;
	s26 =	simm.s32 $0x6400;
	s28 =	simm.s32 $0x7400  }
0x211: {  	s29 =	simm.s32 $0x8400;
	s30 =	simm.s32 $0x9400;
	s4 =	simm.s32 $0xA400  }
.LBB2_5:
0x212: {  	[sflag:s3] =	ssyncadd.s32 @p0 $0xFFFFF600  }
0x213: {  	[tilespmem:s6], [sflag:$0x4] =	stream.linear.gather [hbm4b:s0+s6], $0x1400, $0x38;
	[tilespmem:$0x1A400] =	vst v63  }
0x214: {  	_ =	swait.ge [sflag:s3], $0x1400  }
0x215: {  	s0 =	rddreg [dreg:$0x4];
	[sflag:s3] =	ssyncset.done $0x0  }
0x216: {  	s1 =	rddreg [dreg:$0x5];
	[sflag:s3] =	ssyncadd.s32 $0xFFFFEC00  }
0x217: {  	[tilespmem:s11], [sflag:$0x1] =	stream.linear.gather [hbm4b:s0+s6], $0xA000, $0x38;
	[tilespmem:$0x1A400] =	vst v63  }
0x218: {  	[spmem:s5], [sflag:s31] =	dma.local [hbm:s1], $0xA00  }
0x219: {  	_ =	swait.ge [sflag:s3], $0xA00  }
0x21a: {  	[sflag:s3] =	ssyncset.done $0x0  }
0x21b: {  	[sflag:s3] =	ssyncadd.s32 $0xFFFFF600  }
0x21c: {  	[bflag:$0x0] =	sbarrier.arrive $0xFFFF  }
0x21d: {  	_ =	swait.ge [sflag:s21], $0xA000  }
0x21e: {  	[sflag:s21] =	ssyncset.done $0x0  }
0x21f: {  	s1 =	rddreg [dreg:$0x6];
	[sflag:s21] =	ssyncadd.s32 $0xFFFF6000  }
0x220: {  	[tilespmem:s9], [sflag:$0x2] =	stream.linear.gather [hbm4b:s1+s6], $0xA000, $0x38;
	[tilespmem:$0x1A400] =	vst v63  }
0x221: {  	_ = 	snop  }
0x222: {  	[spmem:s2] =	stream.indirect.scatter.add.f32 [tilespmem:s11], [sflag:$0x3], $0x20, s6, s7, $0xb8;
	[tilespmem:$0x1A400] =	vst v63  }
0x223: {  	_ = 	snop  }
0x224: {  	[spmem:s2] =	stream.indirect.scatter.add.f32 [tilespmem:s22], [sflag:$0x3], $0x20, s7, s7, $0xb8;
	[tilespmem:$0x1A400] =	vst v63  }
0x225: {  	s0 =	rddreg [dreg:$0xa]  }
0x226: {  	[spmem:s2] =	stream.indirect.scatter.add.f32 [tilespmem:s23], [sflag:$0x3], $0x20, s0, s7, $0xb8;
	[tilespmem:$0x1A400] =	vst v63  }
0x227: {  	s1 =	rddreg [dreg:$0xb]  }
0x228: {  	[spmem:s2] =	stream.indirect.scatter.add.f32 [tilespmem:s24], [sflag:$0x3], $0x20, s1, s7, $0xb8;
	[tilespmem:$0x1A400] =	vst v63  }
0x229: {  	s0 =	rddreg [dreg:$0xc]  }
0x22a: {  	[spmem:s2] =	stream.indirect.scatter.add.f32 [tilespmem:s25], [sflag:$0x3], $0x20, s0, s7, $0xb8;
	[tilespmem:$0x1A400] =	vst v63  }
0x22b: {  	s1 =	rddreg [dreg:$0xd]  }
0x22c: {  	[spmem:s2] =	stream.indirect.scatter.add.f32 [tilespmem:s26], [sflag:$0x3], $0x20, s1, s7, $0xb8;
	[tilespmem:$0x1A400] =	vst v63  }
0x22d: {  	s0 =	rddreg [dreg:$0xe]  }
0x22e: {  	[spmem:s2] =	stream.indirect.scatter.add.f32 [tilespmem:s28], [sflag:$0x3], $0x20, s0, s7, $0xb8;
	[tilespmem:$0x1A400] =	vst v63  }
0x22f: {  	s1 =	rddreg [dreg:$0xf]  }
0x230: {  	[spmem:s2] =	stream.indirect.scatter.add.f32 [tilespmem:s29], [sflag:$0x3], $0x20, s1, s7, $0xb8;
	[tilespmem:$0x1A400] =	vst v63  }
0x231: {  	s0 =	rddreg [dreg:$0x10]  }
0x232: {  	[spmem:s2] =	stream.indirect.scatter.add.f32 [tilespmem:s30], [sflag:$0x3], $0x20, s0, s7, $0xb8;
	[tilespmem:$0x1A400] =	vst v63  }
0x233: {  	s1 =	rddreg [dreg:$0x11]  }
0x234: {  	[spmem:s2] =	stream.indirect.scatter.add.f32 [tilespmem:s4], [sflag:$0x3], $0x20, s1, s7, $0xb8;
	[tilespmem:$0x1A400] =	vst v63  }
0x235: {  	_ =	swait.ge [sflag:s8], $0x1000  }
0x236: {  	[sflag:s8] =	ssyncset.done $0x0  }
0x237: {  	[sflag:s8] =	ssyncadd.s32 $0xFFFFF000  }
0x238: {  	_ =	swait.ge [sflag:s8], $0x1000  }
0x239: {  	[sflag:s8] =	ssyncset.done $0x0  }
0x23a: {  	[sflag:s8] =	ssyncadd.s32 $0xFFFFF000  }
0x23b: {  	_ =	swait.ge [sflag:s8], $0x1000  }
0x23c: {  	[sflag:s8] =	ssyncset.done $0x0  }
0x23d: {  	[sflag:s8] =	ssyncadd.s32 $0xFFFFF000  }
0x23e: {  	_ =	swait.ge [sflag:s8], $0x1000  }
0x23f: {  	[sflag:s8] =	ssyncset.done $0x0  }
0x240: {  	[sflag:s8] =	ssyncadd.s32 $0xFFFFF000  }
0x241: {  	_ =	swait.ge [sflag:s8], $0x1000  }
0x242: {  	[sflag:s8] =	ssyncset.done $0x0  }
0x243: {  	[sflag:s8] =	ssyncadd.s32 $0xFFFFF000  }
0x244: {  	_ =	swait.ge [sflag:s8], $0x1000  }
0x245: {  	[sflag:s8] =	ssyncset.done $0x0  }
0x246: {  	[sflag:s8] =	ssyncadd.s32 $0xFFFFF000  }
0x247: {  	_ =	swait.ge [sflag:s8], $0x1000  }
0x248: {  	[sflag:s8] =	ssyncset.done $0x0  }
0x249: {  	[sflag:s8] =	ssyncadd.s32 $0xFFFFF000  }
0x24a: {  	_ =	swait.ge [sflag:s8], $0x1000  }
0x24b: {  	[sflag:s8] =	ssyncset.done $0x0  }
0x24c: {  	[sflag:s8] =	ssyncadd.s32 $0xFFFFF000  }
0x24d: {  	_ =	swait.ge [sflag:s8], $0x1000  }
0x24e: {  	[sflag:s8] =	ssyncset.done $0x0  }
0x24f: {  	[sflag:s8] =	ssyncadd.s32 $0xFFFFF000  }
0x250: {  	_ =	swait.ge [sflag:s8], $0x1000  }
0x251: {  	[sflag:s8] =	ssyncset.done $0x0  }
0x252: {  	[sflag:s8] =	ssyncadd.s32 $0xFFFFF000  }
0x253: {  	_ =	swait.ge [sflag:s12], $0xA000  }
0x254: {  	[sflag:s12] =	ssyncset.done $0x0  }
0x255: {  	s0 =	rddreg [dreg:$0x7];
	[sflag:s12] =	ssyncadd.s32 $0xFFFF6000  }
0x256: {  	[tilespmem:s11], [sflag:$0x1] =	stream.linear.gather [hbm4b:s0+s6], $0xA000, $0x38;
	[tilespmem:$0x1A400] =	vst v63  }
0x257: {  	s1 =	rddreg [dreg:$0x12]  }
0x258: {  	[spmem:s2] =	stream.indirect.scatter.add.f32 [tilespmem:s9], [sflag:$0x3], $0x20, s1, s7, $0xb8;
	[tilespmem:$0x1A400] =	vst v63  }
0x259: {  	s0 =	rddreg [dreg:$0x13]  }
0x25a: {  	[spmem:s2] =	stream.indirect.scatter.add.f32 [tilespmem:s10], [sflag:$0x3], $0x20, s0, s7, $0xb8;
	[tilespmem:$0x1A400] =	vst v63  }
0x25b: {  	s1 =	rddreg [dreg:$0x14]  }
0x25c: {  	[spmem:s2] =	stream.indirect.scatter.add.f32 [tilespmem:s13], [sflag:$0x3], $0x20, s1, s7, $0xb8;
	[tilespmem:$0x1A400] =	vst v63  }
0x25d: {  	s0 =	rddreg [dreg:$0x15]  }
0x25e: {  	[spmem:s2] =	stream.indirect.scatter.add.f32 [tilespmem:s17], [sflag:$0x3], $0x20, s0, s7, $0xb8;
	[tilespmem:$0x1A400] =	vst v63  }
0x25f: {  	s1 =	rddreg [dreg:$0x16]  }
0x260: {  	[spmem:s2] =	stream.indirect.scatter.add.f32 [tilespmem:s20], [sflag:$0x3], $0x20, s1, s7, $0xb8;
	[tilespmem:$0x1A400] =	vst v63  }
0x261: {  	s0 =	rddreg [dreg:$0x17]  }
0x262: {  	[spmem:s2] =	stream.indirect.scatter.add.f32 [tilespmem:s19], [sflag:$0x3], $0x20, s0, s7, $0xb8;
	[tilespmem:$0x1A400] =	vst v63  }
0x263: {  	s1 =	rddreg [dreg:$0x18]  }
0x264: {  	[spmem:s2] =	stream.indirect.scatter.add.f32 [tilespmem:s18], [sflag:$0x3], $0x20, s1, s7, $0xb8;
	[tilespmem:$0x1A400] =	vst v63  }
0x265: {  	s0 =	rddreg [dreg:$0x19]  }
0x266: {  	[spmem:s2] =	stream.indirect.scatter.add.f32 [tilespmem:s16], [sflag:$0x3], $0x20, s0, s7, $0xb8;
	[tilespmem:$0x1A400] =	vst v63  }
0x267: {  	s1 =	rddreg [dreg:$0x1a]  }
0x268: {  	[spmem:s2] =	stream.indirect.scatter.add.f32 [tilespmem:s14], [sflag:$0x3], $0x20, s1, s7, $0xb8;
	[tilespmem:$0x1A400] =	vst v63  }
0x269: {  	s0 =	rddreg [dreg:$0x1b]  }
0x26a: {  	[spmem:s2] =	stream.indirect.scatter.add.f32 [tilespmem:s15], [sflag:$0x3], $0x20, s0, s7, $0xb8;
	[tilespmem:$0x1A400] =	vst v63  }
0x26b: {  	_ =	swait.ge [sflag:s8], $0x1000  }
0x26c: {  	[sflag:s8] =	ssyncset.done $0x0  }
0x26d: {  	[sflag:s8] =	ssyncadd.s32 $0xFFFFF000  }
0x26e: {  	_ =	swait.ge [sflag:s8], $0x1000  }
0x26f: {  	[sflag:s8] =	ssyncset.done $0x0  }
0x270: {  	[sflag:s8] =	ssyncadd.s32 $0xFFFFF000  }
0x271: {  	_ =	swait.ge [sflag:s8], $0x1000  }
0x272: {  	[sflag:s8] =	ssyncset.done $0x0  }
0x273: {  	[sflag:s8] =	ssyncadd.s32 $0xFFFFF000  }
0x274: {  	_ =	swait.ge [sflag:s8], $0x1000  }
0x275: {  	[sflag:s8] =	ssyncset.done $0x0  }
0x276: {  	[sflag:s8] =	ssyncadd.s32 $0xFFFFF000  }
0x277: {  	_ =	swait.ge [sflag:s8], $0x1000  }
0x278: {  	[sflag:s8] =	ssyncset.done $0x0  }
0x279: {  	[sflag:s8] =	ssyncadd.s32 $0xFFFFF000  }
0x27a: {  	_ =	swait.ge [sflag:s8], $0x1000  }
0x27b: {  	[sflag:s8] =	ssyncset.done $0x0  }
0x27c: {  	[sflag:s8] =	ssyncadd.s32 $0xFFFFF000  }
0x27d: {  	_ =	swait.ge [sflag:s8], $0x1000  }
0x27e: {  	[sflag:s8] =	ssyncset.done $0x0  }
0x27f: {  	[sflag:s8] =	ssyncadd.s32 $0xFFFFF000  }
0x280: {  	_ =	swait.ge [sflag:s8], $0x1000  }
0x281: {  	[sflag:s8] =	ssyncset.done $0x0  }
0x282: {  	[sflag:s8] =	ssyncadd.s32 $0xFFFFF000  }
0x283: {  	_ =	swait.ge [sflag:s8], $0x1000  }
0x284: {  	[sflag:s8] =	ssyncset.done $0x0  }
0x285: {  	[sflag:s8] =	ssyncadd.s32 $0xFFFFF000  }
0x286: {  	_ =	swait.ge [sflag:s8], $0x1000  }
0x287: {  	[sflag:s8] =	ssyncset.done $0x0  }
0x288: {  	[sflag:s8] =	ssyncadd.s32 $0xFFFFF000  }
0x289: {  	_ =	swait.ge [sflag:s21], $0xA000  }
0x28a: {  	s1 =	rddreg [dreg:$0x8];
	[sflag:s21] =	ssyncset.done $0x0  }
0x28b: {  	[sflag:s21] =	ssyncadd.s32 $0xFFFF6000;
	s21 =	rddreg [dreg:$0x1c]  }
0x28c: {  	[tilespmem:s9], [sflag:$0x2] =	stream.linear.gather [hbm4b:s1+s6], $0xA000, $0x38;
	[tilespmem:$0x1A400] =	vst v63  }
0x28d: {  	s6 =	rddreg [dreg:$0x1d]  }
0x28e: {  	[spmem:s2] =	stream.indirect.scatter.add.f32 [tilespmem:s11], [sflag:$0x3], $0x20, s21, s7, $0xb8;
	[tilespmem:$0x1A400] =	vst v63  }
0x28f: {  	s21 =	rddreg [dreg:$0x1e]  }
0x290: {  	[spmem:s2] =	stream.indirect.scatter.add.f32 [tilespmem:s22], [sflag:$0x3], $0x20, s6, s7, $0xb8;
	[tilespmem:$0x1A400] =	vst v63  }
0x291: {  	s22 =	rddreg [dreg:$0x1f]  }
0x292: {  	[spmem:s2] =	stream.indirect.scatter.add.f32 [tilespmem:s23], [sflag:$0x3], $0x20, s21, s7, $0xb8;
	[tilespmem:$0x1A400] =	vst v63  }
0x293: {  	s23 =	sld [smem:$0x7EE]  }
0x294: {  	[spmem:s2] =	stream.indirect.scatter.add.f32 [tilespmem:s24], [sflag:$0x3], $0x20, s22, s7, $0xb8;
	[tilespmem:$0x1A400] =	vst v63  }
0x295: {  	s24 =	sld [smem:$0x7EF]  }
0x296: {  	[spmem:s2] =	stream.indirect.scatter.add.f32 [tilespmem:s25], [sflag:$0x3], $0x20, s23, s7, $0xb8;
	[tilespmem:$0x1A400] =	vst v63  }
0x297: {  	s25 =	sld [smem:$0x7F0]  }
0x298: {  	[spmem:s2] =	stream.indirect.scatter.add.f32 [tilespmem:s26], [sflag:$0x3], $0x20, s24, s7, $0xb8;
	[tilespmem:$0x1A400] =	vst v63  }
0x299: {  	s26 =	sld [smem:$0x7F1]  }
0x29a: {  	[spmem:s2] =	stream.indirect.scatter.add.f32 [tilespmem:s28], [sflag:$0x3], $0x20, s25, s7, $0xb8;
	[tilespmem:$0x1A400] =	vst v63  }
0x29b: {  	s28 =	sld [smem:$0x7F2]  }
0x29c: {  	[spmem:s2] =	stream.indirect.scatter.add.f32 [tilespmem:s29], [sflag:$0x3], $0x20, s26, s7, $0xb8;
	[tilespmem:$0x1A400] =	vst v63  }
0x29d: {  	s6 =	sld [smem:$0x7F3]  }
0x29e: {  	[spmem:s2] =	stream.indirect.scatter.add.f32 [tilespmem:s30], [sflag:$0x3], $0x20, s28, s7, $0xb8;
	[tilespmem:$0x1A400] =	vst v63  }
0x29f: {  	_ = 	snop  }
0x2a0: {  	[spmem:s2] =	stream.indirect.scatter.add.f32 [tilespmem:s4], [sflag:$0x3], $0x20, s6, s7, $0xb8;
	[tilespmem:$0x1A400] =	vst v63  }
0x2a1: {  	_ =	swait.ge [sflag:s8], $0x1000  }
0x2a2: {  	[sflag:s8] =	ssyncset.done $0x0  }
0x2a3: {  	[sflag:s8] =	ssyncadd.s32 $0xFFFFF000  }
0x2a4: {  	_ =	swait.ge [sflag:s8], $0x1000  }
0x2a5: {  	[sflag:s8] =	ssyncset.done $0x0  }
0x2a6: {  	[sflag:s8] =	ssyncadd.s32 $0xFFFFF000  }
0x2a7: {  	_ =	swait.ge [sflag:s8], $0x1000  }
0x2a8: {  	[sflag:s8] =	ssyncset.done $0x0  }
0x2a9: {  	[sflag:s8] =	ssyncadd.s32 $0xFFFFF000  }
0x2aa: {  	_ =	swait.ge [sflag:s8], $0x1000  }
0x2ab: {  	[sflag:s8] =	ssyncset.done $0x0  }
0x2ac: {  	[sflag:s8] =	ssyncadd.s32 $0xFFFFF000  }
0x2ad: {  	_ =	swait.ge [sflag:s8], $0x1000  }
0x2ae: {  	[sflag:s8] =	ssyncset.done $0x0  }
0x2af: {  	[sflag:s8] =	ssyncadd.s32 $0xFFFFF000  }
0x2b0: {  	_ =	swait.ge [sflag:s8], $0x1000  }
0x2b1: {  	[sflag:s8] =	ssyncset.done $0x0  }
0x2b2: {  	[sflag:s8] =	ssyncadd.s32 $0xFFFFF000  }
0x2b3: {  	_ =	swait.ge [sflag:s8], $0x1000  }
0x2b4: {  	[sflag:s8] =	ssyncset.done $0x0  }
0x2b5: {  	[sflag:s8] =	ssyncadd.s32 $0xFFFFF000  }
0x2b6: {  	_ =	swait.ge [sflag:s8], $0x1000  }
0x2b7: {  	[sflag:s8] =	ssyncset.done $0x0  }
0x2b8: {  	[sflag:s8] =	ssyncadd.s32 $0xFFFFF000  }
0x2b9: {  	_ =	swait.ge [sflag:s8], $0x1000  }
0x2ba: {  	[sflag:s8] =	ssyncset.done $0x0  }
0x2bb: {  	[sflag:s8] =	ssyncadd.s32 $0xFFFFF000  }
0x2bc: {  	_ =	swait.ge [sflag:s8], $0x1000  }
0x2bd: {  	[sflag:s8] =	ssyncset.done $0x0  }
0x2be: {  	[sflag:s8] =	ssyncadd.s32 $0xFFFFF000  }
0x2bf: {  	_ =	swait.ge [sflag:s12], $0xA000  }
0x2c0: {  	s11 =	sld [smem:$0x7F4]  }
0x2c1: {  	[sflag:s12] =	ssyncset.done $0x0  }
0x2c2: {  	[sflag:s12] =	ssyncadd.s32 $0xFFFF6000;
	s12 =	sld [smem:$0x7F5]  }
0x2c3: {  	[spmem:s2] =	stream.indirect.scatter.add.f32 [tilespmem:s9], [sflag:$0x3], $0x20, s11, s7, $0xb8;
	[tilespmem:$0x1A400] =	vst v63  }
0x2c4: {  	s21 =	sld [smem:$0x7F6]  }
0x2c5: {  	[spmem:s2] =	stream.indirect.scatter.add.f32 [tilespmem:s10], [sflag:$0x3], $0x20, s12, s7, $0xb8;
	[tilespmem:$0x1A400] =	vst v63  }
0x2c6: {  	s22 =	sld [smem:$0x7F7]  }
0x2c7: {  	[spmem:s2] =	stream.indirect.scatter.add.f32 [tilespmem:s13], [sflag:$0x3], $0x20, s21, s7, $0xb8;
	[tilespmem:$0x1A400] =	vst v63  }
0x2c8: {  	s23 =	sld [smem:$0x7F8]  }
0x2c9: {  	[spmem:s2] =	stream.indirect.scatter.add.f32 [tilespmem:s17], [sflag:$0x3], $0x20, s22, s7, $0xb8;
	[tilespmem:$0x1A400] =	vst v63  }
0x2ca: {  	s24 =	sld [smem:$0x7F9]  }
0x2cb: {  	[spmem:s2] =	stream.indirect.scatter.add.f32 [tilespmem:s20], [sflag:$0x3], $0x20, s23, s7, $0xb8;
	[tilespmem:$0x1A400] =	vst v63  }
0x2cc: {  	s25 =	sld [smem:$0x7FA]  }
0x2cd: {  	[spmem:s2] =	stream.indirect.scatter.add.f32 [tilespmem:s19], [sflag:$0x3], $0x20, s24, s7, $0xb8;
	[tilespmem:$0x1A400] =	vst v63  }
0x2ce: {  	s26 =	sld [smem:$0x7FB]  }
0x2cf: {  	[spmem:s2] =	stream.indirect.scatter.add.f32 [tilespmem:s18], [sflag:$0x3], $0x20, s25, s7, $0xb8;
	[tilespmem:$0x1A400] =	vst v63  }
0x2d0: {  	s28 =	sld [smem:$0x7FC]  }
0x2d1: {  	[spmem:s2] =	stream.indirect.scatter.add.f32 [tilespmem:s16], [sflag:$0x3], $0x20, s26, s7, $0xb8;
	[tilespmem:$0x1A400] =	vst v63  }
0x2d2: {  	s29 =	sld [smem:$0x7FD]  }
0x2d3: {  	[spmem:s2] =	stream.indirect.scatter.add.f32 [tilespmem:s14], [sflag:$0x3], $0x20, s28, s7, $0xb8;
	[tilespmem:$0x1A400] =	vst v63  }
0x2d4: {  	_ = 	snop  }
0x2d5: {  	[spmem:s2] =	stream.indirect.scatter.add.f32 [tilespmem:s15], [sflag:$0x3], $0x20, s29, s7, $0xb8;
	[tilespmem:$0x1A400] =	vst v63  }
0x2d6: {  	_ =	swait.ge [sflag:s8], $0x1000  }
0x2d7: {  	[sflag:s8] =	ssyncset.done $0x0  }
0x2d8: {  	[sflag:s8] =	ssyncadd.s32 $0xFFFFF000  }
0x2d9: {  	_ =	swait.ge [sflag:s8], $0x1000  }
0x2da: {  	[sflag:s8] =	ssyncset.done $0x0  }
0x2db: {  	[sflag:s8] =	ssyncadd.s32 $0xFFFFF000  }
0x2dc: {  	_ =	swait.ge [sflag:s8], $0x1000  }
0x2dd: {  	[sflag:s8] =	ssyncset.done $0x0  }
0x2de: {  	[sflag:s8] =	ssyncadd.s32 $0xFFFFF000  }
0x2df: {  	_ =	swait.ge [sflag:s8], $0x1000  }
0x2e0: {  	[sflag:s8] =	ssyncset.done $0x0  }
0x2e1: {  	[sflag:s8] =	ssyncadd.s32 $0xFFFFF000  }
0x2e2: {  	_ =	swait.ge [sflag:s8], $0x1000  }
0x2e3: {  	[sflag:s8] =	ssyncset.done $0x0  }
0x2e4: {  	[sflag:s8] =	ssyncadd.s32 $0xFFFFF000  }
0x2e5: {  	_ =	swait.ge [sflag:s8], $0x1000  }
0x2e6: {  	[sflag:s8] =	ssyncset.done $0x0  }
0x2e7: {  	[sflag:s8] =	ssyncadd.s32 $0xFFFFF000  }
0x2e8: {  	_ =	swait.ge [sflag:s8], $0x1000  }
0x2e9: {  	[sflag:s8] =	ssyncset.done $0x0  }
0x2ea: {  	[sflag:s8] =	ssyncadd.s32 $0xFFFFF000  }
0x2eb: {  	_ =	swait.ge [sflag:s8], $0x1000  }
0x2ec: {  	[sflag:s8] =	ssyncset.done $0x0  }
0x2ed: {  	[sflag:s8] =	ssyncadd.s32 $0xFFFFF000  }
0x2ee: {  	_ =	swait.ge [sflag:s8], $0x1000  }
0x2ef: {  	[sflag:s8] =	ssyncset.done $0x0  }
0x2f0: {  	[sflag:s8] =	ssyncadd.s32 $0xFFFFF000  }
0x2f1: {  	_ =	swait.ge [sflag:s8], $0x1000  }
0x2f2: {  	[sflag:s8] =	ssyncset.done $0x0  }
0x2f3: {  	[sflag:s8] =	ssyncadd.s32 $0xFFFFF000  }
0x2f4: {  	[bflag:$0x0] =	sbarrier.arrive $0xFFFF  }
0x2f5: {  	s30 =	rddreg [dreg:$0x9]  }
0x2f6: {  	[hbm:s30], [sflag:s31] =	dma.local [spmem:s5], $0xA00  }
0x2f7: {  	_ =	swait.ge [sflag:s3], $0xA00  }
0x2f8: {  	[sflag:s3] =	ssyncset.done $0x0  }
0x2f9: {  	[sflag:s3] =	ssyncadd.s32 $0xFFFFF600  }
0x2fa: {  	_ =	sfence.sel $0x180000  }
0x2fb: {  	[bflag:$0x0] =	sbarrier.arrive $0xFFFF  }
0x2fc: {  	_ =	strace $0x9000004A  }
0x2fd: {  	s31 =	stileid.u32;
	[bflag:$0x2] =	sbarrier.arrive $0xFFFF  }
0x2fe: {  	p0 =	sne.s32 s31, $0x0;
	s0 =	rddreg [dreg:$0x2]  }
0x2ff: {  	s0 =	sadd.s32 @!p0 $0x100000, s0  }
0x300: {  	[sflag:s0] =	ssyncadd.tile.s32 @!p0 $0x1;
	_ =	shalt  }
.LBB2_6:
0x301: {  	s10 =	simm.s32 $0xC400  }
0x302: {  	s13 =	simm.s32 $0xD400;
	s14 =	simm.s32 $0x13400;
	s15 =	simm.s32 $0x14400  }
.Ltmp3:
0x303: {  	s16 =	simm.s32 $0x12400;
	s17 =	simm.s32 $0xE400;
	(pc) =	sbr.rel .LBB2_5-.Ltmp3, $4  }
0x304: {  	s18 =	simm.s32 $0x11400;
	s19 =	simm.s32 $0x10400;
	s20 =	simm.s32 $0xF400  }
0x305: {  	s22 =	simm.s32 $0x2400;
	s23 =	simm.s32 $0x3400;
	s24 =	simm.s32 $0x4400  }
0x306: {  	s25 =	simm.s32 $0x5400;
	s26 =	simm.s32 $0x6400;
	s28 =	simm.s32 $0x7400  }
0x307: {  	s29 =	simm.s32 $0x8400;
	s30 =	simm.s32 $0x9400;
	s4 =	simm.s32 $0xA400  }
.Lfunc_end2:
_tile_overlayer_lowered:
.L_overlay_start_2:
0x308: {  	(tag) =	ssettag $0x2  }
0x309: {  	s0 =	rddreg [dreg:$0x0];
	s2 =	stileid.u32  }
0x30a: {  	s1 =	rddreg [dreg:$0x1];
	p0 =	sne.s32 s2, $0x0  }
0x30b: {  	s3 =	rddreg [dreg:$0x2];
	[bflag:$0x3] =	sbarrier.arrive $0xFFFF;
	s2 =	simm.s32 @!p0 $0x1C04  }
0x30c: {  	[timem:s3], [sflag:s2] =	dma.local @!p0 [hbm:s0], s1  }
0x30d: {  	s0 =	simm.s32 @!p0 $0x4  }
0x30e: {  	_ =	swait.ge @!p0 [sflag:s0], s1  }
0x30f: {  	s1 =	ssub.s32 @!p0 $0x0, s1;
	[sflag:s0] =	ssyncset.done @!p0 $0x0  }
0x310: {  	[sflag:s0] =	ssyncadd.s32 @!p0 s1  }
0x311: {  	[bflag:$0x3] =	sbarrier.arrive $0xFFFF  }
0x312: {  	_ =	shalt  }

// kernel: kernel.16.cloned.1.call-start
scs
__scs_entry_jumppad:
0x0: {  	(pc) =	sbr.rel $0x88, $3  }
0x1: {  	(tag) =	ssettag $0x0;
	lr =	simm.s32 $0x1  }
0x2: {  	[smem:$0x3F90] =	sst lr;
	_ =	strace $0xD0000000  }
0x3: {  	_ = 	snop  }
0x4: {  	_ = 	snop  }
0x5: {  	_ = 	snop  }
0x6: {  	_ = 	snop  }
0x7: {  	_ = 	snop  }
__scs_overlays_trampoline_lowered:
0x8: {  	[smem:$0x3F9F] =	sst s0  }
0x9: {  	[smem:$0x3FA0] =	sst s1  }
0xa: {  	[smem:$0x3FA1] =	sst s2  }
0xb: {  	[smem:$0x3FA2] =	sst s3  }
0xc: {  	[smem:$0x3FA3] =	sst s4  }
0xd: {  	[smem:$0x3FA4] =	sst s5  }
0xe: {  	[smem:$0x3FA5] =	sst s6  }
0xf: {  	[smem:$0x3FA6] =	sst s7  }
0x10: {  	[smem:$0x3FA7] =	sst s8  }
0x11: {  	[smem:$0x3FA8] =	sst s9;
	s0 =	simm.s32 @!p0 $0x0  }
0x12: {  	s1 =	sld [smem:$0x3F8E];
	s0 =	simm.s32 @p0 $0x1  }
0x13: {  	[smem:$0x3FA9] =	sst s0;
	s0 =	simm.s32 @!p1 $0x0  }
0x14: {  	s2 =	sld [smem:$0x3F8D];
	s0 =	simm.s32 @p1 $0x1  }
0x15: {  	[smem:$0x3FAA] =	sst s0;
	s0 =	simm.s32 @!p2 $0x0  }
0x16: {  	s3 =	sld [smem:$0x3FDB];
	s0 =	simm.s32 @p2 $0x1  }
0x17: {  	s4 =	simm.s32 $0x1BF5;
	[smem:$0x3FAC] =	sst s0  }
0x18: {  	s0 =	sld [smem:$0x3F8F];
	_ =	swait.ge [sflag:s4], $0x0  }
0x19: {  	s7 =	sld [smem:$0x3F90]  }
0x1a: {  	s8 =	sadd.s32 $0xFFFFE003, lr  }
0x1b: {  	s9 =	sadd.s32 $0xFFFFFEF7, lr;
	s5 =	simm.s32 $0xFFFFFFFF;
	p2 =	slt.u32 s8, $0xFFFFF086  }
0x1c: {  	p1 =	slt.u32 s9, $0xF7A;
	s5 =	simm.s32 @!p2 $0x0  }
0x1d: {  	s5 =	simm.s32 @p1 $0x1;
	p0 =	seq.s32 s7, s2  }
0x1e: {  	s7 =	smul.u32 @!p0 $0xF7A, s2;
	p2 =	seq.s32 @!p0 s5, $0x0  }
0x1f: {  	s9 =	smul.u32 $0xF7A, s1;
	s8 =	simm.s32 @!p0 $0x1BF5;
	p2 =	por !p2, p0  }
0x20: {  	[sflag:s8] =	ssyncset.s32 @!p0 $0xFFFFF086;
	s6 =	sadd.s32 @!p0 s3, s7;
	s7 =	simm.s32 @!p0 $0x108  }
0x21: {  	s3 =	sadd.s32 s3, s9;
	s6 =	sadd.s32 @!p0 $0x88, s6;
	s7 =	simm.s32 @p2 $0x1082  }
0x22: {  	[simem:s7], [sflag:s8] =	dma.local @!p0 [hbm:s6], $0xF7A  }
0x23: {  	s9 =	sor.u32 $0xD0000000, s2;
	s6 =	simm.s32 $0x108;
	_ =	swait.ge @!p0 [sflag:s8], $0x0  }
0x24: {  	s3 =	sadd.s32 $0x88, s3;
	s6 =	simm.s32 @!p1 $0x1082;
	[sflag:s4] =	ssyncset.s32 $0xFFFFF086  }
0x25: {  	[simem:s6], [sflag:s4] =	dma.local [hbm:s3], $0xF7A  }
0x26: {  	[smem:$0x3F90] =	sst s1;
	(tag) =	ssettag s2;
	_ =	strace s9  }
0x27: {  	s1 =	sld [smem:$0x3FA0]  }
0x28: {  	s2 =	sld [smem:$0x3FA1]  }
0x29: {  	s4 =	sld [smem:$0x3FA3]  }
0x2a: {  	p0 =	seq.s32 s5, $0x0;
	s5 =	sld [smem:$0x3FA4]  }
0x2b: {  	s6 =	sld [smem:$0x3FA5]  }
0x2c: {  	s7 =	sld [smem:$0x3FA6]  }
0x2d: {  	s3 =	simm.s32 $0x108;
	s8 =	sld [smem:$0x3FA7]  }
0x2e: {  	s3 =	simm.s32 @!p0 $0x1082;
	s9 =	sld [smem:$0x3FA8]  }
0x2f: {  	lr =	sadd.s32 s0, s3;
	s0 =	sld [smem:$0x3F9F]  }
0x30: {  	s3 =	sld [smem:$0x3FA2]  }
0x31: {  	[smem:$0x3FAB] =	sst s10  }
0x32: {  	s10 =	sld [smem:$0x3FA9];
	_ =	sdelay $0x3  }
0x33: {  	p0 =	seq.s32 s10, $0x1;
	s10 =	sld [smem:$0x3FAB];
	_ =	sdelay $0x3  }
0x34: {  	[smem:$0x3FAB] =	sst s10  }
0x35: {  	s10 =	sld [smem:$0x3FAA];
	_ =	sdelay $0x3  }
0x36: {  	p1 =	seq.s32 s10, $0x1;
	s10 =	sld [smem:$0x3FAB];
	_ =	sdelay $0x3  }
0x37: {  	[smem:$0x3FAB] =	sst s10  }
0x38: {  	s10 =	sld [smem:$0x3FAC]  }
0x39: {  	_ = 	snop;
	(pc) =	sbr.ind lr, $3  }
0x3a: {  	_ = 	snop  }
0x3b: {  	_ = 	snop  }
0x3c: {  	p2 =	seq.s32 s10, $0x1;
	s10 =	sld [smem:$0x3FAB]  }
0x3d: {  	_ =	shalt  }
0x3e: {  	_ =	shalt  }
0x3f: {  	_ =	shalt  }
0x40: {  	_ =	shalt  }
0x41: {  	_ =	shalt  }
0x42: {  	_ =	shalt  }
0x43: {  	_ =	shalt  }
0x44: {  	_ =	shalt  }
0x45: {  	_ =	shalt  }
0x46: {  	_ =	shalt  }
0x47: {  	_ =	shalt  }
0x48: {  	_ =	shalt  }
0x49: {  	_ =	shalt  }
0x4a: {  	_ =	shalt  }
0x4b: {  	_ =	shalt  }
0x4c: {  	_ =	shalt  }
0x4d: {  	_ =	shalt  }
0x4e: {  	_ =	shalt  }
0x4f: {  	_ =	shalt  }
0x50: {  	_ =	shalt  }
0x51: {  	_ =	shalt  }
0x52: {  	_ =	shalt  }
0x53: {  	_ =	shalt  }
0x54: {  	_ =	shalt  }
0x55: {  	_ =	shalt  }
0x56: {  	_ =	shalt  }
0x57: {  	_ =	shalt  }
0x58: {  	_ =	shalt  }
0x59: {  	_ =	shalt  }
0x5a: {  	_ =	shalt  }
0x5b: {  	_ =	shalt  }
0x5c: {  	_ =	shalt  }
0x5d: {  	_ =	shalt  }
0x5e: {  	_ =	shalt  }
0x5f: {  	_ =	shalt  }
0x60: {  	_ =	shalt  }
0x61: {  	_ =	shalt  }
0x62: {  	_ =	shalt  }
0x63: {  	_ =	shalt  }
0x64: {  	_ =	shalt  }
0x65: {  	_ =	shalt  }
0x66: {  	_ =	shalt  }
0x67: {  	_ =	shalt  }
0x68: {  	_ =	shalt  }
0x69: {  	_ =	shalt  }
0x6a: {  	_ =	shalt  }
0x6b: {  	_ =	shalt  }
0x6c: {  	_ =	shalt  }
0x6d: {  	_ =	shalt  }
0x6e: {  	_ =	shalt  }
0x6f: {  	_ =	shalt  }
0x70: {  	_ =	shalt  }
0x71: {  	_ =	shalt  }
0x72: {  	_ =	shalt  }
0x73: {  	_ =	shalt  }
0x74: {  	_ =	shalt  }
0x75: {  	_ =	shalt  }
0x76: {  	_ =	shalt  }
0x77: {  	_ =	shalt  }
0x78: {  	_ =	shalt  }
0x79: {  	_ =	shalt  }
0x7a: {  	_ =	shalt  }
0x7b: {  	_ =	shalt  }
0x7c: {  	_ =	shalt  }
0x7d: {  	_ =	shalt  }
0x7e: {  	_ =	shalt  }
0x7f: {  	_ =	shalt  }
0x80: {  	_ =	shalt  }
0x81: {  	_ =	shalt  }
0x82: {  	_ =	shalt  }
0x83: {  	_ =	shalt  }
0x84: {  	_ =	shalt  }
0x85: {  	_ =	shalt  }
0x86: {  	_ =	shalt  }
0x87: {  	_ =	shalt  }
.Lfunc_end0:
.L_simem_size_0:
called_computation.2_lowered:
.L_overlay_start_0:
0x88: {  	s2 =	sld [smem:$0x3FD9]  }
0x89: {  	s3 =	sld [smem:$0x3FFE];
	_ =	sdelay $0x1  }
0x8a: {  	s1 =	srdreg.scid  }
0x8b: {  	s0 =	sand.u32 $0x1, s1  }
0x8c: {  	s16 =	sshll.u32 s0, $0xA;
	s2 =	sadd.s32 s3, s2  }
0x8d: {  	s2 =	sadd.s32 s2, s16  }
0x8e: {  	[smem:$0x3FB7] =	sst s2  }
0x8f: {  	_ = 	snop  }
0x90: {  	(tm) =	ssettm $0x1  }
0x91: {  	s17 =	sld [smem:$0x3FFB];
	_ =	sdelay $0x3  }
0x92: {  	_ =	strace s17  }
0x93: {  	s2 =	sld [smem:$0x3FFC];
	_ =	sdelay $0x3  }
0x94: {  	_ =	strace s2  }
0x95: {  	s2 =	sld [smem:$0x3FFD];
	_ =	sdelay $0x3  }
0x96: {  	_ =	strace s2  }
0x97: {  	_ =	strace $0x8FFFFFFF  }
0x98: {  	s18 =	sld [smem:$0x3FDB];
	_ =	sdelay $0x1  }
0x99: {  	s19 =	simm.s32 $_scs_section_size  }
0x9a: {  	s4 =	simm.s32 $_size__tile_overlayer_lowered;
	s5 =	simm.s32 $_tile_overlayer_lowered  }
0x9b: {  	s22 =	simm.s32 $0x1BFF;
	s21 =	sshll.u32 s5, $0x1;
	s2 =	sadd.s32 s19, s18  }
0x9c: {  	s6 =	simm.s32 $0x0;
	s20 =	sshll.u32 s4, $0x1;
	s4 =	sadd.s32 s21, s2  }
0x9d: {  	[timem:s6], [sflag:s22] =	dma.local [hbm:s4], s20  }
0x9e: {  	_ =	swait.ge [sflag:s22], s20  }
0x9f: {  	s3 =	ssub.s32 $0x0, s20;
	[sflag:s22] =	ssyncset.done $0x0  }
0xa0: {  	[sflag:s22] =	ssyncadd.s32 s3;
	_ =	sdelay $0x1  }
0xa1: {  	s23 =	simm.s32 $0x1B8B  }
0xa2: {  	_ =	swait.ge [sflag:s23], $0x1  }
0xa3: {  	[sflag:s23] =	ssyncset.done $0x0  }
0xa4: {  	s25 =	simm.s32 $0x1B8E;
	s24 =	sld [smem:$0x3FFE];
	[sflag:s23] =	ssyncadd.s32 $0xFFFFFFFF  }
0xa5: {  	s26 =	simm.s32 $execute0_lowered;
	[smem:$0x3FD2] =	sst s25  }
0xa6: {  	s4 =	sshll.u32 s26, $0x1;
	_ =	strace $0x8000004C;
	[dreg:$0x1] =	wrdreg $0xFFFFFFFF  }
0xa7: {  	s28 =	simm.s32 $_size_execute0_lowered;
	s2 =	sadd.s32 s2, s4;
	[dreg:$0x0] =	wrdreg $0x0  }
0xa8: {  	s4 =	sshll.u32 s28, $0x1;
	[dreg:$0x2] =	wrdreg s2  }
0xa9: {  	[dreg:$0x3] =	wrdreg s4  }
0xaa: {  	[dreg:$0x4] =	wrdreg $0xC0  }
0xab: {  	_ =	task [dreg:s6], $0x5FFFF  }
0xac: {  	[dreg:$0x1] =	wrdreg $0xFFFFFFFF  }
0xad: {  	[dreg:$0x0] =	wrdreg $0x60  }
0xae: {  	[dreg:$0x2] =	wrdreg s24  }
0xaf: {  	[dreg:$0x3] =	wrdreg $0x9  }
0xb0: {  	_ =	task.clear_ibuf [dreg:s6], $0x4FFFF;
	_ =	strace $0x9000004C  }
0xb1: {  	s29 =	simm.s32 $0x9;
	_ =	strace $0x8000004E  }
0xb2: {  	_ =	swait.ge [sflag:s29], $0x1  }
0xb3: {  	[sflag:s29] =	ssyncadd.s32 $0xFFFFFFFF  }
0xb4: {  	_ =	strace $0x9000004E  }
0xb5: {  	_ =	sfence  }
0xb6: {  	s30 =	sld [smem:$0x0];
	_ =	sdelay $0x2  }
0xb7: {  	s31 =	sshll.u32 s1, $0xD;
	s1 =	sshrl.u32 s1, $0x2  }
0xb8: {  	s3 =	sand.u32 $0x4000, s31;
	s1 =	sadd.s32 s1, s30  }
0xb9: {  	s0 =	sor.u32 s3, s0;
	s1 =	sshll.u32 s1, $0x11  }
0xba: {  	s0 =	sor.u32 s1, s0  }
0xbb: {  	s0 =	sadd.s32 $0x8F2B, s0  }
0xbc: {  	[sflag:s0] =	ssyncadd.remote.s32 $0x1  }
0xbd: {  	_ =	sfence.sel $0xFFFF  }
0xbe: {  	[dreg:$0x0] =	wrdreg $0xFFFFFFFF;
	(pc) =	sbr.abs _section_cstart, $3  }
0xbf: {  	[dreg:$0x1] =	wrdreg $0xFFFFFFFF  }
0xc0: {  	_ =	task.clear_ibuf [dreg:s6], $0x2FFFF;
	_ =	strace $0x9FFFFFFF  }
0xc1: {  	(tm) =	ssettm $0x7FFFFFFF  }
tec
execute0_lowered:
.L_overlay_start_1:
0x0: {  	(tag) =	ssettag $0x1  }
0x1: {  	s3 =	rddreg [dreg:$0x0];
	s2 =	simm.s32 $0x0  }
0x2: {  	s26 =	simm.s32 $0x100;
	[smem:$0x7FF] =	sst s2  }
0x3: {  	s7 =	simm.s32 $0x300;
	_ =	strace $0x8000004D;
	[dreg:$0x7] =	wrdreg s26  }
0x4: {  	s8 =	simm.s32 $0x380;
	[dreg:$0xb] =	wrdreg s7  }
0x5: {  	s9 =	simm.s32 $0x400;
	[dreg:$0xc] =	wrdreg s8  }
0x6: {  	s0 =	srdreg.scid;
	s10 =	simm.s32 $0x480;
	[dreg:$0xd] =	wrdreg s9  }
0x7: {  	s19 =	stileid.u32;
	s11 =	simm.s32 $0x500;
	[dreg:$0xe] =	wrdreg s10  }
0x8: {  	s12 =	simm.s32 $0x580;
	s13 =	simm.s32 $0x600;
	[dreg:$0xf] =	wrdreg s11  }
0x9: {  	s14 =	simm.s32 $0x680;
	s15 =	simm.s32 $0x700;
	[dreg:$0x10] =	wrdreg s12  }
0xa: {  	s17 =	simm.s32 $0x780;
	s18 =	simm.s32 $0x800;
	[dreg:$0x11] =	wrdreg s13  }
0xb: {  	s20 =	simm.s32 $0x880;
	s31 =	simm.s32 $0x4;
	[dreg:$0x12] =	wrdreg s14  }
0xc: {  	s21 =	simm.s32 $0x900;
	s28 =	simm.s32 $0x8400;
	[dreg:$0x13] =	wrdreg s15  }
0xd: {  	s29 =	simm.s32 $0x9400;
	s30 =	simm.s32 $0xA400;
	[dreg:$0x14] =	wrdreg s17  }
0xe: {  	p0 =	por $0x0, $0x0;
	s0 =	sand.u32 $0x1, s0;
	[dreg:$0x15] =	wrdreg s18  }
0xf: {  	s6 =	sadd.s32 $0x5E600, s3;
	s1 =	sshll.u32 s0, $0x4;
	[dreg:$0x16] =	wrdreg s20  }
0x10: {  	s0 =	ssub.s32 $0x2, s0;
	[dreg:$0x17] =	wrdreg s21;
	s26 =	simm.s32 $0xB80  }
0x11: {  	s7 =	simm.s32 $0x1400;
	s8 =	simm.s32 $0xD00;
	[dreg:$0x1c] =	wrdreg s26  }
0x12: {  	s21 =	simm.s32 $0x2400;
	s9 =	simm.s32 $0xD80;
	[dreg:$0x1f] =	wrdreg s8  }
0x13: {  	s10 =	simm.s32 $0xE00;
	s11 =	simm.s32 $0xE80;
	[smem:$0x7F3] =	sst s9  }
0x14: {  	s12 =	simm.s32 $0xF00;
	s13 =	simm.s32 $0xF80;
	[smem:$0x7F4] =	sst s10  }
0x15: {  	s14 =	simm.s32 $0x1000;
	s15 =	simm.s32 $0x1080;
	[smem:$0x7F5] =	sst s11  }
0x16: {  	s17 =	simm.s32 $0x1180;
	s18 =	simm.s32 $0x1200;
	[smem:$0x7F6] =	sst s12  }
0x17: {  	s20 =	simm.s32 $0x1280;
	s1 =	sor.u32 s19, s1;
	[smem:$0x7F7] =	sst s13  }
0x18: {  	s16 =	sshrl.u32 s0, $0x1;
	s26 =	simm.s32 $0x7400;
	[smem:$0x7F8] =	sst s14  }
0x19: {  	s10 =	simm.s32 $0xC400;
	s11 =	simm.s32 $0xD400;
	[smem:$0x7F9] =	sst s15  }
0x1a: {  	s12 =	simm.s32 $0xE400;
	s13 =	simm.s32 $0xF400;
	[smem:$0x7FB] =	sst s17  }
0x1b: {  	s14 =	simm.s32 $0x10400;
	[smem:$0x7FC] =	sst s18;
	s4 =	smul.u32 $0x280, s1  }
0x1c: {  	s15 =	simm.s32 $0x11400;
	[smem:$0x7FD] =	sst s20;
	s5 =	smul.u32 $0x28000, s1  }
0x1d: {  	s17 =	simm.s32 $0x13400;
	s18 =	simm.s32 $0x14400;
	s1 =	smul.u32 $0x5000, s1  }
0x1e: {  	s9 =	simm.s32 $0x2;
	s0 =	ssub.s32 s0, s16;
	s16 =	simm.s32 $0x1100  }
0x1f: {  	[smem:$0x7FA] =	sst s16;
	s4 =	sadd.s32 s4, s3;
	s1 =	sadd.s32 s6, s1  }
0x20: {  	s5 =	sshrl.u32 s5, $0x3;
	s4 =	sadd.s32 $0x2C600, s4;
	[dreg:$0x3] =	wrdreg s1  }
0x21: {  	s22 =	sadd.s32 s6, s5;
	s5 =	simm.s32 $0x200;
	[dreg:$0x2] =	wrdreg s4  }
0x22: {  	s8 =	simm.s32 $0x3;
	s6 =	simm.s32 $0x280;
	[dreg:$0x9] =	wrdreg s5  }
0x23: {  	s20 =	simm.s32 $0x1380;
	s23 =	sadd.s32 $0x1400, s22;
	[dreg:$0xa] =	wrdreg s6  }
0x24: {  	s16 =	simm.s32 $0x12400;
	s24 =	sadd.s32 $0x2800, s22;
	[dreg:$0x4] =	wrdreg s23  }
0x25: {  	s3 =	sadd.s32 $0x3B600, s3;
	s25 =	sadd.s32 $0x3C00, s22;
	[dreg:$0x5] =	wrdreg s24  }
0x26: {  	s1 =	smax.u32 s0, $0x1;
	s4 =	simm.s32 $0x180;
	[dreg:$0x6] =	wrdreg s25  }
0x27: {  	s22 =	simm.s32 $0x980;
	s5 =	simm.s32 $0xC00;
	[dreg:$0x8] =	wrdreg s4  }
0x28: {  	s6 =	simm.s32 $0xC80;
	p1 =	sne.s32 s1, $0x1;
	[dreg:$0x18] =	wrdreg s22  }
0x29: {  	s1 =	sadd.s32 $0xFFFFFFFF, s1;
	s4 =	simm.s32 $0x80;
	[dreg:$0x1d] =	wrdreg s5  }
.Ltmp0:
0x2a: {  	s23 =	simm.s32 $0xA00;
	[dreg:$0x1e] =	wrdreg s6;
	(pc) =	sbr.rel @!p1 .LBB2_1-.Ltmp0, $4  }
0x2b: {  	s24 =	simm.s32 $0xA80;
	s22 =	simm.s32 $0x3400;
	s0 =	rddreg [dreg:$0x2]  }
0x2c: {  	s25 =	simm.s32 $0xB00;
	s5 =	simm.s32 $0x1;
	[dreg:$0x19] =	wrdreg s23  }
0x2d: {  	s6 =	simm.s32 $0xB400;
	[dreg:$0x1a] =	wrdreg s24;
	s23 =	simm.s32 $0x4400  }
0x2e: {  	[dreg:$0x1b] =	wrdreg s25;
	s24 =	simm.s32 $0x5400;
	s25 =	simm.s32 $0x6400  }
0x2f: {  	[tilespmem:s2], [sflag:$0x4] =	stream.linear.gather [hbm4b:s0+s2], $0x1400, $0x38;
	[tilespmem:$0x15400] =	vst v63  }
0x30: {  	_ =	swait.ge [sflag:s31], $0x1400  }
0x31: {  	[sflag:s31] =	ssyncset.done $0x0  }
0x32: {  	[sflag:s31] =	ssyncadd.s32 $0xFFFFEC00  }
0x33: {  	[tilespmem:s7], [sflag:$0x1] =	stream.indirect.gather [hbm4b:s3+s4], $0x20, s2, s4, $0xb8;
	[tilespmem:$0x15400] =	vst v63  }
0x34: {  	_ = 	snop  }
0x35: {  	[tilespmem:s21], [sflag:$0x1] =	stream.indirect.gather [hbm4b:s3+s4], $0x20, s4, s4, $0xb8;
	[tilespmem:$0x15400] =	vst v63  }
0x36: {  	s0 =	rddreg [dreg:$0x7]  }
0x37: {  	[tilespmem:s22], [sflag:$0x1] =	stream.indirect.gather [hbm4b:s3+s4], $0x20, s0, s4, $0xb8;
	[tilespmem:$0x15400] =	vst v63  }
0x38: {  	s19 =	smov.u32 s1;
	s1 =	rddreg [dreg:$0x8]  }
0x39: {  	[tilespmem:s23], [sflag:$0x1] =	stream.indirect.gather [hbm4b:s3+s4], $0x20, s1, s4, $0xb8;
	[tilespmem:$0x15400] =	vst v63  }
0x3a: {  	s0 =	rddreg [dreg:$0x9]  }
0x3b: {  	[tilespmem:s24], [sflag:$0x1] =	stream.indirect.gather [hbm4b:s3+s4], $0x20, s0, s4, $0xb8;
	[tilespmem:$0x15400] =	vst v63  }
0x3c: {  	s1 =	rddreg [dreg:$0xa]  }
0x3d: {  	[tilespmem:s25], [sflag:$0x1] =	stream.indirect.gather [hbm4b:s3+s4], $0x20, s1, s4, $0xb8;
	[tilespmem:$0x15400] =	vst v63  }
0x3e: {  	s0 =	rddreg [dreg:$0xb]  }
0x3f: {  	[tilespmem:s26], [sflag:$0x1] =	stream.indirect.gather [hbm4b:s3+s4], $0x20, s0, s4, $0xb8;
	[tilespmem:$0x15400] =	vst v63  }
0x40: {  	s1 =	rddreg [dreg:$0xc]  }
0x41: {  	[tilespmem:s28], [sflag:$0x1] =	stream.indirect.gather [hbm4b:s3+s4], $0x20, s1, s4, $0xb8;
	[tilespmem:$0x15400] =	vst v63  }
0x42: {  	s0 =	rddreg [dreg:$0xd]  }
0x43: {  	[tilespmem:s29], [sflag:$0x1] =	stream.indirect.gather [hbm4b:s3+s4], $0x20, s0, s4, $0xb8;
	[tilespmem:$0x15400] =	vst v63  }
0x44: {  	s1 =	rddreg [dreg:$0xe]  }
0x45: {  	[tilespmem:s30], [sflag:$0x1] =	stream.indirect.gather [hbm4b:s3+s4], $0x20, s1, s4, $0xb8;
	[tilespmem:$0x15400] =	vst v63  }
0x46: {  	_ =	swait.ge [sflag:s5], $0x1000  }
0x47: {  	[sflag:s5] =	ssyncset.done $0x0  }
0x48: {  	[sflag:s5] =	ssyncadd.s32 $0xFFFFF000  }
0x49: {  	_ =	swait.ge [sflag:s5], $0x1000  }
0x4a: {  	[sflag:s5] =	ssyncset.done $0x0  }
0x4b: {  	[sflag:s5] =	ssyncadd.s32 $0xFFFFF000  }
0x4c: {  	_ =	swait.ge [sflag:s5], $0x1000  }
0x4d: {  	[sflag:s5] =	ssyncset.done $0x0  }
0x4e: {  	[sflag:s5] =	ssyncadd.s32 $0xFFFFF000  }
0x4f: {  	_ =	swait.ge [sflag:s5], $0x1000  }
0x50: {  	[sflag:s5] =	ssyncset.done $0x0  }
0x51: {  	[sflag:s5] =	ssyncadd.s32 $0xFFFFF000  }
0x52: {  	_ =	swait.ge [sflag:s5], $0x1000  }
0x53: {  	[sflag:s5] =	ssyncset.done $0x0  }
0x54: {  	[sflag:s5] =	ssyncadd.s32 $0xFFFFF000  }
0x55: {  	_ =	swait.ge [sflag:s5], $0x1000  }
0x56: {  	[sflag:s5] =	ssyncset.done $0x0  }
0x57: {  	[sflag:s5] =	ssyncadd.s32 $0xFFFFF000  }
0x58: {  	_ =	swait.ge [sflag:s5], $0x1000  }
0x59: {  	[sflag:s5] =	ssyncset.done $0x0  }
0x5a: {  	[sflag:s5] =	ssyncadd.s32 $0xFFFFF000  }
0x5b: {  	_ =	swait.ge [sflag:s5], $0x1000  }
0x5c: {  	[sflag:s5] =	ssyncset.done $0x0  }
0x5d: {  	[sflag:s5] =	ssyncadd.s32 $0xFFFFF000  }
0x5e: {  	_ =	swait.ge [sflag:s5], $0x1000  }
0x5f: {  	[sflag:s5] =	ssyncset.done $0x0  }
0x60: {  	[sflag:s5] =	ssyncadd.s32 $0xFFFFF000  }
0x61: {  	_ =	swait.ge [sflag:s5], $0x1000  }
0x62: {  	[sflag:s5] =	ssyncset.done $0x0  }
0x63: {  	s0 =	rddreg [dreg:$0x3];
	[sflag:s5] =	ssyncadd.s32 $0xFFFFF000  }
0x64: {  	[hbm4b:s0+s2] =	stream.linear.scatter [tilespmem:s7], [sflag:$0x2], $0xA000, $0x38;
	[tilespmem:$0x15400] =	vst v63  }
0x65: {  	s1 =	rddreg [dreg:$0xf]  }
0x66: {  	[tilespmem:s6], [sflag:$0x1] =	stream.indirect.gather [hbm4b:s3+s4], $0x20, s1, s4, $0xb8;
	[tilespmem:$0x15400] =	vst v63  }
0x67: {  	s0 =	rddreg [dreg:$0x10]  }
0x68: {  	[tilespmem:s10], [sflag:$0x1] =	stream.indirect.gather [hbm4b:s3+s4], $0x20, s0, s4, $0xb8;
	[tilespmem:$0x15400] =	vst v63  }
0x69: {  	s1 =	rddreg [dreg:$0x11]  }
0x6a: {  	[tilespmem:s11], [sflag:$0x1] =	stream.indirect.gather [hbm4b:s3+s4], $0x20, s1, s4, $0xb8;
	[tilespmem:$0x15400] =	vst v63  }
0x6b: {  	s0 =	rddreg [dreg:$0x12]  }
0x6c: {  	[tilespmem:s12], [sflag:$0x1] =	stream.indirect.gather [hbm4b:s3+s4], $0x20, s0, s4, $0xb8;
	[tilespmem:$0x15400] =	vst v63  }
0x6d: {  	s1 =	rddreg [dreg:$0x13]  }
0x6e: {  	[tilespmem:s13], [sflag:$0x1] =	stream.indirect.gather [hbm4b:s3+s4], $0x20, s1, s4, $0xb8;
	[tilespmem:$0x15400] =	vst v63  }
0x6f: {  	s0 =	rddreg [dreg:$0x14]  }
0x70: {  	[tilespmem:s14], [sflag:$0x1] =	stream.indirect.gather [hbm4b:s3+s4], $0x20, s0, s4, $0xb8;
	[tilespmem:$0x15400] =	vst v63  }
0x71: {  	s1 =	rddreg [dreg:$0x15]  }
0x72: {  	[tilespmem:s15], [sflag:$0x1] =	stream.indirect.gather [hbm4b:s3+s4], $0x20, s1, s4, $0xb8;
	[tilespmem:$0x15400] =	vst v63  }
0x73: {  	s0 =	rddreg [dreg:$0x16]  }
0x74: {  	[tilespmem:s16], [sflag:$0x1] =	stream.indirect.gather [hbm4b:s3+s4], $0x20, s0, s4, $0xb8;
	[tilespmem:$0x15400] =	vst v63  }
0x75: {  	s1 =	rddreg [dreg:$0x17]  }
0x76: {  	[tilespmem:s17], [sflag:$0x1] =	stream.indirect.gather [hbm4b:s3+s4], $0x20, s1, s4, $0xb8;
	[tilespmem:$0x15400] =	vst v63  }
0x77: {  	s0 =	rddreg [dreg:$0x18]  }
0x78: {  	[tilespmem:s18], [sflag:$0x1] =	stream.indirect.gather [hbm4b:s3+s4], $0x20, s0, s4, $0xb8;
	[tilespmem:$0x15400] =	vst v63  }
0x79: {  	_ =	swait.ge [sflag:s5], $0x1000  }
0x7a: {  	[sflag:s5] =	ssyncset.done $0x0  }
0x7b: {  	[sflag:s5] =	ssyncadd.s32 $0xFFFFF000  }
0x7c: {  	_ =	swait.ge [sflag:s5], $0x1000  }
0x7d: {  	[sflag:s5] =	ssyncset.done $0x0  }
0x7e: {  	[sflag:s5] =	ssyncadd.s32 $0xFFFFF000  }
0x7f: {  	_ =	swait.ge [sflag:s5], $0x1000  }
0x80: {  	[sflag:s5] =	ssyncset.done $0x0  }
0x81: {  	[sflag:s5] =	ssyncadd.s32 $0xFFFFF000  }
0x82: {  	_ =	swait.ge [sflag:s5], $0x1000  }
0x83: {  	[sflag:s5] =	ssyncset.done $0x0  }
0x84: {  	[sflag:s5] =	ssyncadd.s32 $0xFFFFF000  }
0x85: {  	_ =	swait.ge [sflag:s5], $0x1000  }
0x86: {  	[sflag:s5] =	ssyncset.done $0x0  }
0x87: {  	[sflag:s5] =	ssyncadd.s32 $0xFFFFF000  }
0x88: {  	_ =	swait.ge [sflag:s5], $0x1000  }
0x89: {  	[sflag:s5] =	ssyncset.done $0x0  }
0x8a: {  	[sflag:s5] =	ssyncadd.s32 $0xFFFFF000  }
0x8b: {  	_ =	swait.ge [sflag:s5], $0x1000  }
0x8c: {  	[sflag:s5] =	ssyncset.done $0x0  }
0x8d: {  	[sflag:s5] =	ssyncadd.s32 $0xFFFFF000  }
0x8e: {  	_ =	swait.ge [sflag:s5], $0x1000  }
0x8f: {  	[sflag:s5] =	ssyncset.done $0x0  }
0x90: {  	[sflag:s5] =	ssyncadd.s32 $0xFFFFF000  }
0x91: {  	_ =	swait.ge [sflag:s5], $0x1000  }
0x92: {  	[sflag:s5] =	ssyncset.done $0x0  }
0x93: {  	[sflag:s5] =	ssyncadd.s32 $0xFFFFF000  }
0x94: {  	_ =	swait.ge [sflag:s5], $0x1000  }
0x95: {  	[sflag:s5] =	ssyncset.done $0x0  }
0x96: {  	s1 =	rddreg [dreg:$0x4];
	[sflag:s5] =	ssyncadd.s32 $0xFFFFF000  }
0x97: {  	[hbm4b:s1+s2] =	stream.linear.scatter [tilespmem:s6], [sflag:$0x3], $0xA000, $0x38;
	[tilespmem:$0x15400] =	vst v63  }
0x98: {  	_ =	swait.ge [sflag:s9], $0xA000  }
0x99: {  	s0 =	rddreg [dreg:$0x19];
	[sflag:s9] =	ssyncset.done $0x0  }
0x9a: {  	s1 =	rddreg [dreg:$0x1a];
	[sflag:s9] =	ssyncadd.s32 $0xFFFF6000  }
0x9b: {  	[tilespmem:s7], [sflag:$0x1] =	stream.indirect.gather [hbm4b:s3+s4], $0x20, s0, s4, $0xb8;
	[tilespmem:$0x15400] =	vst v63  }
0x9c: {  	s0 =	rddreg [dreg:$0x1b]  }
0x9d: {  	[tilespmem:s21], [sflag:$0x1] =	stream.indirect.gather [hbm4b:s3+s4], $0x20, s1, s4, $0xb8;
	[tilespmem:$0x15400] =	vst v63  }
0x9e: {  	s1 =	rddreg [dreg:$0x1c]  }
0x9f: {  	[tilespmem:s22], [sflag:$0x1] =	stream.indirect.gather [hbm4b:s3+s4], $0x20, s0, s4, $0xb8;
	[tilespmem:$0x15400] =	vst v63  }
0xa0: {  	s0 =	rddreg [dreg:$0x1d]  }
0xa1: {  	[tilespmem:s23], [sflag:$0x1] =	stream.indirect.gather [hbm4b:s3+s4], $0x20, s1, s4, $0xb8;
	[tilespmem:$0x15400] =	vst v63  }
0xa2: {  	s1 =	rddreg [dreg:$0x1e]  }
0xa3: {  	[tilespmem:s24], [sflag:$0x1] =	stream.indirect.gather [hbm4b:s3+s4], $0x20, s0, s4, $0xb8;
	[tilespmem:$0x15400] =	vst v63  }
0xa4: {  	s0 =	rddreg [dreg:$0x1f]  }
0xa5: {  	[tilespmem:s25], [sflag:$0x1] =	stream.indirect.gather [hbm4b:s3+s4], $0x20, s1, s4, $0xb8;
	[tilespmem:$0x15400] =	vst v63  }
0xa6: {  	s1 =	sld [smem:$0x7F3]  }
0xa7: {  	[tilespmem:s26], [sflag:$0x1] =	stream.indirect.gather [hbm4b:s3+s4], $0x20, s0, s4, $0xb8;
	[tilespmem:$0x15400] =	vst v63  }
0xa8: {  	s0 =	sld [smem:$0x7F4]  }
0xa9: {  	[tilespmem:s28], [sflag:$0x1] =	stream.indirect.gather [hbm4b:s3+s4], $0x20, s1, s4, $0xb8;
	[tilespmem:$0x15400] =	vst v63  }
0xaa: {  	s1 =	sld [smem:$0x7F5]  }
0xab: {  	[tilespmem:s29], [sflag:$0x1] =	stream.indirect.gather [hbm4b:s3+s4], $0x20, s0, s4, $0xb8;
	[tilespmem:$0x15400] =	vst v63  }
0xac: {  	_ = 	snop  }
0xad: {  	[tilespmem:s30], [sflag:$0x1] =	stream.indirect.gather [hbm4b:s3+s4], $0x20, s1, s4, $0xb8;
	[tilespmem:$0x15400] =	vst v63  }
0xae: {  	_ =	swait.ge [sflag:s5], $0x1000  }
0xaf: {  	[sflag:s5] =	ssyncset.done $0x0  }
0xb0: {  	[sflag:s5] =	ssyncadd.s32 $0xFFFFF000  }
0xb1: {  	_ =	swait.ge [sflag:s5], $0x1000  }
0xb2: {  	[sflag:s5] =	ssyncset.done $0x0  }
0xb3: {  	[sflag:s5] =	ssyncadd.s32 $0xFFFFF000  }
0xb4: {  	_ =	swait.ge [sflag:s5], $0x1000  }
0xb5: {  	[sflag:s5] =	ssyncset.done $0x0  }
0xb6: {  	[sflag:s5] =	ssyncadd.s32 $0xFFFFF000  }
0xb7: {  	_ =	swait.ge [sflag:s5], $0x1000  }
0xb8: {  	[sflag:s5] =	ssyncset.done $0x0  }
0xb9: {  	[sflag:s5] =	ssyncadd.s32 $0xFFFFF000  }
0xba: {  	_ =	swait.ge [sflag:s5], $0x1000  }
0xbb: {  	[sflag:s5] =	ssyncset.done $0x0  }
0xbc: {  	[sflag:s5] =	ssyncadd.s32 $0xFFFFF000  }
0xbd: {  	_ =	swait.ge [sflag:s5], $0x1000  }
0xbe: {  	[sflag:s5] =	ssyncset.done $0x0  }
0xbf: {  	[sflag:s5] =	ssyncadd.s32 $0xFFFFF000  }
0xc0: {  	_ =	swait.ge [sflag:s5], $0x1000  }
0xc1: {  	[sflag:s5] =	ssyncset.done $0x0  }
0xc2: {  	[sflag:s5] =	ssyncadd.s32 $0xFFFFF000  }
0xc3: {  	_ =	swait.ge [sflag:s5], $0x1000  }
0xc4: {  	[sflag:s5] =	ssyncset.done $0x0  }
0xc5: {  	[sflag:s5] =	ssyncadd.s32 $0xFFFFF000  }
0xc6: {  	_ =	swait.ge [sflag:s5], $0x1000  }
0xc7: {  	[sflag:s5] =	ssyncset.done $0x0  }
0xc8: {  	[sflag:s5] =	ssyncadd.s32 $0xFFFFF000  }
0xc9: {  	_ =	swait.ge [sflag:s5], $0x1000  }
0xca: {  	[sflag:s5] =	ssyncset.done $0x0  }
0xcb: {  	s1 =	rddreg [dreg:$0x5];
	[sflag:s5] =	ssyncadd.s32 $0xFFFFF000  }
0xcc: {  	[hbm4b:s1+s2] =	stream.linear.scatter [tilespmem:s7], [sflag:$0x2], $0xA000, $0x38;
	[tilespmem:$0x15400] =	vst v63  }
0xcd: {  	_ =	swait.ge [sflag:s8], $0xA000  }
0xce: {  	s0 =	sld [smem:$0x7F6]  }
0xcf: {  	[sflag:s8] =	ssyncset.done $0x0  }
0xd0: {  	s1 =	sld [smem:$0x7F7];
	[sflag:s8] =	ssyncadd.s32 $0xFFFF6000  }
0xd1: {  	[tilespmem:s6], [sflag:$0x1] =	stream.indirect.gather [hbm4b:s3+s4], $0x20, s0, s4, $0xb8;
	[tilespmem:$0x15400] =	vst v63  }
0xd2: {  	s0 =	sld [smem:$0x7F8]  }
0xd3: {  	[tilespmem:s10], [sflag:$0x1] =	stream.indirect.gather [hbm4b:s3+s4], $0x20, s1, s4, $0xb8;
	[tilespmem:$0x15400] =	vst v63  }
0xd4: {  	s1 =	sld [smem:$0x7F9]  }
0xd5: {  	[tilespmem:s11], [sflag:$0x1] =	stream.indirect.gather [hbm4b:s3+s4], $0x20, s0, s4, $0xb8;
	[tilespmem:$0x15400] =	vst v63  }
0xd6: {  	s0 =	sld [smem:$0x7FA]  }
0xd7: {  	[tilespmem:s12], [sflag:$0x1] =	stream.indirect.gather [hbm4b:s3+s4], $0x20, s1, s4, $0xb8;
	[tilespmem:$0x15400] =	vst v63  }
0xd8: {  	s1 =	sld [smem:$0x7FB]  }
0xd9: {  	[tilespmem:s13], [sflag:$0x1] =	stream.indirect.gather [hbm4b:s3+s4], $0x20, s0, s4, $0xb8;
	[tilespmem:$0x15400] =	vst v63  }
0xda: {  	s0 =	sld [smem:$0x7FC]  }
0xdb: {  	[tilespmem:s14], [sflag:$0x1] =	stream.indirect.gather [hbm4b:s3+s4], $0x20, s1, s4, $0xb8;
	[tilespmem:$0x15400] =	vst v63  }
0xdc: {  	s1 =	sld [smem:$0x7FD]  }
0xdd: {  	[tilespmem:s15], [sflag:$0x1] =	stream.indirect.gather [hbm4b:s3+s4], $0x20, s0, s4, $0xb8;
	[tilespmem:$0x15400] =	vst v63  }
0xde: {  	_ = 	snop  }
0xdf: {  	[tilespmem:s16], [sflag:$0x1] =	stream.indirect.gather [hbm4b:s3+s4], $0x20, s1, s4, $0xb8;
	[tilespmem:$0x15400] =	vst v63  }
0xe0: {  	s1 =	simm.s32 $0x1300  }
0xe1: {  	[tilespmem:s17], [sflag:$0x1] =	stream.indirect.gather [hbm4b:s3+s4], $0x20, s1, s4, $0xb8;
	[tilespmem:$0x15400] =	vst v63  }
0xe2: {  	_ = 	snop  }
0xe3: {  	[tilespmem:s18], [sflag:$0x1] =	stream.indirect.gather [hbm4b:s3+s4], $0x20, s20, s4, $0xb8;
	[tilespmem:$0x15400] =	vst v63  }
0xe4: {  	_ =	swait.ge [sflag:s5], $0x1000  }
0xe5: {  	[sflag:s5] =	ssyncset.done $0x0  }
0xe6: {  	[sflag:s5] =	ssyncadd.s32 $0xFFFFF000  }
0xe7: {  	_ =	swait.ge [sflag:s5], $0x1000  }
0xe8: {  	[sflag:s5] =	ssyncset.done $0x0  }
0xe9: {  	[sflag:s5] =	ssyncadd.s32 $0xFFFFF000  }
0xea: {  	_ =	swait.ge [sflag:s5], $0x1000  }
0xeb: {  	[sflag:s5] =	ssyncset.done $0x0  }
0xec: {  	[sflag:s5] =	ssyncadd.s32 $0xFFFFF000  }
0xed: {  	_ =	swait.ge [sflag:s5], $0x1000  }
0xee: {  	[sflag:s5] =	ssyncset.done $0x0  }
0xef: {  	[sflag:s5] =	ssyncadd.s32 $0xFFFFF000  }
0xf0: {  	_ =	swait.ge [sflag:s5], $0x1000  }
0xf1: {  	[sflag:s5] =	ssyncset.done $0x0  }
0xf2: {  	[sflag:s5] =	ssyncadd.s32 $0xFFFFF000  }
0xf3: {  	_ =	swait.ge [sflag:s5], $0x1000  }
0xf4: {  	[sflag:s5] =	ssyncset.done $0x0  }
0xf5: {  	[sflag:s5] =	ssyncadd.s32 $0xFFFFF000  }
0xf6: {  	_ =	swait.ge [sflag:s5], $0x1000  }
0xf7: {  	[sflag:s5] =	ssyncset.done $0x0  }
0xf8: {  	[sflag:s5] =	ssyncadd.s32 $0xFFFFF000  }
0xf9: {  	_ =	swait.ge [sflag:s5], $0x1000  }
0xfa: {  	[sflag:s5] =	ssyncset.done $0x0  }
0xfb: {  	[sflag:s5] =	ssyncadd.s32 $0xFFFFF000  }
0xfc: {  	_ =	swait.ge [sflag:s5], $0x1000  }
0xfd: {  	[sflag:s5] =	ssyncset.done $0x0  }
0xfe: {  	[sflag:s5] =	ssyncadd.s32 $0xFFFFF000  }
0xff: {  	_ =	swait.ge [sflag:s5], $0x1000  }
0x100: {  	[sflag:s5] =	ssyncset.done $0x0  }
0x101: {  	p1 =	sne.s32 s19, $0x1;
	s1 =	rddreg [dreg:$0x6];
	[sflag:s5] =	ssyncadd.s32 $0xFFFFF000  }
0x102: {  	[hbm4b:s1+s2] =	stream.linear.scatter [tilespmem:s6], [sflag:$0x3], $0xA000, $0x38;
	[tilespmem:$0x15400] =	vst v63  }
.Ltmp1:
0x103: {  	_ =	swait.ge [sflag:s9], $0xA000;
	(pc) =	sbr.rel @!p1 .LBB2_3-.Ltmp1, $4  }
0x104: {  	[sflag:s9] =	ssyncset.done $0x0  }
0x105: {  	[sflag:s9] =	ssyncadd.s32 $0xFFFF6000  }
0x106: {  	p0 =	por $0x1, $0x1;
	_ =	swait.ge [sflag:s8], $0xA000  }
0x107: {  	s1 =	sadd.s32 $0xFFFFFFFF, s19;
	s0 =	rddreg [dreg:$0x2];
	[sflag:s8] =	ssyncset.done $0x0  }
.LBB2_4:
0x108: {  	[sflag:s8] =	ssyncadd.s32 $0xFFFF6000  }
0x109: {  	[tilespmem:s2], [sflag:$0x4] =	stream.linear.gather [hbm4b:s0+s2], $0x1400, $0x38;
	[tilespmem:$0x15400] =	vst v63  }
0x10a: {  	_ =	swait.ge [sflag:s31], $0x1400  }
0x10b: {  	[sflag:s31] =	ssyncset.done $0x0  }
0x10c: {  	[sflag:s31] =	ssyncadd.s32 $0xFFFFEC00  }
0x10d: {  	[tilespmem:s7], [sflag:$0x1] =	stream.indirect.gather [hbm4b:s3+s4], $0x20, s2, s4, $0xb8;
	[tilespmem:$0x15400] =	vst v63  }
0x10e: {  	_ = 	snop  }
0x10f: {  	[tilespmem:s21], [sflag:$0x1] =	stream.indirect.gather [hbm4b:s3+s4], $0x20, s4, s4, $0xb8;
	[tilespmem:$0x15400] =	vst v63  }
0x110: {  	s0 =	rddreg [dreg:$0x7]  }
0x111: {  	[tilespmem:s22], [sflag:$0x1] =	stream.indirect.gather [hbm4b:s3+s4], $0x20, s0, s4, $0xb8;
	[tilespmem:$0x15400] =	vst v63  }
0x112: {  	s19 =	rddreg [dreg:$0x8]  }
0x113: {  	[tilespmem:s23], [sflag:$0x1] =	stream.indirect.gather [hbm4b:s3+s4], $0x20, s19, s4, $0xb8;
	[tilespmem:$0x15400] =	vst v63  }
0x114: {  	s0 =	rddreg [dreg:$0x9]  }
0x115: {  	[tilespmem:s24], [sflag:$0x1] =	stream.indirect.gather [hbm4b:s3+s4], $0x20, s0, s4, $0xb8;
	[tilespmem:$0x15400] =	vst v63  }
0x116: {  	s19 =	rddreg [dreg:$0xa]  }
0x117: {  	[tilespmem:s25], [sflag:$0x1] =	stream.indirect.gather [hbm4b:s3+s4], $0x20, s19, s4, $0xb8;
	[tilespmem:$0x15400] =	vst v63  }
0x118: {  	s0 =	rddreg [dreg:$0xb]  }
0x119: {  	[tilespmem:s26], [sflag:$0x1] =	stream.indirect.gather [hbm4b:s3+s4], $0x20, s0, s4, $0xb8;
	[tilespmem:$0x15400] =	vst v63  }
0x11a: {  	s19 =	rddreg [dreg:$0xc]  }
0x11b: {  	[tilespmem:s28], [sflag:$0x1] =	stream.indirect.gather [hbm4b:s3+s4], $0x20, s19, s4, $0xb8;
	[tilespmem:$0x15400] =	vst v63  }
0x11c: {  	s0 =	rddreg [dreg:$0xd]  }
0x11d: {  	[tilespmem:s29], [sflag:$0x1] =	stream.indirect.gather [hbm4b:s3+s4], $0x20, s0, s4, $0xb8;
	[tilespmem:$0x15400] =	vst v63  }
0x11e: {  	s19 =	rddreg [dreg:$0xe]  }
0x11f: {  	[tilespmem:s30], [sflag:$0x1] =	stream.indirect.gather [hbm4b:s3+s4], $0x20, s19, s4, $0xb8;
	[tilespmem:$0x15400] =	vst v63  }
0x120: {  	_ =	swait.ge [sflag:s5], $0x1000  }
0x121: {  	[sflag:s5] =	ssyncset.done $0x0  }
0x122: {  	[sflag:s5] =	ssyncadd.s32 $0xFFFFF000  }
0x123: {  	_ =	swait.ge [sflag:s5], $0x1000  }
0x124: {  	[sflag:s5] =	ssyncset.done $0x0  }
0x125: {  	[sflag:s5] =	ssyncadd.s32 $0xFFFFF000  }
0x126: {  	_ =	swait.ge [sflag:s5], $0x1000  }
0x127: {  	[sflag:s5] =	ssyncset.done $0x0  }
0x128: {  	[sflag:s5] =	ssyncadd.s32 $0xFFFFF000  }
0x129: {  	_ =	swait.ge [sflag:s5], $0x1000  }
0x12a: {  	[sflag:s5] =	ssyncset.done $0x0  }
0x12b: {  	[sflag:s5] =	ssyncadd.s32 $0xFFFFF000  }
0x12c: {  	_ =	swait.ge [sflag:s5], $0x1000  }
0x12d: {  	[sflag:s5] =	ssyncset.done $0x0  }
0x12e: {  	[sflag:s5] =	ssyncadd.s32 $0xFFFFF000  }
0x12f: {  	_ =	swait.ge [sflag:s5], $0x1000  }
0x130: {  	[sflag:s5] =	ssyncset.done $0x0  }
0x131: {  	[sflag:s5] =	ssyncadd.s32 $0xFFFFF000  }
0x132: {  	_ =	swait.ge [sflag:s5], $0x1000  }
0x133: {  	[sflag:s5] =	ssyncset.done $0x0  }
0x134: {  	[sflag:s5] =	ssyncadd.s32 $0xFFFFF000  }
0x135: {  	_ =	swait.ge [sflag:s5], $0x1000  }
0x136: {  	[sflag:s5] =	ssyncset.done $0x0  }
0x137: {  	[sflag:s5] =	ssyncadd.s32 $0xFFFFF000  }
0x138: {  	_ =	swait.ge [sflag:s5], $0x1000  }
0x139: {  	[sflag:s5] =	ssyncset.done $0x0  }
0x13a: {  	[sflag:s5] =	ssyncadd.s32 $0xFFFFF000  }
0x13b: {  	_ =	swait.ge [sflag:s5], $0x1000  }
0x13c: {  	[sflag:s5] =	ssyncset.done $0x0  }
0x13d: {  	s0 =	rddreg [dreg:$0x3];
	[sflag:s5] =	ssyncadd.s32 $0xFFFFF000  }
0x13e: {  	[hbm4b:s0+s2] =	stream.linear.scatter [tilespmem:s7], [sflag:$0x2], $0xA000, $0x38;
	[tilespmem:$0x15400] =	vst v63  }
0x13f: {  	s19 =	rddreg [dreg:$0xf]  }
0x140: {  	[tilespmem:s6], [sflag:$0x1] =	stream.indirect.gather [hbm4b:s3+s4], $0x20, s19, s4, $0xb8;
	[tilespmem:$0x15400] =	vst v63  }
0x141: {  	s0 =	rddreg [dreg:$0x10]  }
0x142: {  	[tilespmem:s10], [sflag:$0x1] =	stream.indirect.gather [hbm4b:s3+s4], $0x20, s0, s4, $0xb8;
	[tilespmem:$0x15400] =	vst v63  }
0x143: {  	s19 =	rddreg [dreg:$0x11]  }
0x144: {  	[tilespmem:s11], [sflag:$0x1] =	stream.indirect.gather [hbm4b:s3+s4], $0x20, s19, s4, $0xb8;
	[tilespmem:$0x15400] =	vst v63  }
0x145: {  	s0 =	rddreg [dreg:$0x12]  }
0x146: {  	[tilespmem:s12], [sflag:$0x1] =	stream.indirect.gather [hbm4b:s3+s4], $0x20, s0, s4, $0xb8;
	[tilespmem:$0x15400] =	vst v63  }
0x147: {  	s19 =	rddreg [dreg:$0x13]  }
0x148: {  	[tilespmem:s13], [sflag:$0x1] =	stream.indirect.gather [hbm4b:s3+s4], $0x20, s19, s4, $0xb8;
	[tilespmem:$0x15400] =	vst v63  }
0x149: {  	s0 =	rddreg [dreg:$0x14]  }
0x14a: {  	[tilespmem:s14], [sflag:$0x1] =	stream.indirect.gather [hbm4b:s3+s4], $0x20, s0, s4, $0xb8;
	[tilespmem:$0x15400] =	vst v63  }
0x14b: {  	s19 =	rddreg [dreg:$0x15]  }
0x14c: {  	[tilespmem:s15], [sflag:$0x1] =	stream.indirect.gather [hbm4b:s3+s4], $0x20, s19, s4, $0xb8;
	[tilespmem:$0x15400] =	vst v63  }
0x14d: {  	s0 =	rddreg [dreg:$0x16]  }
0x14e: {  	[tilespmem:s16], [sflag:$0x1] =	stream.indirect.gather [hbm4b:s3+s4], $0x20, s0, s4, $0xb8;
	[tilespmem:$0x15400] =	vst v63  }
0x14f: {  	s19 =	rddreg [dreg:$0x17]  }
0x150: {  	[tilespmem:s17], [sflag:$0x1] =	stream.indirect.gather [hbm4b:s3+s4], $0x20, s19, s4, $0xb8;
	[tilespmem:$0x15400] =	vst v63  }
0x151: {  	s0 =	rddreg [dreg:$0x18]  }
0x152: {  	[tilespmem:s18], [sflag:$0x1] =	stream.indirect.gather [hbm4b:s3+s4], $0x20, s0, s4, $0xb8;
	[tilespmem:$0x15400] =	vst v63  }
0x153: {  	_ =	swait.ge [sflag:s5], $0x1000  }
0x154: {  	[sflag:s5] =	ssyncset.done $0x0  }
0x155: {  	[sflag:s5] =	ssyncadd.s32 $0xFFFFF000  }
0x156: {  	_ =	swait.ge [sflag:s5], $0x1000  }
0x157: {  	[sflag:s5] =	ssyncset.done $0x0  }
0x158: {  	[sflag:s5] =	ssyncadd.s32 $0xFFFFF000  }
0x159: {  	_ =	swait.ge [sflag:s5], $0x1000  }
0x15a: {  	[sflag:s5] =	ssyncset.done $0x0  }
0x15b: {  	[sflag:s5] =	ssyncadd.s32 $0xFFFFF000  }
0x15c: {  	_ =	swait.ge [sflag:s5], $0x1000  }
0x15d: {  	[sflag:s5] =	ssyncset.done $0x0  }
0x15e: {  	[sflag:s5] =	ssyncadd.s32 $0xFFFFF000  }
0x15f: {  	_ =	swait.ge [sflag:s5], $0x1000  }
0x160: {  	[sflag:s5] =	ssyncset.done $0x0  }
0x161: {  	[sflag:s5] =	ssyncadd.s32 $0xFFFFF000  }
0x162: {  	_ =	swait.ge [sflag:s5], $0x1000  }
0x163: {  	[sflag:s5] =	ssyncset.done $0x0  }
0x164: {  	[sflag:s5] =	ssyncadd.s32 $0xFFFFF000  }
0x165: {  	_ =	swait.ge [sflag:s5], $0x1000  }
0x166: {  	[sflag:s5] =	ssyncset.done $0x0  }
0x167: {  	[sflag:s5] =	ssyncadd.s32 $0xFFFFF000  }
0x168: {  	_ =	swait.ge [sflag:s5], $0x1000  }
0x169: {  	[sflag:s5] =	ssyncset.done $0x0  }
0x16a: {  	[sflag:s5] =	ssyncadd.s32 $0xFFFFF000  }
0x16b: {  	_ =	swait.ge [sflag:s5], $0x1000  }
0x16c: {  	[sflag:s5] =	ssyncset.done $0x0  }
0x16d: {  	[sflag:s5] =	ssyncadd.s32 $0xFFFFF000  }
0x16e: {  	_ =	swait.ge [sflag:s5], $0x1000  }
0x16f: {  	[sflag:s5] =	ssyncset.done $0x0  }
0x170: {  	s19 =	rddreg [dreg:$0x4];
	[sflag:s5] =	ssyncadd.s32 $0xFFFFF000  }
0x171: {  	[hbm4b:s19+s2] =	stream.linear.scatter [tilespmem:s6], [sflag:$0x3], $0xA000, $0x38;
	[tilespmem:$0x15400] =	vst v63  }
0x172: {  	_ =	swait.ge [sflag:s9], $0xA000  }
0x173: {  	s0 =	rddreg [dreg:$0x19];
	[sflag:s9] =	ssyncset.done $0x0  }
0x174: {  	s19 =	rddreg [dreg:$0x1a];
	[sflag:s9] =	ssyncadd.s32 $0xFFFF6000  }
0x175: {  	[tilespmem:s7], [sflag:$0x1] =	stream.indirect.gather [hbm4b:s3+s4], $0x20, s0, s4, $0xb8;
	[tilespmem:$0x15400] =	vst v63  }
0x176: {  	s0 =	rddreg [dreg:$0x1b]  }
0x177: {  	[tilespmem:s21], [sflag:$0x1] =	stream.indirect.gather [hbm4b:s3+s4], $0x20, s19, s4, $0xb8;
	[tilespmem:$0x15400] =	vst v63  }
0x178: {  	s19 =	rddreg [dreg:$0x1c]  }
0x179: {  	[tilespmem:s22], [sflag:$0x1] =	stream.indirect.gather [hbm4b:s3+s4], $0x20, s0, s4, $0xb8;
	[tilespmem:$0x15400] =	vst v63  }
0x17a: {  	s0 =	rddreg [dreg:$0x1d]  }
0x17b: {  	[tilespmem:s23], [sflag:$0x1] =	stream.indirect.gather [hbm4b:s3+s4], $0x20, s19, s4, $0xb8;
	[tilespmem:$0x15400] =	vst v63  }
0x17c: {  	s19 =	rddreg [dreg:$0x1e]  }
0x17d: {  	[tilespmem:s24], [sflag:$0x1] =	stream.indirect.gather [hbm4b:s3+s4], $0x20, s0, s4, $0xb8;
	[tilespmem:$0x15400] =	vst v63  }
0x17e: {  	s0 =	rddreg [dreg:$0x1f]  }
0x17f: {  	[tilespmem:s25], [sflag:$0x1] =	stream.indirect.gather [hbm4b:s3+s4], $0x20, s19, s4, $0xb8;
	[tilespmem:$0x15400] =	vst v63  }
0x180: {  	s19 =	sld [smem:$0x7F3]  }
0x181: {  	[tilespmem:s26], [sflag:$0x1] =	stream.indirect.gather [hbm4b:s3+s4], $0x20, s0, s4, $0xb8;
	[tilespmem:$0x15400] =	vst v63  }
0x182: {  	s0 =	sld [smem:$0x7F4]  }
0x183: {  	[tilespmem:s28], [sflag:$0x1] =	stream.indirect.gather [hbm4b:s3+s4], $0x20, s19, s4, $0xb8;
	[tilespmem:$0x15400] =	vst v63  }
0x184: {  	s19 =	sld [smem:$0x7F5]  }
0x185: {  	[tilespmem:s29], [sflag:$0x1] =	stream.indirect.gather [hbm4b:s3+s4], $0x20, s0, s4, $0xb8;
	[tilespmem:$0x15400] =	vst v63  }
0x186: {  	_ = 	snop  }
0x187: {  	[tilespmem:s30], [sflag:$0x1] =	stream.indirect.gather [hbm4b:s3+s4], $0x20, s19, s4, $0xb8;
	[tilespmem:$0x15400] =	vst v63  }
0x188: {  	_ =	swait.ge [sflag:s5], $0x1000  }
0x189: {  	[sflag:s5] =	ssyncset.done $0x0  }
0x18a: {  	[sflag:s5] =	ssyncadd.s32 $0xFFFFF000  }
0x18b: {  	_ =	swait.ge [sflag:s5], $0x1000  }
0x18c: {  	[sflag:s5] =	ssyncset.done $0x0  }
0x18d: {  	[sflag:s5] =	ssyncadd.s32 $0xFFFFF000  }
0x18e: {  	_ =	swait.ge [sflag:s5], $0x1000  }
0x18f: {  	[sflag:s5] =	ssyncset.done $0x0  }
0x190: {  	[sflag:s5] =	ssyncadd.s32 $0xFFFFF000  }
0x191: {  	_ =	swait.ge [sflag:s5], $0x1000  }
0x192: {  	[sflag:s5] =	ssyncset.done $0x0  }
0x193: {  	[sflag:s5] =	ssyncadd.s32 $0xFFFFF000  }
0x194: {  	_ =	swait.ge [sflag:s5], $0x1000  }
0x195: {  	[sflag:s5] =	ssyncset.done $0x0  }
0x196: {  	[sflag:s5] =	ssyncadd.s32 $0xFFFFF000  }
0x197: {  	_ =	swait.ge [sflag:s5], $0x1000  }
0x198: {  	[sflag:s5] =	ssyncset.done $0x0  }
0x199: {  	[sflag:s5] =	ssyncadd.s32 $0xFFFFF000  }
0x19a: {  	_ =	swait.ge [sflag:s5], $0x1000  }
0x19b: {  	[sflag:s5] =	ssyncset.done $0x0  }
0x19c: {  	[sflag:s5] =	ssyncadd.s32 $0xFFFFF000  }
0x19d: {  	_ =	swait.ge [sflag:s5], $0x1000  }
0x19e: {  	[sflag:s5] =	ssyncset.done $0x0  }
0x19f: {  	[sflag:s5] =	ssyncadd.s32 $0xFFFFF000  }
0x1a0: {  	_ =	swait.ge [sflag:s5], $0x1000  }
0x1a1: {  	[sflag:s5] =	ssyncset.done $0x0  }
0x1a2: {  	[sflag:s5] =	ssyncadd.s32 $0xFFFFF000  }
0x1a3: {  	_ =	swait.ge [sflag:s5], $0x1000  }
0x1a4: {  	[sflag:s5] =	ssyncset.done $0x0  }
0x1a5: {  	s19 =	rddreg [dreg:$0x5];
	[sflag:s5] =	ssyncadd.s32 $0xFFFFF000  }
0x1a6: {  	[hbm4b:s19+s2] =	stream.linear.scatter [tilespmem:s7], [sflag:$0x2], $0xA000, $0x38;
	[tilespmem:$0x15400] =	vst v63  }
0x1a7: {  	_ =	swait.ge [sflag:s8], $0xA000  }
0x1a8: {  	s0 =	sld [smem:$0x7F6]  }
0x1a9: {  	[sflag:s8] =	ssyncset.done $0x0  }
0x1aa: {  	s19 =	sld [smem:$0x7F7];
	[sflag:s8] =	ssyncadd.s32 $0xFFFF6000  }
0x1ab: {  	[tilespmem:s6], [sflag:$0x1] =	stream.indirect.gather [hbm4b:s3+s4], $0x20, s0, s4, $0xb8;
	[tilespmem:$0x15400] =	vst v63  }
0x1ac: {  	s0 =	sld [smem:$0x7F8]  }
0x1ad: {  	[tilespmem:s10], [sflag:$0x1] =	stream.indirect.gather [hbm4b:s3+s4], $0x20, s19, s4, $0xb8;
	[tilespmem:$0x15400] =	vst v63  }
0x1ae: {  	s19 =	sld [smem:$0x7F9]  }
0x1af: {  	[tilespmem:s11], [sflag:$0x1] =	stream.indirect.gather [hbm4b:s3+s4], $0x20, s0, s4, $0xb8;
	[tilespmem:$0x15400] =	vst v63  }
0x1b0: {  	s0 =	sld [smem:$0x7FA]  }
0x1b1: {  	[tilespmem:s12], [sflag:$0x1] =	stream.indirect.gather [hbm4b:s3+s4], $0x20, s19, s4, $0xb8;
	[tilespmem:$0x15400] =	vst v63  }
0x1b2: {  	s19 =	sld [smem:$0x7FB]  }
0x1b3: {  	[tilespmem:s13], [sflag:$0x1] =	stream.indirect.gather [hbm4b:s3+s4], $0x20, s0, s4, $0xb8;
	[tilespmem:$0x15400] =	vst v63  }
0x1b4: {  	s0 =	sld [smem:$0x7FC]  }
0x1b5: {  	[tilespmem:s14], [sflag:$0x1] =	stream.indirect.gather [hbm4b:s3+s4], $0x20, s19, s4, $0xb8;
	[tilespmem:$0x15400] =	vst v63  }
0x1b6: {  	s19 =	sld [smem:$0x7FD]  }
0x1b7: {  	[tilespmem:s15], [sflag:$0x1] =	stream.indirect.gather [hbm4b:s3+s4], $0x20, s0, s4, $0xb8;
	[tilespmem:$0x15400] =	vst v63  }
0x1b8: {  	_ = 	snop  }
0x1b9: {  	[tilespmem:s16], [sflag:$0x1] =	stream.indirect.gather [hbm4b:s3+s4], $0x20, s19, s4, $0xb8;
	[tilespmem:$0x15400] =	vst v63  }
0x1ba: {  	s19 =	simm.s32 $0x1300  }
0x1bb: {  	[tilespmem:s17], [sflag:$0x1] =	stream.indirect.gather [hbm4b:s3+s4], $0x20, s19, s4, $0xb8;
	[tilespmem:$0x15400] =	vst v63  }
0x1bc: {  	_ = 	snop  }
0x1bd: {  	[tilespmem:s18], [sflag:$0x1] =	stream.indirect.gather [hbm4b:s3+s4], $0x20, s20, s4, $0xb8;
	[tilespmem:$0x15400] =	vst v63  }
0x1be: {  	_ =	swait.ge [sflag:s5], $0x1000  }
0x1bf: {  	[sflag:s5] =	ssyncset.done $0x0  }
0x1c0: {  	[sflag:s5] =	ssyncadd.s32 $0xFFFFF000  }
0x1c1: {  	_ =	swait.ge [sflag:s5], $0x1000  }
0x1c2: {  	[sflag:s5] =	ssyncset.done $0x0  }
0x1c3: {  	[sflag:s5] =	ssyncadd.s32 $0xFFFFF000  }
0x1c4: {  	_ =	swait.ge [sflag:s5], $0x1000  }
0x1c5: {  	[sflag:s5] =	ssyncset.done $0x0  }
0x1c6: {  	[sflag:s5] =	ssyncadd.s32 $0xFFFFF000  }
0x1c7: {  	_ =	swait.ge [sflag:s5], $0x1000  }
0x1c8: {  	[sflag:s5] =	ssyncset.done $0x0  }
0x1c9: {  	[sflag:s5] =	ssyncadd.s32 $0xFFFFF000  }
0x1ca: {  	_ =	swait.ge [sflag:s5], $0x1000  }
0x1cb: {  	[sflag:s5] =	ssyncset.done $0x0  }
0x1cc: {  	[sflag:s5] =	ssyncadd.s32 $0xFFFFF000  }
0x1cd: {  	_ =	swait.ge [sflag:s5], $0x1000  }
0x1ce: {  	[sflag:s5] =	ssyncset.done $0x0  }
0x1cf: {  	[sflag:s5] =	ssyncadd.s32 $0xFFFFF000  }
0x1d0: {  	_ =	swait.ge [sflag:s5], $0x1000  }
0x1d1: {  	[sflag:s5] =	ssyncset.done $0x0  }
0x1d2: {  	[sflag:s5] =	ssyncadd.s32 $0xFFFFF000  }
0x1d3: {  	_ =	swait.ge [sflag:s5], $0x1000  }
0x1d4: {  	[sflag:s5] =	ssyncset.done $0x0  }
0x1d5: {  	[sflag:s5] =	ssyncadd.s32 $0xFFFFF000  }
0x1d6: {  	_ =	swait.ge [sflag:s5], $0x1000  }
0x1d7: {  	[sflag:s5] =	ssyncset.done $0x0  }
0x1d8: {  	[sflag:s5] =	ssyncadd.s32 $0xFFFFF000  }
0x1d9: {  	_ =	swait.ge [sflag:s5], $0x1000  }
0x1da: {  	[sflag:s5] =	ssyncset.done $0x0  }
0x1db: {  	p1 =	sne.s32 s1, $0x1;
	s19 =	rddreg [dreg:$0x6];
	[sflag:s5] =	ssyncadd.s32 $0xFFFFF000  }
0x1dc: {  	[hbm4b:s19+s2] =	stream.linear.scatter [tilespmem:s6], [sflag:$0x3], $0xA000, $0x38;
	[tilespmem:$0x15400] =	vst v63  }
.Ltmp2:
0x1dd: {  	_ =	swait.ge [sflag:s9], $0xA000;
	(pc) =	sbr.rel @p1 .LBB2_4-.Ltmp2, $4  }
0x1de: {  	[sflag:s9] =	ssyncset.done $0x0  }
0x1df: {  	[sflag:s9] =	ssyncadd.s32 $0xFFFF6000  }
0x1e0: {  	_ =	swait.ge [sflag:s8], $0xA000  }
0x1e1: {  	s1 =	sadd.s32 $0xFFFFFFFF, s1;
	s0 =	rddreg [dreg:$0x2];
	[sflag:s8] =	ssyncset.done $0x0  }
0x1e2: {  	s20 =	simm.s32 $0x1300;
	s19 =	stileid.u32  }
.LBB2_6:
0x1e3: {  	[sflag:s8] =	ssyncadd.s32 @p0 $0xFFFF6000  }
0x1e4: {  	[tilespmem:s2], [sflag:$0x4] =	stream.linear.gather [hbm4b:s0+s2], $0x1400, $0x38;
	[tilespmem:$0x15400] =	vst v63  }
0x1e5: {  	_ =	swait.ge [sflag:s31], $0x1400  }
0x1e6: {  	[sflag:s31] =	ssyncset.done $0x0  }
0x1e7: {  	[sflag:s31] =	ssyncadd.s32 $0xFFFFEC00  }
0x1e8: {  	[tilespmem:s7], [sflag:$0x1] =	stream.indirect.gather [hbm4b:s3+s4], $0x20, s2, s4, $0xb8;
	[tilespmem:$0x15400] =	vst v63  }
0x1e9: {  	_ = 	snop  }
0x1ea: {  	[tilespmem:s21], [sflag:$0x1] =	stream.indirect.gather [hbm4b:s3+s4], $0x20, s4, s4, $0xb8;
	[tilespmem:$0x15400] =	vst v63  }
0x1eb: {  	s31 =	rddreg [dreg:$0x7]  }
0x1ec: {  	[tilespmem:s22], [sflag:$0x1] =	stream.indirect.gather [hbm4b:s3+s4], $0x20, s31, s4, $0xb8;
	[tilespmem:$0x15400] =	vst v63  }
0x1ed: {  	s1 =	rddreg [dreg:$0x8]  }
0x1ee: {  	[tilespmem:s23], [sflag:$0x1] =	stream.indirect.gather [hbm4b:s3+s4], $0x20, s1, s4, $0xb8;
	[tilespmem:$0x15400] =	vst v63  }
0x1ef: {  	s0 =	rddreg [dreg:$0x9]  }
0x1f0: {  	[tilespmem:s24], [sflag:$0x1] =	stream.indirect.gather [hbm4b:s3+s4], $0x20, s0, s4, $0xb8;
	[tilespmem:$0x15400] =	vst v63  }
0x1f1: {  	s31 =	rddreg [dreg:$0xa]  }
0x1f2: {  	[tilespmem:s25], [sflag:$0x1] =	stream.indirect.gather [hbm4b:s3+s4], $0x20, s31, s4, $0xb8;
	[tilespmem:$0x15400] =	vst v63  }
0x1f3: {  	s0 =	rddreg [dreg:$0xb]  }
0x1f4: {  	[tilespmem:s26], [sflag:$0x1] =	stream.indirect.gather [hbm4b:s3+s4], $0x20, s0, s4, $0xb8;
	[tilespmem:$0x15400] =	vst v63  }
0x1f5: {  	s31 =	rddreg [dreg:$0xc]  }
0x1f6: {  	[tilespmem:s28], [sflag:$0x1] =	stream.indirect.gather [hbm4b:s3+s4], $0x20, s31, s4, $0xb8;
	[tilespmem:$0x15400] =	vst v63  }
0x1f7: {  	s0 =	rddreg [dreg:$0xd]  }
0x1f8: {  	[tilespmem:s29], [sflag:$0x1] =	stream.indirect.gather [hbm4b:s3+s4], $0x20, s0, s4, $0xb8;
	[tilespmem:$0x15400] =	vst v63  }
0x1f9: {  	s31 =	rddreg [dreg:$0xe]  }
0x1fa: {  	[tilespmem:s30], [sflag:$0x1] =	stream.indirect.gather [hbm4b:s3+s4], $0x20, s31, s4, $0xb8;
	[tilespmem:$0x15400] =	vst v63  }
0x1fb: {  	_ =	swait.ge [sflag:s5], $0x1000  }
0x1fc: {  	[sflag:s5] =	ssyncset.done $0x0  }
0x1fd: {  	[sflag:s5] =	ssyncadd.s32 $0xFFFFF000  }
0x1fe: {  	_ =	swait.ge [sflag:s5], $0x1000  }
0x1ff: {  	[sflag:s5] =	ssyncset.done $0x0  }
0x200: {  	[sflag:s5] =	ssyncadd.s32 $0xFFFFF000  }
0x201: {  	_ =	swait.ge [sflag:s5], $0x1000  }
0x202: {  	[sflag:s5] =	ssyncset.done $0x0  }
0x203: {  	[sflag:s5] =	ssyncadd.s32 $0xFFFFF000  }
0x204: {  	_ =	swait.ge [sflag:s5], $0x1000  }
0x205: {  	[sflag:s5] =	ssyncset.done $0x0  }
0x206: {  	[sflag:s5] =	ssyncadd.s32 $0xFFFFF000  }
0x207: {  	_ =	swait.ge [sflag:s5], $0x1000  }
0x208: {  	[sflag:s5] =	ssyncset.done $0x0  }
0x209: {  	[sflag:s5] =	ssyncadd.s32 $0xFFFFF000  }
0x20a: {  	_ =	swait.ge [sflag:s5], $0x1000  }
0x20b: {  	[sflag:s5] =	ssyncset.done $0x0  }
0x20c: {  	[sflag:s5] =	ssyncadd.s32 $0xFFFFF000  }
0x20d: {  	_ =	swait.ge [sflag:s5], $0x1000  }
0x20e: {  	[sflag:s5] =	ssyncset.done $0x0  }
0x20f: {  	[sflag:s5] =	ssyncadd.s32 $0xFFFFF000  }
0x210: {  	_ =	swait.ge [sflag:s5], $0x1000  }
0x211: {  	[sflag:s5] =	ssyncset.done $0x0  }
0x212: {  	[sflag:s5] =	ssyncadd.s32 $0xFFFFF000  }
0x213: {  	_ =	swait.ge [sflag:s5], $0x1000  }
0x214: {  	[sflag:s5] =	ssyncset.done $0x0  }
0x215: {  	[sflag:s5] =	ssyncadd.s32 $0xFFFFF000  }
0x216: {  	_ =	swait.ge [sflag:s5], $0x1000  }
0x217: {  	[sflag:s5] =	ssyncset.done $0x0  }
0x218: {  	s31 =	rddreg [dreg:$0x3];
	[sflag:s5] =	ssyncadd.s32 $0xFFFFF000  }
0x219: {  	[hbm4b:s31+s2] =	stream.linear.scatter [tilespmem:s7], [sflag:$0x2], $0xA000, $0x38;
	[tilespmem:$0x15400] =	vst v63  }
0x21a: {  	s1 =	rddreg [dreg:$0xf]  }
0x21b: {  	[tilespmem:s6], [sflag:$0x1] =	stream.indirect.gather [hbm4b:s3+s4], $0x20, s1, s4, $0xb8;
	[tilespmem:$0x15400] =	vst v63  }
0x21c: {  	s31 =	rddreg [dreg:$0x10]  }
0x21d: {  	[tilespmem:s10], [sflag:$0x1] =	stream.indirect.gather [hbm4b:s3+s4], $0x20, s31, s4, $0xb8;
	[tilespmem:$0x15400] =	vst v63  }
0x21e: {  	s1 =	rddreg [dreg:$0x11]  }
0x21f: {  	[tilespmem:s11], [sflag:$0x1] =	stream.indirect.gather [hbm4b:s3+s4], $0x20, s1, s4, $0xb8;
	[tilespmem:$0x15400] =	vst v63  }
0x220: {  	s31 =	rddreg [dreg:$0x12]  }
0x221: {  	[tilespmem:s12], [sflag:$0x1] =	stream.indirect.gather [hbm4b:s3+s4], $0x20, s31, s4, $0xb8;
	[tilespmem:$0x15400] =	vst v63  }
0x222: {  	s1 =	rddreg [dreg:$0x13]  }
0x223: {  	[tilespmem:s13], [sflag:$0x1] =	stream.indirect.gather [hbm4b:s3+s4], $0x20, s1, s4, $0xb8;
	[tilespmem:$0x15400] =	vst v63  }
0x224: {  	s31 =	rddreg [dreg:$0x14]  }
0x225: {  	[tilespmem:s14], [sflag:$0x1] =	stream.indirect.gather [hbm4b:s3+s4], $0x20, s31, s4, $0xb8;
	[tilespmem:$0x15400] =	vst v63  }
0x226: {  	s1 =	rddreg [dreg:$0x15]  }
0x227: {  	[tilespmem:s15], [sflag:$0x1] =	stream.indirect.gather [hbm4b:s3+s4], $0x20, s1, s4, $0xb8;
	[tilespmem:$0x15400] =	vst v63  }
0x228: {  	s31 =	rddreg [dreg:$0x16]  }
0x229: {  	[tilespmem:s16], [sflag:$0x1] =	stream.indirect.gather [hbm4b:s3+s4], $0x20, s31, s4, $0xb8;
	[tilespmem:$0x15400] =	vst v63  }
0x22a: {  	s1 =	rddreg [dreg:$0x17]  }
0x22b: {  	[tilespmem:s17], [sflag:$0x1] =	stream.indirect.gather [hbm4b:s3+s4], $0x20, s1, s4, $0xb8;
	[tilespmem:$0x15400] =	vst v63  }
0x22c: {  	s31 =	rddreg [dreg:$0x18]  }
0x22d: {  	[tilespmem:s18], [sflag:$0x1] =	stream.indirect.gather [hbm4b:s3+s4], $0x20, s31, s4, $0xb8;
	[tilespmem:$0x15400] =	vst v63  }
0x22e: {  	_ =	swait.ge [sflag:s5], $0x1000  }
0x22f: {  	[sflag:s5] =	ssyncset.done $0x0  }
0x230: {  	[sflag:s5] =	ssyncadd.s32 $0xFFFFF000  }
0x231: {  	_ =	swait.ge [sflag:s5], $0x1000  }
0x232: {  	[sflag:s5] =	ssyncset.done $0x0  }
0x233: {  	[sflag:s5] =	ssyncadd.s32 $0xFFFFF000  }
0x234: {  	_ =	swait.ge [sflag:s5], $0x1000  }
0x235: {  	[sflag:s5] =	ssyncset.done $0x0  }
0x236: {  	[sflag:s5] =	ssyncadd.s32 $0xFFFFF000  }
0x237: {  	_ =	swait.ge [sflag:s5], $0x1000  }
0x238: {  	[sflag:s5] =	ssyncset.done $0x0  }
0x239: {  	[sflag:s5] =	ssyncadd.s32 $0xFFFFF000  }
0x23a: {  	_ =	swait.ge [sflag:s5], $0x1000  }
0x23b: {  	[sflag:s5] =	ssyncset.done $0x0  }
0x23c: {  	[sflag:s5] =	ssyncadd.s32 $0xFFFFF000  }
0x23d: {  	_ =	swait.ge [sflag:s5], $0x1000  }
0x23e: {  	[sflag:s5] =	ssyncset.done $0x0  }
0x23f: {  	[sflag:s5] =	ssyncadd.s32 $0xFFFFF000  }
0x240: {  	_ =	swait.ge [sflag:s5], $0x1000  }
0x241: {  	[sflag:s5] =	ssyncset.done $0x0  }
0x242: {  	[sflag:s5] =	ssyncadd.s32 $0xFFFFF000  }
0x243: {  	_ =	swait.ge [sflag:s5], $0x1000  }
0x244: {  	[sflag:s5] =	ssyncset.done $0x0  }
0x245: {  	[sflag:s5] =	ssyncadd.s32 $0xFFFFF000  }
0x246: {  	_ =	swait.ge [sflag:s5], $0x1000  }
0x247: {  	[sflag:s5] =	ssyncset.done $0x0  }
0x248: {  	[sflag:s5] =	ssyncadd.s32 $0xFFFFF000  }
0x249: {  	_ =	swait.ge [sflag:s5], $0x1000  }
0x24a: {  	[sflag:s5] =	ssyncset.done $0x0  }
0x24b: {  	s1 =	rddreg [dreg:$0x4];
	[sflag:s5] =	ssyncadd.s32 $0xFFFFF000  }
0x24c: {  	[hbm4b:s1+s2] =	stream.linear.scatter [tilespmem:s6], [sflag:$0x3], $0xA000, $0x38;
	[tilespmem:$0x15400] =	vst v63  }
0x24d: {  	_ =	swait.ge [sflag:s9], $0xA000  }
0x24e: {  	s31 =	rddreg [dreg:$0x19];
	[sflag:s9] =	ssyncset.done $0x0  }
0x24f: {  	s1 =	rddreg [dreg:$0x1a];
	[sflag:s9] =	ssyncadd.s32 $0xFFFF6000  }
0x250: {  	[tilespmem:s7], [sflag:$0x1] =	stream.indirect.gather [hbm4b:s3+s4], $0x20, s31, s4, $0xb8;
	[tilespmem:$0x15400] =	vst v63  }
0x251: {  	s31 =	rddreg [dreg:$0x1b]  }
0x252: {  	[tilespmem:s21], [sflag:$0x1] =	stream.indirect.gather [hbm4b:s3+s4], $0x20, s1, s4, $0xb8;
	[tilespmem:$0x15400] =	vst v63  }
0x253: {  	s21 =	rddreg [dreg:$0x1c]  }
0x254: {  	[tilespmem:s22], [sflag:$0x1] =	stream.indirect.gather [hbm4b:s3+s4], $0x20, s31, s4, $0xb8;
	[tilespmem:$0x15400] =	vst v63  }
0x255: {  	s22 =	rddreg [dreg:$0x1d]  }
0x256: {  	[tilespmem:s23], [sflag:$0x1] =	stream.indirect.gather [hbm4b:s3+s4], $0x20, s21, s4, $0xb8;
	[tilespmem:$0x15400] =	vst v63  }
0x257: {  	s23 =	rddreg [dreg:$0x1e]  }
0x258: {  	[tilespmem:s24], [sflag:$0x1] =	stream.indirect.gather [hbm4b:s3+s4], $0x20, s22, s4, $0xb8;
	[tilespmem:$0x15400] =	vst v63  }
0x259: {  	s24 =	rddreg [dreg:$0x1f]  }
0x25a: {  	[tilespmem:s25], [sflag:$0x1] =	stream.indirect.gather [hbm4b:s3+s4], $0x20, s23, s4, $0xb8;
	[tilespmem:$0x15400] =	vst v63  }
0x25b: {  	s25 =	sld [smem:$0x7F3]  }
0x25c: {  	[tilespmem:s26], [sflag:$0x1] =	stream.indirect.gather [hbm4b:s3+s4], $0x20, s24, s4, $0xb8;
	[tilespmem:$0x15400] =	vst v63  }
0x25d: {  	s26 =	sld [smem:$0x7F4]  }
0x25e: {  	[tilespmem:s28], [sflag:$0x1] =	stream.indirect.gather [hbm4b:s3+s4], $0x20, s25, s4, $0xb8;
	[tilespmem:$0x15400] =	vst v63  }
0x25f: {  	s31 =	sld [smem:$0x7F5]  }
0x260: {  	[tilespmem:s29], [sflag:$0x1] =	stream.indirect.gather [hbm4b:s3+s4], $0x20, s26, s4, $0xb8;
	[tilespmem:$0x15400] =	vst v63  }
0x261: {  	_ = 	snop  }
0x262: {  	[tilespmem:s30], [sflag:$0x1] =	stream.indirect.gather [hbm4b:s3+s4], $0x20, s31, s4, $0xb8;
	[tilespmem:$0x15400] =	vst v63  }
0x263: {  	_ =	swait.ge [sflag:s5], $0x1000  }
0x264: {  	[sflag:s5] =	ssyncset.done $0x0  }
0x265: {  	[sflag:s5] =	ssyncadd.s32 $0xFFFFF000  }
0x266: {  	_ =	swait.ge [sflag:s5], $0x1000  }
0x267: {  	[sflag:s5] =	ssyncset.done $0x0  }
0x268: {  	[sflag:s5] =	ssyncadd.s32 $0xFFFFF000  }
0x269: {  	_ =	swait.ge [sflag:s5], $0x1000  }
0x26a: {  	[sflag:s5] =	ssyncset.done $0x0  }
0x26b: {  	[sflag:s5] =	ssyncadd.s32 $0xFFFFF000  }
0x26c: {  	_ =	swait.ge [sflag:s5], $0x1000  }
0x26d: {  	[sflag:s5] =	ssyncset.done $0x0  }
0x26e: {  	[sflag:s5] =	ssyncadd.s32 $0xFFFFF000  }
0x26f: {  	_ =	swait.ge [sflag:s5], $0x1000  }
0x270: {  	[sflag:s5] =	ssyncset.done $0x0  }
0x271: {  	[sflag:s5] =	ssyncadd.s32 $0xFFFFF000  }
0x272: {  	_ =	swait.ge [sflag:s5], $0x1000  }
0x273: {  	[sflag:s5] =	ssyncset.done $0x0  }
0x274: {  	[sflag:s5] =	ssyncadd.s32 $0xFFFFF000  }
0x275: {  	_ =	swait.ge [sflag:s5], $0x1000  }
0x276: {  	[sflag:s5] =	ssyncset.done $0x0  }
0x277: {  	[sflag:s5] =	ssyncadd.s32 $0xFFFFF000  }
0x278: {  	_ =	swait.ge [sflag:s5], $0x1000  }
0x279: {  	[sflag:s5] =	ssyncset.done $0x0  }
0x27a: {  	[sflag:s5] =	ssyncadd.s32 $0xFFFFF000  }
0x27b: {  	_ =	swait.ge [sflag:s5], $0x1000  }
0x27c: {  	[sflag:s5] =	ssyncset.done $0x0  }
0x27d: {  	[sflag:s5] =	ssyncadd.s32 $0xFFFFF000  }
0x27e: {  	_ =	swait.ge [sflag:s5], $0x1000  }
0x27f: {  	[sflag:s5] =	ssyncset.done $0x0  }
0x280: {  	s1 =	rddreg [dreg:$0x5];
	[sflag:s5] =	ssyncadd.s32 $0xFFFFF000  }
0x281: {  	[hbm4b:s1+s2] =	stream.linear.scatter [tilespmem:s7], [sflag:$0x2], $0xA000, $0x38;
	[tilespmem:$0x15400] =	vst v63  }
0x282: {  	_ =	swait.ge [sflag:s8], $0xA000  }
0x283: {  	s21 =	sld [smem:$0x7F6]  }
0x284: {  	[sflag:s8] =	ssyncset.done $0x0  }
0x285: {  	s22 =	sld [smem:$0x7F7];
	[sflag:s8] =	ssyncadd.s32 $0xFFFF6000  }
0x286: {  	[tilespmem:s6], [sflag:$0x1] =	stream.indirect.gather [hbm4b:s3+s4], $0x20, s21, s4, $0xb8;
	[tilespmem:$0x15400] =	vst v63  }
0x287: {  	s23 =	sld [smem:$0x7F8]  }
0x288: {  	[tilespmem:s10], [sflag:$0x1] =	stream.indirect.gather [hbm4b:s3+s4], $0x20, s22, s4, $0xb8;
	[tilespmem:$0x15400] =	vst v63  }
0x289: {  	s24 =	sld [smem:$0x7F9]  }
0x28a: {  	[tilespmem:s11], [sflag:$0x1] =	stream.indirect.gather [hbm4b:s3+s4], $0x20, s23, s4, $0xb8;
	[tilespmem:$0x15400] =	vst v63  }
0x28b: {  	s25 =	sld [smem:$0x7FA]  }
0x28c: {  	[tilespmem:s12], [sflag:$0x1] =	stream.indirect.gather [hbm4b:s3+s4], $0x20, s24, s4, $0xb8;
	[tilespmem:$0x15400] =	vst v63  }
0x28d: {  	s26 =	sld [smem:$0x7FB]  }
0x28e: {  	[tilespmem:s13], [sflag:$0x1] =	stream.indirect.gather [hbm4b:s3+s4], $0x20, s25, s4, $0xb8;
	[tilespmem:$0x15400] =	vst v63  }
0x28f: {  	s28 =	sld [smem:$0x7FC]  }
0x290: {  	[tilespmem:s14], [sflag:$0x1] =	stream.indirect.gather [hbm4b:s3+s4], $0x20, s26, s4, $0xb8;
	[tilespmem:$0x15400] =	vst v63  }
0x291: {  	s29 =	sld [smem:$0x7FD]  }
0x292: {  	[tilespmem:s15], [sflag:$0x1] =	stream.indirect.gather [hbm4b:s3+s4], $0x20, s28, s4, $0xb8;
	[tilespmem:$0x15400] =	vst v63  }
0x293: {  	_ = 	snop  }
0x294: {  	[tilespmem:s16], [sflag:$0x1] =	stream.indirect.gather [hbm4b:s3+s4], $0x20, s29, s4, $0xb8;
	[tilespmem:$0x15400] =	vst v63  }
0x295: {  	_ = 	snop  }
0x296: {  	[tilespmem:s17], [sflag:$0x1] =	stream.indirect.gather [hbm4b:s3+s4], $0x20, s20, s4, $0xb8;
	[tilespmem:$0x15400] =	vst v63  }
0x297: {  	s30 =	simm.s32 $0x1380  }
0x298: {  	[tilespmem:s18], [sflag:$0x1] =	stream.indirect.gather [hbm4b:s3+s4], $0x20, s30, s4, $0xb8;
	[tilespmem:$0x15400] =	vst v63  }
0x299: {  	_ =	swait.ge [sflag:s5], $0x1000  }
0x29a: {  	[sflag:s5] =	ssyncset.done $0x0  }
0x29b: {  	[sflag:s5] =	ssyncadd.s32 $0xFFFFF000  }
0x29c: {  	_ =	swait.ge [sflag:s5], $0x1000  }
0x29d: {  	[sflag:s5] =	ssyncset.done $0x0  }
0x29e: {  	[sflag:s5] =	ssyncadd.s32 $0xFFFFF000  }
0x29f: {  	_ =	swait.ge [sflag:s5], $0x1000  }
0x2a0: {  	[sflag:s5] =	ssyncset.done $0x0  }
0x2a1: {  	[sflag:s5] =	ssyncadd.s32 $0xFFFFF000  }
0x2a2: {  	_ =	swait.ge [sflag:s5], $0x1000  }
0x2a3: {  	[sflag:s5] =	ssyncset.done $0x0  }
0x2a4: {  	[sflag:s5] =	ssyncadd.s32 $0xFFFFF000  }
0x2a5: {  	_ =	swait.ge [sflag:s5], $0x1000  }
0x2a6: {  	[sflag:s5] =	ssyncset.done $0x0  }
0x2a7: {  	[sflag:s5] =	ssyncadd.s32 $0xFFFFF000  }
0x2a8: {  	_ =	swait.ge [sflag:s5], $0x1000  }
0x2a9: {  	[sflag:s5] =	ssyncset.done $0x0  }
0x2aa: {  	[sflag:s5] =	ssyncadd.s32 $0xFFFFF000  }
0x2ab: {  	_ =	swait.ge [sflag:s5], $0x1000  }
0x2ac: {  	[sflag:s5] =	ssyncset.done $0x0  }
0x2ad: {  	[sflag:s5] =	ssyncadd.s32 $0xFFFFF000  }
0x2ae: {  	_ =	swait.ge [sflag:s5], $0x1000  }
0x2af: {  	[sflag:s5] =	ssyncset.done $0x0  }
0x2b0: {  	[sflag:s5] =	ssyncadd.s32 $0xFFFFF000  }
0x2b1: {  	_ =	swait.ge [sflag:s5], $0x1000  }
0x2b2: {  	[sflag:s5] =	ssyncset.done $0x0  }
0x2b3: {  	[sflag:s5] =	ssyncadd.s32 $0xFFFFF000  }
0x2b4: {  	_ =	swait.ge [sflag:s5], $0x1000  }
0x2b5: {  	[sflag:s5] =	ssyncset.done $0x0  }
0x2b6: {  	s31 =	rddreg [dreg:$0x6];
	[sflag:s5] =	ssyncadd.s32 $0xFFFFF000  }
0x2b7: {  	[hbm4b:s31+s2] =	stream.linear.scatter [tilespmem:s6], [sflag:$0x3], $0xA000, $0x38;
	[tilespmem:$0x15400] =	vst v63  }
0x2b8: {  	_ =	swait.ge [sflag:s9], $0xA000  }
0x2b9: {  	[sflag:s9] =	ssyncset.done $0x0  }
0x2ba: {  	[sflag:s9] =	ssyncadd.s32 $0xFFFF6000  }
0x2bb: {  	_ =	swait.ge [sflag:s8], $0xA000  }
0x2bc: {  	[sflag:s8] =	ssyncset.done $0x0  }
0x2bd: {  	[sflag:s8] =	ssyncadd.s32 $0xFFFF6000  }
0x2be: {  	_ =	sfence.sel $0x180000  }
0x2bf: {  	[bflag:$0x0] =	sbarrier.arrive $0xFFFF  }
0x2c0: {  	_ =	strace $0x9000004D  }
0x2c1: {  	[bflag:$0x2] =	sbarrier.arrive $0xFFFF  }
0x2c2: {  	p0 =	sne.s32 s19, $0x0;
	s0 =	rddreg [dreg:$0x1]  }
0x2c3: {  	s0 =	sadd.s32 @!p0 $0x100000, s0  }
0x2c4: {  	[sflag:s0] =	ssyncadd.tile.s32 @!p0 $0x1;
	_ =	shalt  }
.LBB2_1:
.Ltmp3:
0x2c5: {  	(pc) =	sbr.rel .LBB2_6-.Ltmp3, $2  }
0x2c6: {  	_ =	sdelay $0x2  }
0x2c7: {  	s20 =	simm.s32 $0x1300  }
.LBB2_3:
.Ltmp4:
0x2c8: {  	(pc) =	sbr.rel .LBB2_6-.Ltmp4, $2  }
0x2c9: {  	_ =	sdelay $0x2  }
0x2ca: {  	s20 =	simm.s32 $0x1300;
	s19 =	stileid.u32  }
.Lfunc_end2:
_tile_overlayer_lowered:
.L_overlay_start_2:
0x2cb: {  	(tag) =	ssettag $0x2  }
0x2cc: {  	s0 =	rddreg [dreg:$0x0];
	s2 =	stileid.u32  }
0x2cd: {  	s1 =	rddreg [dreg:$0x1];
	p0 =	sne.s32 s2, $0x0  }
0x2ce: {  	s3 =	rddreg [dreg:$0x2];
	[bflag:$0x3] =	sbarrier.arrive $0xFFFF;
	s2 =	simm.s32 @!p0 $0x1C04  }
0x2cf: {  	[timem:s3], [sflag:s2] =	dma.local @!p0 [hbm:s0], s1  }
0x2d0: {  	s0 =	simm.s32 @!p0 $0x4  }
0x2d1: {  	_ =	swait.ge @!p0 [sflag:s0], s1  }
0x2d2: {  	s1 =	ssub.s32 @!p0 $0x0, s1;
	[sflag:s0] =	ssyncset.done @!p0 $0x0  }
0x2d3: {  	[sflag:s0] =	ssyncadd.s32 @!p0 s1  }
0x2d4: {  	[bflag:$0x3] =	sbarrier.arrive $0xFFFF  }
0x2d5: {  	_ =	shalt  }

// kernel: kernel.19.cloned.1.call-start
scs
__scs_entry_jumppad:
0x0: {  	(pc) =	sbr.rel $0x88, $3  }
0x1: {  	(tag) =	ssettag $0x0;
	lr =	simm.s32 $0x1  }
0x2: {  	[smem:$0x3F90] =	sst lr;
	_ =	strace $0xD0000000  }
0x3: {  	_ = 	snop  }
0x4: {  	_ = 	snop  }
0x5: {  	_ = 	snop  }
0x6: {  	_ = 	snop  }
0x7: {  	_ = 	snop  }
__scs_overlays_trampoline_lowered:
0x8: {  	[smem:$0x3F9F] =	sst s0  }
0x9: {  	[smem:$0x3FA0] =	sst s1  }
0xa: {  	[smem:$0x3FA1] =	sst s2  }
0xb: {  	[smem:$0x3FA2] =	sst s3  }
0xc: {  	[smem:$0x3FA3] =	sst s4  }
0xd: {  	[smem:$0x3FA4] =	sst s5  }
0xe: {  	[smem:$0x3FA5] =	sst s6  }
0xf: {  	[smem:$0x3FA6] =	sst s7  }
0x10: {  	[smem:$0x3FA7] =	sst s8  }
0x11: {  	[smem:$0x3FA8] =	sst s9;
	s0 =	simm.s32 @!p0 $0x0  }
0x12: {  	s1 =	sld [smem:$0x3F8E];
	s0 =	simm.s32 @p0 $0x1  }
0x13: {  	[smem:$0x3FA9] =	sst s0;
	s0 =	simm.s32 @!p1 $0x0  }
0x14: {  	s2 =	sld [smem:$0x3F8D];
	s0 =	simm.s32 @p1 $0x1  }
0x15: {  	[smem:$0x3FAA] =	sst s0;
	s0 =	simm.s32 @!p2 $0x0  }
0x16: {  	s3 =	sld [smem:$0x3FDB];
	s0 =	simm.s32 @p2 $0x1  }
0x17: {  	s4 =	simm.s32 $0x1BF5;
	[smem:$0x3FAC] =	sst s0  }
0x18: {  	s0 =	sld [smem:$0x3F8F];
	_ =	swait.ge [sflag:s4], $0x0  }
0x19: {  	s7 =	sld [smem:$0x3F90]  }
0x1a: {  	s8 =	sadd.s32 $0xFFFFE003, lr  }
0x1b: {  	s9 =	sadd.s32 $0xFFFFFEF7, lr;
	s5 =	simm.s32 $0xFFFFFFFF;
	p2 =	slt.u32 s8, $0xFFFFF086  }
0x1c: {  	p1 =	slt.u32 s9, $0xF7A;
	s5 =	simm.s32 @!p2 $0x0  }
0x1d: {  	s5 =	simm.s32 @p1 $0x1;
	p0 =	seq.s32 s7, s2  }
0x1e: {  	s7 =	smul.u32 @!p0 $0xF7A, s2;
	p2 =	seq.s32 @!p0 s5, $0x0  }
0x1f: {  	s9 =	smul.u32 $0xF7A, s1;
	s8 =	simm.s32 @!p0 $0x1BF5;
	p2 =	por !p2, p0  }
0x20: {  	[sflag:s8] =	ssyncset.s32 @!p0 $0xFFFFF086;
	s6 =	sadd.s32 @!p0 s3, s7;
	s7 =	simm.s32 @!p0 $0x108  }
0x21: {  	s3 =	sadd.s32 s3, s9;
	s6 =	sadd.s32 @!p0 $0x88, s6;
	s7 =	simm.s32 @p2 $0x1082  }
0x22: {  	[simem:s7], [sflag:s8] =	dma.local @!p0 [hbm:s6], $0xF7A  }
0x23: {  	s9 =	sor.u32 $0xD0000000, s2;
	s6 =	simm.s32 $0x108;
	_ =	swait.ge @!p0 [sflag:s8], $0x0  }
0x24: {  	s3 =	sadd.s32 $0x88, s3;
	s6 =	simm.s32 @!p1 $0x1082;
	[sflag:s4] =	ssyncset.s32 $0xFFFFF086  }
0x25: {  	[simem:s6], [sflag:s4] =	dma.local [hbm:s3], $0xF7A  }
0x26: {  	[smem:$0x3F90] =	sst s1;
	(tag) =	ssettag s2;
	_ =	strace s9  }
0x27: {  	s1 =	sld [smem:$0x3FA0]  }
0x28: {  	s2 =	sld [smem:$0x3FA1]  }
0x29: {  	s4 =	sld [smem:$0x3FA3]  }
0x2a: {  	p0 =	seq.s32 s5, $0x0;
	s5 =	sld [smem:$0x3FA4]  }
0x2b: {  	s6 =	sld [smem:$0x3FA5]  }
0x2c: {  	s7 =	sld [smem:$0x3FA6]  }
0x2d: {  	s3 =	simm.s32 $0x108;
	s8 =	sld [smem:$0x3FA7]  }
0x2e: {  	s3 =	simm.s32 @!p0 $0x1082;
	s9 =	sld [smem:$0x3FA8]  }
0x2f: {  	lr =	sadd.s32 s0, s3;
	s0 =	sld [smem:$0x3F9F]  }
0x30: {  	s3 =	sld [smem:$0x3FA2]  }
0x31: {  	[smem:$0x3FAB] =	sst s10  }
0x32: {  	s10 =	sld [smem:$0x3FA9];
	_ =	sdelay $0x3  }
0x33: {  	p0 =	seq.s32 s10, $0x1;
	s10 =	sld [smem:$0x3FAB];
	_ =	sdelay $0x3  }
0x34: {  	[smem:$0x3FAB] =	sst s10  }
0x35: {  	s10 =	sld [smem:$0x3FAA];
	_ =	sdelay $0x3  }
0x36: {  	p1 =	seq.s32 s10, $0x1;
	s10 =	sld [smem:$0x3FAB];
	_ =	sdelay $0x3  }
0x37: {  	[smem:$0x3FAB] =	sst s10  }
0x38: {  	s10 =	sld [smem:$0x3FAC]  }
0x39: {  	_ = 	snop;
	(pc) =	sbr.ind lr, $3  }
0x3a: {  	_ = 	snop  }
0x3b: {  	_ = 	snop  }
0x3c: {  	p2 =	seq.s32 s10, $0x1;
	s10 =	sld [smem:$0x3FAB]  }
0x3d: {  	_ =	shalt  }
0x3e: {  	_ =	shalt  }
0x3f: {  	_ =	shalt  }
0x40: {  	_ =	shalt  }
0x41: {  	_ =	shalt  }
0x42: {  	_ =	shalt  }
0x43: {  	_ =	shalt  }
0x44: {  	_ =	shalt  }
0x45: {  	_ =	shalt  }
0x46: {  	_ =	shalt  }
0x47: {  	_ =	shalt  }
0x48: {  	_ =	shalt  }
0x49: {  	_ =	shalt  }
0x4a: {  	_ =	shalt  }
0x4b: {  	_ =	shalt  }
0x4c: {  	_ =	shalt  }
0x4d: {  	_ =	shalt  }
0x4e: {  	_ =	shalt  }
0x4f: {  	_ =	shalt  }
0x50: {  	_ =	shalt  }
0x51: {  	_ =	shalt  }
0x52: {  	_ =	shalt  }
0x53: {  	_ =	shalt  }
0x54: {  	_ =	shalt  }
0x55: {  	_ =	shalt  }
0x56: {  	_ =	shalt  }
0x57: {  	_ =	shalt  }
0x58: {  	_ =	shalt  }
0x59: {  	_ =	shalt  }
0x5a: {  	_ =	shalt  }
0x5b: {  	_ =	shalt  }
0x5c: {  	_ =	shalt  }
0x5d: {  	_ =	shalt  }
0x5e: {  	_ =	shalt  }
0x5f: {  	_ =	shalt  }
0x60: {  	_ =	shalt  }
0x61: {  	_ =	shalt  }
0x62: {  	_ =	shalt  }
0x63: {  	_ =	shalt  }
0x64: {  	_ =	shalt  }
0x65: {  	_ =	shalt  }
0x66: {  	_ =	shalt  }
0x67: {  	_ =	shalt  }
0x68: {  	_ =	shalt  }
0x69: {  	_ =	shalt  }
0x6a: {  	_ =	shalt  }
0x6b: {  	_ =	shalt  }
0x6c: {  	_ =	shalt  }
0x6d: {  	_ =	shalt  }
0x6e: {  	_ =	shalt  }
0x6f: {  	_ =	shalt  }
0x70: {  	_ =	shalt  }
0x71: {  	_ =	shalt  }
0x72: {  	_ =	shalt  }
0x73: {  	_ =	shalt  }
0x74: {  	_ =	shalt  }
0x75: {  	_ =	shalt  }
0x76: {  	_ =	shalt  }
0x77: {  	_ =	shalt  }
0x78: {  	_ =	shalt  }
0x79: {  	_ =	shalt  }
0x7a: {  	_ =	shalt  }
0x7b: {  	_ =	shalt  }
0x7c: {  	_ =	shalt  }
0x7d: {  	_ =	shalt  }
0x7e: {  	_ =	shalt  }
0x7f: {  	_ =	shalt  }
0x80: {  	_ =	shalt  }
0x81: {  	_ =	shalt  }
0x82: {  	_ =	shalt  }
0x83: {  	_ =	shalt  }
0x84: {  	_ =	shalt  }
0x85: {  	_ =	shalt  }
0x86: {  	_ =	shalt  }
0x87: {  	_ =	shalt  }
.Lfunc_end0:
.L_simem_size_0:
called_computation.3_lowered:
.L_overlay_start_0:
0x88: {  	s2 =	sld [smem:$0x3FD9]  }
0x89: {  	s3 =	sld [smem:$0x3FFE];
	_ =	sdelay $0x1  }
0x8a: {  	s1 =	srdreg.scid  }
0x8b: {  	s0 =	sand.u32 $0x1, s1  }
0x8c: {  	s16 =	sshll.u32 s0, $0xA;
	s2 =	sadd.s32 s3, s2  }
0x8d: {  	s2 =	sadd.s32 s2, s16  }
0x8e: {  	[smem:$0x3FB7] =	sst s2  }
0x8f: {  	_ = 	snop  }
0x90: {  	(tm) =	ssettm $0x1  }
0x91: {  	s17 =	sld [smem:$0x3FFB];
	_ =	sdelay $0x3  }
0x92: {  	_ =	strace s17  }
0x93: {  	s2 =	sld [smem:$0x3FFC];
	_ =	sdelay $0x3  }
0x94: {  	_ =	strace s2  }
0x95: {  	s2 =	sld [smem:$0x3FFD];
	_ =	sdelay $0x3  }
0x96: {  	_ =	strace s2  }
0x97: {  	_ =	strace $0x8FFFFFFF  }
0x98: {  	s18 =	sld [smem:$0x3FDB];
	_ =	sdelay $0x1  }
0x99: {  	s19 =	simm.s32 $_scs_section_size  }
0x9a: {  	s4 =	simm.s32 $_size__tile_overlayer_lowered;
	s5 =	simm.s32 $_tile_overlayer_lowered  }
0x9b: {  	s22 =	simm.s32 $0x1BFF;
	s21 =	sshll.u32 s5, $0x1;
	s2 =	sadd.s32 s19, s18  }
0x9c: {  	s6 =	simm.s32 $0x0;
	s20 =	sshll.u32 s4, $0x1;
	s4 =	sadd.s32 s21, s2  }
0x9d: {  	[timem:s6], [sflag:s22] =	dma.local [hbm:s4], s20  }
0x9e: {  	_ =	swait.ge [sflag:s22], s20  }
0x9f: {  	s3 =	ssub.s32 $0x0, s20;
	[sflag:s22] =	ssyncset.done $0x0  }
0xa0: {  	[sflag:s22] =	ssyncadd.s32 s3;
	_ =	sdelay $0x1  }
0xa1: {  	s23 =	simm.s32 $0x1B8B  }
0xa2: {  	_ =	swait.ge [sflag:s23], $0x1  }
0xa3: {  	[sflag:s23] =	ssyncset.done $0x0  }
0xa4: {  	s25 =	simm.s32 $0x1B8E;
	s24 =	sld [smem:$0x3FFE];
	[sflag:s23] =	ssyncadd.s32 $0xFFFFFFFF  }
0xa5: {  	s26 =	simm.s32 $execute0_lowered;
	[smem:$0x3FD2] =	sst s25  }
0xa6: {  	s4 =	sshll.u32 s26, $0x1;
	_ =	strace $0x8000004F;
	[dreg:$0x1] =	wrdreg $0xFFFFFFFF  }
0xa7: {  	s28 =	simm.s32 $_size_execute0_lowered;
	s2 =	sadd.s32 s2, s4;
	[dreg:$0x0] =	wrdreg $0x0  }
0xa8: {  	s4 =	sshll.u32 s28, $0x1;
	[dreg:$0x2] =	wrdreg s2  }
0xa9: {  	[dreg:$0x3] =	wrdreg s4  }
0xaa: {  	[dreg:$0x4] =	wrdreg $0xC0  }
0xab: {  	_ =	task [dreg:s6], $0x5FFFF  }
0xac: {  	[dreg:$0x1] =	wrdreg $0xFFFFFFFF  }
0xad: {  	[dreg:$0x0] =	wrdreg $0x60  }
0xae: {  	[dreg:$0x2] =	wrdreg s24  }
0xaf: {  	[dreg:$0x3] =	wrdreg $0x154000  }
0xb0: {  	[dreg:$0x4] =	wrdreg $0x9  }
0xb1: {  	_ =	task.clear_ibuf [dreg:s6], $0x5FFFF;
	_ =	strace $0x9000004F  }
0xb2: {  	s29 =	simm.s32 $0x9;
	_ =	strace $0x80000051  }
0xb3: {  	_ =	swait.ge [sflag:s29], $0x1  }
0xb4: {  	[sflag:s29] =	ssyncadd.s32 $0xFFFFFFFF  }
0xb5: {  	_ =	strace $0x90000051  }
0xb6: {  	_ =	sfence  }
0xb7: {  	s30 =	sld [smem:$0x0];
	_ =	sdelay $0x2  }
0xb8: {  	s31 =	sshll.u32 s1, $0xD;
	s1 =	sshrl.u32 s1, $0x2  }
0xb9: {  	s3 =	sand.u32 $0x4000, s31;
	s1 =	sadd.s32 s1, s30  }
0xba: {  	s0 =	sor.u32 s3, s0;
	s1 =	sshll.u32 s1, $0x11  }
0xbb: {  	s0 =	sor.u32 s1, s0  }
0xbc: {  	s0 =	sadd.s32 $0x8F2B, s0  }
0xbd: {  	[sflag:s0] =	ssyncadd.remote.s32 $0x1  }
0xbe: {  	_ =	sfence.sel $0xFFFF  }
0xbf: {  	[dreg:$0x0] =	wrdreg $0xFFFFFFFF;
	(pc) =	sbr.abs _section_cstart, $3  }
0xc0: {  	[dreg:$0x1] =	wrdreg $0xFFFFFFFF  }
0xc1: {  	_ =	task.clear_ibuf [dreg:s6], $0x2FFFF;
	_ =	strace $0x9FFFFFFF  }
0xc2: {  	(tm) =	ssettm $0x7FFFFFFF  }
0xc3: {  	_ =	shalt  }
tec
execute0_lowered:
.L_overlay_start_1:
0x0: {  	(tag) =	ssettag $0x1  }
0x1: {  	s0 =	srdreg.scid;
	s1 =	rddreg [dreg:$0x0]  }
0x2: {  	s12 =	stileid.u32;
	s2 =	rddreg [dreg:$0x1];
	s6 =	simm.s32 $0x0  }
0x3: {  	s20 =	simm.s32 $0x100;
	s21 =	simm.s32 $0x180;
	[smem:$0x7FF] =	sst s6  }
0x4: {  	s22 =	simm.s32 $0x200;
	_ =	strace $0x80000050;
	[dreg:$0xa] =	wrdreg s20  }
0x5: {  	s23 =	simm.s32 $0x280;
	s24 =	simm.s32 $0x300;
	[dreg:$0xb] =	wrdreg s21  }
0x6: {  	s25 =	simm.s32 $0x380;
	s26 =	simm.s32 $0x400;
	[dreg:$0xc] =	wrdreg s22  }
0x7: {  	s13 =	simm.s32 $0x780;
	s14 =	simm.s32 $0x800;
	[dreg:$0xd] =	wrdreg s23  }
0x8: {  	s28 =	simm.s32 $0x7400;
	s29 =	simm.s32 $0x8400;
	[dreg:$0xe] =	wrdreg s24  }
0x9: {  	s30 =	simm.s32 $0x9400;
	p0 =	por $0x0, $0x0;
	[dreg:$0xf] =	wrdreg s25  }
0xa: {  	s0 =	sand.u32 $0x1, s0;
	s5 =	smul.u32 $0x5000, s12;
	[dreg:$0x10] =	wrdreg s26  }
0xb: {  	s7 =	sadd.s32 $0x5E600, s1;
	s3 =	sshll.u32 s0, $0x4;
	[dreg:$0x17] =	wrdreg s13  }
0xc: {  	s10 =	smul.u32 $0x50000, s0;
	[dreg:$0x18] =	wrdreg s14;
	s20 =	simm.s32 $0xA80  }
0xd: {  	s0 =	ssub.s32 $0x2, s0;
	s21 =	simm.s32 $0xB00;
	[dreg:$0x1d] =	wrdreg s20  }
0xe: {  	s22 =	simm.s32 $0xB80;
	s23 =	simm.s32 $0xC00;
	[dreg:$0x1e] =	wrdreg s21  }
0xf: {  	s24 =	simm.s32 $0xC80;
	s25 =	simm.s32 $0xD00;
	[dreg:$0x1f] =	wrdreg s22  }
0x10: {  	s26 =	simm.s32 $0xD80;
	s13 =	simm.s32 $0x1000;
	[smem:$0x7EE] =	sst s23  }
0x11: {  	s14 =	simm.s32 $0x1080;
	s3 =	sor.u32 s12, s3;
	[smem:$0x7EF] =	sst s24  }
0x12: {  	s9 =	sshrl.u32 s5, $0x3;
	s11 =	sshrl.u32 s0, $0x1;
	[smem:$0x7F0] =	sst s25  }
0x13: {  	s21 =	simm.s32 $0x1;
	s22 =	simm.s32 $0x2400;
	[smem:$0x7F1] =	sst s26  }
0x14: {  	s23 =	simm.s32 $0x3400;
	s24 =	simm.s32 $0x4400;
	[smem:$0x7F6] =	sst s13  }
0x15: {  	s25 =	simm.s32 $0x5400;
	s26 =	simm.s32 $0x6400;
	[smem:$0x7F7] =	sst s14  }
0x16: {  	s13 =	simm.s32 $0xD400;
	s20 =	simm.s32 $0x1380;
	s9 =	sadd.s32 s9, s1  }
0x17: {  	s17 =	sadd.s32 s5, s10;
	s10 =	simm.s32 $0x700;
	[smem:$0x7FD] =	sst s20  }
0x18: {  	s14 =	simm.s32 $0x13400;
	s16 =	sadd.s32 $0x31600, s9;
	[dreg:$0x16] =	wrdreg s10  }
0x19: {  	s8 =	smul.u32 $0x5000, s3;
	s9 =	simm.s32 $0x680;
	[dreg:$0x5] =	wrdreg s16  }
0x1a: {  	s4 =	smul.u32 $0x280, s3;
	s10 =	simm.s32 $0xF00;
	[dreg:$0x15] =	wrdreg s9  }
0x1b: {  	s3 =	smul.u32 $0x28000, s3;
	s15 =	sadd.s32 s7, s8;
	[smem:$0x7F4] =	sst s10  }
0x1c: {  	s0 =	ssub.s32 s0, s11;
	s8 =	simm.s32 $0x600;
	[dreg:$0x4] =	wrdreg s15  }
0x1d: {  	s4 =	sadd.s32 s4, s1;
	s16 =	simm.s32 $0x900;
	[dreg:$0x14] =	wrdreg s8  }
0x1e: {  	s3 =	sshrl.u32 s3, $0x3;
	s4 =	sadd.s32 $0x59600, s4;
	[dreg:$0x1a] =	wrdreg s16  }
0x1f: {  	s3 =	sadd.s32 s7, s3;
	s15 =	simm.s32 $0x880;
	[dreg:$0x3] =	wrdreg s4  }
0x20: {  	s7 =	sshrl.u32 s17, $0x3;
	s17 =	simm.s32 $0x980;
	[dreg:$0x19] =	wrdreg s15  }
0x21: {  	s5 =	sadd.s32 s5, s2;
	s8 =	simm.s32 $0xE80;
	[dreg:$0x1b] =	wrdreg s17  }
0x22: {  	s11 =	simm.s32 $0x1400;
	s16 =	simm.s32 $0x1180;
	[smem:$0x7F3] =	sst s8  }
0x23: {  	s20 =	simm.s32 $0xF400;
	s18 =	sadd.s32 $0x1400, s3;
	[smem:$0x7F9] =	sst s16  }
0x24: {  	s5 =	sshrl.u32 s5, $0x3;
	s19 =	sadd.s32 $0x2800, s3;
	[dreg:$0x6] =	wrdreg s18  }
0x25: {  	s9 =	simm.s32 $0xB400;
	s3 =	sadd.s32 $0x3C00, s3;
	[dreg:$0x7] =	wrdreg s19  }
0x26: {  	s10 =	simm.s32 $0xC400;
	s4 =	simm.s32 $0x500;
	[dreg:$0x8] =	wrdreg s3  }
0x27: {  	s1 =	sadd.s32 s7, s1;
	s7 =	simm.s32 $0x580;
	[dreg:$0x12] =	wrdreg s4  }
0x28: {  	s15 =	simm.s32 $0x1100;
	s8 =	simm.s32 $0x3;
	[dreg:$0x13] =	wrdreg s7  }
0x29: {  	s17 =	simm.s32 $0x1200;
	s16 =	simm.s32 $0x12400;
	[smem:$0x7F8] =	sst s15  }
0x2a: {  	s1 =	sadd.s32 $0x3B600, s1;
	s3 =	simm.s32 $0x480;
	[smem:$0x7FA] =	sst s17  }
0x2b: {  	s18 =	simm.s32 $0xA00;
	s19 =	sshll.u32 s12, $0x6;
	[dreg:$0x9] =	wrdreg s1  }
0x2c: {  	s7 =	simm.s32 $0x80;
	s4 =	simm.s32 $0xE00;
	[dreg:$0x11] =	wrdreg s3  }
0x2d: {  	s12 =	simm.s32 $0xF80;
	s1 =	smax.u32 s0, $0x1;
	[dreg:$0x1c] =	wrdreg s18  }
0x2e: {  	s17 =	simm.s32 $0xE400;
	[smem:$0x7F2] =	sst s4;
	p1 =	sne.s32 s1, $0x1  }
.Ltmp0:
0x2f: {  	s15 =	simm.s32 $0x14400;
	[smem:$0x7F5] =	sst s12;
	(pc) =	sbr.rel @!p1 .LBB2_5-.Ltmp0, $4  }
0x30: {  	s3 =	simm.s32 $0x4;
	s18 =	simm.s32 $0x1280;
	s0 =	rddreg [dreg:$0x3]  }
0x31: {  	s31 =	sor.u32 $0x1C04, s19;
	s19 =	simm.s32 $0x1300;
	[smem:$0x7FB] =	sst s18  }
0x32: {  	s4 =	simm.s32 $0xA400;
	s12 =	simm.s32 $0x2;
	[smem:$0x7FC] =	sst s19  }
0x33: {  	s1 =	sadd.s32 $0xFFFFFFFF, s1;
	s19 =	simm.s32 $0x10400;
	s18 =	simm.s32 $0x11400  }
0x34: {  	[tilespmem:s6], [sflag:$0x4] =	stream.linear.gather [hbm4b:s0+s6], $0x1400, $0x38;
	[tilespmem:$0x1A400] =	vst v63  }
0x35: {  	_ =	swait.ge [sflag:s3], $0x1400  }
0x36: {  	s0 =	rddreg [dreg:$0x4]  }
0x37: {  	[sflag:s3] =	ssyncset.done $0x0;
	[smem:$0x7ED] =	sst s1  }
0x38: {  	s1 =	rddreg [dreg:$0x5];
	[sflag:s3] =	ssyncadd.s32 $0xFFFFEC00  }
0x39: {  	[tilespmem:s11], [sflag:$0x1] =	stream.linear.gather [hbm4b:s0+s6], $0xA000, $0x38;
	[tilespmem:$0x1A400] =	vst v63  }
0x3a: {  	[spmem:s5], [sflag:s31] =	dma.local [hbm:s1], $0xA00  }
0x3b: {  	_ =	swait.ge [sflag:s3], $0xA00  }
0x3c: {  	[sflag:s3] =	ssyncset.done $0x0  }
0x3d: {  	[sflag:s3] =	ssyncadd.s32 $0xFFFFF600  }
0x3e: {  	[bflag:$0x0] =	sbarrier.arrive $0xFFFF  }
0x3f: {  	_ =	swait.ge [sflag:s21], $0xA000  }
0x40: {  	[sflag:s21] =	ssyncset.done $0x0  }
0x41: {  	s1 =	rddreg [dreg:$0x6];
	[sflag:s21] =	ssyncadd.s32 $0xFFFF6000  }
0x42: {  	[tilespmem:s9], [sflag:$0x2] =	stream.linear.gather [hbm4b:s1+s6], $0xA000, $0x38;
	[tilespmem:$0x1A400] =	vst v63  }
0x43: {  	_ = 	snop  }
0x44: {  	[spmem:s2] =	stream.indirect.scatter.add.f32 [tilespmem:s11], [sflag:$0x3], $0x20, s6, s7, $0xb8;
	[tilespmem:$0x1A400] =	vst v63  }
0x45: {  	_ = 	snop  }
0x46: {  	[spmem:s2] =	stream.indirect.scatter.add.f32 [tilespmem:s22], [sflag:$0x3], $0x20, s7, s7, $0xb8;
	[tilespmem:$0x1A400] =	vst v63  }
0x47: {  	s0 =	rddreg [dreg:$0xa]  }
0x48: {  	[spmem:s2] =	stream.indirect.scatter.add.f32 [tilespmem:s23], [sflag:$0x3], $0x20, s0, s7, $0xb8;
	[tilespmem:$0x1A400] =	vst v63  }
0x49: {  	s1 =	rddreg [dreg:$0xb]  }
0x4a: {  	[spmem:s2] =	stream.indirect.scatter.add.f32 [tilespmem:s24], [sflag:$0x3], $0x20, s1, s7, $0xb8;
	[tilespmem:$0x1A400] =	vst v63  }
0x4b: {  	s0 =	rddreg [dreg:$0xc]  }
0x4c: {  	[spmem:s2] =	stream.indirect.scatter.add.f32 [tilespmem:s25], [sflag:$0x3], $0x20, s0, s7, $0xb8;
	[tilespmem:$0x1A400] =	vst v63  }
0x4d: {  	s1 =	rddreg [dreg:$0xd]  }
0x4e: {  	[spmem:s2] =	stream.indirect.scatter.add.f32 [tilespmem:s26], [sflag:$0x3], $0x20, s1, s7, $0xb8;
	[tilespmem:$0x1A400] =	vst v63  }
0x4f: {  	s0 =	rddreg [dreg:$0xe]  }
0x50: {  	[spmem:s2] =	stream.indirect.scatter.add.f32 [tilespmem:s28], [sflag:$0x3], $0x20, s0, s7, $0xb8;
	[tilespmem:$0x1A400] =	vst v63  }
0x51: {  	s1 =	rddreg [dreg:$0xf]  }
0x52: {  	[spmem:s2] =	stream.indirect.scatter.add.f32 [tilespmem:s29], [sflag:$0x3], $0x20, s1, s7, $0xb8;
	[tilespmem:$0x1A400] =	vst v63  }
0x53: {  	s0 =	rddreg [dreg:$0x10]  }
0x54: {  	[spmem:s2] =	stream.indirect.scatter.add.f32 [tilespmem:s30], [sflag:$0x3], $0x20, s0, s7, $0xb8;
	[tilespmem:$0x1A400] =	vst v63  }
0x55: {  	s1 =	rddreg [dreg:$0x11]  }
0x56: {  	[spmem:s2] =	stream.indirect.scatter.add.f32 [tilespmem:s4], [sflag:$0x3], $0x20, s1, s7, $0xb8;
	[tilespmem:$0x1A400] =	vst v63  }
0x57: {  	_ =	swait.ge [sflag:s8], $0x1000  }
0x58: {  	[sflag:s8] =	ssyncset.done $0x0  }
0x59: {  	[sflag:s8] =	ssyncadd.s32 $0xFFFFF000  }
0x5a: {  	_ =	swait.ge [sflag:s8], $0x1000  }
0x5b: {  	[sflag:s8] =	ssyncset.done $0x0  }
0x5c: {  	[sflag:s8] =	ssyncadd.s32 $0xFFFFF000  }
0x5d: {  	_ =	swait.ge [sflag:s8], $0x1000  }
0x5e: {  	[sflag:s8] =	ssyncset.done $0x0  }
0x5f: {  	[sflag:s8] =	ssyncadd.s32 $0xFFFFF000  }
0x60: {  	_ =	swait.ge [sflag:s8], $0x1000  }
0x61: {  	[sflag:s8] =	ssyncset.done $0x0  }
0x62: {  	[sflag:s8] =	ssyncadd.s32 $0xFFFFF000  }
0x63: {  	_ =	swait.ge [sflag:s8], $0x1000  }
0x64: {  	[sflag:s8] =	ssyncset.done $0x0  }
0x65: {  	[sflag:s8] =	ssyncadd.s32 $0xFFFFF000  }
0x66: {  	_ =	swait.ge [sflag:s8], $0x1000  }
0x67: {  	[sflag:s8] =	ssyncset.done $0x0  }
0x68: {  	[sflag:s8] =	ssyncadd.s32 $0xFFFFF000  }
0x69: {  	_ =	swait.ge [sflag:s8], $0x1000  }
0x6a: {  	[sflag:s8] =	ssyncset.done $0x0  }
0x6b: {  	[sflag:s8] =	ssyncadd.s32 $0xFFFFF000  }
0x6c: {  	_ =	swait.ge [sflag:s8], $0x1000  }
0x6d: {  	[sflag:s8] =	ssyncset.done $0x0  }
0x6e: {  	[sflag:s8] =	ssyncadd.s32 $0xFFFFF000  }
0x6f: {  	_ =	swait.ge [sflag:s8], $0x1000  }
0x70: {  	[sflag:s8] =	ssyncset.done $0x0  }
0x71: {  	[sflag:s8] =	ssyncadd.s32 $0xFFFFF000  }
0x72: {  	_ =	swait.ge [sflag:s8], $0x1000  }
0x73: {  	[sflag:s8] =	ssyncset.done $0x0  }
0x74: {  	[sflag:s8] =	ssyncadd.s32 $0xFFFFF000  }
0x75: {  	_ =	swait.ge [sflag:s12], $0xA000  }
0x76: {  	[sflag:s12] =	ssyncset.done $0x0  }
0x77: {  	s0 =	rddreg [dreg:$0x7];
	[sflag:s12] =	ssyncadd.s32 $0xFFFF6000  }
0x78: {  	[tilespmem:s11], [sflag:$0x1] =	stream.linear.gather [hbm4b:s0+s6], $0xA000, $0x38;
	[tilespmem:$0x1A400] =	vst v63  }
0x79: {  	s1 =	rddreg [dreg:$0x12]  }
0x7a: {  	[spmem:s2] =	stream.indirect.scatter.add.f32 [tilespmem:s9], [sflag:$0x3], $0x20, s1, s7, $0xb8;
	[tilespmem:$0x1A400] =	vst v63  }
0x7b: {  	s0 =	rddreg [dreg:$0x13]  }
0x7c: {  	[spmem:s2] =	stream.indirect.scatter.add.f32 [tilespmem:s10], [sflag:$0x3], $0x20, s0, s7, $0xb8;
	[tilespmem:$0x1A400] =	vst v63  }
0x7d: {  	s1 =	rddreg [dreg:$0x14]  }
0x7e: {  	[spmem:s2] =	stream.indirect.scatter.add.f32 [tilespmem:s13], [sflag:$0x3], $0x20, s1, s7, $0xb8;
	[tilespmem:$0x1A400] =	vst v63  }
0x7f: {  	s0 =	rddreg [dreg:$0x15]  }
0x80: {  	[spmem:s2] =	stream.indirect.scatter.add.f32 [tilespmem:s17], [sflag:$0x3], $0x20, s0, s7, $0xb8;
	[tilespmem:$0x1A400] =	vst v63  }
0x81: {  	s1 =	rddreg [dreg:$0x16]  }
0x82: {  	[spmem:s2] =	stream.indirect.scatter.add.f32 [tilespmem:s20], [sflag:$0x3], $0x20, s1, s7, $0xb8;
	[tilespmem:$0x1A400] =	vst v63  }
0x83: {  	s0 =	rddreg [dreg:$0x17]  }
0x84: {  	[spmem:s2] =	stream.indirect.scatter.add.f32 [tilespmem:s19], [sflag:$0x3], $0x20, s0, s7, $0xb8;
	[tilespmem:$0x1A400] =	vst v63  }
0x85: {  	s1 =	rddreg [dreg:$0x18]  }
0x86: {  	[spmem:s2] =	stream.indirect.scatter.add.f32 [tilespmem:s18], [sflag:$0x3], $0x20, s1, s7, $0xb8;
	[tilespmem:$0x1A400] =	vst v63  }
0x87: {  	s0 =	rddreg [dreg:$0x19]  }
0x88: {  	[spmem:s2] =	stream.indirect.scatter.add.f32 [tilespmem:s16], [sflag:$0x3], $0x20, s0, s7, $0xb8;
	[tilespmem:$0x1A400] =	vst v63  }
0x89: {  	s1 =	rddreg [dreg:$0x1a]  }
0x8a: {  	[spmem:s2] =	stream.indirect.scatter.add.f32 [tilespmem:s14], [sflag:$0x3], $0x20, s1, s7, $0xb8;
	[tilespmem:$0x1A400] =	vst v63  }
0x8b: {  	s0 =	rddreg [dreg:$0x1b]  }
0x8c: {  	[spmem:s2] =	stream.indirect.scatter.add.f32 [tilespmem:s15], [sflag:$0x3], $0x20, s0, s7, $0xb8;
	[tilespmem:$0x1A400] =	vst v63  }
0x8d: {  	_ =	swait.ge [sflag:s8], $0x1000  }
0x8e: {  	[sflag:s8] =	ssyncset.done $0x0  }
0x8f: {  	[sflag:s8] =	ssyncadd.s32 $0xFFFFF000  }
0x90: {  	_ =	swait.ge [sflag:s8], $0x1000  }
0x91: {  	[sflag:s8] =	ssyncset.done $0x0  }
0x92: {  	[sflag:s8] =	ssyncadd.s32 $0xFFFFF000  }
0x93: {  	_ =	swait.ge [sflag:s8], $0x1000  }
0x94: {  	[sflag:s8] =	ssyncset.done $0x0  }
0x95: {  	[sflag:s8] =	ssyncadd.s32 $0xFFFFF000  }
0x96: {  	_ =	swait.ge [sflag:s8], $0x1000  }
0x97: {  	[sflag:s8] =	ssyncset.done $0x0  }
0x98: {  	[sflag:s8] =	ssyncadd.s32 $0xFFFFF000  }
0x99: {  	_ =	swait.ge [sflag:s8], $0x1000  }
0x9a: {  	[sflag:s8] =	ssyncset.done $0x0  }
0x9b: {  	[sflag:s8] =	ssyncadd.s32 $0xFFFFF000  }
0x9c: {  	_ =	swait.ge [sflag:s8], $0x1000  }
0x9d: {  	[sflag:s8] =	ssyncset.done $0x0  }
0x9e: {  	[sflag:s8] =	ssyncadd.s32 $0xFFFFF000  }
0x9f: {  	_ =	swait.ge [sflag:s8], $0x1000  }
0xa0: {  	[sflag:s8] =	ssyncset.done $0x0  }
0xa1: {  	[sflag:s8] =	ssyncadd.s32 $0xFFFFF000  }
0xa2: {  	_ =	swait.ge [sflag:s8], $0x1000  }
0xa3: {  	[sflag:s8] =	ssyncset.done $0x0  }
0xa4: {  	[sflag:s8] =	ssyncadd.s32 $0xFFFFF000  }
0xa5: {  	_ =	swait.ge [sflag:s8], $0x1000  }
0xa6: {  	[sflag:s8] =	ssyncset.done $0x0  }
0xa7: {  	[sflag:s8] =	ssyncadd.s32 $0xFFFFF000  }
0xa8: {  	_ =	swait.ge [sflag:s8], $0x1000  }
0xa9: {  	[sflag:s8] =	ssyncset.done $0x0  }
0xaa: {  	[sflag:s8] =	ssyncadd.s32 $0xFFFFF000  }
0xab: {  	_ =	swait.ge [sflag:s21], $0xA000  }
0xac: {  	s0 =	rddreg [dreg:$0x8];
	[sflag:s21] =	ssyncset.done $0x0  }
0xad: {  	s1 =	rddreg [dreg:$0x1c];
	[sflag:s21] =	ssyncadd.s32 $0xFFFF6000  }
0xae: {  	[tilespmem:s9], [sflag:$0x2] =	stream.linear.gather [hbm4b:s0+s6], $0xA000, $0x38;
	[tilespmem:$0x1A400] =	vst v63  }
0xaf: {  	s0 =	rddreg [dreg:$0x1d]  }
0xb0: {  	[spmem:s2] =	stream.indirect.scatter.add.f32 [tilespmem:s11], [sflag:$0x3], $0x20, s1, s7, $0xb8;
	[tilespmem:$0x1A400] =	vst v63  }
0xb1: {  	s1 =	rddreg [dreg:$0x1e]  }
0xb2: {  	[spmem:s2] =	stream.indirect.scatter.add.f32 [tilespmem:s22], [sflag:$0x3], $0x20, s0, s7, $0xb8;
	[tilespmem:$0x1A400] =	vst v63  }
0xb3: {  	s0 =	rddreg [dreg:$0x1f]  }
0xb4: {  	[spmem:s2] =	stream.indirect.scatter.add.f32 [tilespmem:s23], [sflag:$0x3], $0x20, s1, s7, $0xb8;
	[tilespmem:$0x1A400] =	vst v63  }
0xb5: {  	s22 =	sld [smem:$0x7EE]  }
0xb6: {  	[spmem:s2] =	stream.indirect.scatter.add.f32 [tilespmem:s24], [sflag:$0x3], $0x20, s0, s7, $0xb8;
	[tilespmem:$0x1A400] =	vst v63  }
0xb7: {  	s23 =	sld [smem:$0x7EF]  }
0xb8: {  	[spmem:s2] =	stream.indirect.scatter.add.f32 [tilespmem:s25], [sflag:$0x3], $0x20, s22, s7, $0xb8;
	[tilespmem:$0x1A400] =	vst v63  }
0xb9: {  	s24 =	sld [smem:$0x7F0]  }
0xba: {  	[spmem:s2] =	stream.indirect.scatter.add.f32 [tilespmem:s26], [sflag:$0x3], $0x20, s23, s7, $0xb8;
	[tilespmem:$0x1A400] =	vst v63  }
0xbb: {  	s25 =	sld [smem:$0x7F1]  }
0xbc: {  	[spmem:s2] =	stream.indirect.scatter.add.f32 [tilespmem:s28], [sflag:$0x3], $0x20, s24, s7, $0xb8;
	[tilespmem:$0x1A400] =	vst v63  }
0xbd: {  	s26 =	sld [smem:$0x7F2]  }
0xbe: {  	[spmem:s2] =	stream.indirect.scatter.add.f32 [tilespmem:s29], [sflag:$0x3], $0x20, s25, s7, $0xb8;
	[tilespmem:$0x1A400] =	vst v63  }
0xbf: {  	s28 =	sld [smem:$0x7F3]  }
0xc0: {  	[spmem:s2] =	stream.indirect.scatter.add.f32 [tilespmem:s30], [sflag:$0x3], $0x20, s26, s7, $0xb8;
	[tilespmem:$0x1A400] =	vst v63  }
0xc1: {  	_ = 	snop  }
0xc2: {  	[spmem:s2] =	stream.indirect.scatter.add.f32 [tilespmem:s4], [sflag:$0x3], $0x20, s28, s7, $0xb8;
	[tilespmem:$0x1A400] =	vst v63  }
0xc3: {  	_ =	swait.ge [sflag:s8], $0x1000  }
0xc4: {  	[sflag:s8] =	ssyncset.done $0x0  }
0xc5: {  	[sflag:s8] =	ssyncadd.s32 $0xFFFFF000  }
0xc6: {  	_ =	swait.ge [sflag:s8], $0x1000  }
0xc7: {  	[sflag:s8] =	ssyncset.done $0x0  }
0xc8: {  	[sflag:s8] =	ssyncadd.s32 $0xFFFFF000  }
0xc9: {  	_ =	swait.ge [sflag:s8], $0x1000  }
0xca: {  	[sflag:s8] =	ssyncset.done $0x0  }
0xcb: {  	[sflag:s8] =	ssyncadd.s32 $0xFFFFF000  }
0xcc: {  	_ =	swait.ge [sflag:s8], $0x1000  }
0xcd: {  	[sflag:s8] =	ssyncset.done $0x0  }
0xce: {  	[sflag:s8] =	ssyncadd.s32 $0xFFFFF000  }
0xcf: {  	_ =	swait.ge [sflag:s8], $0x1000  }
0xd0: {  	[sflag:s8] =	ssyncset.done $0x0  }
0xd1: {  	[sflag:s8] =	ssyncadd.s32 $0xFFFFF000  }
0xd2: {  	_ =	swait.ge [sflag:s8], $0x1000  }
0xd3: {  	[sflag:s8] =	ssyncset.done $0x0  }
0xd4: {  	[sflag:s8] =	ssyncadd.s32 $0xFFFFF000  }
0xd5: {  	_ =	swait.ge [sflag:s8], $0x1000  }
0xd6: {  	[sflag:s8] =	ssyncset.done $0x0  }
0xd7: {  	[sflag:s8] =	ssyncadd.s32 $0xFFFFF000  }
0xd8: {  	_ =	swait.ge [sflag:s8], $0x1000  }
0xd9: {  	[sflag:s8] =	ssyncset.done $0x0  }
0xda: {  	[sflag:s8] =	ssyncadd.s32 $0xFFFFF000  }
0xdb: {  	_ =	swait.ge [sflag:s8], $0x1000  }
0xdc: {  	[sflag:s8] =	ssyncset.done $0x0  }
0xdd: {  	[sflag:s8] =	ssyncadd.s32 $0xFFFFF000  }
0xde: {  	_ =	swait.ge [sflag:s8], $0x1000  }
0xdf: {  	[sflag:s8] =	ssyncset.done $0x0  }
0xe0: {  	[sflag:s8] =	ssyncadd.s32 $0xFFFFF000  }
0xe1: {  	_ =	swait.ge [sflag:s12], $0xA000  }
0xe2: {  	s29 =	sld [smem:$0x7F4]  }
0xe3: {  	[sflag:s12] =	ssyncset.done $0x0  }
0xe4: {  	s30 =	sld [smem:$0x7F5];
	[sflag:s12] =	ssyncadd.s32 $0xFFFF6000  }
0xe5: {  	[spmem:s2] =	stream.indirect.scatter.add.f32 [tilespmem:s9], [sflag:$0x3], $0x20, s29, s7, $0xb8;
	[tilespmem:$0x1A400] =	vst v63  }
0xe6: {  	s4 =	sld [smem:$0x7F6]  }
0xe7: {  	[spmem:s2] =	stream.indirect.scatter.add.f32 [tilespmem:s10], [sflag:$0x3], $0x20, s30, s7, $0xb8;
	[tilespmem:$0x1A400] =	vst v63  }
0xe8: {  	s22 =	sld [smem:$0x7F7]  }
0xe9: {  	[spmem:s2] =	stream.indirect.scatter.add.f32 [tilespmem:s13], [sflag:$0x3], $0x20, s4, s7, $0xb8;
	[tilespmem:$0x1A400] =	vst v63  }
0xea: {  	s23 =	sld [smem:$0x7F8]  }
0xeb: {  	[spmem:s2] =	stream.indirect.scatter.add.f32 [tilespmem:s17], [sflag:$0x3], $0x20, s22, s7, $0xb8;
	[tilespmem:$0x1A400] =	vst v63  }
0xec: {  	s24 =	sld [smem:$0x7F9]  }
0xed: {  	[spmem:s2] =	stream.indirect.scatter.add.f32 [tilespmem:s20], [sflag:$0x3], $0x20, s23, s7, $0xb8;
	[tilespmem:$0x1A400] =	vst v63  }
0xee: {  	s25 =	sld [smem:$0x7FA]  }
0xef: {  	[spmem:s2] =	stream.indirect.scatter.add.f32 [tilespmem:s19], [sflag:$0x3], $0x20, s24, s7, $0xb8;
	[tilespmem:$0x1A400] =	vst v63  }
0xf0: {  	s26 =	sld [smem:$0x7FB]  }
0xf1: {  	[spmem:s2] =	stream.indirect.scatter.add.f32 [tilespmem:s18], [sflag:$0x3], $0x20, s25, s7, $0xb8;
	[tilespmem:$0x1A400] =	vst v63  }
0xf2: {  	s28 =	sld [smem:$0x7FC]  }
0xf3: {  	[spmem:s2] =	stream.indirect.scatter.add.f32 [tilespmem:s16], [sflag:$0x3], $0x20, s26, s7, $0xb8;
	[tilespmem:$0x1A400] =	vst v63  }
0xf4: {  	s29 =	sld [smem:$0x7FD]  }
0xf5: {  	[spmem:s2] =	stream.indirect.scatter.add.f32 [tilespmem:s14], [sflag:$0x3], $0x20, s28, s7, $0xb8;
	[tilespmem:$0x1A400] =	vst v63  }
0xf6: {  	_ = 	snop  }
0xf7: {  	[spmem:s2] =	stream.indirect.scatter.add.f32 [tilespmem:s15], [sflag:$0x3], $0x20, s29, s7, $0xb8;
	[tilespmem:$0x1A400] =	vst v63  }
0xf8: {  	_ =	swait.ge [sflag:s8], $0x1000  }
0xf9: {  	[sflag:s8] =	ssyncset.done $0x0  }
0xfa: {  	[sflag:s8] =	ssyncadd.s32 $0xFFFFF000  }
0xfb: {  	_ =	swait.ge [sflag:s8], $0x1000  }
0xfc: {  	[sflag:s8] =	ssyncset.done $0x0  }
0xfd: {  	[sflag:s8] =	ssyncadd.s32 $0xFFFFF000  }
0xfe: {  	_ =	swait.ge [sflag:s8], $0x1000  }
0xff: {  	[sflag:s8] =	ssyncset.done $0x0  }
0x100: {  	[sflag:s8] =	ssyncadd.s32 $0xFFFFF000  }
0x101: {  	_ =	swait.ge [sflag:s8], $0x1000  }
0x102: {  	[sflag:s8] =	ssyncset.done $0x0  }
0x103: {  	[sflag:s8] =	ssyncadd.s32 $0xFFFFF000  }
0x104: {  	_ =	swait.ge [sflag:s8], $0x1000  }
0x105: {  	[sflag:s8] =	ssyncset.done $0x0  }
0x106: {  	[sflag:s8] =	ssyncadd.s32 $0xFFFFF000  }
0x107: {  	_ =	swait.ge [sflag:s8], $0x1000  }
0x108: {  	[sflag:s8] =	ssyncset.done $0x0  }
0x109: {  	[sflag:s8] =	ssyncadd.s32 $0xFFFFF000  }
0x10a: {  	_ =	swait.ge [sflag:s8], $0x1000  }
0x10b: {  	[sflag:s8] =	ssyncset.done $0x0  }
0x10c: {  	[sflag:s8] =	ssyncadd.s32 $0xFFFFF000  }
0x10d: {  	_ =	swait.ge [sflag:s8], $0x1000  }
0x10e: {  	[sflag:s8] =	ssyncset.done $0x0  }
0x10f: {  	[sflag:s8] =	ssyncadd.s32 $0xFFFFF000  }
0x110: {  	_ =	swait.ge [sflag:s8], $0x1000  }
0x111: {  	[sflag:s8] =	ssyncset.done $0x0  }
0x112: {  	[sflag:s8] =	ssyncadd.s32 $0xFFFFF000  }
0x113: {  	_ =	swait.ge [sflag:s8], $0x1000  }
0x114: {  	[sflag:s8] =	ssyncset.done $0x0  }
0x115: {  	[sflag:s8] =	ssyncadd.s32 $0xFFFFF000  }
0x116: {  	[bflag:$0x0] =	sbarrier.arrive $0xFFFF  }
0x117: {  	s30 =	rddreg [dreg:$0x9]  }
0x118: {  	[hbm:s30], [sflag:s31] =	dma.local [spmem:s5], $0xA00  }
0x119: {  	s0 =	sld [smem:$0x7ED];
	_ =	sdelay $0x2  }
0x11a: {  	p1 =	sne.s32 s0, $0x1  }
.Ltmp1:
0x11b: {  	_ = 	snop;
	(pc) =	sbr.rel @!p1 .LBB2_6-.Ltmp1, $3  }
0x11c: {  	_ =	sdelay $0x1  }
0x11d: {  	p0 =	por $0x1, $0x1;
	_ =	swait.ge [sflag:s3], $0xA00  }
0x11e: {  	[sflag:s3] =	ssyncset.done $0x0;
	s1 =	sadd.s32 $0xFFFFFFFF, s0;
	s0 =	rddreg [dreg:$0x3]  }
0x11f: {  	s24 =	simm.s32 $0x2400  }
0x120: {  	s25 =	simm.s32 $0x3400;
	s26 =	simm.s32 $0x4400;
	s28 =	simm.s32 $0x5400  }
0x121: {  	s29 =	simm.s32 $0x6400;
	s30 =	simm.s32 $0x7400;
	s14 =	simm.s32 $0x8400  }
0x122: {  	s4 =	simm.s32 $0x9400;
	s15 =	simm.s32 $0xC400;
	s19 =	simm.s32 $0xE400  }
0x123: {  	s23 =	simm.s32 $0xF400;
	s22 =	simm.s32 $0x10400;
	s20 =	simm.s32 $0x11400  }
0x124: {  	s18 =	simm.s32 $0x12400;
	s16 =	simm.s32 $0x13400;
	s17 =	simm.s32 $0x14400  }
.LBB2_3:
0x125: {  	[sflag:s3] =	ssyncadd.s32 $0xFFFFF600  }
0x126: {  	[tilespmem:s6], [sflag:$0x4] =	stream.linear.gather [hbm4b:s0+s6], $0x1400, $0x38;
	[tilespmem:$0x1A400] =	vst v63  }
0x127: {  	_ =	swait.ge [sflag:s3], $0x1400  }
0x128: {  	s13 =	rddreg [dreg:$0x4];
	[sflag:s3] =	ssyncset.done $0x0  }
0x129: {  	s10 =	rddreg [dreg:$0x5];
	[sflag:s3] =	ssyncadd.s32 $0xFFFFEC00  }
0x12a: {  	[tilespmem:s11], [sflag:$0x1] =	stream.linear.gather [hbm4b:s13+s6], $0xA000, $0x38;
	[tilespmem:$0x1A400] =	vst v63  }
0x12b: {  	[spmem:s5], [sflag:s31] =	dma.local [hbm:s10], $0xA00  }
0x12c: {  	_ =	swait.ge [sflag:s3], $0xA00  }
0x12d: {  	[sflag:s3] =	ssyncset.done $0x0  }
0x12e: {  	[sflag:s3] =	ssyncadd.s32 $0xFFFFF600  }
0x12f: {  	[bflag:$0x0] =	sbarrier.arrive $0xFFFF  }
0x130: {  	_ =	swait.ge [sflag:s21], $0xA000  }
0x131: {  	[sflag:s21] =	ssyncset.done $0x0  }
0x132: {  	s10 =	rddreg [dreg:$0x6];
	[sflag:s21] =	ssyncadd.s32 $0xFFFF6000  }
0x133: {  	[tilespmem:s9], [sflag:$0x2] =	stream.linear.gather [hbm4b:s10+s6], $0xA000, $0x38;
	[tilespmem:$0x1A400] =	vst v63  }
0x134: {  	_ = 	snop  }
0x135: {  	[spmem:s2] =	stream.indirect.scatter.add.f32 [tilespmem:s11], [sflag:$0x3], $0x20, s6, s7, $0xb8;
	[tilespmem:$0x1A400] =	vst v63  }
0x136: {  	_ = 	snop  }
0x137: {  	[spmem:s2] =	stream.indirect.scatter.add.f32 [tilespmem:s24], [sflag:$0x3], $0x20, s7, s7, $0xb8;
	[tilespmem:$0x1A400] =	vst v63  }
0x138: {  	s11 =	rddreg [dreg:$0xa]  }
0x139: {  	[spmem:s2] =	stream.indirect.scatter.add.f32 [tilespmem:s25], [sflag:$0x3], $0x20, s11, s7, $0xb8;
	[tilespmem:$0x1A400] =	vst v63  }
0x13a: {  	s13 =	rddreg [dreg:$0xb]  }
0x13b: {  	[spmem:s2] =	stream.indirect.scatter.add.f32 [tilespmem:s26], [sflag:$0x3], $0x20, s13, s7, $0xb8;
	[tilespmem:$0x1A400] =	vst v63  }
0x13c: {  	s9 =	rddreg [dreg:$0xc]  }
0x13d: {  	[spmem:s2] =	stream.indirect.scatter.add.f32 [tilespmem:s28], [sflag:$0x3], $0x20, s9, s7, $0xb8;
	[tilespmem:$0x1A400] =	vst v63  }
0x13e: {  	s11 =	rddreg [dreg:$0xd]  }
0x13f: {  	[spmem:s2] =	stream.indirect.scatter.add.f32 [tilespmem:s29], [sflag:$0x3], $0x20, s11, s7, $0xb8;
	[tilespmem:$0x1A400] =	vst v63  }
0x140: {  	s13 =	rddreg [dreg:$0xe]  }
0x141: {  	[spmem:s2] =	stream.indirect.scatter.add.f32 [tilespmem:s30], [sflag:$0x3], $0x20, s13, s7, $0xb8;
	[tilespmem:$0x1A400] =	vst v63  }
0x142: {  	s9 =	rddreg [dreg:$0xf]  }
0x143: {  	[spmem:s2] =	stream.indirect.scatter.add.f32 [tilespmem:s14], [sflag:$0x3], $0x20, s9, s7, $0xb8;
	[tilespmem:$0x1A400] =	vst v63  }
0x144: {  	s11 =	rddreg [dreg:$0x10]  }
0x145: {  	[spmem:s2] =	stream.indirect.scatter.add.f32 [tilespmem:s4], [sflag:$0x3], $0x20, s11, s7, $0xb8;
	[tilespmem:$0x1A400] =	vst v63  }
0x146: {  	s10 =	rddreg [dreg:$0x11];
	s9 =	simm.s32 $0xA400  }
0x147: {  	[spmem:s2] =	stream.indirect.scatter.add.f32 [tilespmem:s9], [sflag:$0x3], $0x20, s10, s7, $0xb8;
	[tilespmem:$0x1A400] =	vst v63  }
0x148: {  	_ =	swait.ge [sflag:s8], $0x1000  }
0x149: {  	[sflag:s8] =	ssyncset.done $0x0  }
0x14a: {  	[sflag:s8] =	ssyncadd.s32 $0xFFFFF000  }
0x14b: {  	_ =	swait.ge [sflag:s8], $0x1000  }
0x14c: {  	[sflag:s8] =	ssyncset.done $0x0  }
0x14d: {  	[sflag:s8] =	ssyncadd.s32 $0xFFFFF000  }
0x14e: {  	_ =	swait.ge [sflag:s8], $0x1000  }
0x14f: {  	[sflag:s8] =	ssyncset.done $0x0  }
0x150: {  	[sflag:s8] =	ssyncadd.s32 $0xFFFFF000  }
0x151: {  	_ =	swait.ge [sflag:s8], $0x1000  }
0x152: {  	[sflag:s8] =	ssyncset.done $0x0  }
0x153: {  	[sflag:s8] =	ssyncadd.s32 $0xFFFFF000  }
0x154: {  	_ =	swait.ge [sflag:s8], $0x1000  }
0x155: {  	[sflag:s8] =	ssyncset.done $0x0  }
0x156: {  	[sflag:s8] =	ssyncadd.s32 $0xFFFFF000  }
0x157: {  	_ =	swait.ge [sflag:s8], $0x1000  }
0x158: {  	[sflag:s8] =	ssyncset.done $0x0  }
0x159: {  	[sflag:s8] =	ssyncadd.s32 $0xFFFFF000  }
0x15a: {  	_ =	swait.ge [sflag:s8], $0x1000  }
0x15b: {  	[sflag:s8] =	ssyncset.done $0x0  }
0x15c: {  	[sflag:s8] =	ssyncadd.s32 $0xFFFFF000  }
0x15d: {  	_ =	swait.ge [sflag:s8], $0x1000  }
0x15e: {  	[sflag:s8] =	ssyncset.done $0x0  }
0x15f: {  	[sflag:s8] =	ssyncadd.s32 $0xFFFFF000  }
0x160: {  	_ =	swait.ge [sflag:s8], $0x1000  }
0x161: {  	[sflag:s8] =	ssyncset.done $0x0  }
0x162: {  	[sflag:s8] =	ssyncadd.s32 $0xFFFFF000  }
0x163: {  	_ =	swait.ge [sflag:s8], $0x1000  }
0x164: {  	[sflag:s8] =	ssyncset.done $0x0  }
0x165: {  	[sflag:s8] =	ssyncadd.s32 $0xFFFFF000  }
0x166: {  	_ =	swait.ge [sflag:s12], $0xA000  }
0x167: {  	[sflag:s12] =	ssyncset.done $0x0  }
0x168: {  	s13 =	simm.s32 $0x1400;
	s0 =	rddreg [dreg:$0x7];
	[sflag:s12] =	ssyncadd.s32 $0xFFFF6000  }
0x169: {  	[tilespmem:s13], [sflag:$0x1] =	stream.linear.gather [hbm4b:s0+s6], $0xA000, $0x38;
	[tilespmem:$0x1A400] =	vst v63  }
0x16a: {  	s11 =	simm.s32 $0xB400;
	s10 =	rddreg [dreg:$0x12]  }
0x16b: {  	[spmem:s2] =	stream.indirect.scatter.add.f32 [tilespmem:s11], [sflag:$0x3], $0x20, s10, s7, $0xb8;
	[tilespmem:$0x1A400] =	vst v63  }
0x16c: {  	s13 =	rddreg [dreg:$0x13]  }
0x16d: {  	[spmem:s2] =	stream.indirect.scatter.add.f32 [tilespmem:s15], [sflag:$0x3], $0x20, s13, s7, $0xb8;
	[tilespmem:$0x1A400] =	vst v63  }
0x16e: {  	s10 =	rddreg [dreg:$0x14];
	s13 =	simm.s32 $0xD400  }
0x16f: {  	[spmem:s2] =	stream.indirect.scatter.add.f32 [tilespmem:s13], [sflag:$0x3], $0x20, s10, s7, $0xb8;
	[tilespmem:$0x1A400] =	vst v63  }
0x170: {  	s0 =	rddreg [dreg:$0x15]  }
0x171: {  	[spmem:s2] =	stream.indirect.scatter.add.f32 [tilespmem:s19], [sflag:$0x3], $0x20, s0, s7, $0xb8;
	[tilespmem:$0x1A400] =	vst v63  }
0x172: {  	s10 =	rddreg [dreg:$0x16]  }
0x173: {  	[spmem:s2] =	stream.indirect.scatter.add.f32 [tilespmem:s23], [sflag:$0x3], $0x20, s10, s7, $0xb8;
	[tilespmem:$0x1A400] =	vst v63  }
0x174: {  	s0 =	rddreg [dreg:$0x17]  }
0x175: {  	[spmem:s2] =	stream.indirect.scatter.add.f32 [tilespmem:s22], [sflag:$0x3], $0x20, s0, s7, $0xb8;
	[tilespmem:$0x1A400] =	vst v63  }
0x176: {  	s10 =	rddreg [dreg:$0x18]  }
0x177: {  	[spmem:s2] =	stream.indirect.scatter.add.f32 [tilespmem:s20], [sflag:$0x3], $0x20, s10, s7, $0xb8;
	[tilespmem:$0x1A400] =	vst v63  }
0x178: {  	s0 =	rddreg [dreg:$0x19]  }
0x179: {  	[spmem:s2] =	stream.indirect.scatter.add.f32 [tilespmem:s18], [sflag:$0x3], $0x20, s0, s7, $0xb8;
	[tilespmem:$0x1A400] =	vst v63  }
0x17a: {  	s10 =	rddreg [dreg:$0x1a]  }
0x17b: {  	[spmem:s2] =	stream.indirect.scatter.add.f32 [tilespmem:s16], [sflag:$0x3], $0x20, s10, s7, $0xb8;
	[tilespmem:$0x1A400] =	vst v63  }
0x17c: {  	s0 =	rddreg [dreg:$0x1b]  }
0x17d: {  	[spmem:s2] =	stream.indirect.scatter.add.f32 [tilespmem:s17], [sflag:$0x3], $0x20, s0, s7, $0xb8;
	[tilespmem:$0x1A400] =	vst v63  }
0x17e: {  	_ =	swait.ge [sflag:s8], $0x1000  }
0x17f: {  	[sflag:s8] =	ssyncset.done $0x0  }
0x180: {  	[sflag:s8] =	ssyncadd.s32 $0xFFFFF000  }
0x181: {  	_ =	swait.ge [sflag:s8], $0x1000  }
0x182: {  	[sflag:s8] =	ssyncset.done $0x0  }
0x183: {  	[sflag:s8] =	ssyncadd.s32 $0xFFFFF000  }
0x184: {  	_ =	swait.ge [sflag:s8], $0x1000  }
0x185: {  	[sflag:s8] =	ssyncset.done $0x0  }
0x186: {  	[sflag:s8] =	ssyncadd.s32 $0xFFFFF000  }
0x187: {  	_ =	swait.ge [sflag:s8], $0x1000  }
0x188: {  	[sflag:s8] =	ssyncset.done $0x0  }
0x189: {  	[sflag:s8] =	ssyncadd.s32 $0xFFFFF000  }
0x18a: {  	_ =	swait.ge [sflag:s8], $0x1000  }
0x18b: {  	[sflag:s8] =	ssyncset.done $0x0  }
0x18c: {  	[sflag:s8] =	ssyncadd.s32 $0xFFFFF000  }
0x18d: {  	_ =	swait.ge [sflag:s8], $0x1000  }
0x18e: {  	[sflag:s8] =	ssyncset.done $0x0  }
0x18f: {  	[sflag:s8] =	ssyncadd.s32 $0xFFFFF000  }
0x190: {  	_ =	swait.ge [sflag:s8], $0x1000  }
0x191: {  	[sflag:s8] =	ssyncset.done $0x0  }
0x192: {  	[sflag:s8] =	ssyncadd.s32 $0xFFFFF000  }
0x193: {  	_ =	swait.ge [sflag:s8], $0x1000  }
0x194: {  	[sflag:s8] =	ssyncset.done $0x0  }
0x195: {  	[sflag:s8] =	ssyncadd.s32 $0xFFFFF000  }
0x196: {  	_ =	swait.ge [sflag:s8], $0x1000  }
0x197: {  	[sflag:s8] =	ssyncset.done $0x0  }
0x198: {  	[sflag:s8] =	ssyncadd.s32 $0xFFFFF000  }
0x199: {  	_ =	swait.ge [sflag:s8], $0x1000  }
0x19a: {  	[sflag:s8] =	ssyncset.done $0x0  }
0x19b: {  	[sflag:s8] =	ssyncadd.s32 $0xFFFFF000  }
0x19c: {  	_ =	swait.ge [sflag:s21], $0xA000  }
0x19d: {  	s0 =	rddreg [dreg:$0x8];
	[sflag:s21] =	ssyncset.done $0x0  }
0x19e: {  	s10 =	rddreg [dreg:$0x1c];
	[sflag:s21] =	ssyncadd.s32 $0xFFFF6000  }
0x19f: {  	[tilespmem:s11], [sflag:$0x2] =	stream.linear.gather [hbm4b:s0+s6], $0xA000, $0x38;
	[tilespmem:$0x1A400] =	vst v63  }
0x1a0: {  	s11 =	simm.s32 $0x1400;
	s0 =	rddreg [dreg:$0x1d]  }
0x1a1: {  	[spmem:s2] =	stream.indirect.scatter.add.f32 [tilespmem:s11], [sflag:$0x3], $0x20, s10, s7, $0xb8;
	[tilespmem:$0x1A400] =	vst v63  }
0x1a2: {  	s10 =	rddreg [dreg:$0x1e]  }
0x1a3: {  	[spmem:s2] =	stream.indirect.scatter.add.f32 [tilespmem:s24], [sflag:$0x3], $0x20, s0, s7, $0xb8;
	[tilespmem:$0x1A400] =	vst v63  }
0x1a4: {  	s0 =	rddreg [dreg:$0x1f]  }
0x1a5: {  	[spmem:s2] =	stream.indirect.scatter.add.f32 [tilespmem:s25], [sflag:$0x3], $0x20, s10, s7, $0xb8;
	[tilespmem:$0x1A400] =	vst v63  }
0x1a6: {  	s10 =	sld [smem:$0x7EE]  }
0x1a7: {  	[spmem:s2] =	stream.indirect.scatter.add.f32 [tilespmem:s26], [sflag:$0x3], $0x20, s0, s7, $0xb8;
	[tilespmem:$0x1A400] =	vst v63  }
0x1a8: {  	s0 =	sld [smem:$0x7EF]  }
0x1a9: {  	[spmem:s2] =	stream.indirect.scatter.add.f32 [tilespmem:s28], [sflag:$0x3], $0x20, s10, s7, $0xb8;
	[tilespmem:$0x1A400] =	vst v63  }
0x1aa: {  	s10 =	sld [smem:$0x7F0]  }
0x1ab: {  	[spmem:s2] =	stream.indirect.scatter.add.f32 [tilespmem:s29], [sflag:$0x3], $0x20, s0, s7, $0xb8;
	[tilespmem:$0x1A400] =	vst v63  }
0x1ac: {  	s0 =	sld [smem:$0x7F1]  }
0x1ad: {  	[spmem:s2] =	stream.indirect.scatter.add.f32 [tilespmem:s30], [sflag:$0x3], $0x20, s10, s7, $0xb8;
	[tilespmem:$0x1A400] =	vst v63  }
0x1ae: {  	s10 =	sld [smem:$0x7F2]  }
0x1af: {  	[spmem:s2] =	stream.indirect.scatter.add.f32 [tilespmem:s14], [sflag:$0x3], $0x20, s0, s7, $0xb8;
	[tilespmem:$0x1A400] =	vst v63  }
0x1b0: {  	s0 =	sld [smem:$0x7F3]  }
0x1b1: {  	[spmem:s2] =	stream.indirect.scatter.add.f32 [tilespmem:s4], [sflag:$0x3], $0x20, s10, s7, $0xb8;
	[tilespmem:$0x1A400] =	vst v63  }
0x1b2: {  	_ = 	snop  }
0x1b3: {  	[spmem:s2] =	stream.indirect.scatter.add.f32 [tilespmem:s9], [sflag:$0x3], $0x20, s0, s7, $0xb8;
	[tilespmem:$0x1A400] =	vst v63  }
0x1b4: {  	_ =	swait.ge [sflag:s8], $0x1000  }
0x1b5: {  	[sflag:s8] =	ssyncset.done $0x0  }
0x1b6: {  	[sflag:s8] =	ssyncadd.s32 $0xFFFFF000  }
0x1b7: {  	_ =	swait.ge [sflag:s8], $0x1000  }
0x1b8: {  	[sflag:s8] =	ssyncset.done $0x0  }
0x1b9: {  	[sflag:s8] =	ssyncadd.s32 $0xFFFFF000  }
0x1ba: {  	_ =	swait.ge [sflag:s8], $0x1000  }
0x1bb: {  	[sflag:s8] =	ssyncset.done $0x0  }
0x1bc: {  	[sflag:s8] =	ssyncadd.s32 $0xFFFFF000  }
0x1bd: {  	_ =	swait.ge [sflag:s8], $0x1000  }
0x1be: {  	[sflag:s8] =	ssyncset.done $0x0  }
0x1bf: {  	[sflag:s8] =	ssyncadd.s32 $0xFFFFF000  }
0x1c0: {  	_ =	swait.ge [sflag:s8], $0x1000  }
0x1c1: {  	[sflag:s8] =	ssyncset.done $0x0  }
0x1c2: {  	[sflag:s8] =	ssyncadd.s32 $0xFFFFF000  }
0x1c3: {  	_ =	swait.ge [sflag:s8], $0x1000  }
0x1c4: {  	[sflag:s8] =	ssyncset.done $0x0  }
0x1c5: {  	[sflag:s8] =	ssyncadd.s32 $0xFFFFF000  }
0x1c6: {  	_ =	swait.ge [sflag:s8], $0x1000  }
0x1c7: {  	[sflag:s8] =	ssyncset.done $0x0  }
0x1c8: {  	[sflag:s8] =	ssyncadd.s32 $0xFFFFF000  }
0x1c9: {  	_ =	swait.ge [sflag:s8], $0x1000  }
0x1ca: {  	[sflag:s8] =	ssyncset.done $0x0  }
0x1cb: {  	[sflag:s8] =	ssyncadd.s32 $0xFFFFF000  }
0x1cc: {  	_ =	swait.ge [sflag:s8], $0x1000  }
0x1cd: {  	[sflag:s8] =	ssyncset.done $0x0  }
0x1ce: {  	[sflag:s8] =	ssyncadd.s32 $0xFFFFF000  }
0x1cf: {  	_ =	swait.ge [sflag:s8], $0x1000  }
0x1d0: {  	[sflag:s8] =	ssyncset.done $0x0  }
0x1d1: {  	[sflag:s8] =	ssyncadd.s32 $0xFFFFF000  }
0x1d2: {  	_ =	swait.ge [sflag:s12], $0xA000  }
0x1d3: {  	s0 =	sld [smem:$0x7F4]  }
0x1d4: {  	[sflag:s12] =	ssyncset.done $0x0  }
0x1d5: {  	s9 =	simm.s32 $0xB400;
	s10 =	sld [smem:$0x7F5];
	[sflag:s12] =	ssyncadd.s32 $0xFFFF6000  }
0x1d6: {  	[spmem:s2] =	stream.indirect.scatter.add.f32 [tilespmem:s9], [sflag:$0x3], $0x20, s0, s7, $0xb8;
	[tilespmem:$0x1A400] =	vst v63  }
0x1d7: {  	s0 =	sld [smem:$0x7F6]  }
0x1d8: {  	[spmem:s2] =	stream.indirect.scatter.add.f32 [tilespmem:s15], [sflag:$0x3], $0x20, s10, s7, $0xb8;
	[tilespmem:$0x1A400] =	vst v63  }
0x1d9: {  	s10 =	sld [smem:$0x7F7]  }
0x1da: {  	[spmem:s2] =	stream.indirect.scatter.add.f32 [tilespmem:s13], [sflag:$0x3], $0x20, s0, s7, $0xb8;
	[tilespmem:$0x1A400] =	vst v63  }
0x1db: {  	s0 =	sld [smem:$0x7F8]  }
0x1dc: {  	[spmem:s2] =	stream.indirect.scatter.add.f32 [tilespmem:s19], [sflag:$0x3], $0x20, s10, s7, $0xb8;
	[tilespmem:$0x1A400] =	vst v63  }
0x1dd: {  	s13 =	sld [smem:$0x7F9]  }
0x1de: {  	[spmem:s2] =	stream.indirect.scatter.add.f32 [tilespmem:s23], [sflag:$0x3], $0x20, s0, s7, $0xb8;
	[tilespmem:$0x1A400] =	vst v63  }
0x1df: {  	s0 =	sld [smem:$0x7FA]  }
0x1e0: {  	[spmem:s2] =	stream.indirect.scatter.add.f32 [tilespmem:s22], [sflag:$0x3], $0x20, s13, s7, $0xb8;
	[tilespmem:$0x1A400] =	vst v63  }
0x1e1: {  	s13 =	sld [smem:$0x7FB]  }
0x1e2: {  	[spmem:s2] =	stream.indirect.scatter.add.f32 [tilespmem:s20], [sflag:$0x3], $0x20, s0, s7, $0xb8;
	[tilespmem:$0x1A400] =	vst v63  }
0x1e3: {  	s0 =	sld [smem:$0x7FC]  }
0x1e4: {  	[spmem:s2] =	stream.indirect.scatter.add.f32 [tilespmem:s18], [sflag:$0x3], $0x20, s13, s7, $0xb8;
	[tilespmem:$0x1A400] =	vst v63  }
0x1e5: {  	s13 =	sld [smem:$0x7FD]  }
0x1e6: {  	[spmem:s2] =	stream.indirect.scatter.add.f32 [tilespmem:s16], [sflag:$0x3], $0x20, s0, s7, $0xb8;
	[tilespmem:$0x1A400] =	vst v63  }
0x1e7: {  	_ = 	snop  }
0x1e8: {  	[spmem:s2] =	stream.indirect.scatter.add.f32 [tilespmem:s17], [sflag:$0x3], $0x20, s13, s7, $0xb8;
	[tilespmem:$0x1A400] =	vst v63  }
0x1e9: {  	_ =	swait.ge [sflag:s8], $0x1000  }
0x1ea: {  	[sflag:s8] =	ssyncset.done $0x0  }
0x1eb: {  	[sflag:s8] =	ssyncadd.s32 $0xFFFFF000  }
0x1ec: {  	_ =	swait.ge [sflag:s8], $0x1000  }
0x1ed: {  	[sflag:s8] =	ssyncset.done $0x0  }
0x1ee: {  	[sflag:s8] =	ssyncadd.s32 $0xFFFFF000  }
0x1ef: {  	_ =	swait.ge [sflag:s8], $0x1000  }
0x1f0: {  	[sflag:s8] =	ssyncset.done $0x0  }
0x1f1: {  	[sflag:s8] =	ssyncadd.s32 $0xFFFFF000  }
0x1f2: {  	_ =	swait.ge [sflag:s8], $0x1000  }
0x1f3: {  	[sflag:s8] =	ssyncset.done $0x0  }
0x1f4: {  	[sflag:s8] =	ssyncadd.s32 $0xFFFFF000  }
0x1f5: {  	_ =	swait.ge [sflag:s8], $0x1000  }
0x1f6: {  	[sflag:s8] =	ssyncset.done $0x0  }
0x1f7: {  	[sflag:s8] =	ssyncadd.s32 $0xFFFFF000  }
0x1f8: {  	_ =	swait.ge [sflag:s8], $0x1000  }
0x1f9: {  	[sflag:s8] =	ssyncset.done $0x0  }
0x1fa: {  	[sflag:s8] =	ssyncadd.s32 $0xFFFFF000  }
0x1fb: {  	_ =	swait.ge [sflag:s8], $0x1000  }
0x1fc: {  	[sflag:s8] =	ssyncset.done $0x0  }
0x1fd: {  	[sflag:s8] =	ssyncadd.s32 $0xFFFFF000  }
0x1fe: {  	_ =	swait.ge [sflag:s8], $0x1000  }
0x1ff: {  	[sflag:s8] =	ssyncset.done $0x0  }
0x200: {  	[sflag:s8] =	ssyncadd.s32 $0xFFFFF000  }
0x201: {  	_ =	swait.ge [sflag:s8], $0x1000  }
0x202: {  	[sflag:s8] =	ssyncset.done $0x0  }
0x203: {  	[sflag:s8] =	ssyncadd.s32 $0xFFFFF000  }
0x204: {  	_ =	swait.ge [sflag:s8], $0x1000  }
0x205: {  	[sflag:s8] =	ssyncset.done $0x0  }
0x206: {  	p1 =	sne.s32 s1, $0x1;
	[sflag:s8] =	ssyncadd.s32 $0xFFFFF000  }
.Ltmp2:
0x207: {  	[bflag:$0x0] =	sbarrier.arrive $0xFFFF;
	(pc) =	sbr.rel @p1 .LBB2_3-.Ltmp2, $4  }
0x208: {  	s13 =	rddreg [dreg:$0x9]  }
0x209: {  	[hbm:s13], [sflag:s31] =	dma.local [spmem:s5], $0xA00  }
0x20a: {  	_ =	swait.ge [sflag:s3], $0xA00  }
0x20b: {  	s1 =	sadd.s32 $0xFFFFFFFF, s1;
	s0 =	rddreg [dreg:$0x3];
	[sflag:s3] =	ssyncset.done $0x0  }
0x20c: {  	s10 =	simm.s32 $0xC400;
	s13 =	simm.s32 $0xD400;
	s14 =	simm.s32 $0x13400  }
0x20d: {  	s15 =	simm.s32 $0x14400;
	s16 =	simm.s32 $0x12400;
	s17 =	simm.s32 $0xE400  }
0x20e: {  	s18 =	simm.s32 $0x11400;
	s19 =	simm.s32 $0x10400;
	s20 =	simm.s32 $0xF400  }
0x20f: {  	s22 =	simm.s32 $0x2400;
	s23 =	simm.s32 $0x3400;
	s24 =	simm.s32 $0x4400  }
0x210: {  	s25 =	simm.s32 $0x5400;
	s26 =	simm.s32 $0x6400;
	s28 =	simm.s32 $0x7400  }
0x211: {  	s29 =	simm.s32 $0x8400;
	s30 =	simm.s32 $0x9400;
	s4 =	simm.s32 $0xA400  }
.LBB2_5:
0x212: {  	[sflag:s3] =	ssyncadd.s32 @p0 $0xFFFFF600  }
0x213: {  	[tilespmem:s6], [sflag:$0x4] =	stream.linear.gather [hbm4b:s0+s6], $0x1400, $0x38;
	[tilespmem:$0x1A400] =	vst v63  }
0x214: {  	_ =	swait.ge [sflag:s3], $0x1400  }
0x215: {  	s0 =	rddreg [dreg:$0x4];
	[sflag:s3] =	ssyncset.done $0x0  }
0x216: {  	s1 =	rddreg [dreg:$0x5];
	[sflag:s3] =	ssyncadd.s32 $0xFFFFEC00  }
0x217: {  	[tilespmem:s11], [sflag:$0x1] =	stream.linear.gather [hbm4b:s0+s6], $0xA000, $0x38;
	[tilespmem:$0x1A400] =	vst v63  }
0x218: {  	[spmem:s5], [sflag:s31] =	dma.local [hbm:s1], $0xA00  }
0x219: {  	_ =	swait.ge [sflag:s3], $0xA00  }
0x21a: {  	[sflag:s3] =	ssyncset.done $0x0  }
0x21b: {  	[sflag:s3] =	ssyncadd.s32 $0xFFFFF600  }
0x21c: {  	[bflag:$0x0] =	sbarrier.arrive $0xFFFF  }
0x21d: {  	_ =	swait.ge [sflag:s21], $0xA000  }
0x21e: {  	[sflag:s21] =	ssyncset.done $0x0  }
0x21f: {  	s1 =	rddreg [dreg:$0x6];
	[sflag:s21] =	ssyncadd.s32 $0xFFFF6000  }
0x220: {  	[tilespmem:s9], [sflag:$0x2] =	stream.linear.gather [hbm4b:s1+s6], $0xA000, $0x38;
	[tilespmem:$0x1A400] =	vst v63  }
0x221: {  	_ = 	snop  }
0x222: {  	[spmem:s2] =	stream.indirect.scatter.add.f32 [tilespmem:s11], [sflag:$0x3], $0x20, s6, s7, $0xb8;
	[tilespmem:$0x1A400] =	vst v63  }
0x223: {  	_ = 	snop  }
0x224: {  	[spmem:s2] =	stream.indirect.scatter.add.f32 [tilespmem:s22], [sflag:$0x3], $0x20, s7, s7, $0xb8;
	[tilespmem:$0x1A400] =	vst v63  }
0x225: {  	s0 =	rddreg [dreg:$0xa]  }
0x226: {  	[spmem:s2] =	stream.indirect.scatter.add.f32 [tilespmem:s23], [sflag:$0x3], $0x20, s0, s7, $0xb8;
	[tilespmem:$0x1A400] =	vst v63  }
0x227: {  	s1 =	rddreg [dreg:$0xb]  }
0x228: {  	[spmem:s2] =	stream.indirect.scatter.add.f32 [tilespmem:s24], [sflag:$0x3], $0x20, s1, s7, $0xb8;
	[tilespmem:$0x1A400] =	vst v63  }
0x229: {  	s0 =	rddreg [dreg:$0xc]  }
0x22a: {  	[spmem:s2] =	stream.indirect.scatter.add.f32 [tilespmem:s25], [sflag:$0x3], $0x20, s0, s7, $0xb8;
	[tilespmem:$0x1A400] =	vst v63  }
0x22b: {  	s1 =	rddreg [dreg:$0xd]  }
0x22c: {  	[spmem:s2] =	stream.indirect.scatter.add.f32 [tilespmem:s26], [sflag:$0x3], $0x20, s1, s7, $0xb8;
	[tilespmem:$0x1A400] =	vst v63  }
0x22d: {  	s0 =	rddreg [dreg:$0xe]  }
0x22e: {  	[spmem:s2] =	stream.indirect.scatter.add.f32 [tilespmem:s28], [sflag:$0x3], $0x20, s0, s7, $0xb8;
	[tilespmem:$0x1A400] =	vst v63  }
0x22f: {  	s1 =	rddreg [dreg:$0xf]  }
0x230: {  	[spmem:s2] =	stream.indirect.scatter.add.f32 [tilespmem:s29], [sflag:$0x3], $0x20, s1, s7, $0xb8;
	[tilespmem:$0x1A400] =	vst v63  }
0x231: {  	s0 =	rddreg [dreg:$0x10]  }
0x232: {  	[spmem:s2] =	stream.indirect.scatter.add.f32 [tilespmem:s30], [sflag:$0x3], $0x20, s0, s7, $0xb8;
	[tilespmem:$0x1A400] =	vst v63  }
0x233: {  	s1 =	rddreg [dreg:$0x11]  }
0x234: {  	[spmem:s2] =	stream.indirect.scatter.add.f32 [tilespmem:s4], [sflag:$0x3], $0x20, s1, s7, $0xb8;
	[tilespmem:$0x1A400] =	vst v63  }
0x235: {  	_ =	swait.ge [sflag:s8], $0x1000  }
0x236: {  	[sflag:s8] =	ssyncset.done $0x0  }
0x237: {  	[sflag:s8] =	ssyncadd.s32 $0xFFFFF000  }
0x238: {  	_ =	swait.ge [sflag:s8], $0x1000  }
0x239: {  	[sflag:s8] =	ssyncset.done $0x0  }
0x23a: {  	[sflag:s8] =	ssyncadd.s32 $0xFFFFF000  }
0x23b: {  	_ =	swait.ge [sflag:s8], $0x1000  }
0x23c: {  	[sflag:s8] =	ssyncset.done $0x0  }
0x23d: {  	[sflag:s8] =	ssyncadd.s32 $0xFFFFF000  }
0x23e: {  	_ =	swait.ge [sflag:s8], $0x1000  }
0x23f: {  	[sflag:s8] =	ssyncset.done $0x0  }
0x240: {  	[sflag:s8] =	ssyncadd.s32 $0xFFFFF000  }
0x241: {  	_ =	swait.ge [sflag:s8], $0x1000  }
0x242: {  	[sflag:s8] =	ssyncset.done $0x0  }
0x243: {  	[sflag:s8] =	ssyncadd.s32 $0xFFFFF000  }
0x244: {  	_ =	swait.ge [sflag:s8], $0x1000  }
0x245: {  	[sflag:s8] =	ssyncset.done $0x0  }
0x246: {  	[sflag:s8] =	ssyncadd.s32 $0xFFFFF000  }
0x247: {  	_ =	swait.ge [sflag:s8], $0x1000  }
0x248: {  	[sflag:s8] =	ssyncset.done $0x0  }
0x249: {  	[sflag:s8] =	ssyncadd.s32 $0xFFFFF000  }
0x24a: {  	_ =	swait.ge [sflag:s8], $0x1000  }
0x24b: {  	[sflag:s8] =	ssyncset.done $0x0  }
0x24c: {  	[sflag:s8] =	ssyncadd.s32 $0xFFFFF000  }
0x24d: {  	_ =	swait.ge [sflag:s8], $0x1000  }
0x24e: {  	[sflag:s8] =	ssyncset.done $0x0  }
0x24f: {  	[sflag:s8] =	ssyncadd.s32 $0xFFFFF000  }
0x250: {  	_ =	swait.ge [sflag:s8], $0x1000  }
0x251: {  	[sflag:s8] =	ssyncset.done $0x0  }
0x252: {  	[sflag:s8] =	ssyncadd.s32 $0xFFFFF000  }
0x253: {  	_ =	swait.ge [sflag:s12], $0xA000  }
0x254: {  	[sflag:s12] =	ssyncset.done $0x0  }
0x255: {  	s0 =	rddreg [dreg:$0x7];
	[sflag:s12] =	ssyncadd.s32 $0xFFFF6000  }
0x256: {  	[tilespmem:s11], [sflag:$0x1] =	stream.linear.gather [hbm4b:s0+s6], $0xA000, $0x38;
	[tilespmem:$0x1A400] =	vst v63  }
0x257: {  	s1 =	rddreg [dreg:$0x12]  }
0x258: {  	[spmem:s2] =	stream.indirect.scatter.add.f32 [tilespmem:s9], [sflag:$0x3], $0x20, s1, s7, $0xb8;
	[tilespmem:$0x1A400] =	vst v63  }
0x259: {  	s0 =	rddreg [dreg:$0x13]  }
0x25a: {  	[spmem:s2] =	stream.indirect.scatter.add.f32 [tilespmem:s10], [sflag:$0x3], $0x20, s0, s7, $0xb8;
	[tilespmem:$0x1A400] =	vst v63  }
0x25b: {  	s1 =	rddreg [dreg:$0x14]  }
0x25c: {  	[spmem:s2] =	stream.indirect.scatter.add.f32 [tilespmem:s13], [sflag:$0x3], $0x20, s1, s7, $0xb8;
	[tilespmem:$0x1A400] =	vst v63  }
0x25d: {  	s0 =	rddreg [dreg:$0x15]  }
0x25e: {  	[spmem:s2] =	stream.indirect.scatter.add.f32 [tilespmem:s17], [sflag:$0x3], $0x20, s0, s7, $0xb8;
	[tilespmem:$0x1A400] =	vst v63  }
0x25f: {  	s1 =	rddreg [dreg:$0x16]  }
0x260: {  	[spmem:s2] =	stream.indirect.scatter.add.f32 [tilespmem:s20], [sflag:$0x3], $0x20, s1, s7, $0xb8;
	[tilespmem:$0x1A400] =	vst v63  }
0x261: {  	s0 =	rddreg [dreg:$0x17]  }
0x262: {  	[spmem:s2] =	stream.indirect.scatter.add.f32 [tilespmem:s19], [sflag:$0x3], $0x20, s0, s7, $0xb8;
	[tilespmem:$0x1A400] =	vst v63  }
0x263: {  	s1 =	rddreg [dreg:$0x18]  }
0x264: {  	[spmem:s2] =	stream.indirect.scatter.add.f32 [tilespmem:s18], [sflag:$0x3], $0x20, s1, s7, $0xb8;
	[tilespmem:$0x1A400] =	vst v63  }
0x265: {  	s0 =	rddreg [dreg:$0x19]  }
0x266: {  	[spmem:s2] =	stream.indirect.scatter.add.f32 [tilespmem:s16], [sflag:$0x3], $0x20, s0, s7, $0xb8;
	[tilespmem:$0x1A400] =	vst v63  }
0x267: {  	s1 =	rddreg [dreg:$0x1a]  }
0x268: {  	[spmem:s2] =	stream.indirect.scatter.add.f32 [tilespmem:s14], [sflag:$0x3], $0x20, s1, s7, $0xb8;
	[tilespmem:$0x1A400] =	vst v63  }
0x269: {  	s0 =	rddreg [dreg:$0x1b]  }
0x26a: {  	[spmem:s2] =	stream.indirect.scatter.add.f32 [tilespmem:s15], [sflag:$0x3], $0x20, s0, s7, $0xb8;
	[tilespmem:$0x1A400] =	vst v63  }
0x26b: {  	_ =	swait.ge [sflag:s8], $0x1000  }
0x26c: {  	[sflag:s8] =	ssyncset.done $0x0  }
0x26d: {  	[sflag:s8] =	ssyncadd.s32 $0xFFFFF000  }
0x26e: {  	_ =	swait.ge [sflag:s8], $0x1000  }
0x26f: {  	[sflag:s8] =	ssyncset.done $0x0  }
0x270: {  	[sflag:s8] =	ssyncadd.s32 $0xFFFFF000  }
0x271: {  	_ =	swait.ge [sflag:s8], $0x1000  }
0x272: {  	[sflag:s8] =	ssyncset.done $0x0  }
0x273: {  	[sflag:s8] =	ssyncadd.s32 $0xFFFFF000  }
0x274: {  	_ =	swait.ge [sflag:s8], $0x1000  }
0x275: {  	[sflag:s8] =	ssyncset.done $0x0  }
0x276: {  	[sflag:s8] =	ssyncadd.s32 $0xFFFFF000  }
0x277: {  	_ =	swait.ge [sflag:s8], $0x1000  }
0x278: {  	[sflag:s8] =	ssyncset.done $0x0  }
0x279: {  	[sflag:s8] =	ssyncadd.s32 $0xFFFFF000  }
0x27a: {  	_ =	swait.ge [sflag:s8], $0x1000  }
0x27b: {  	[sflag:s8] =	ssyncset.done $0x0  }
0x27c: {  	[sflag:s8] =	ssyncadd.s32 $0xFFFFF000  }
0x27d: {  	_ =	swait.ge [sflag:s8], $0x1000  }
0x27e: {  	[sflag:s8] =	ssyncset.done $0x0  }
0x27f: {  	[sflag:s8] =	ssyncadd.s32 $0xFFFFF000  }
0x280: {  	_ =	swait.ge [sflag:s8], $0x1000  }
0x281: {  	[sflag:s8] =	ssyncset.done $0x0  }
0x282: {  	[sflag:s8] =	ssyncadd.s32 $0xFFFFF000  }
0x283: {  	_ =	swait.ge [sflag:s8], $0x1000  }
0x284: {  	[sflag:s8] =	ssyncset.done $0x0  }
0x285: {  	[sflag:s8] =	ssyncadd.s32 $0xFFFFF000  }
0x286: {  	_ =	swait.ge [sflag:s8], $0x1000  }
0x287: {  	[sflag:s8] =	ssyncset.done $0x0  }
0x288: {  	[sflag:s8] =	ssyncadd.s32 $0xFFFFF000  }
0x289: {  	_ =	swait.ge [sflag:s21], $0xA000  }
0x28a: {  	s1 =	rddreg [dreg:$0x8];
	[sflag:s21] =	ssyncset.done $0x0  }
0x28b: {  	[sflag:s21] =	ssyncadd.s32 $0xFFFF6000;
	s21 =	rddreg [dreg:$0x1c]  }
0x28c: {  	[tilespmem:s9], [sflag:$0x2] =	stream.linear.gather [hbm4b:s1+s6], $0xA000, $0x38;
	[tilespmem:$0x1A400] =	vst v63  }
0x28d: {  	s6 =	rddreg [dreg:$0x1d]  }
0x28e: {  	[spmem:s2] =	stream.indirect.scatter.add.f32 [tilespmem:s11], [sflag:$0x3], $0x20, s21, s7, $0xb8;
	[tilespmem:$0x1A400] =	vst v63  }
0x28f: {  	s21 =	rddreg [dreg:$0x1e]  }
0x290: {  	[spmem:s2] =	stream.indirect.scatter.add.f32 [tilespmem:s22], [sflag:$0x3], $0x20, s6, s7, $0xb8;
	[tilespmem:$0x1A400] =	vst v63  }
0x291: {  	s22 =	rddreg [dreg:$0x1f]  }
0x292: {  	[spmem:s2] =	stream.indirect.scatter.add.f32 [tilespmem:s23], [sflag:$0x3], $0x20, s21, s7, $0xb8;
	[tilespmem:$0x1A400] =	vst v63  }
0x293: {  	s23 =	sld [smem:$0x7EE]  }
0x294: {  	[spmem:s2] =	stream.indirect.scatter.add.f32 [tilespmem:s24], [sflag:$0x3], $0x20, s22, s7, $0xb8;
	[tilespmem:$0x1A400] =	vst v63  }
0x295: {  	s24 =	sld [smem:$0x7EF]  }
0x296: {  	[spmem:s2] =	stream.indirect.scatter.add.f32 [tilespmem:s25], [sflag:$0x3], $0x20, s23, s7, $0xb8;
	[tilespmem:$0x1A400] =	vst v63  }
0x297: {  	s25 =	sld [smem:$0x7F0]  }
0x298: {  	[spmem:s2] =	stream.indirect.scatter.add.f32 [tilespmem:s26], [sflag:$0x3], $0x20, s24, s7, $0xb8;
	[tilespmem:$0x1A400] =	vst v63  }
0x299: {  	s26 =	sld [smem:$0x7F1]  }
0x29a: {  	[spmem:s2] =	stream.indirect.scatter.add.f32 [tilespmem:s28], [sflag:$0x3], $0x20, s25, s7, $0xb8;
	[tilespmem:$0x1A400] =	vst v63  }
0x29b: {  	s28 =	sld [smem:$0x7F2]  }
0x29c: {  	[spmem:s2] =	stream.indirect.scatter.add.f32 [tilespmem:s29], [sflag:$0x3], $0x20, s26, s7, $0xb8;
	[tilespmem:$0x1A400] =	vst v63  }
0x29d: {  	s6 =	sld [smem:$0x7F3]  }
0x29e: {  	[spmem:s2] =	stream.indirect.scatter.add.f32 [tilespmem:s30], [sflag:$0x3], $0x20, s28, s7, $0xb8;
	[tilespmem:$0x1A400] =	vst v63  }
0x29f: {  	_ = 	snop  }
0x2a0: {  	[spmem:s2] =	stream.indirect.scatter.add.f32 [tilespmem:s4], [sflag:$0x3], $0x20, s6, s7, $0xb8;
	[tilespmem:$0x1A400] =	vst v63  }
0x2a1: {  	_ =	swait.ge [sflag:s8], $0x1000  }
0x2a2: {  	[sflag:s8] =	ssyncset.done $0x0  }
0x2a3: {  	[sflag:s8] =	ssyncadd.s32 $0xFFFFF000  }
0x2a4: {  	_ =	swait.ge [sflag:s8], $0x1000  }
0x2a5: {  	[sflag:s8] =	ssyncset.done $0x0  }
0x2a6: {  	[sflag:s8] =	ssyncadd.s32 $0xFFFFF000  }
0x2a7: {  	_ =	swait.ge [sflag:s8], $0x1000  }
0x2a8: {  	[sflag:s8] =	ssyncset.done $0x0  }
0x2a9: {  	[sflag:s8] =	ssyncadd.s32 $0xFFFFF000  }
0x2aa: {  	_ =	swait.ge [sflag:s8], $0x1000  }
0x2ab: {  	[sflag:s8] =	ssyncset.done $0x0  }
0x2ac: {  	[sflag:s8] =	ssyncadd.s32 $0xFFFFF000  }
0x2ad: {  	_ =	swait.ge [sflag:s8], $0x1000  }
0x2ae: {  	[sflag:s8] =	ssyncset.done $0x0  }
0x2af: {  	[sflag:s8] =	ssyncadd.s32 $0xFFFFF000  }
0x2b0: {  	_ =	swait.ge [sflag:s8], $0x1000  }
0x2b1: {  	[sflag:s8] =	ssyncset.done $0x0  }
0x2b2: {  	[sflag:s8] =	ssyncadd.s32 $0xFFFFF000  }
0x2b3: {  	_ =	swait.ge [sflag:s8], $0x1000  }
0x2b4: {  	[sflag:s8] =	ssyncset.done $0x0  }
0x2b5: {  	[sflag:s8] =	ssyncadd.s32 $0xFFFFF000  }
0x2b6: {  	_ =	swait.ge [sflag:s8], $0x1000  }
0x2b7: {  	[sflag:s8] =	ssyncset.done $0x0  }
0x2b8: {  	[sflag:s8] =	ssyncadd.s32 $0xFFFFF000  }
0x2b9: {  	_ =	swait.ge [sflag:s8], $0x1000  }
0x2ba: {  	[sflag:s8] =	ssyncset.done $0x0  }
0x2bb: {  	[sflag:s8] =	ssyncadd.s32 $0xFFFFF000  }
0x2bc: {  	_ =	swait.ge [sflag:s8], $0x1000  }
0x2bd: {  	[sflag:s8] =	ssyncset.done $0x0  }
0x2be: {  	[sflag:s8] =	ssyncadd.s32 $0xFFFFF000  }
0x2bf: {  	_ =	swait.ge [sflag:s12], $0xA000  }
0x2c0: {  	s11 =	sld [smem:$0x7F4]  }
0x2c1: {  	[sflag:s12] =	ssyncset.done $0x0  }
0x2c2: {  	[sflag:s12] =	ssyncadd.s32 $0xFFFF6000;
	s12 =	sld [smem:$0x7F5]  }
0x2c3: {  	[spmem:s2] =	stream.indirect.scatter.add.f32 [tilespmem:s9], [sflag:$0x3], $0x20, s11, s7, $0xb8;
	[tilespmem:$0x1A400] =	vst v63  }
0x2c4: {  	s21 =	sld [smem:$0x7F6]  }
0x2c5: {  	[spmem:s2] =	stream.indirect.scatter.add.f32 [tilespmem:s10], [sflag:$0x3], $0x20, s12, s7, $0xb8;
	[tilespmem:$0x1A400] =	vst v63  }
0x2c6: {  	s22 =	sld [smem:$0x7F7]  }
0x2c7: {  	[spmem:s2] =	stream.indirect.scatter.add.f32 [tilespmem:s13], [sflag:$0x3], $0x20, s21, s7, $0xb8;
	[tilespmem:$0x1A400] =	vst v63  }
0x2c8: {  	s23 =	sld [smem:$0x7F8]  }
0x2c9: {  	[spmem:s2] =	stream.indirect.scatter.add.f32 [tilespmem:s17], [sflag:$0x3], $0x20, s22, s7, $0xb8;
	[tilespmem:$0x1A400] =	vst v63  }
0x2ca: {  	s24 =	sld [smem:$0x7F9]  }
0x2cb: {  	[spmem:s2] =	stream.indirect.scatter.add.f32 [tilespmem:s20], [sflag:$0x3], $0x20, s23, s7, $0xb8;
	[tilespmem:$0x1A400] =	vst v63  }
0x2cc: {  	s25 =	sld [smem:$0x7FA]  }
0x2cd: {  	[spmem:s2] =	stream.indirect.scatter.add.f32 [tilespmem:s19], [sflag:$0x3], $0x20, s24, s7, $0xb8;
	[tilespmem:$0x1A400] =	vst v63  }
0x2ce: {  	s26 =	sld [smem:$0x7FB]  }
0x2cf: {  	[spmem:s2] =	stream.indirect.scatter.add.f32 [tilespmem:s18], [sflag:$0x3], $0x20, s25, s7, $0xb8;
	[tilespmem:$0x1A400] =	vst v63  }
0x2d0: {  	s28 =	sld [smem:$0x7FC]  }
0x2d1: {  	[spmem:s2] =	stream.indirect.scatter.add.f32 [tilespmem:s16], [sflag:$0x3], $0x20, s26, s7, $0xb8;
	[tilespmem:$0x1A400] =	vst v63  }
0x2d2: {  	s29 =	sld [smem:$0x7FD]  }
0x2d3: {  	[spmem:s2] =	stream.indirect.scatter.add.f32 [tilespmem:s14], [sflag:$0x3], $0x20, s28, s7, $0xb8;
	[tilespmem:$0x1A400] =	vst v63  }
0x2d4: {  	_ = 	snop  }
0x2d5: {  	[spmem:s2] =	stream.indirect.scatter.add.f32 [tilespmem:s15], [sflag:$0x3], $0x20, s29, s7, $0xb8;
	[tilespmem:$0x1A400] =	vst v63  }
0x2d6: {  	_ =	swait.ge [sflag:s8], $0x1000  }
0x2d7: {  	[sflag:s8] =	ssyncset.done $0x0  }
0x2d8: {  	[sflag:s8] =	ssyncadd.s32 $0xFFFFF000  }
0x2d9: {  	_ =	swait.ge [sflag:s8], $0x1000  }
0x2da: {  	[sflag:s8] =	ssyncset.done $0x0  }
0x2db: {  	[sflag:s8] =	ssyncadd.s32 $0xFFFFF000  }
0x2dc: {  	_ =	swait.ge [sflag:s8], $0x1000  }
0x2dd: {  	[sflag:s8] =	ssyncset.done $0x0  }
0x2de: {  	[sflag:s8] =	ssyncadd.s32 $0xFFFFF000  }
0x2df: {  	_ =	swait.ge [sflag:s8], $0x1000  }
0x2e0: {  	[sflag:s8] =	ssyncset.done $0x0  }
0x2e1: {  	[sflag:s8] =	ssyncadd.s32 $0xFFFFF000  }
0x2e2: {  	_ =	swait.ge [sflag:s8], $0x1000  }
0x2e3: {  	[sflag:s8] =	ssyncset.done $0x0  }
0x2e4: {  	[sflag:s8] =	ssyncadd.s32 $0xFFFFF000  }
0x2e5: {  	_ =	swait.ge [sflag:s8], $0x1000  }
0x2e6: {  	[sflag:s8] =	ssyncset.done $0x0  }
0x2e7: {  	[sflag:s8] =	ssyncadd.s32 $0xFFFFF000  }
0x2e8: {  	_ =	swait.ge [sflag:s8], $0x1000  }
0x2e9: {  	[sflag:s8] =	ssyncset.done $0x0  }
0x2ea: {  	[sflag:s8] =	ssyncadd.s32 $0xFFFFF000  }
0x2eb: {  	_ =	swait.ge [sflag:s8], $0x1000  }
0x2ec: {  	[sflag:s8] =	ssyncset.done $0x0  }
0x2ed: {  	[sflag:s8] =	ssyncadd.s32 $0xFFFFF000  }
0x2ee: {  	_ =	swait.ge [sflag:s8], $0x1000  }
0x2ef: {  	[sflag:s8] =	ssyncset.done $0x0  }
0x2f0: {  	[sflag:s8] =	ssyncadd.s32 $0xFFFFF000  }
0x2f1: {  	_ =	swait.ge [sflag:s8], $0x1000  }
0x2f2: {  	[sflag:s8] =	ssyncset.done $0x0  }
0x2f3: {  	[sflag:s8] =	ssyncadd.s32 $0xFFFFF000  }
0x2f4: {  	[bflag:$0x0] =	sbarrier.arrive $0xFFFF  }
0x2f5: {  	s30 =	rddreg [dreg:$0x9]  }
0x2f6: {  	[hbm:s30], [sflag:s31] =	dma.local [spmem:s5], $0xA00  }
0x2f7: {  	_ =	swait.ge [sflag:s3], $0xA00  }
0x2f8: {  	[sflag:s3] =	ssyncset.done $0x0  }
0x2f9: {  	[sflag:s3] =	ssyncadd.s32 $0xFFFFF600  }
0x2fa: {  	_ =	sfence.sel $0x180000  }
0x2fb: {  	[bflag:$0x0] =	sbarrier.arrive $0xFFFF  }
0x2fc: {  	_ =	strace $0x90000050  }
0x2fd: {  	s31 =	stileid.u32;
	[bflag:$0x2] =	sbarrier.arrive $0xFFFF  }
0x2fe: {  	p0 =	sne.s32 s31, $0x0;
	s0 =	rddreg [dreg:$0x2]  }
0x2ff: {  	s0 =	sadd.s32 @!p0 $0x100000, s0  }
0x300: {  	[sflag:s0] =	ssyncadd.tile.s32 @!p0 $0x1;
	_ =	shalt  }
.LBB2_6:
0x301: {  	s10 =	simm.s32 $0xC400  }
0x302: {  	s13 =	simm.s32 $0xD400;
	s14 =	simm.s32 $0x13400;
	s15 =	simm.s32 $0x14400  }
.Ltmp3:
0x303: {  	s16 =	simm.s32 $0x12400;
	s17 =	simm.s32 $0xE400;
	(pc) =	sbr.rel .LBB2_5-.Ltmp3, $4  }
0x304: {  	s18 =	simm.s32 $0x11400;
	s19 =	simm.s32 $0x10400;
	s20 =	simm.s32 $0xF400  }
0x305: {  	s22 =	simm.s32 $0x2400;
	s23 =	simm.s32 $0x3400;
	s24 =	simm.s32 $0x4400  }
0x306: {  	s25 =	simm.s32 $0x5400;
	s26 =	simm.s32 $0x6400;
	s28 =	simm.s32 $0x7400  }
0x307: {  	s29 =	simm.s32 $0x8400;
	s30 =	simm.s32 $0x9400;
	s4 =	simm.s32 $0xA400  }
.Lfunc_end2:
_tile_overlayer_lowered:
.L_overlay_start_2:
0x308: {  	(tag) =	ssettag $0x2  }
0x309: {  	s0 =	rddreg [dreg:$0x0];
	s2 =	stileid.u32  }
0x30a: {  	s1 =	rddreg [dreg:$0x1];
	p0 =	sne.s32 s2, $0x0  }
0x30b: {  	s3 =	rddreg [dreg:$0x2];
	[bflag:$0x3] =	sbarrier.arrive $0xFFFF;
	s2 =	simm.s32 @!p0 $0x1C04  }
0x30c: {  	[timem:s3], [sflag:s2] =	dma.local @!p0 [hbm:s0], s1  }
0x30d: {  	s0 =	simm.s32 @!p0 $0x4  }
0x30e: {  	_ =	swait.ge @!p0 [sflag:s0], s1  }
0x30f: {  	s1 =	ssub.s32 @!p0 $0x0, s1;
	[sflag:s0] =	ssyncset.done @!p0 $0x0  }
0x310: {  	[sflag:s0] =	ssyncadd.s32 @!p0 s1  }
0x311: {  	[bflag:$0x3] =	sbarrier.arrive $0xFFFF  }
0x312: {  	_ =	shalt  }

</sc_bundles>
